<compile_context>
chip_gen: v7x
topology: tpu7x:2x2x1
jax: 0.10.2.dev20260603
libtpu: 0.0.44.dev20260713+nightly
codegen_flags: <defaults>
</compile_context>

<pallas_src>
import jax
import jax.numpy as jnp
from jax import lax
from jax.experimental import pallas as pl
from jax.experimental.pallas import tpu as pltpu
from jax.experimental.pallas import tpu_sc as plsc

B = 1024
N = 100000
D = 128

NUM_CORES = 2
NUM_SUBCORES = 16
L = 16
SUB = 128
ROWS_MAIN = 6400
LAST_BASE = 15 * ROWS_MAIN
TAIL = N - LAST_BASE - 31 * SUB
IDX_TROWS = 50
SEGS_PER_TILE = B // NUM_SUBCORES


def _sc_body(xu, bu, xn, bn, means_out,
             xbuf_a, xbuf_b, xbuf_c, xbuf_d, idx_all, idxbuf_t, cnt2, lcnt,
             cbuf, csum, dbuf, sem_a, sem_b, sem_c, sem_d, acc, cnt_stage):
    c = lax.axis_index("c")
    s = lax.axis_index("s")

    def zd(i, carry):
        for j in range(D // L):
            dbuf[i, pl.ds(L * j, L)] = jnp.zeros((L,), jnp.float32)
        return carry

    lax.fori_loop(0, SEGS_PER_TILE, zd, None)

    def zc(i, carry):
        cnt2[pl.ds(L * i, L)] = jnp.zeros((L,), jnp.float32)
        return carry

    lax.fori_loop(0, L * B // L, zc, None)

    seg0 = s * SEGS_PER_TILE
    pltpu.sync_copy(dbuf, acc.at[pl.ds(seg0, SEGS_PER_TILE)])
    plsc.subcore_barrier()

    lane_off = lax.iota(jnp.int32, L) * B
    ones = jnp.ones((L,), jnp.float32)

    def process(x_hbm, idx_hbm, n_sub, with_tail):
        base = s * ROWS_MAIN
        pltpu.sync_copy(idx_hbm.at[s], idx_all)

        xbs = (xbuf_a, xbuf_b, xbuf_c, xbuf_d)
        sems = (sem_a, sem_b, sem_c, sem_d)

        def start_load(t, j):
            pltpu.async_copy(x_hbm.at[pl.ds(base + j * SUB, SUB), :],
                             xbs[t], sems[t])

        def wait_load(t):
            pltpu.make_async_copy(x_hbm.at[pl.ds(0, SUB), :],
                                  xbs[t], sems[t]).wait()

        def counts(row, groups):
            for g in range(groups):
                idx16 = idx_all[row, pl.ds(L * g, L)]
                plsc.addupdate_scatter(cnt2, [lane_off + idx16], ones)

        for t in range(4):
            start_load(t, t)

        n_full_rows = (31 if with_tail else IDX_TROWS)

        def count_row(row, carry):
            counts(row, SUB // L)
            return carry

        lax.fori_loop(0, n_full_rows, count_row, None)
        if with_tail:
            counts(31, TAIL // L)

        def ring(g, carry):
            for t in range(4):
                j = 4 * g + t
                wait_load(t)
                pltpu.sync_copy(xbs[t], acc.at[idx_all.at[j]], add=True)

                @pl.when(j + 4 < n_sub)
                def _():
                    start_load(t, j + 4)

            return carry

        lax.fori_loop(0, n_sub // 4, ring, None)
        for t in range(n_sub % 4):
            j = (n_sub // 4) * 4 + t
            wait_load(t)
            pltpu.sync_copy(xbs[t], acc.at[idx_all.at[j]], add=True)

        if with_tail:
            t0 = LAST_BASE + 31 * SUB
            for g in range(TAIL // L):
                idxbuf_t[pl.ds(L * g, L)] = idx_all[31, pl.ds(L * g, L)]
            pltpu.sync_copy(x_hbm.at[pl.ds(t0, TAIL), :],
                            xbuf_a.at[pl.ds(0, TAIL), :])
            pltpu.sync_copy(xbuf_a.at[pl.ds(0, TAIL), :],
                            acc.at[idxbuf_t], add=True)

    @pl.when(jnp.logical_and(c == 0, s < NUM_SUBCORES - 1))
    def _():
        process(xu, bu, 50, False)

    @pl.when(jnp.logical_and(c == 0, s == NUM_SUBCORES - 1))
    def _():
        process(xu, bu, 31, True)

    @pl.when(jnp.logical_and(c == 1, s < NUM_SUBCORES - 1))
    def _():
        process(xn, bn, 50, False)

    @pl.when(jnp.logical_and(c == 1, s == NUM_SUBCORES - 1))
    def _():
        process(xn, bn, 31, True)

    def lane_reduce(k, carry):
        tot = jnp.zeros((L,), jnp.float32)
        for r in range(L):
            tot = tot + cnt2[pl.ds(r * B + L * k, L)]
        lcnt[pl.ds(L * k, L)] = tot
        return carry

    lax.fori_loop(0, B // L, lane_reduce, None)
    pltpu.sync_copy(lcnt, cnt_stage.at[s])
    plsc.subcore_barrier()

    pltpu.sync_copy(cnt_stage, cbuf)
    for k in range(SEGS_PER_TILE // L):
        tot = jnp.zeros((L,), jnp.float32)
        for r in range(NUM_SUBCORES):
            tot = tot + cbuf[r, pl.ds(seg0 + L * k, L)]
        csum[pl.ds(L * k, L)] = tot

    pltpu.sync_copy(acc.at[pl.ds(seg0, SEGS_PER_TILE)], dbuf)

    def norm_group(m, carry):
        inv = 1.0 / jnp.maximum(csum[pl.ds(L * m, L)], 1.0)
        for r in range(L):
            k = L * m + r
            scale = jnp.full((L,), inv[r])
            for j in range(D // L):
                dbuf[k, pl.ds(L * j, L)] = dbuf[k, pl.ds(L * j, L)] * scale
        return carry

    lax.fori_loop(0, SEGS_PER_TILE // L, norm_group, None)
    out0 = c * B + seg0
    pltpu.sync_copy(dbuf, means_out.at[pl.ds(out0, SEGS_PER_TILE)])


def _segment_means(x_user, batch_user2d, x_news, batch_news2d):
    mesh = plsc.VectorSubcoreMesh(core_axis_name="c", subcore_axis_name="s")
    fn = pl.kernel(
        _sc_body,
        mesh=mesh,
        compiler_params=pltpu.CompilerParams(needs_layout_passes=False),
        out_type=jax.ShapeDtypeStruct((NUM_CORES * B, D), jnp.float32),
        scratch_types=[
            pltpu.VMEM((SUB, D), jnp.float32),
            pltpu.VMEM((SUB, D), jnp.float32),
            pltpu.VMEM((SUB, D), jnp.float32),
            pltpu.VMEM((SUB, D), jnp.float32),
            pltpu.VMEM((IDX_TROWS, SUB), jnp.int32),
            pltpu.VMEM((TAIL,), jnp.int32),
            pltpu.VMEM((L * B,), jnp.float32),
            pltpu.VMEM((B,), jnp.float32),
            pltpu.VMEM((NUM_SUBCORES, B), jnp.float32),
            pltpu.VMEM((SEGS_PER_TILE,), jnp.float32),
            pltpu.VMEM((SEGS_PER_TILE, D), jnp.float32),
            pltpu.SemaphoreType.DMA,
            pltpu.SemaphoreType.DMA,
            pltpu.SemaphoreType.DMA,
            pltpu.SemaphoreType.DMA,
            pltpu.VMEM_SHARED((B, D), jnp.float32),
            pltpu.VMEM_SHARED((NUM_SUBCORES, B), jnp.float32),
        ],
    )
    return fn(x_user, batch_user2d, x_news, batch_news2d)


def _mlp_body(means_ref, ne_ref, w1_ref, b1_ref, w2_ref, b2_ref,
              w3_ref, b3_ref, out_ref):
    pu = means_ref[0:B, :]
    pn = means_ref[B:2 * B, :]
    hp = jax.lax.Precision.HIGHEST
    h = jnp.dot(pu, w1_ref[0:D, :], precision=hp)
    h = h + jnp.dot(pn, w1_ref[D:2 * D, :], precision=hp)
    h = jnp.maximum(h + b1_ref[0:1, :], 0.0)
    h = jnp.maximum(jnp.dot(h, w2_ref[...], precision=hp) + b2_ref[0:1, :], 0.0)
    out_ref[...] = (jnp.dot(h, w3_ref[...], precision=hp) + b3_ref[0:1, :]
                    + ne_ref[...])


def _ids_3d(batch):
    ids = batch.astype(jnp.int32)
    pad = NUM_SUBCORES * IDX_TROWS * SUB - N
    return jnp.pad(ids, (0, pad)).reshape(NUM_SUBCORES, IDX_TROWS, SUB)


def kernel(x_user, batch_user, x_news, batch_news, news_embeddings,
           W1, b1, W2, b2, W3, b3):
    means = _segment_means(x_user, _ids_3d(batch_user),
                           x_news, _ids_3d(batch_news))
    return pl.pallas_call(
        _mlp_body,
        out_shape=jax.ShapeDtypeStruct((B, D), jnp.float32),
    )(means, news_embeddings,
      W1, b1.reshape(1, D), W2, b2.reshape(1, D), W3, b3.reshape(1, D))

# --- scband reference (transcript-rebuilt; emitter-appended) ---
"""Pipeline reference for scband-hetero-gnnpooling-47493748359692 (READ-ONLY COPY).

The authoritative reference and input builder live on the scoring server;
editing this copy changes nothing except your own understanding.
"""

import jax, jax.numpy as jnp
import numpy as np

B = 1024
N = 100000
D = 128

def _segment_mean(x, seg, num_segments):
    s = jax.ops.segment_sum(x, seg, num_segments=num_segments)
    c = jax.ops.segment_sum(jnp.ones((x.shape[0], 1), dtype=x.dtype), seg, num_segments=num_segments)
    return s / jnp.maximum(c, 1.0)

def setup_inputs(seed: int = 0) -> dict:
    key = jax.random.key(seed)
    ks = jax.random.split(key, 12)
    x_user = jax.random.normal(ks[0], (N, D), dtype=jnp.float32)
    batch_user = jnp.sort(jax.random.randint(ks[1], (N,), 0, B)).astype(jnp.int64)
    x_news = jax.random.normal(ks[2], (N, D), dtype=jnp.float32)
    batch_news = jnp.sort(jax.random.randint(ks[3], (N,), 0, B)).astype(jnp.int64)
    news_embeddings = jax.random.normal(ks[4], (B, D), dtype=jnp.float32)
    # MLP(input_dim=2*D, hidden_dim=D, output_dim=D, num_layers=3)
    s1 = 1.0 / np.sqrt(2 * D)
    s2 = 1.0 / np.sqrt(D)
    W1 = jax.random.uniform(ks[5], (2 * D, D), minval=-s1, maxval=s1, dtype=jnp.float32)
    b1 = jax.random.uniform(ks[6], (D,), minval=-s1, maxval=s1, dtype=jnp.float32)
    W2 = jax.random.uniform(ks[7], (D, D), minval=-s2, maxval=s2, dtype=jnp.float32)
    b2 = jax.random.uniform(ks[8], (D,), minval=-s2, maxval=s2, dtype=jnp.float32)
    W3 = jax.random.uniform(ks[9], (D, D), minval=-s2, maxval=s2, dtype=jnp.float32)
    b3 = jax.random.uniform(ks[10], (D,), minval=-s2, maxval=s2, dtype=jnp.float32)
    return {"x_user": x_user, "batch_user": batch_user, "x_news": x_news, "batch_news": batch_news,
            "news_embeddings": news_embeddings, "W1": W1, "b1": b1, "W2": W2, "b2": b2, "W3": W3, "b3": b3}

def reference(x_user, batch_user, x_news, batch_news, news_embeddings, W1, b1, W2, b2, W3, b3):
    # global_mean_pool per node type (both types are in self.node_type, so the
    # zero-multiplied loop over unknown node types is a no-op)
    p_user = _segment_mean(x_user, batch_user, B)
    p_news = _segment_mean(x_news, batch_news, B)
    h = jnp.concatenate([p_user, p_news], axis=-1)
    h = jax.nn.relu(h @ W1 + b1)
    h = jax.nn.relu(h @ W2 + b2)
    h = h @ W3 + b3
    return h + news_embeddings

if __name__ == "__main__":
    import jax
    _d = setup_inputs()
    print(jax.jit(kernel)(*tuple(_d.values())))

</pallas_src>

<mosaic_0001>
#map = affine_map<(d0, d1) -> (0, 0)>
#map1 = affine_map<(d0, d1) -> (0, 0, 0)>
module attributes {stable_mosaic.version = 14 : i64} {
  func.func @_sc_body(%arg0: i32, %arg1: i32, %arg2: memref<100000x128xf32, #tpu.memory_space<hbm>>, %arg3: memref<16x50x128xi32, #tpu.memory_space<hbm>>, %arg4: memref<100000x128xf32, #tpu.memory_space<hbm>>, %arg5: memref<16x50x128xi32, #tpu.memory_space<hbm>>, %arg6: memref<2048x128xf32, #tpu.memory_space<hbm>>, %arg7: memref<128x128xf32, #tpu.memory_space<vmem>>, %arg8: memref<128x128xf32, #tpu.memory_space<vmem>>, %arg9: memref<128x128xf32, #tpu.memory_space<vmem>>, %arg10: memref<128x128xf32, #tpu.memory_space<vmem>>, %arg11: memref<50x128xi32, #tpu.memory_space<vmem>>, %arg12: memref<32xi32, #tpu.memory_space<vmem>>, %arg13: memref<16384xf32, #tpu.memory_space<vmem>>, %arg14: memref<1024xf32, #tpu.memory_space<vmem>>, %arg15: memref<16x1024xf32, #tpu.memory_space<vmem>>, %arg16: memref<64xf32, #tpu.memory_space<vmem>>, %arg17: memref<64x128xf32, #tpu.memory_space<vmem>>, %arg18: memref<!tpu.dma_semaphore, #tpu.memory_space<semaphore_mem>>, %arg19: memref<!tpu.dma_semaphore, #tpu.memory_space<semaphore_mem>>, %arg20: memref<!tpu.dma_semaphore, #tpu.memory_space<semaphore_mem>>, %arg21: memref<!tpu.dma_semaphore, #tpu.memory_space<semaphore_mem>>, %arg22: memref<1024x128xf32, #tpu.memory_space<vmem_shared>>, %arg23: memref<16x1024xf32, #tpu.memory_space<vmem_shared>>) attributes {dimension_semantics = [#tpu.dimension_semantics<core_parallel>, #tpu.dimension_semantics<subcore_parallel>], iteration_bounds = array<i64: 2, 16>, scalar_prefetch = 0 : i64, scratch_operands = 17 : i64, tpu.core_type = #tpu.core_type<sc_vector_subcore>, window_params = [{transform_indices = #map}, {transform_indices = #map1}, {transform_indices = #map}, {transform_indices = #map1}, {transform_indices = #map}]} {
    %scan3A = arith.constant 0 : i32
    %scan3A_0 = arith.constant 64 : i32
    %scan3A_1 = arith.addi %scan3A, %scan3A_0 : i32
    %scan3A_2 = arith.constant 1 : i32
    scf.for %scan3A_516 = %scan3A to %scan3A_1 step %scan3A_2  : i32 {
      %broadcast_in_dim3A_517 = arith.constant 0.000000e+00 : f32
      %broadcast_in_dim3A_518 = vector.broadcast %broadcast_in_dim3A_517 : f32 to vector<16xf32>
      %swap3A_519 = arith.index_cast %scan3A_516 : i32 to index
      %swap3A_520 = arith.constant 0 : index
      %swap3A_521 = tpu.vector_load %arg17[%swap3A_519, %swap3A_520] {strides = array<i32>} : memref<64x128xf32, #tpu.memory_space<vmem>>, vector<16xf32>,
      tpu.vector_store %arg17[%swap3A_519, %swap3A_520], %broadcast_in_dim3A_518 {strides = array<i32>} : memref<64x128xf32, #tpu.memory_space<vmem>>, vector<16xf32>,
      %broadcast_in_dim3A_522 = arith.constant 0.000000e+00 : f32
      %broadcast_in_dim3A_523 = vector.broadcast %broadcast_in_dim3A_522 : f32 to vector<16xf32>
      %swap3A_524 = arith.index_cast %scan3A_516 : i32 to index
      %swap3A_525 = arith.constant 16 : index
      %swap3A_526 = tpu.vector_load %arg17[%swap3A_524, %swap3A_525] {strides = array<i32>} : memref<64x128xf32, #tpu.memory_space<vmem>>, vector<16xf32>,
      tpu.vector_store %arg17[%swap3A_524, %swap3A_525], %broadcast_in_dim3A_523 {strides = array<i32>} : memref<64x128xf32, #tpu.memory_space<vmem>>, vector<16xf32>,
      %broadcast_in_dim3A_527 = arith.constant 0.000000e+00 : f32
      %broadcast_in_dim3A_528 = vector.broadcast %broadcast_in_dim3A_527 : f32 to vector<16xf32>
      %swap3A_529 = arith.index_cast %scan3A_516 : i32 to index
      %swap3A_530 = arith.constant 32 : index
      %swap3A_531 = tpu.vector_load %arg17[%swap3A_529, %swap3A_530] {strides = array<i32>} : memref<64x128xf32, #tpu.memory_space<vmem>>, vector<16xf32>,
      tpu.vector_store %arg17[%swap3A_529, %swap3A_530], %broadcast_in_dim3A_528 {strides = array<i32>} : memref<64x128xf32, #tpu.memory_space<vmem>>, vector<16xf32>,
      %broadcast_in_dim3A_532 = arith.constant 0.000000e+00 : f32
      %broadcast_in_dim3A_533 = vector.broadcast %broadcast_in_dim3A_532 : f32 to vector<16xf32>
      %swap3A_534 = arith.index_cast %scan3A_516 : i32 to index
      %swap3A_535 = arith.constant 48 : index
      %swap3A_536 = tpu.vector_load %arg17[%swap3A_534, %swap3A_535] {strides = array<i32>} : memref<64x128xf32, #tpu.memory_space<vmem>>, vector<16xf32>,
      tpu.vector_store %arg17[%swap3A_534, %swap3A_535], %broadcast_in_dim3A_533 {strides = array<i32>} : memref<64x128xf32, #tpu.memory_space<vmem>>, vector<16xf32>,
      %broadcast_in_dim3A_537 = arith.constant 0.000000e+00 : f32
      %broadcast_in_dim3A_538 = vector.broadcast %broadcast_in_dim3A_537 : f32 to vector<16xf32>
      %swap3A_539 = arith.index_cast %scan3A_516 : i32 to index
      %swap3A_540 = arith.constant 64 : index
      %swap3A_541 = tpu.vector_load %arg17[%swap3A_539, %swap3A_540] {strides = array<i32>} : memref<64x128xf32, #tpu.memory_space<vmem>>, vector<16xf32>,
      tpu.vector_store %arg17[%swap3A_539, %swap3A_540], %broadcast_in_dim3A_538 {strides = array<i32>} : memref<64x128xf32, #tpu.memory_space<vmem>>, vector<16xf32>,
      %broadcast_in_dim3A_542 = arith.constant 0.000000e+00 : f32
      %broadcast_in_dim3A_543 = vector.broadcast %broadcast_in_dim3A_542 : f32 to vector<16xf32>
      %swap3A_544 = arith.index_cast %scan3A_516 : i32 to index
      %swap3A_545 = arith.constant 80 : index
      %swap3A_546 = tpu.vector_load %arg17[%swap3A_544, %swap3A_545] {strides = array<i32>} : memref<64x128xf32, #tpu.memory_space<vmem>>, vector<16xf32>,
      tpu.vector_store %arg17[%swap3A_544, %swap3A_545], %broadcast_in_dim3A_543 {strides = array<i32>} : memref<64x128xf32, #tpu.memory_space<vmem>>, vector<16xf32>,
      %broadcast_in_dim3A_547 = arith.constant 0.000000e+00 : f32
      %broadcast_in_dim3A_548 = vector.broadcast %broadcast_in_dim3A_547 : f32 to vector<16xf32>
      %swap3A_549 = arith.index_cast %scan3A_516 : i32 to index
      %swap3A_550 = arith.constant 96 : index
      %swap3A_551 = tpu.vector_load %arg17[%swap3A_549, %swap3A_550] {strides = array<i32>} : memref<64x128xf32, #tpu.memory_space<vmem>>, vector<16xf32>,
      tpu.vector_store %arg17[%swap3A_549, %swap3A_550], %broadcast_in_dim3A_548 {strides = array<i32>} : memref<64x128xf32, #tpu.memory_space<vmem>>, vector<16xf32>,
      %broadcast_in_dim3A_552 = arith.constant 0.000000e+00 : f32
      %broadcast_in_dim3A_553 = vector.broadcast %broadcast_in_dim3A_552 : f32 to vector<16xf32>
      %swap3A_554 = arith.index_cast %scan3A_516 : i32 to index
      %swap3A_555 = arith.constant 112 : index
      %swap3A_556 = tpu.vector_load %arg17[%swap3A_554, %swap3A_555] {strides = array<i32>} : memref<64x128xf32, #tpu.memory_space<vmem>>, vector<16xf32>,
      tpu.vector_store %arg17[%swap3A_554, %swap3A_555], %broadcast_in_dim3A_553 {strides = array<i32>} : memref<64x128xf32, #tpu.memory_space<vmem>>, vector<16xf32>,
    }
    %scan3A_3 = arith.constant 64 : i32
    %scan3A_4 = arith.constant 0 : i32
    %scan3A_5 = arith.constant 1024 : i32
    %scan3A_6 = arith.addi %scan3A_4, %scan3A_5 : i32
    %scan3A_7 = arith.constant 1 : i32
    scf.for %scan3A_516 = %scan3A_4 to %scan3A_6 step %scan3A_7  : i32 {
      %broadcast_in_dim3A_517 = arith.constant 0.000000e+00 : f32
      %broadcast_in_dim3A_518 = vector.broadcast %broadcast_in_dim3A_517 : f32 to vector<16xf32>
      %mul3A_519 = arith.constant 16 : i32
      %mul3A_520 = arith.muli %mul3A_519, %scan3A_516 : i32
      %swap3A_521 = arith.index_cast %mul3A_520 : i32 to index
      %swap3A_522 = tpu.vector_load %arg13[%swap3A_521] {strides = array<i32>} : memref<16384xf32, #tpu.memory_space<vmem>>, vector<16xf32>,
      tpu.vector_store %arg13[%swap3A_521], %broadcast_in_dim3A_518 {strides = array<i32>} : memref<16384xf32, #tpu.memory_space<vmem>>, vector<16xf32>,
    }
    %scan3A_8 = arith.constant 1024 : i32
    %mul3A = arith.constant 64 : i32
    %mul3A_9 = arith.muli %arg1, %mul3A : i32
    "tpu.region"() ({
      %run_scoped3A = tpu.sem_alloc : memref<!tpu.dma_semaphore, #tpu.memory_space<semaphore_mem>>
      %dma_start3A = arith.constant 0 : i32
      %dma_start3A_516 = tpu.memref_slice %arg22[%mul3A_9, %dma_start3A] : memref<1024x128xf32, #tpu.memory_space<vmem_shared>> -> memref<64x128xf32, #tpu.memory_space<vmem_shared>>
      %dma_start3A_517 = arith.constant 0 : i32
      %dma_start3A_518 = tpu.memref_slice %arg22[%mul3A_9, %dma_start3A_517] : memref<1024x128xf32, #tpu.memory_space<vmem_shared>> -> memref<64x128xf32, #tpu.memory_space<vmem_shared>>
      tpu.enqueue_dma source(%arg17 : memref<64x128xf32, #tpu.memory_space<vmem>>) target(%dma_start3A_518 : memref<64x128xf32, #tpu.memory_space<vmem_shared>>) target_semaphore(%run_scoped3A : memref<!tpu.dma_semaphore, #tpu.memory_space<semaphore_mem>>)
      %dma_wait3A = arith.constant 0 : i32
      %dma_wait3A_519 = tpu.memref_slice %arg22[%mul3A_9, %dma_wait3A] : memref<1024x128xf32, #tpu.memory_space<vmem_shared>> -> memref<64x128xf32, #tpu.memory_space<vmem_shared>>
      %dma_wait3A_520 = arith.constant 0 : i32
      %dma_wait3A_521 = tpu.memref_slice %arg22[%mul3A_9, %dma_wait3A_520] : memref<1024x128xf32, #tpu.memory_space<vmem_shared>> -> memref<64x128xf32, #tpu.memory_space<vmem_shared>>
      tpu.wait_dma2 semaphore(%run_scoped3A : memref<!tpu.dma_semaphore, #tpu.memory_space<semaphore_mem>>) src(%arg17 : memref<64x128xf32, #tpu.memory_space<vmem>>) dst(%dma_wait3A_521 : memref<64x128xf32, #tpu.memory_space<vmem_shared>>)
      tpu.yield
    }) : () -> ()
    %barrier3A = arith.constant 0 : index
    tpu.barrier barrier_id(%barrier3A)
    %iota3A = tpu.iota {dimensions = array<i32: 0>} : vector<16xi32>
    %mul3A_10 = arith.constant 1024 : i32
    %mul3A_11 = vector.broadcast %mul3A_10 : i32 to vector<16xi32>
    %mul3A_12 = arith.muli %iota3A, %mul3A_11 : vector<16xi32>
    %broadcast_in_dim3A = arith.constant 1.000000e+00 : f32
    %broadcast_in_dim3A_13 = vector.broadcast %broadcast_in_dim3A : f32 to vector<16xf32>
    %eq3A = arith.constant 0 : i32
    %eq3A_14 = arith.cmpi eq, %arg0, %eq3A : i32
    %lt3A = arith.constant 15 : i32
    %lt3A_15 = arith.cmpi slt, %arg1, %lt3A : i32
    %and3A = arith.andi %eq3A_14, %lt3A_15 : i1
    %convert_element_type3A = arith.extui %and3A : i1 to i32
    %cond3A = arith.constant 0 : i32
    %cond3A_16 = arith.cmpi ne, %convert_element_type3A, %cond3A : i32
    scf.if %cond3A_16 {
      %mul3A_516 = arith.constant 6400 : i32
      %mul3A_517 = arith.muli %arg1, %mul3A_516 : i32
      "tpu.region"() ({
        %run_scoped3A_563 = tpu.sem_alloc : memref<!tpu.dma_semaphore, #tpu.memory_space<semaphore_mem>>
        %dma_start3A_564 = arith.constant 0 : i32
        %dma_start3A_565 = arith.constant 0 : i32
        %dma_start3A_566 = tpu.memref_slice %arg3[%arg1, %dma_start3A_564, %dma_start3A_565] : memref<16x50x128xi32, #tpu.memory_space<hbm>> -> memref<1x50x128xi32, #tpu.memory_space<hbm>>
        %dma_start3A_567 = tpu.memref_squeeze %dma_start3A_566 : memref<1x50x128xi32, #tpu.memory_space<hbm>> -> memref<50x128xi32, #tpu.memory_space<hbm>>
        %dma_start3A_568 = arith.constant 0 : i32
        %dma_start3A_569 = arith.constant 0 : i32
        %dma_start3A_570 = tpu.memref_slice %arg3[%arg1, %dma_start3A_568, %dma_start3A_569] : memref<16x50x128xi32, #tpu.memory_space<hbm>> -> memref<1x50x128xi32, #tpu.memory_space<hbm>>
        %dma_start3A_571 = tpu.memref_squeeze %dma_start3A_570 : memref<1x50x128xi32, #tpu.memory_space<hbm>> -> memref<50x128xi32, #tpu.memory_space<hbm>>
        tpu.enqueue_dma source(%dma_start3A_571 : memref<50x128xi32, #tpu.memory_space<hbm>>) target(%arg11 : memref<50x128xi32, #tpu.memory_space<vmem>>) target_semaphore(%run_scoped3A_563 : memref<!tpu.dma_semaphore, #tpu.memory_space<semaphore_mem>>)
        %dma_wait3A_572 = arith.constant 0 : i32
        %dma_wait3A_573 = arith.constant 0 : i32
        %dma_wait3A_574 = tpu.memref_slice %arg3[%arg1, %dma_wait3A_572, %dma_wait3A_573] : memref<16x50x128xi32, #tpu.memory_space<hbm>> -> memref<1x50x128xi32, #tpu.memory_space<hbm>>
        %dma_wait3A_575 = tpu.memref_squeeze %dma_wait3A_574 : memref<1x50x128xi32, #tpu.memory_space<hbm>> -> memref<50x128xi32, #tpu.memory_space<hbm>>
        %dma_wait3A_576 = arith.constant 0 : i32
        %dma_wait3A_577 = arith.constant 0 : i32
        %dma_wait3A_578 = tpu.memref_slice %arg3[%arg1, %dma_wait3A_576, %dma_wait3A_577] : memref<16x50x128xi32, #tpu.memory_space<hbm>> -> memref<1x50x128xi32, #tpu.memory_space<hbm>>
        %dma_wait3A_579 = tpu.memref_squeeze %dma_wait3A_578 : memref<1x50x128xi32, #tpu.memory_space<hbm>> -> memref<50x128xi32, #tpu.memory_space<hbm>>
        tpu.wait_dma2 semaphore(%run_scoped3A_563 : memref<!tpu.dma_semaphore, #tpu.memory_space<semaphore_mem>>) src(%dma_wait3A_579 : memref<50x128xi32, #tpu.memory_space<hbm>>) dst(%arg11 : memref<50x128xi32, #tpu.memory_space<vmem>>)
        tpu.yield
      }) : () -> ()
      %add3A_518 = arith.constant 0 : i32
      %add3A_519 = arith.addi %mul3A_517, %add3A_518 : i32
      %dma_start3A = arith.constant 0 : i32
      %dma_start3A_520 = tpu.memref_slice %arg2[%add3A_519, %dma_start3A] : memref<100000x128xf32, #tpu.memory_space<hbm>> -> memref<128x128xf32, #tpu.memory_space<hbm>>
      %dma_start3A_521 = arith.constant 0 : i32
      %dma_start3A_522 = tpu.memref_slice %arg2[%add3A_519, %dma_start3A_521] : memref<100000x128xf32, #tpu.memory_space<hbm>> -> memref<128x128xf32, #tpu.memory_space<hbm>>
      tpu.enqueue_dma source(%dma_start3A_522 : memref<128x128xf32, #tpu.memory_space<hbm>>) target(%arg7 : memref<128x128xf32, #tpu.memory_space<vmem>>) target_semaphore(%arg18 : memref<!tpu.dma_semaphore, #tpu.memory_space<semaphore_mem>>)
      %add3A_523 = arith.constant 128 : i32
      %add3A_524 = arith.addi %mul3A_517, %add3A_523 : i32
      %dma_start3A_525 = arith.constant 0 : i32
      %dma_start3A_526 = tpu.memref_slice %arg2[%add3A_524, %dma_start3A_525] : memref<100000x128xf32, #tpu.memory_space<hbm>> -> memref<128x128xf32, #tpu.memory_space<hbm>>
      %dma_start3A_527 = arith.constant 0 : i32
      %dma_start3A_528 = tpu.memref_slice %arg2[%add3A_524, %dma_start3A_527] : memref<100000x128xf32, #tpu.memory_space<hbm>> -> memref<128x128xf32, #tpu.memory_space<hbm>>
      tpu.enqueue_dma source(%dma_start3A_528 : memref<128x128xf32, #tpu.memory_space<hbm>>) target(%arg8 : memref<128x128xf32, #tpu.memory_space<vmem>>) target_semaphore(%arg19 : memref<!tpu.dma_semaphore, #tpu.memory_space<semaphore_mem>>)
      %add3A_529 = arith.constant 256 : i32
      %add3A_530 = arith.addi %mul3A_517, %add3A_529 : i32
      %dma_start3A_531 = arith.constant 0 : i32
      %dma_start3A_532 = tpu.memref_slice %arg2[%add3A_530, %dma_start3A_531] : memref<100000x128xf32, #tpu.memory_space<hbm>> -> memref<128x128xf32, #tpu.memory_space<hbm>>
      %dma_start3A_533 = arith.constant 0 : i32
      %dma_start3A_534 = tpu.memref_slice %arg2[%add3A_530, %dma_start3A_533] : memref<100000x128xf32, #tpu.memory_space<hbm>> -> memref<128x128xf32, #tpu.memory_space<hbm>>
      tpu.enqueue_dma source(%dma_start3A_534 : memref<128x128xf32, #tpu.memory_space<hbm>>) target(%arg9 : memref<128x128xf32, #tpu.memory_space<vmem>>) target_semaphore(%arg20 : memref<!tpu.dma_semaphore, #tpu.memory_space<semaphore_mem>>)
      %add3A_535 = arith.constant 384 : i32
      %add3A_536 = arith.addi %mul3A_517, %add3A_535 : i32
      %dma_start3A_537 = arith.constant 0 : i32
      %dma_start3A_538 = tpu.memref_slice %arg2[%add3A_536, %dma_start3A_537] : memref<100000x128xf32, #tpu.memory_space<hbm>> -> memref<128x128xf32, #tpu.memory_space<hbm>>
      %dma_start3A_539 = arith.constant 0 : i32
      %dma_start3A_540 = tpu.memref_slice %arg2[%add3A_536, %dma_start3A_539] : memref<100000x128xf32, #tpu.memory_space<hbm>> -> memref<128x128xf32, #tpu.memory_space<hbm>>
      tpu.enqueue_dma source(%dma_start3A_540 : memref<128x128xf32, #tpu.memory_space<hbm>>) target(%arg10 : memref<128x128xf32, #tpu.memory_space<vmem>>) target_semaphore(%arg21 : memref<!tpu.dma_semaphore, #tpu.memory_space<semaphore_mem>>)
      %scan3A_541 = arith.constant 0 : i32
      %scan3A_542 = arith.constant 50 : i32
      %scan3A_543 = arith.addi %scan3A_541, %scan3A_542 : i32
      %scan3A_544 = arith.constant 1 : i32
      scf.for %scan3A_563 = %scan3A_541 to %scan3A_543 step %scan3A_544  : i32 {
        %get3A_564 = arith.index_cast %scan3A_563 : i32 to index
        %get3A_565 = arith.constant 0 : index
        %get3A_566 = tpu.vector_load %arg11[%get3A_564, %get3A_565] {strides = array<i32>} : memref<50x128xi32, #tpu.memory_space<vmem>>, vector<16xi32>,
        %add3A_567 = arith.addi %mul3A_12, %get3A_566 : vector<16xi32>
        tpu.vector_store_idx %arg13[%add3A_567], %broadcast_in_dim3A_13 {add = true} : memref<16384xf32, #tpu.memory_space<vmem>>[vector<16xi32>], vector<16xf32>,
        %get3A_568 = arith.index_cast %scan3A_563 : i32 to index
        %get3A_569 = arith.constant 16 : index
        %get3A_570 = tpu.vector_load %arg11[%get3A_568, %get3A_569] {strides = array<i32>} : memref<50x128xi32, #tpu.memory_space<vmem>>, vector<16xi32>,
        %add3A_571 = arith.addi %mul3A_12, %get3A_570 : vector<16xi32>
        tpu.vector_store_idx %arg13[%add3A_571], %broadcast_in_dim3A_13 {add = true} : memref<16384xf32, #tpu.memory_space<vmem>>[vector<16xi32>], vector<16xf32>,
        %get3A_572 = arith.index_cast %scan3A_563 : i32 to index
        %get3A_573 = arith.constant 32 : index
        %get3A_574 = tpu.vector_load %arg11[%get3A_572, %get3A_573] {strides = array<i32>} : memref<50x128xi32, #tpu.memory_space<vmem>>, vector<16xi32>,
        %add3A_575 = arith.addi %mul3A_12, %get3A_574 : vector<16xi32>
        tpu.vector_store_idx %arg13[%add3A_575], %broadcast_in_dim3A_13 {add = true} : memref<16384xf32, #tpu.memory_space<vmem>>[vector<16xi32>], vector<16xf32>,
        %get3A_576 = arith.index_cast %scan3A_563 : i32 to index
        %get3A_577 = arith.constant 48 : index
        %get3A_578 = tpu.vector_load %arg11[%get3A_576, %get3A_577] {strides = array<i32>} : memref<50x128xi32, #tpu.memory_space<vmem>>, vector<16xi32>,
        %add3A_579 = arith.addi %mul3A_12, %get3A_578 : vector<16xi32>
        tpu.vector_store_idx %arg13[%add3A_579], %broadcast_in_dim3A_13 {add = true} : memref<16384xf32, #tpu.memory_space<vmem>>[vector<16xi32>], vector<16xf32>,
        %get3A_580 = arith.index_cast %scan3A_563 : i32 to index
        %get3A_581 = arith.constant 64 : index
        %get3A_582 = tpu.vector_load %arg11[%get3A_580, %get3A_581] {strides = array<i32>} : memref<50x128xi32, #tpu.memory_space<vmem>>, vector<16xi32>,
        %add3A_583 = arith.addi %mul3A_12, %get3A_582 : vector<16xi32>
        tpu.vector_store_idx %arg13[%add3A_583], %broadcast_in_dim3A_13 {add = true} : memref<16384xf32, #tpu.memory_space<vmem>>[vector<16xi32>], vector<16xf32>,
        %get3A_584 = arith.index_cast %scan3A_563 : i32 to index
        %get3A_585 = arith.constant 80 : index
        %get3A_586 = tpu.vector_load %arg11[%get3A_584, %get3A_585] {strides = array<i32>} : memref<50x128xi32, #tpu.memory_space<vmem>>, vector<16xi32>,
        %add3A_587 = arith.addi %mul3A_12, %get3A_586 : vector<16xi32>
        tpu.vector_store_idx %arg13[%add3A_587], %broadcast_in_dim3A_13 {add = true} : memref<16384xf32, #tpu.memory_space<vmem>>[vector<16xi32>], vector<16xf32>,
        %get3A_588 = arith.index_cast %scan3A_563 : i32 to index
        %get3A_589 = arith.constant 96 : index
        %get3A_590 = tpu.vector_load %arg11[%get3A_588, %get3A_589] {strides = array<i32>} : memref<50x128xi32, #tpu.memory_space<vmem>>, vector<16xi32>,
        %add3A_591 = arith.addi %mul3A_12, %get3A_590 : vector<16xi32>
        tpu.vector_store_idx %arg13[%add3A_591], %broadcast_in_dim3A_13 {add = true} : memref<16384xf32, #tpu.memory_space<vmem>>[vector<16xi32>], vector<16xf32>,
        %get3A_592 = arith.index_cast %scan3A_563 : i32 to index
        %get3A_593 = arith.constant 112 : index
        %get3A_594 = tpu.vector_load %arg11[%get3A_592, %get3A_593] {strides = array<i32>} : memref<50x128xi32, #tpu.memory_space<vmem>>, vector<16xi32>,
        %add3A_595 = arith.addi %mul3A_12, %get3A_594 : vector<16xi32>
        tpu.vector_store_idx %arg13[%add3A_595], %broadcast_in_dim3A_13 {add = true} : memref<16384xf32, #tpu.memory_space<vmem>>[vector<16xi32>], vector<16xf32>,
      }
      %scan3A_545 = arith.constant 50 : i32
      %scan3A_546 = arith.constant 0 : i32
      %scan3A_547 = arith.constant 12 : i32
      %scan3A_548 = arith.addi %scan3A_546, %scan3A_547 : i32
      %scan3A_549 = arith.constant 1 : i32
      scf.for %scan3A_563 = %scan3A_546 to %scan3A_548 step %scan3A_549  : i32 {
        %mul3A_564 = arith.constant 4 : i32
        %mul3A_565 = arith.muli %mul3A_564, %scan3A_563 : i32
        %add3A_566 = arith.constant 0 : i32
        %add3A_567 = arith.addi %mul3A_565, %add3A_566 : i32
        %dma_wait3A_568 = arith.constant 0 : i32
        %dma_wait3A_569 = arith.constant 0 : i32
        %dma_wait3A_570 = tpu.memref_slice %arg2[%dma_wait3A_568, %dma_wait3A_569] : memref<100000x128xf32, #tpu.memory_space<hbm>> -> memref<128x128xf32, #tpu.memory_space<hbm>>
        %dma_wait3A_571 = arith.constant 0 : i32
        %dma_wait3A_572 = arith.constant 0 : i32
        %dma_wait3A_573 = tpu.memref_slice %arg2[%dma_wait3A_571, %dma_wait3A_572] : memref<100000x128xf32, #tpu.memory_space<hbm>> -> memref<128x128xf32, #tpu.memory_space<hbm>>
        tpu.wait_dma2 semaphore(%arg18 : memref<!tpu.dma_semaphore, #tpu.memory_space<semaphore_mem>>) src(%dma_wait3A_573 : memref<128x128xf32, #tpu.memory_space<hbm>>) dst(%arg7 : memref<128x128xf32, #tpu.memory_space<vmem>>)
        "tpu.region"() ({
          %run_scoped3A_632 = tpu.sem_alloc : memref<!tpu.dma_semaphore, #tpu.memory_space<semaphore_mem>>
          %dma_start3A_633 = arith.constant 0 : i32
          %dma_start3A_634 = tpu.memref_slice %arg11[%add3A_567, %dma_start3A_633] : memref<50x128xi32, #tpu.memory_space<vmem>> -> memref<1x128xi32, #tpu.memory_space<vmem>>
          %dma_start3A_635 = tpu.memref_squeeze %dma_start3A_634 : memref<1x128xi32, #tpu.memory_space<vmem>> -> memref<128xi32, #tpu.memory_space<vmem>>
          %dma_start3A_636 = arith.constant 0 : i32
          %dma_start3A_637 = arith.constant 0 : i32
          %dma_start3A_638 = tpu.memref_slice %arg22[%dma_start3A_636, %dma_start3A_637] : memref<1024x128xf32, #tpu.memory_space<vmem_shared>> -> memref<1024x128xf32, #tpu.memory_space<vmem_shared>>
          tpu.enqueue_indirect_dma source(%arg7 : memref<128x128xf32, #tpu.memory_space<vmem>>) target(%dma_start3A_638 : memref<1024x128xf32, #tpu.memory_space<vmem_shared>>) offsets(%dma_start3A_635 : memref<128xi32, #tpu.memory_space<vmem>>) semaphore(%run_scoped3A_632 : memref<!tpu.dma_semaphore, #tpu.memory_space<semaphore_mem>>) {add = true}
          %dma_wait3A_639 = arith.constant 0 : i32
          %dma_wait3A_640 = tpu.memref_slice %arg11[%add3A_567, %dma_wait3A_639] : memref<50x128xi32, #tpu.memory_space<vmem>> -> memref<1x128xi32, #tpu.memory_space<vmem>>
          %dma_wait3A_641 = tpu.memref_squeeze %dma_wait3A_640 : memref<1x128xi32, #tpu.memory_space<vmem>> -> memref<128xi32, #tpu.memory_space<vmem>>
          %dma_wait3A_642 = arith.constant 0 : i32
          %dma_wait3A_643 = arith.constant 0 : i32
          %dma_wait3A_644 = tpu.memref_slice %arg22[%dma_wait3A_642, %dma_wait3A_643] : memref<1024x128xf32, #tpu.memory_space<vmem_shared>> -> memref<1024x128xf32, #tpu.memory_space<vmem_shared>>
          tpu.wait_indirect_dma semaphore(%run_scoped3A_632 : memref<!tpu.dma_semaphore, #tpu.memory_space<semaphore_mem>>) src(%arg7 : memref<128x128xf32, #tpu.memory_space<vmem>>) dst(%dma_wait3A_644 : memref<1024x128xf32, #tpu.memory_space<vmem_shared>>)
          tpu.yield
        }) : () -> ()
        %add3A_574 = arith.constant 4 : i32
        %add3A_575 = arith.addi %add3A_567, %add3A_574 : i32
        %lt3A_576 = arith.constant 50 : i32
        %lt3A_577 = arith.cmpi slt, %add3A_575, %lt3A_576 : i32
        %convert_element_type3A_578 = arith.extui %lt3A_577 : i1 to i32
        %cond3A_579 = arith.constant 0 : i32
        %cond3A_580 = arith.cmpi ne, %convert_element_type3A_578, %cond3A_579 : i32
        scf.if %cond3A_580 {
          %add3A_632 = arith.constant 4 : i32
          %add3A_633 = arith.addi %add3A_567, %add3A_632 : i32
          %mul3A_634 = arith.constant 128 : i32
          %mul3A_635 = arith.muli %add3A_633, %mul3A_634 : i32
          %add3A_636 = arith.addi %mul3A_517, %mul3A_635 : i32
          %dma_start3A_637 = arith.constant 0 : i32
          %dma_start3A_638 = tpu.memref_slice %arg2[%add3A_636, %dma_start3A_637] : memref<100000x128xf32, #tpu.memory_space<hbm>> -> memref<128x128xf32, #tpu.memory_space<hbm>>
          %dma_start3A_639 = arith.constant 0 : i32
          %dma_start3A_640 = tpu.memref_slice %arg2[%add3A_636, %dma_start3A_639] : memref<100000x128xf32, #tpu.memory_space<hbm>> -> memref<128x128xf32, #tpu.memory_space<hbm>>
          tpu.enqueue_dma source(%dma_start3A_640 : memref<128x128xf32, #tpu.memory_space<hbm>>) target(%arg7 : memref<128x128xf32, #tpu.memory_space<vmem>>) target_semaphore(%arg18 : memref<!tpu.dma_semaphore, #tpu.memory_space<semaphore_mem>>)
        } else {
        }
        %mul3A_581 = arith.constant 4 : i32
        %mul3A_582 = arith.muli %mul3A_581, %scan3A_563 : i32
        %add3A_583 = arith.constant 1 : i32
        %add3A_584 = arith.addi %mul3A_582, %add3A_583 : i32
        %dma_wait3A_585 = arith.constant 0 : i32
        %dma_wait3A_586 = arith.constant 0 : i32
        %dma_wait3A_587 = tpu.memref_slice %arg2[%dma_wait3A_585, %dma_wait3A_586] : memref<100000x128xf32, #tpu.memory_space<hbm>> -> memref<128x128xf32, #tpu.memory_space<hbm>>
        %dma_wait3A_588 = arith.constant 0 : i32
        %dma_wait3A_589 = arith.constant 0 : i32
        %dma_wait3A_590 = tpu.memref_slice %arg2[%dma_wait3A_588, %dma_wait3A_589] : memref<100000x128xf32, #tpu.memory_space<hbm>> -> memref<128x128xf32, #tpu.memory_space<hbm>>
        tpu.wait_dma2 semaphore(%arg19 : memref<!tpu.dma_semaphore, #tpu.memory_space<semaphore_mem>>) src(%dma_wait3A_590 : memref<128x128xf32, #tpu.memory_space<hbm>>) dst(%arg8 : memref<128x128xf32, #tpu.memory_space<vmem>>)
        "tpu.region"() ({
          %run_scoped3A_632 = tpu.sem_alloc : memref<!tpu.dma_semaphore, #tpu.memory_space<semaphore_mem>>
          %dma_start3A_633 = arith.constant 0 : i32
          %dma_start3A_634 = tpu.memref_slice %arg11[%add3A_584, %dma_start3A_633] : memref<50x128xi32, #tpu.memory_space<vmem>> -> memref<1x128xi32, #tpu.memory_space<vmem>>
          %dma_start3A_635 = tpu.memref_squeeze %dma_start3A_634 : memref<1x128xi32, #tpu.memory_space<vmem>> -> memref<128xi32, #tpu.memory_space<vmem>>
          %dma_start3A_636 = arith.constant 0 : i32
          %dma_start3A_637 = arith.constant 0 : i32
          %dma_start3A_638 = tpu.memref_slice %arg22[%dma_start3A_636, %dma_start3A_637] : memref<1024x128xf32, #tpu.memory_space<vmem_shared>> -> memref<1024x128xf32, #tpu.memory_space<vmem_shared>>
          tpu.enqueue_indirect_dma source(%arg8 : memref<128x128xf32, #tpu.memory_space<vmem>>) target(%dma_start3A_638 : memref<1024x128xf32, #tpu.memory_space<vmem_shared>>) offsets(%dma_start3A_635 : memref<128xi32, #tpu.memory_space<vmem>>) semaphore(%run_scoped3A_632 : memref<!tpu.dma_semaphore, #tpu.memory_space<semaphore_mem>>) {add = true}
          %dma_wait3A_639 = arith.constant 0 : i32
          %dma_wait3A_640 = tpu.memref_slice %arg11[%add3A_584, %dma_wait3A_639] : memref<50x128xi32, #tpu.memory_space<vmem>> -> memref<1x128xi32, #tpu.memory_space<vmem>>
          %dma_wait3A_641 = tpu.memref_squeeze %dma_wait3A_640 : memref<1x128xi32, #tpu.memory_space<vmem>> -> memref<128xi32, #tpu.memory_space<vmem>>
          %dma_wait3A_642 = arith.constant 0 : i32
          %dma_wait3A_643 = arith.constant 0 : i32
          %dma_wait3A_644 = tpu.memref_slice %arg22[%dma_wait3A_642, %dma_wait3A_643] : memref<1024x128xf32, #tpu.memory_space<vmem_shared>> -> memref<1024x128xf32, #tpu.memory_space<vmem_shared>>
          tpu.wait_indirect_dma semaphore(%run_scoped3A_632 : memref<!tpu.dma_semaphore, #tpu.memory_space<semaphore_mem>>) src(%arg8 : memref<128x128xf32, #tpu.memory_space<vmem>>) dst(%dma_wait3A_644 : memref<1024x128xf32, #tpu.memory_space<vmem_shared>>)
          tpu.yield
        }) : () -> ()
        %add3A_591 = arith.constant 4 : i32
        %add3A_592 = arith.addi %add3A_584, %add3A_591 : i32
        %lt3A_593 = arith.constant 50 : i32
        %lt3A_594 = arith.cmpi slt, %add3A_592, %lt3A_593 : i32
        %convert_element_type3A_595 = arith.extui %lt3A_594 : i1 to i32
        %cond3A_596 = arith.constant 0 : i32
        %cond3A_597 = arith.cmpi ne, %convert_element_type3A_595, %cond3A_596 : i32
        scf.if %cond3A_597 {
          %add3A_632 = arith.constant 4 : i32
          %add3A_633 = arith.addi %add3A_584, %add3A_632 : i32
          %mul3A_634 = arith.constant 128 : i32
          %mul3A_635 = arith.muli %add3A_633, %mul3A_634 : i32
          %add3A_636 = arith.addi %mul3A_517, %mul3A_635 : i32
          %dma_start3A_637 = arith.constant 0 : i32
          %dma_start3A_638 = tpu.memref_slice %arg2[%add3A_636, %dma_start3A_637] : memref<100000x128xf32, #tpu.memory_space<hbm>> -> memref<128x128xf32, #tpu.memory_space<hbm>>
          %dma_start3A_639 = arith.constant 0 : i32
          %dma_start3A_640 = tpu.memref_slice %arg2[%add3A_636, %dma_start3A_639] : memref<100000x128xf32, #tpu.memory_space<hbm>> -> memref<128x128xf32, #tpu.memory_space<hbm>>
          tpu.enqueue_dma source(%dma_start3A_640 : memref<128x128xf32, #tpu.memory_space<hbm>>) target(%arg8 : memref<128x128xf32, #tpu.memory_space<vmem>>) target_semaphore(%arg19 : memref<!tpu.dma_semaphore, #tpu.memory_space<semaphore_mem>>)
        } else {
        }
        %mul3A_598 = arith.constant 4 : i32
        %mul3A_599 = arith.muli %mul3A_598, %scan3A_563 : i32
        %add3A_600 = arith.constant 2 : i32
        %add3A_601 = arith.addi %mul3A_599, %add3A_600 : i32
        %dma_wait3A_602 = arith.constant 0 : i32
        %dma_wait3A_603 = arith.constant 0 : i32
        %dma_wait3A_604 = tpu.memref_slice %arg2[%dma_wait3A_602, %dma_wait3A_603] : memref<100000x128xf32, #tpu.memory_space<hbm>> -> memref<128x128xf32, #tpu.memory_space<hbm>>
        %dma_wait3A_605 = arith.constant 0 : i32
        %dma_wait3A_606 = arith.constant 0 : i32
        %dma_wait3A_607 = tpu.memref_slice %arg2[%dma_wait3A_605, %dma_wait3A_606] : memref<100000x128xf32, #tpu.memory_space<hbm>> -> memref<128x128xf32, #tpu.memory_space<hbm>>
        tpu.wait_dma2 semaphore(%arg20 : memref<!tpu.dma_semaphore, #tpu.memory_space<semaphore_mem>>) src(%dma_wait3A_607 : memref<128x128xf32, #tpu.memory_space<hbm>>) dst(%arg9 : memref<128x128xf32, #tpu.memory_space<vmem>>)
        "tpu.region"() ({
          %run_scoped3A_632 = tpu.sem_alloc : memref<!tpu.dma_semaphore, #tpu.memory_space<semaphore_mem>>
          %dma_start3A_633 = arith.constant 0 : i32
          %dma_start3A_634 = tpu.memref_slice %arg11[%add3A_601, %dma_start3A_633] : memref<50x128xi32, #tpu.memory_space<vmem>> -> memref<1x128xi32, #tpu.memory_space<vmem>>
          %dma_start3A_635 = tpu.memref_squeeze %dma_start3A_634 : memref<1x128xi32, #tpu.memory_space<vmem>> -> memref<128xi32, #tpu.memory_space<vmem>>
          %dma_start3A_636 = arith.constant 0 : i32
          %dma_start3A_637 = arith.constant 0 : i32
          %dma_start3A_638 = tpu.memref_slice %arg22[%dma_start3A_636, %dma_start3A_637] : memref<1024x128xf32, #tpu.memory_space<vmem_shared>> -> memref<1024x128xf32, #tpu.memory_space<vmem_shared>>
          tpu.enqueue_indirect_dma source(%arg9 : memref<128x128xf32, #tpu.memory_space<vmem>>) target(%dma_start3A_638 : memref<1024x128xf32, #tpu.memory_space<vmem_shared>>) offsets(%dma_start3A_635 : memref<128xi32, #tpu.memory_space<vmem>>) semaphore(%run_scoped3A_632 : memref<!tpu.dma_semaphore, #tpu.memory_space<semaphore_mem>>) {add = true}
          %dma_wait3A_639 = arith.constant 0 : i32
          %dma_wait3A_640 = tpu.memref_slice %arg11[%add3A_601, %dma_wait3A_639] : memref<50x128xi32, #tpu.memory_space<vmem>> -> memref<1x128xi32, #tpu.memory_space<vmem>>
          %dma_wait3A_641 = tpu.memref_squeeze %dma_wait3A_640 : memref<1x128xi32, #tpu.memory_space<vmem>> -> memref<128xi32, #tpu.memory_space<vmem>>
          %dma_wait3A_642 = arith.constant 0 : i32
          %dma_wait3A_643 = arith.constant 0 : i32
          %dma_wait3A_644 = tpu.memref_slice %arg22[%dma_wait3A_642, %dma_wait3A_643] : memref<1024x128xf32, #tpu.memory_space<vmem_shared>> -> memref<1024x128xf32, #tpu.memory_space<vmem_shared>>
          tpu.wait_indirect_dma semaphore(%run_scoped3A_632 : memref<!tpu.dma_semaphore, #tpu.memory_space<semaphore_mem>>) src(%arg9 : memref<128x128xf32, #tpu.memory_space<vmem>>) dst(%dma_wait3A_644 : memref<1024x128xf32, #tpu.memory_space<vmem_shared>>)
          tpu.yield
        }) : () -> ()
        %add3A_608 = arith.constant 4 : i32
        %add3A_609 = arith.addi %add3A_601, %add3A_608 : i32
        %lt3A_610 = arith.constant 50 : i32
        %lt3A_611 = arith.cmpi slt, %add3A_609, %lt3A_610 : i32
        %convert_element_type3A_612 = arith.extui %lt3A_611 : i1 to i32
        %cond3A_613 = arith.constant 0 : i32
        %cond3A_614 = arith.cmpi ne, %convert_element_type3A_612, %cond3A_613 : i32
        scf.if %cond3A_614 {
          %add3A_632 = arith.constant 4 : i32
          %add3A_633 = arith.addi %add3A_601, %add3A_632 : i32
          %mul3A_634 = arith.constant 128 : i32
          %mul3A_635 = arith.muli %add3A_633, %mul3A_634 : i32
          %add3A_636 = arith.addi %mul3A_517, %mul3A_635 : i32
          %dma_start3A_637 = arith.constant 0 : i32
          %dma_start3A_638 = tpu.memref_slice %arg2[%add3A_636, %dma_start3A_637] : memref<100000x128xf32, #tpu.memory_space<hbm>> -> memref<128x128xf32, #tpu.memory_space<hbm>>
          %dma_start3A_639 = arith.constant 0 : i32
          %dma_start3A_640 = tpu.memref_slice %arg2[%add3A_636, %dma_start3A_639] : memref<100000x128xf32, #tpu.memory_space<hbm>> -> memref<128x128xf32, #tpu.memory_space<hbm>>
          tpu.enqueue_dma source(%dma_start3A_640 : memref<128x128xf32, #tpu.memory_space<hbm>>) target(%arg9 : memref<128x128xf32, #tpu.memory_space<vmem>>) target_semaphore(%arg20 : memref<!tpu.dma_semaphore, #tpu.memory_space<semaphore_mem>>)
        } else {
        }
        %mul3A_615 = arith.constant 4 : i32
        %mul3A_616 = arith.muli %mul3A_615, %scan3A_563 : i32
        %add3A_617 = arith.constant 3 : i32
        %add3A_618 = arith.addi %mul3A_616, %add3A_617 : i32
        %dma_wait3A_619 = arith.constant 0 : i32
        %dma_wait3A_620 = arith.constant 0 : i32
        %dma_wait3A_621 = tpu.memref_slice %arg2[%dma_wait3A_619, %dma_wait3A_620] : memref<100000x128xf32, #tpu.memory_space<hbm>> -> memref<128x128xf32, #tpu.memory_space<hbm>>
        %dma_wait3A_622 = arith.constant 0 : i32
        %dma_wait3A_623 = arith.constant 0 : i32
        %dma_wait3A_624 = tpu.memref_slice %arg2[%dma_wait3A_622, %dma_wait3A_623] : memref<100000x128xf32, #tpu.memory_space<hbm>> -> memref<128x128xf32, #tpu.memory_space<hbm>>
        tpu.wait_dma2 semaphore(%arg21 : memref<!tpu.dma_semaphore, #tpu.memory_space<semaphore_mem>>) src(%dma_wait3A_624 : memref<128x128xf32, #tpu.memory_space<hbm>>) dst(%arg10 : memref<128x128xf32, #tpu.memory_space<vmem>>)
        "tpu.region"() ({
          %run_scoped3A_632 = tpu.sem_alloc : memref<!tpu.dma_semaphore, #tpu.memory_space<semaphore_mem>>
          %dma_start3A_633 = arith.constant 0 : i32
          %dma_start3A_634 = tpu.memref_slice %arg11[%add3A_618, %dma_start3A_633] : memref<50x128xi32, #tpu.memory_space<vmem>> -> memref<1x128xi32, #tpu.memory_space<vmem>>
          %dma_start3A_635 = tpu.memref_squeeze %dma_start3A_634 : memref<1x128xi32, #tpu.memory_space<vmem>> -> memref<128xi32, #tpu.memory_space<vmem>>
          %dma_start3A_636 = arith.constant 0 : i32
          %dma_start3A_637 = arith.constant 0 : i32
          %dma_start3A_638 = tpu.memref_slice %arg22[%dma_start3A_636, %dma_start3A_637] : memref<1024x128xf32, #tpu.memory_space<vmem_shared>> -> memref<1024x128xf32, #tpu.memory_space<vmem_shared>>
          tpu.enqueue_indirect_dma source(%arg10 : memref<128x128xf32, #tpu.memory_space<vmem>>) target(%dma_start3A_638 : memref<1024x128xf32, #tpu.memory_space<vmem_shared>>) offsets(%dma_start3A_635 : memref<128xi32, #tpu.memory_space<vmem>>) semaphore(%run_scoped3A_632 : memref<!tpu.dma_semaphore, #tpu.memory_space<semaphore_mem>>) {add = true}
          %dma_wait3A_639 = arith.constant 0 : i32
          %dma_wait3A_640 = tpu.memref_slice %arg11[%add3A_618, %dma_wait3A_639] : memref<50x128xi32, #tpu.memory_space<vmem>> -> memref<1x128xi32, #tpu.memory_space<vmem>>
          %dma_wait3A_641 = tpu.memref_squeeze %dma_wait3A_640 : memref<1x128xi32, #tpu.memory_space<vmem>> -> memref<128xi32, #tpu.memory_space<vmem>>
          %dma_wait3A_642 = arith.constant 0 : i32
          %dma_wait3A_643 = arith.constant 0 : i32
          %dma_wait3A_644 = tpu.memref_slice %arg22[%dma_wait3A_642, %dma_wait3A_643] : memref<1024x128xf32, #tpu.memory_space<vmem_shared>> -> memref<1024x128xf32, #tpu.memory_space<vmem_shared>>
          tpu.wait_indirect_dma semaphore(%run_scoped3A_632 : memref<!tpu.dma_semaphore, #tpu.memory_space<semaphore_mem>>) src(%arg10 : memref<128x128xf32, #tpu.memory_space<vmem>>) dst(%dma_wait3A_644 : memref<1024x128xf32, #tpu.memory_space<vmem_shared>>)
          tpu.yield
        }) : () -> ()
        %add3A_625 = arith.constant 4 : i32
        %add3A_626 = arith.addi %add3A_618, %add3A_625 : i32
        %lt3A_627 = arith.constant 50 : i32
        %lt3A_628 = arith.cmpi slt, %add3A_626, %lt3A_627 : i32
        %convert_element_type3A_629 = arith.extui %lt3A_628 : i1 to i32
        %cond3A_630 = arith.constant 0 : i32
        %cond3A_631 = arith.cmpi ne, %convert_element_type3A_629, %cond3A_630 : i32
        scf.if %cond3A_631 {
          %add3A_632 = arith.constant 4 : i32
          %add3A_633 = arith.addi %add3A_618, %add3A_632 : i32
          %mul3A_634 = arith.constant 128 : i32
          %mul3A_635 = arith.muli %add3A_633, %mul3A_634 : i32
          %add3A_636 = arith.addi %mul3A_517, %mul3A_635 : i32
          %dma_start3A_637 = arith.constant 0 : i32
          %dma_start3A_638 = tpu.memref_slice %arg2[%add3A_636, %dma_start3A_637] : memref<100000x128xf32, #tpu.memory_space<hbm>> -> memref<128x128xf32, #tpu.memory_space<hbm>>
          %dma_start3A_639 = arith.constant 0 : i32
          %dma_start3A_640 = tpu.memref_slice %arg2[%add3A_636, %dma_start3A_639] : memref<100000x128xf32, #tpu.memory_space<hbm>> -> memref<128x128xf32, #tpu.memory_space<hbm>>
          tpu.enqueue_dma source(%dma_start3A_640 : memref<128x128xf32, #tpu.memory_space<hbm>>) target(%arg10 : memref<128x128xf32, #tpu.memory_space<vmem>>) target_semaphore(%arg21 : memref<!tpu.dma_semaphore, #tpu.memory_space<semaphore_mem>>)
        } else {
        }
      }
      %scan3A_550 = arith.constant 12 : i32
      %dma_wait3A = arith.constant 0 : i32
      %dma_wait3A_551 = arith.constant 0 : i32
      %dma_wait3A_552 = tpu.memref_slice %arg2[%dma_wait3A, %dma_wait3A_551] : memref<100000x128xf32, #tpu.memory_space<hbm>> -> memref<128x128xf32, #tpu.memory_space<hbm>>
      %dma_wait3A_553 = arith.constant 0 : i32
      %dma_wait3A_554 = arith.constant 0 : i32
      %dma_wait3A_555 = tpu.memref_slice %arg2[%dma_wait3A_553, %dma_wait3A_554] : memref<100000x128xf32, #tpu.memory_space<hbm>> -> memref<128x128xf32, #tpu.memory_space<hbm>>
      tpu.wait_dma2 semaphore(%arg18 : memref<!tpu.dma_semaphore, #tpu.memory_space<semaphore_mem>>) src(%dma_wait3A_555 : memref<128x128xf32, #tpu.memory_space<hbm>>) dst(%arg7 : memref<128x128xf32, #tpu.memory_space<vmem>>)
      %run_scoped3A = arith.constant 48 : i32
      "tpu.region"() ({
        %run_scoped3A_563 = tpu.sem_alloc : memref<!tpu.dma_semaphore, #tpu.memory_space<semaphore_mem>>
        %dma_start3A_564 = arith.constant 0 : i32
        %dma_start3A_565 = tpu.memref_slice %arg11[%run_scoped3A, %dma_start3A_564] : memref<50x128xi32, #tpu.memory_space<vmem>> -> memref<1x128xi32, #tpu.memory_space<vmem>>
        %dma_start3A_566 = tpu.memref_squeeze %dma_start3A_565 : memref<1x128xi32, #tpu.memory_space<vmem>> -> memref<128xi32, #tpu.memory_space<vmem>>
        %dma_start3A_567 = arith.constant 0 : i32
        %dma_start3A_568 = arith.constant 0 : i32
        %dma_start3A_569 = tpu.memref_slice %arg22[%dma_start3A_567, %dma_start3A_568] : memref<1024x128xf32, #tpu.memory_space<vmem_shared>> -> memref<1024x128xf32, #tpu.memory_space<vmem_shared>>
        tpu.enqueue_indirect_dma source(%arg7 : memref<128x128xf32, #tpu.memory_space<vmem>>) target(%dma_start3A_569 : memref<1024x128xf32, #tpu.memory_space<vmem_shared>>) offsets(%dma_start3A_566 : memref<128xi32, #tpu.memory_space<vmem>>) semaphore(%run_scoped3A_563 : memref<!tpu.dma_semaphore, #tpu.memory_space<semaphore_mem>>) {add = true}
        %dma_wait3A_570 = arith.constant 0 : i32
        %dma_wait3A_571 = tpu.memref_slice %arg11[%run_scoped3A, %dma_wait3A_570] : memref<50x128xi32, #tpu.memory_space<vmem>> -> memref<1x128xi32, #tpu.memory_space<vmem>>
        %dma_wait3A_572 = tpu.memref_squeeze %dma_wait3A_571 : memref<1x128xi32, #tpu.memory_space<vmem>> -> memref<128xi32, #tpu.memory_space<vmem>>
        %dma_wait3A_573 = arith.constant 0 : i32
        %dma_wait3A_574 = arith.constant 0 : i32
        %dma_wait3A_575 = tpu.memref_slice %arg22[%dma_wait3A_573, %dma_wait3A_574] : memref<1024x128xf32, #tpu.memory_space<vmem_shared>> -> memref<1024x128xf32, #tpu.memory_space<vmem_shared>>
        tpu.wait_indirect_dma semaphore(%run_scoped3A_563 : memref<!tpu.dma_semaphore, #tpu.memory_space<semaphore_mem>>) src(%arg7 : memref<128x128xf32, #tpu.memory_space<vmem>>) dst(%dma_wait3A_575 : memref<1024x128xf32, #tpu.memory_space<vmem_shared>>)
        tpu.yield
      }) : () -> ()
      %dma_wait3A_556 = arith.constant 0 : i32
      %dma_wait3A_557 = arith.constant 0 : i32
      %dma_wait3A_558 = tpu.memref_slice %arg2[%dma_wait3A_556, %dma_wait3A_557] : memref<100000x128xf32, #tpu.memory_space<hbm>> -> memref<128x128xf32, #tpu.memory_space<hbm>>
      %dma_wait3A_559 = arith.constant 0 : i32
      %dma_wait3A_560 = arith.constant 0 : i32
      %dma_wait3A_561 = tpu.memref_slice %arg2[%dma_wait3A_559, %dma_wait3A_560] : memref<100000x128xf32, #tpu.memory_space<hbm>> -> memref<128x128xf32, #tpu.memory_space<hbm>>
      tpu.wait_dma2 semaphore(%arg19 : memref<!tpu.dma_semaphore, #tpu.memory_space<semaphore_mem>>) src(%dma_wait3A_561 : memref<128x128xf32, #tpu.memory_space<hbm>>) dst(%arg8 : memref<128x128xf32, #tpu.memory_space<vmem>>)
      %run_scoped3A_562 = arith.constant 49 : i32
      "tpu.region"() ({
        %run_scoped3A_563 = tpu.sem_alloc : memref<!tpu.dma_semaphore, #tpu.memory_space<semaphore_mem>>
        %dma_start3A_564 = arith.constant 0 : i32
        %dma_start3A_565 = tpu.memref_slice %arg11[%run_scoped3A_562, %dma_start3A_564] : memref<50x128xi32, #tpu.memory_space<vmem>> -> memref<1x128xi32, #tpu.memory_space<vmem>>
        %dma_start3A_566 = tpu.memref_squeeze %dma_start3A_565 : memref<1x128xi32, #tpu.memory_space<vmem>> -> memref<128xi32, #tpu.memory_space<vmem>>
        %dma_start3A_567 = arith.constant 0 : i32
        %dma_start3A_568 = arith.constant 0 : i32
        %dma_start3A_569 = tpu.memref_slice %arg22[%dma_start3A_567, %dma_start3A_568] : memref<1024x128xf32, #tpu.memory_space<vmem_shared>> -> memref<1024x128xf32, #tpu.memory_space<vmem_shared>>
        tpu.enqueue_indirect_dma source(%arg8 : memref<128x128xf32, #tpu.memory_space<vmem>>) target(%dma_start3A_569 : memref<1024x128xf32, #tpu.memory_space<vmem_shared>>) offsets(%dma_start3A_566 : memref<128xi32, #tpu.memory_space<vmem>>) semaphore(%run_scoped3A_563 : memref<!tpu.dma_semaphore, #tpu.memory_space<semaphore_mem>>) {add = true}
        %dma_wait3A_570 = arith.constant 0 : i32
        %dma_wait3A_571 = tpu.memref_slice %arg11[%run_scoped3A_562, %dma_wait3A_570] : memref<50x128xi32, #tpu.memory_space<vmem>> -> memref<1x128xi32, #tpu.memory_space<vmem>>
        %dma_wait3A_572 = tpu.memref_squeeze %dma_wait3A_571 : memref<1x128xi32, #tpu.memory_space<vmem>> -> memref<128xi32, #tpu.memory_space<vmem>>
        %dma_wait3A_573 = arith.constant 0 : i32
        %dma_wait3A_574 = arith.constant 0 : i32
        %dma_wait3A_575 = tpu.memref_slice %arg22[%dma_wait3A_573, %dma_wait3A_574] : memref<1024x128xf32, #tpu.memory_space<vmem_shared>> -> memref<1024x128xf32, #tpu.memory_space<vmem_shared>>
        tpu.wait_indirect_dma semaphore(%run_scoped3A_563 : memref<!tpu.dma_semaphore, #tpu.memory_space<semaphore_mem>>) src(%arg8 : memref<128x128xf32, #tpu.memory_space<vmem>>) dst(%dma_wait3A_575 : memref<1024x128xf32, #tpu.memory_space<vmem_shared>>)
        tpu.yield
      }) : () -> ()
    } else {
    }
    %eq3A_17 = arith.constant 0 : i32
    %eq3A_18 = arith.cmpi eq, %arg0, %eq3A_17 : i32
    %eq3A_19 = arith.constant 15 : i32
    %eq3A_20 = arith.cmpi eq, %arg1, %eq3A_19 : i32
    %and3A_21 = arith.andi %eq3A_18, %eq3A_20 : i1
    %convert_element_type3A_22 = arith.extui %and3A_21 : i1 to i32
    %cond3A_23 = arith.constant 0 : i32
    %cond3A_24 = arith.cmpi ne, %convert_element_type3A_22, %cond3A_23 : i32
    scf.if %cond3A_24 {
      %mul3A_516 = arith.constant 6400 : i32
      %mul3A_517 = arith.muli %arg1, %mul3A_516 : i32
      "tpu.region"() ({
        %run_scoped3A_592 = tpu.sem_alloc : memref<!tpu.dma_semaphore, #tpu.memory_space<semaphore_mem>>
        %dma_start3A_593 = arith.constant 0 : i32
        %dma_start3A_594 = arith.constant 0 : i32
        %dma_start3A_595 = tpu.memref_slice %arg3[%arg1, %dma_start3A_593, %dma_start3A_594] : memref<16x50x128xi32, #tpu.memory_space<hbm>> -> memref<1x50x128xi32, #tpu.memory_space<hbm>>
        %dma_start3A_596 = tpu.memref_squeeze %dma_start3A_595 : memref<1x50x128xi32, #tpu.memory_space<hbm>> -> memref<50x128xi32, #tpu.memory_space<hbm>>
        %dma_start3A_597 = arith.constant 0 : i32
        %dma_start3A_598 = arith.constant 0 : i32
        %dma_start3A_599 = tpu.memref_slice %arg3[%arg1, %dma_start3A_597, %dma_start3A_598] : memref<16x50x128xi32, #tpu.memory_space<hbm>> -> memref<1x50x128xi32, #tpu.memory_space<hbm>>
        %dma_start3A_600 = tpu.memref_squeeze %dma_start3A_599 : memref<1x50x128xi32, #tpu.memory_space<hbm>> -> memref<50x128xi32, #tpu.memory_space<hbm>>
        tpu.enqueue_dma source(%dma_start3A_600 : memref<50x128xi32, #tpu.memory_space<hbm>>) target(%arg11 : memref<50x128xi32, #tpu.memory_space<vmem>>) target_semaphore(%run_scoped3A_592 : memref<!tpu.dma_semaphore, #tpu.memory_space<semaphore_mem>>)
        %dma_wait3A_601 = arith.constant 0 : i32
        %dma_wait3A_602 = arith.constant 0 : i32
        %dma_wait3A_603 = tpu.memref_slice %arg3[%arg1, %dma_wait3A_601, %dma_wait3A_602] : memref<16x50x128xi32, #tpu.memory_space<hbm>> -> memref<1x50x128xi32, #tpu.memory_space<hbm>>
        %dma_wait3A_604 = tpu.memref_squeeze %dma_wait3A_603 : memref<1x50x128xi32, #tpu.memory_space<hbm>> -> memref<50x128xi32, #tpu.memory_space<hbm>>
        %dma_wait3A_605 = arith.constant 0 : i32
        %dma_wait3A_606 = arith.constant 0 : i32
        %dma_wait3A_607 = tpu.memref_slice %arg3[%arg1, %dma_wait3A_605, %dma_wait3A_606] : memref<16x50x128xi32, #tpu.memory_space<hbm>> -> memref<1x50x128xi32, #tpu.memory_space<hbm>>
        %dma_wait3A_608 = tpu.memref_squeeze %dma_wait3A_607 : memref<1x50x128xi32, #tpu.memory_space<hbm>> -> memref<50x128xi32, #tpu.memory_space<hbm>>
        tpu.wait_dma2 semaphore(%run_scoped3A_592 : memref<!tpu.dma_semaphore, #tpu.memory_space<semaphore_mem>>) src(%dma_wait3A_608 : memref<50x128xi32, #tpu.memory_space<hbm>>) dst(%arg11 : memref<50x128xi32, #tpu.memory_space<vmem>>)
        tpu.yield
      }) : () -> ()
      %add3A_518 = arith.constant 0 : i32
      %add3A_519 = arith.addi %mul3A_517, %add3A_518 : i32
      %dma_start3A = arith.constant 0 : i32
      %dma_start3A_520 = tpu.memref_slice %arg2[%add3A_519, %dma_start3A] : memref<100000x128xf32, #tpu.memory_space<hbm>> -> memref<128x128xf32, #tpu.memory_space<hbm>>
      %dma_start3A_521 = arith.constant 0 : i32
      %dma_start3A_522 = tpu.memref_slice %arg2[%add3A_519, %dma_start3A_521] : memref<100000x128xf32, #tpu.memory_space<hbm>> -> memref<128x128xf32, #tpu.memory_space<hbm>>
      tpu.enqueue_dma source(%dma_start3A_522 : memref<128x128xf32, #tpu.memory_space<hbm>>) target(%arg7 : memref<128x128xf32, #tpu.memory_space<vmem>>) target_semaphore(%arg18 : memref<!tpu.dma_semaphore, #tpu.memory_space<semaphore_mem>>)
      %add3A_523 = arith.constant 128 : i32
      %add3A_524 = arith.addi %mul3A_517, %add3A_523 : i32
      %dma_start3A_525 = arith.constant 0 : i32
      %dma_start3A_526 = tpu.memref_slice %arg2[%add3A_524, %dma_start3A_525] : memref<100000x128xf32, #tpu.memory_space<hbm>> -> memref<128x128xf32, #tpu.memory_space<hbm>>
      %dma_start3A_527 = arith.constant 0 : i32
      %dma_start3A_528 = tpu.memref_slice %arg2[%add3A_524, %dma_start3A_527] : memref<100000x128xf32, #tpu.memory_space<hbm>> -> memref<128x128xf32, #tpu.memory_space<hbm>>
      tpu.enqueue_dma source(%dma_start3A_528 : memref<128x128xf32, #tpu.memory_space<hbm>>) target(%arg8 : memref<128x128xf32, #tpu.memory_space<vmem>>) target_semaphore(%arg19 : memref<!tpu.dma_semaphore, #tpu.memory_space<semaphore_mem>>)
      %add3A_529 = arith.constant 256 : i32
      %add3A_530 = arith.addi %mul3A_517, %add3A_529 : i32
      %dma_start3A_531 = arith.constant 0 : i32
      %dma_start3A_532 = tpu.memref_slice %arg2[%add3A_530, %dma_start3A_531] : memref<100000x128xf32, #tpu.memory_space<hbm>> -> memref<128x128xf32, #tpu.memory_space<hbm>>
      %dma_start3A_533 = arith.constant 0 : i32
      %dma_start3A_534 = tpu.memref_slice %arg2[%add3A_530, %dma_start3A_533] : memref<100000x128xf32, #tpu.memory_space<hbm>> -> memref<128x128xf32, #tpu.memory_space<hbm>>
      tpu.enqueue_dma source(%dma_start3A_534 : memref<128x128xf32, #tpu.memory_space<hbm>>) target(%arg9 : memref<128x128xf32, #tpu.memory_space<vmem>>) target_semaphore(%arg20 : memref<!tpu.dma_semaphore, #tpu.memory_space<semaphore_mem>>)
      %add3A_535 = arith.constant 384 : i32
      %add3A_536 = arith.addi %mul3A_517, %add3A_535 : i32
      %dma_start3A_537 = arith.constant 0 : i32
      %dma_start3A_538 = tpu.memref_slice %arg2[%add3A_536, %dma_start3A_537] : memref<100000x128xf32, #tpu.memory_space<hbm>> -> memref<128x128xf32, #tpu.memory_space<hbm>>
      %dma_start3A_539 = arith.constant 0 : i32
      %dma_start3A_540 = tpu.memref_slice %arg2[%add3A_536, %dma_start3A_539] : memref<100000x128xf32, #tpu.memory_space<hbm>> -> memref<128x128xf32, #tpu.memory_space<hbm>>
      tpu.enqueue_dma source(%dma_start3A_540 : memref<128x128xf32, #tpu.memory_space<hbm>>) target(%arg10 : memref<128x128xf32, #tpu.memory_space<vmem>>) target_semaphore(%arg21 : memref<!tpu.dma_semaphore, #tpu.memory_space<semaphore_mem>>)
      %scan3A_541 = arith.constant 0 : i32
      %scan3A_542 = arith.constant 31 : i32
      %scan3A_543 = arith.addi %scan3A_541, %scan3A_542 : i32
      %scan3A_544 = arith.constant 1 : i32
      scf.for %scan3A_592 = %scan3A_541 to %scan3A_543 step %scan3A_544  : i32 {
        %get3A_593 = arith.index_cast %scan3A_592 : i32 to index
        %get3A_594 = arith.constant 0 : index
        %get3A_595 = tpu.vector_load %arg11[%get3A_593, %get3A_594] {strides = array<i32>} : memref<50x128xi32, #tpu.memory_space<vmem>>, vector<16xi32>,
        %add3A_596 = arith.addi %mul3A_12, %get3A_595 : vector<16xi32>
        tpu.vector_store_idx %arg13[%add3A_596], %broadcast_in_dim3A_13 {add = true} : memref<16384xf32, #tpu.memory_space<vmem>>[vector<16xi32>], vector<16xf32>,
        %get3A_597 = arith.index_cast %scan3A_592 : i32 to index
        %get3A_598 = arith.constant 16 : index
        %get3A_599 = tpu.vector_load %arg11[%get3A_597, %get3A_598] {strides = array<i32>} : memref<50x128xi32, #tpu.memory_space<vmem>>, vector<16xi32>,
        %add3A_600 = arith.addi %mul3A_12, %get3A_599 : vector<16xi32>
        tpu.vector_store_idx %arg13[%add3A_600], %broadcast_in_dim3A_13 {add = true} : memref<16384xf32, #tpu.memory_space<vmem>>[vector<16xi32>], vector<16xf32>,
        %get3A_601 = arith.index_cast %scan3A_592 : i32 to index
        %get3A_602 = arith.constant 32 : index
        %get3A_603 = tpu.vector_load %arg11[%get3A_601, %get3A_602] {strides = array<i32>} : memref<50x128xi32, #tpu.memory_space<vmem>>, vector<16xi32>,
        %add3A_604 = arith.addi %mul3A_12, %get3A_603 : vector<16xi32>
        tpu.vector_store_idx %arg13[%add3A_604], %broadcast_in_dim3A_13 {add = true} : memref<16384xf32, #tpu.memory_space<vmem>>[vector<16xi32>], vector<16xf32>,
        %get3A_605 = arith.index_cast %scan3A_592 : i32 to index
        %get3A_606 = arith.constant 48 : index
        %get3A_607 = tpu.vector_load %arg11[%get3A_605, %get3A_606] {strides = array<i32>} : memref<50x128xi32, #tpu.memory_space<vmem>>, vector<16xi32>,
        %add3A_608 = arith.addi %mul3A_12, %get3A_607 : vector<16xi32>
        tpu.vector_store_idx %arg13[%add3A_608], %broadcast_in_dim3A_13 {add = true} : memref<16384xf32, #tpu.memory_space<vmem>>[vector<16xi32>], vector<16xf32>,
        %get3A_609 = arith.index_cast %scan3A_592 : i32 to index
        %get3A_610 = arith.constant 64 : index
        %get3A_611 = tpu.vector_load %arg11[%get3A_609, %get3A_610] {strides = array<i32>} : memref<50x128xi32, #tpu.memory_space<vmem>>, vector<16xi32>,
        %add3A_612 = arith.addi %mul3A_12, %get3A_611 : vector<16xi32>
        tpu.vector_store_idx %arg13[%add3A_612], %broadcast_in_dim3A_13 {add = true} : memref<16384xf32, #tpu.memory_space<vmem>>[vector<16xi32>], vector<16xf32>,
        %get3A_613 = arith.index_cast %scan3A_592 : i32 to index
        %get3A_614 = arith.constant 80 : index
        %get3A_615 = tpu.vector_load %arg11[%get3A_613, %get3A_614] {strides = array<i32>} : memref<50x128xi32, #tpu.memory_space<vmem>>, vector<16xi32>,
        %add3A_616 = arith.addi %mul3A_12, %get3A_615 : vector<16xi32>
        tpu.vector_store_idx %arg13[%add3A_616], %broadcast_in_dim3A_13 {add = true} : memref<16384xf32, #tpu.memory_space<vmem>>[vector<16xi32>], vector<16xf32>,
        %get3A_617 = arith.index_cast %scan3A_592 : i32 to index
        %get3A_618 = arith.constant 96 : index
        %get3A_619 = tpu.vector_load %arg11[%get3A_617, %get3A_618] {strides = array<i32>} : memref<50x128xi32, #tpu.memory_space<vmem>>, vector<16xi32>,
        %add3A_620 = arith.addi %mul3A_12, %get3A_619 : vector<16xi32>
        tpu.vector_store_idx %arg13[%add3A_620], %broadcast_in_dim3A_13 {add = true} : memref<16384xf32, #tpu.memory_space<vmem>>[vector<16xi32>], vector<16xf32>,
        %get3A_621 = arith.index_cast %scan3A_592 : i32 to index
        %get3A_622 = arith.constant 112 : index
        %get3A_623 = tpu.vector_load %arg11[%get3A_621, %get3A_622] {strides = array<i32>} : memref<50x128xi32, #tpu.memory_space<vmem>>, vector<16xi32>,
        %add3A_624 = arith.addi %mul3A_12, %get3A_623 : vector<16xi32>
        tpu.vector_store_idx %arg13[%add3A_624], %broadcast_in_dim3A_13 {add = true} : memref<16384xf32, #tpu.memory_space<vmem>>[vector<16xi32>], vector<16xf32>,
      }
      %scan3A_545 = arith.constant 31 : i32
      %get3A_546 = arith.constant 31 : i32
      %get3A_547 = arith.index_cast %get3A_546 : i32 to index
      %get3A_548 = arith.constant 0 : index
      %get3A_549 = tpu.vector_load %arg11[%get3A_547, %get3A_548] {strides = array<i32>} : memref<50x128xi32, #tpu.memory_space<vmem>>, vector<16xi32>,
      %add3A_550 = arith.addi %mul3A_12, %get3A_549 : vector<16xi32>
      tpu.vector_store_idx %arg13[%add3A_550], %broadcast_in_dim3A_13 {add = true} : memref<16384xf32, #tpu.memory_space<vmem>>[vector<16xi32>], vector<16xf32>,
      %get3A_551 = arith.constant 31 : i32
      %get3A_552 = arith.index_cast %get3A_551 : i32 to index
      %get3A_553 = arith.constant 16 : index
      %get3A_554 = tpu.vector_load %arg11[%get3A_552, %get3A_553] {strides = array<i32>} : memref<50x128xi32, #tpu.memory_space<vmem>>, vector<16xi32>,
      %add3A_555 = arith.addi %mul3A_12, %get3A_554 : vector<16xi32>
      tpu.vector_store_idx %arg13[%add3A_555], %broadcast_in_dim3A_13 {add = true} : memref<16384xf32, #tpu.memory_space<vmem>>[vector<16xi32>], vector<16xf32>,
      %scan3A_556 = arith.constant 0 : i32
      %scan3A_557 = arith.constant 7 : i32
      %scan3A_558 = arith.addi %scan3A_556, %scan3A_557 : i32
      %scan3A_559 = arith.constant 1 : i32
      scf.for %scan3A_592 = %scan3A_556 to %scan3A_558 step %scan3A_559  : i32 {
        %mul3A_593 = arith.constant 4 : i32
        %mul3A_594 = arith.muli %mul3A_593, %scan3A_592 : i32
        %add3A_595 = arith.constant 0 : i32
        %add3A_596 = arith.addi %mul3A_594, %add3A_595 : i32
        %dma_wait3A_597 = arith.constant 0 : i32
        %dma_wait3A_598 = arith.constant 0 : i32
        %dma_wait3A_599 = tpu.memref_slice %arg2[%dma_wait3A_597, %dma_wait3A_598] : memref<100000x128xf32, #tpu.memory_space<hbm>> -> memref<128x128xf32, #tpu.memory_space<hbm>>
        %dma_wait3A_600 = arith.constant 0 : i32
        %dma_wait3A_601 = arith.constant 0 : i32
        %dma_wait3A_602 = tpu.memref_slice %arg2[%dma_wait3A_600, %dma_wait3A_601] : memref<100000x128xf32, #tpu.memory_space<hbm>> -> memref<128x128xf32, #tpu.memory_space<hbm>>
        tpu.wait_dma2 semaphore(%arg18 : memref<!tpu.dma_semaphore, #tpu.memory_space<semaphore_mem>>) src(%dma_wait3A_602 : memref<128x128xf32, #tpu.memory_space<hbm>>) dst(%arg7 : memref<128x128xf32, #tpu.memory_space<vmem>>)
        "tpu.region"() ({
          %run_scoped3A_661 = tpu.sem_alloc : memref<!tpu.dma_semaphore, #tpu.memory_space<semaphore_mem>>
          %dma_start3A_662 = arith.constant 0 : i32
          %dma_start3A_663 = tpu.memref_slice %arg11[%add3A_596, %dma_start3A_662] : memref<50x128xi32, #tpu.memory_space<vmem>> -> memref<1x128xi32, #tpu.memory_space<vmem>>
          %dma_start3A_664 = tpu.memref_squeeze %dma_start3A_663 : memref<1x128xi32, #tpu.memory_space<vmem>> -> memref<128xi32, #tpu.memory_space<vmem>>
          %dma_start3A_665 = arith.constant 0 : i32
          %dma_start3A_666 = arith.constant 0 : i32
          %dma_start3A_667 = tpu.memref_slice %arg22[%dma_start3A_665, %dma_start3A_666] : memref<1024x128xf32, #tpu.memory_space<vmem_shared>> -> memref<1024x128xf32, #tpu.memory_space<vmem_shared>>
          tpu.enqueue_indirect_dma source(%arg7 : memref<128x128xf32, #tpu.memory_space<vmem>>) target(%dma_start3A_667 : memref<1024x128xf32, #tpu.memory_space<vmem_shared>>) offsets(%dma_start3A_664 : memref<128xi32, #tpu.memory_space<vmem>>) semaphore(%run_scoped3A_661 : memref<!tpu.dma_semaphore, #tpu.memory_space<semaphore_mem>>) {add = true}
          %dma_wait3A_668 = arith.constant 0 : i32
          %dma_wait3A_669 = tpu.memref_slice %arg11[%add3A_596, %dma_wait3A_668] : memref<50x128xi32, #tpu.memory_space<vmem>> -> memref<1x128xi32, #tpu.memory_space<vmem>>
          %dma_wait3A_670 = tpu.memref_squeeze %dma_wait3A_669 : memref<1x128xi32, #tpu.memory_space<vmem>> -> memref<128xi32, #tpu.memory_space<vmem>>
          %dma_wait3A_671 = arith.constant 0 : i32
          %dma_wait3A_672 = arith.constant 0 : i32
          %dma_wait3A_673 = tpu.memref_slice %arg22[%dma_wait3A_671, %dma_wait3A_672] : memref<1024x128xf32, #tpu.memory_space<vmem_shared>> -> memref<1024x128xf32, #tpu.memory_space<vmem_shared>>
          tpu.wait_indirect_dma semaphore(%run_scoped3A_661 : memref<!tpu.dma_semaphore, #tpu.memory_space<semaphore_mem>>) src(%arg7 : memref<128x128xf32, #tpu.memory_space<vmem>>) dst(%dma_wait3A_673 : memref<1024x128xf32, #tpu.memory_space<vmem_shared>>)
          tpu.yield
        }) : () -> ()
        %add3A_603 = arith.constant 4 : i32
        %add3A_604 = arith.addi %add3A_596, %add3A_603 : i32
        %lt3A_605 = arith.constant 31 : i32
        %lt3A_606 = arith.cmpi slt, %add3A_604, %lt3A_605 : i32
        %convert_element_type3A_607 = arith.extui %lt3A_606 : i1 to i32
        %cond3A_608 = arith.constant 0 : i32
        %cond3A_609 = arith.cmpi ne, %convert_element_type3A_607, %cond3A_608 : i32
        scf.if %cond3A_609 {
          %add3A_661 = arith.constant 4 : i32
          %add3A_662 = arith.addi %add3A_596, %add3A_661 : i32
          %mul3A_663 = arith.constant 128 : i32
          %mul3A_664 = arith.muli %add3A_662, %mul3A_663 : i32
          %add3A_665 = arith.addi %mul3A_517, %mul3A_664 : i32
          %dma_start3A_666 = arith.constant 0 : i32
          %dma_start3A_667 = tpu.memref_slice %arg2[%add3A_665, %dma_start3A_666] : memref<100000x128xf32, #tpu.memory_space<hbm>> -> memref<128x128xf32, #tpu.memory_space<hbm>>
          %dma_start3A_668 = arith.constant 0 : i32
          %dma_start3A_669 = tpu.memref_slice %arg2[%add3A_665, %dma_start3A_668] : memref<100000x128xf32, #tpu.memory_space<hbm>> -> memref<128x128xf32, #tpu.memory_space<hbm>>
          tpu.enqueue_dma source(%dma_start3A_669 : memref<128x128xf32, #tpu.memory_space<hbm>>) target(%arg7 : memref<128x128xf32, #tpu.memory_space<vmem>>) target_semaphore(%arg18 : memref<!tpu.dma_semaphore, #tpu.memory_space<semaphore_mem>>)
        } else {
        }
        %mul3A_610 = arith.constant 4 : i32
        %mul3A_611 = arith.muli %mul3A_610, %scan3A_592 : i32
        %add3A_612 = arith.constant 1 : i32
        %add3A_613 = arith.addi %mul3A_611, %add3A_612 : i32
        %dma_wait3A_614 = arith.constant 0 : i32
        %dma_wait3A_615 = arith.constant 0 : i32
        %dma_wait3A_616 = tpu.memref_slice %arg2[%dma_wait3A_614, %dma_wait3A_615] : memref<100000x128xf32, #tpu.memory_space<hbm>> -> memref<128x128xf32, #tpu.memory_space<hbm>>
        %dma_wait3A_617 = arith.constant 0 : i32
        %dma_wait3A_618 = arith.constant 0 : i32
        %dma_wait3A_619 = tpu.memref_slice %arg2[%dma_wait3A_617, %dma_wait3A_618] : memref<100000x128xf32, #tpu.memory_space<hbm>> -> memref<128x128xf32, #tpu.memory_space<hbm>>
        tpu.wait_dma2 semaphore(%arg19 : memref<!tpu.dma_semaphore, #tpu.memory_space<semaphore_mem>>) src(%dma_wait3A_619 : memref<128x128xf32, #tpu.memory_space<hbm>>) dst(%arg8 : memref<128x128xf32, #tpu.memory_space<vmem>>)
        "tpu.region"() ({
          %run_scoped3A_661 = tpu.sem_alloc : memref<!tpu.dma_semaphore, #tpu.memory_space<semaphore_mem>>
          %dma_start3A_662 = arith.constant 0 : i32
          %dma_start3A_663 = tpu.memref_slice %arg11[%add3A_613, %dma_start3A_662] : memref<50x128xi32, #tpu.memory_space<vmem>> -> memref<1x128xi32, #tpu.memory_space<vmem>>
          %dma_start3A_664 = tpu.memref_squeeze %dma_start3A_663 : memref<1x128xi32, #tpu.memory_space<vmem>> -> memref<128xi32, #tpu.memory_space<vmem>>
          %dma_start3A_665 = arith.constant 0 : i32
          %dma_start3A_666 = arith.constant 0 : i32
          %dma_start3A_667 = tpu.memref_slice %arg22[%dma_start3A_665, %dma_start3A_666] : memref<1024x128xf32, #tpu.memory_space<vmem_shared>> -> memref<1024x128xf32, #tpu.memory_space<vmem_shared>>
          tpu.enqueue_indirect_dma source(%arg8 : memref<128x128xf32, #tpu.memory_space<vmem>>) target(%dma_start3A_667 : memref<1024x128xf32, #tpu.memory_space<vmem_shared>>) offsets(%dma_start3A_664 : memref<128xi32, #tpu.memory_space<vmem>>) semaphore(%run_scoped3A_661 : memref<!tpu.dma_semaphore, #tpu.memory_space<semaphore_mem>>) {add = true}
          %dma_wait3A_668 = arith.constant 0 : i32
          %dma_wait3A_669 = tpu.memref_slice %arg11[%add3A_613, %dma_wait3A_668] : memref<50x128xi32, #tpu.memory_space<vmem>> -> memref<1x128xi32, #tpu.memory_space<vmem>>
          %dma_wait3A_670 = tpu.memref_squeeze %dma_wait3A_669 : memref<1x128xi32, #tpu.memory_space<vmem>> -> memref<128xi32, #tpu.memory_space<vmem>>
          %dma_wait3A_671 = arith.constant 0 : i32
          %dma_wait3A_672 = arith.constant 0 : i32
          %dma_wait3A_673 = tpu.memref_slice %arg22[%dma_wait3A_671, %dma_wait3A_672] : memref<1024x128xf32, #tpu.memory_space<vmem_shared>> -> memref<1024x128xf32, #tpu.memory_space<vmem_shared>>
          tpu.wait_indirect_dma semaphore(%run_scoped3A_661 : memref<!tpu.dma_semaphore, #tpu.memory_space<semaphore_mem>>) src(%arg8 : memref<128x128xf32, #tpu.memory_space<vmem>>) dst(%dma_wait3A_673 : memref<1024x128xf32, #tpu.memory_space<vmem_shared>>)
          tpu.yield
        }) : () -> ()
        %add3A_620 = arith.constant 4 : i32
        %add3A_621 = arith.addi %add3A_613, %add3A_620 : i32
        %lt3A_622 = arith.constant 31 : i32
        %lt3A_623 = arith.cmpi slt, %add3A_621, %lt3A_622 : i32
        %convert_element_type3A_624 = arith.extui %lt3A_623 : i1 to i32
        %cond3A_625 = arith.constant 0 : i32
        %cond3A_626 = arith.cmpi ne, %convert_element_type3A_624, %cond3A_625 : i32
        scf.if %cond3A_626 {
          %add3A_661 = arith.constant 4 : i32
          %add3A_662 = arith.addi %add3A_613, %add3A_661 : i32
          %mul3A_663 = arith.constant 128 : i32
          %mul3A_664 = arith.muli %add3A_662, %mul3A_663 : i32
          %add3A_665 = arith.addi %mul3A_517, %mul3A_664 : i32
          %dma_start3A_666 = arith.constant 0 : i32
          %dma_start3A_667 = tpu.memref_slice %arg2[%add3A_665, %dma_start3A_666] : memref<100000x128xf32, #tpu.memory_space<hbm>> -> memref<128x128xf32, #tpu.memory_space<hbm>>
          %dma_start3A_668 = arith.constant 0 : i32
          %dma_start3A_669 = tpu.memref_slice %arg2[%add3A_665, %dma_start3A_668] : memref<100000x128xf32, #tpu.memory_space<hbm>> -> memref<128x128xf32, #tpu.memory_space<hbm>>
          tpu.enqueue_dma source(%dma_start3A_669 : memref<128x128xf32, #tpu.memory_space<hbm>>) target(%arg8 : memref<128x128xf32, #tpu.memory_space<vmem>>) target_semaphore(%arg19 : memref<!tpu.dma_semaphore, #tpu.memory_space<semaphore_mem>>)
        } else {
        }
        %mul3A_627 = arith.constant 4 : i32
        %mul3A_628 = arith.muli %mul3A_627, %scan3A_592 : i32
        %add3A_629 = arith.constant 2 : i32
        %add3A_630 = arith.addi %mul3A_628, %add3A_629 : i32
        %dma_wait3A_631 = arith.constant 0 : i32
        %dma_wait3A_632 = arith.constant 0 : i32
        %dma_wait3A_633 = tpu.memref_slice %arg2[%dma_wait3A_631, %dma_wait3A_632] : memref<100000x128xf32, #tpu.memory_space<hbm>> -> memref<128x128xf32, #tpu.memory_space<hbm>>
        %dma_wait3A_634 = arith.constant 0 : i32
        %dma_wait3A_635 = arith.constant 0 : i32
        %dma_wait3A_636 = tpu.memref_slice %arg2[%dma_wait3A_634, %dma_wait3A_635] : memref<100000x128xf32, #tpu.memory_space<hbm>> -> memref<128x128xf32, #tpu.memory_space<hbm>>
        tpu.wait_dma2 semaphore(%arg20 : memref<!tpu.dma_semaphore, #tpu.memory_space<semaphore_mem>>) src(%dma_wait3A_636 : memref<128x128xf32, #tpu.memory_space<hbm>>) dst(%arg9 : memref<128x128xf32, #tpu.memory_space<vmem>>)
        "tpu.region"() ({
          %run_scoped3A_661 = tpu.sem_alloc : memref<!tpu.dma_semaphore, #tpu.memory_space<semaphore_mem>>
          %dma_start3A_662 = arith.constant 0 : i32
          %dma_start3A_663 = tpu.memref_slice %arg11[%add3A_630, %dma_start3A_662] : memref<50x128xi32, #tpu.memory_space<vmem>> -> memref<1x128xi32, #tpu.memory_space<vmem>>
          %dma_start3A_664 = tpu.memref_squeeze %dma_start3A_663 : memref<1x128xi32, #tpu.memory_space<vmem>> -> memref<128xi32, #tpu.memory_space<vmem>>
          %dma_start3A_665 = arith.constant 0 : i32
          %dma_start3A_666 = arith.constant 0 : i32
          %dma_start3A_667 = tpu.memref_slice %arg22[%dma_start3A_665, %dma_start3A_666] : memref<1024x128xf32, #tpu.memory_space<vmem_shared>> -> memref<1024x128xf32, #tpu.memory_space<vmem_shared>>
          tpu.enqueue_indirect_dma source(%arg9 : memref<128x128xf32, #tpu.memory_space<vmem>>) target(%dma_start3A_667 : memref<1024x128xf32, #tpu.memory_space<vmem_shared>>) offsets(%dma_start3A_664 : memref<128xi32, #tpu.memory_space<vmem>>) semaphore(%run_scoped3A_661 : memref<!tpu.dma_semaphore, #tpu.memory_space<semaphore_mem>>) {add = true}
          %dma_wait3A_668 = arith.constant 0 : i32
          %dma_wait3A_669 = tpu.memref_slice %arg11[%add3A_630, %dma_wait3A_668] : memref<50x128xi32, #tpu.memory_space<vmem>> -> memref<1x128xi32, #tpu.memory_space<vmem>>
          %dma_wait3A_670 = tpu.memref_squeeze %dma_wait3A_669 : memref<1x128xi32, #tpu.memory_space<vmem>> -> memref<128xi32, #tpu.memory_space<vmem>>
          %dma_wait3A_671 = arith.constant 0 : i32
          %dma_wait3A_672 = arith.constant 0 : i32
          %dma_wait3A_673 = tpu.memref_slice %arg22[%dma_wait3A_671, %dma_wait3A_672] : memref<1024x128xf32, #tpu.memory_space<vmem_shared>> -> memref<1024x128xf32, #tpu.memory_space<vmem_shared>>
          tpu.wait_indirect_dma semaphore(%run_scoped3A_661 : memref<!tpu.dma_semaphore, #tpu.memory_space<semaphore_mem>>) src(%arg9 : memref<128x128xf32, #tpu.memory_space<vmem>>) dst(%dma_wait3A_673 : memref<1024x128xf32, #tpu.memory_space<vmem_shared>>)
          tpu.yield
        }) : () -> ()
        %add3A_637 = arith.constant 4 : i32
        %add3A_638 = arith.addi %add3A_630, %add3A_637 : i32
        %lt3A_639 = arith.constant 31 : i32
        %lt3A_640 = arith.cmpi slt, %add3A_638, %lt3A_639 : i32
        %convert_element_type3A_641 = arith.extui %lt3A_640 : i1 to i32
        %cond3A_642 = arith.constant 0 : i32
        %cond3A_643 = arith.cmpi ne, %convert_element_type3A_641, %cond3A_642 : i32
        scf.if %cond3A_643 {
          %add3A_661 = arith.constant 4 : i32
          %add3A_662 = arith.addi %add3A_630, %add3A_661 : i32
          %mul3A_663 = arith.constant 128 : i32
          %mul3A_664 = arith.muli %add3A_662, %mul3A_663 : i32
          %add3A_665 = arith.addi %mul3A_517, %mul3A_664 : i32
          %dma_start3A_666 = arith.constant 0 : i32
          %dma_start3A_667 = tpu.memref_slice %arg2[%add3A_665, %dma_start3A_666] : memref<100000x128xf32, #tpu.memory_space<hbm>> -> memref<128x128xf32, #tpu.memory_space<hbm>>
          %dma_start3A_668 = arith.constant 0 : i32
          %dma_start3A_669 = tpu.memref_slice %arg2[%add3A_665, %dma_start3A_668] : memref<100000x128xf32, #tpu.memory_space<hbm>> -> memref<128x128xf32, #tpu.memory_space<hbm>>
          tpu.enqueue_dma source(%dma_start3A_669 : memref<128x128xf32, #tpu.memory_space<hbm>>) target(%arg9 : memref<128x128xf32, #tpu.memory_space<vmem>>) target_semaphore(%arg20 : memref<!tpu.dma_semaphore, #tpu.memory_space<semaphore_mem>>)
        } else {
        }
        %mul3A_644 = arith.constant 4 : i32
        %mul3A_645 = arith.muli %mul3A_644, %scan3A_592 : i32
        %add3A_646 = arith.constant 3 : i32
        %add3A_647 = arith.addi %mul3A_645, %add3A_646 : i32
        %dma_wait3A_648 = arith.constant 0 : i32
        %dma_wait3A_649 = arith.constant 0 : i32
        %dma_wait3A_650 = tpu.memref_slice %arg2[%dma_wait3A_648, %dma_wait3A_649] : memref<100000x128xf32, #tpu.memory_space<hbm>> -> memref<128x128xf32, #tpu.memory_space<hbm>>
        %dma_wait3A_651 = arith.constant 0 : i32
        %dma_wait3A_652 = arith.constant 0 : i32
        %dma_wait3A_653 = tpu.memref_slice %arg2[%dma_wait3A_651, %dma_wait3A_652] : memref<100000x128xf32, #tpu.memory_space<hbm>> -> memref<128x128xf32, #tpu.memory_space<hbm>>
        tpu.wait_dma2 semaphore(%arg21 : memref<!tpu.dma_semaphore, #tpu.memory_space<semaphore_mem>>) src(%dma_wait3A_653 : memref<128x128xf32, #tpu.memory_space<hbm>>) dst(%arg10 : memref<128x128xf32, #tpu.memory_space<vmem>>)
        "tpu.region"() ({
          %run_scoped3A_661 = tpu.sem_alloc : memref<!tpu.dma_semaphore, #tpu.memory_space<semaphore_mem>>
          %dma_start3A_662 = arith.constant 0 : i32
          %dma_start3A_663 = tpu.memref_slice %arg11[%add3A_647, %dma_start3A_662] : memref<50x128xi32, #tpu.memory_space<vmem>> -> memref<1x128xi32, #tpu.memory_space<vmem>>
          %dma_start3A_664 = tpu.memref_squeeze %dma_start3A_663 : memref<1x128xi32, #tpu.memory_space<vmem>> -> memref<128xi32, #tpu.memory_space<vmem>>
          %dma_start3A_665 = arith.constant 0 : i32
          %dma_start3A_666 = arith.constant 0 : i32
          %dma_start3A_667 = tpu.memref_slice %arg22[%dma_start3A_665, %dma_start3A_666] : memref<1024x128xf32, #tpu.memory_space<vmem_shared>> -> memref<1024x128xf32, #tpu.memory_space<vmem_shared>>
          tpu.enqueue_indirect_dma source(%arg10 : memref<128x128xf32, #tpu.memory_space<vmem>>) target(%dma_start3A_667 : memref<1024x128xf32, #tpu.memory_space<vmem_shared>>) offsets(%dma_start3A_664 : memref<128xi32, #tpu.memory_space<vmem>>) semaphore(%run_scoped3A_661 : memref<!tpu.dma_semaphore, #tpu.memory_space<semaphore_mem>>) {add = true}
          %dma_wait3A_668 = arith.constant 0 : i32
          %dma_wait3A_669 = tpu.memref_slice %arg11[%add3A_647, %dma_wait3A_668] : memref<50x128xi32, #tpu.memory_space<vmem>> -> memref<1x128xi32, #tpu.memory_space<vmem>>
          %dma_wait3A_670 = tpu.memref_squeeze %dma_wait3A_669 : memref<1x128xi32, #tpu.memory_space<vmem>> -> memref<128xi32, #tpu.memory_space<vmem>>
          %dma_wait3A_671 = arith.constant 0 : i32
          %dma_wait3A_672 = arith.constant 0 : i32
          %dma_wait3A_673 = tpu.memref_slice %arg22[%dma_wait3A_671, %dma_wait3A_672] : memref<1024x128xf32, #tpu.memory_space<vmem_shared>> -> memref<1024x128xf32, #tpu.memory_space<vmem_shared>>
          tpu.wait_indirect_dma semaphore(%run_scoped3A_661 : memref<!tpu.dma_semaphore, #tpu.memory_space<semaphore_mem>>) src(%arg10 : memref<128x128xf32, #tpu.memory_space<vmem>>) dst(%dma_wait3A_673 : memref<1024x128xf32, #tpu.memory_space<vmem_shared>>)
          tpu.yield
        }) : () -> ()
        %add3A_654 = arith.constant 4 : i32
        %add3A_655 = arith.addi %add3A_647, %add3A_654 : i32
        %lt3A_656 = arith.constant 31 : i32
        %lt3A_657 = arith.cmpi slt, %add3A_655, %lt3A_656 : i32
        %convert_element_type3A_658 = arith.extui %lt3A_657 : i1 to i32
        %cond3A_659 = arith.constant 0 : i32
        %cond3A_660 = arith.cmpi ne, %convert_element_type3A_658, %cond3A_659 : i32
        scf.if %cond3A_660 {
          %add3A_661 = arith.constant 4 : i32
          %add3A_662 = arith.addi %add3A_647, %add3A_661 : i32
          %mul3A_663 = arith.constant 128 : i32
          %mul3A_664 = arith.muli %add3A_662, %mul3A_663 : i32
          %add3A_665 = arith.addi %mul3A_517, %mul3A_664 : i32
          %dma_start3A_666 = arith.constant 0 : i32
          %dma_start3A_667 = tpu.memref_slice %arg2[%add3A_665, %dma_start3A_666] : memref<100000x128xf32, #tpu.memory_space<hbm>> -> memref<128x128xf32, #tpu.memory_space<hbm>>
          %dma_start3A_668 = arith.constant 0 : i32
          %dma_start3A_669 = tpu.memref_slice %arg2[%add3A_665, %dma_start3A_668] : memref<100000x128xf32, #tpu.memory_space<hbm>> -> memref<128x128xf32, #tpu.memory_space<hbm>>
          tpu.enqueue_dma source(%dma_start3A_669 : memref<128x128xf32, #tpu.memory_space<hbm>>) target(%arg10 : memref<128x128xf32, #tpu.memory_space<vmem>>) target_semaphore(%arg21 : memref<!tpu.dma_semaphore, #tpu.memory_space<semaphore_mem>>)
        } else {
        }
      }
      %scan3A_560 = arith.constant 7 : i32
      %dma_wait3A = arith.constant 0 : i32
      %dma_wait3A_561 = arith.constant 0 : i32
      %dma_wait3A_562 = tpu.memref_slice %arg2[%dma_wait3A, %dma_wait3A_561] : memref<100000x128xf32, #tpu.memory_space<hbm>> -> memref<128x128xf32, #tpu.memory_space<hbm>>
      %dma_wait3A_563 = arith.constant 0 : i32
      %dma_wait3A_564 = arith.constant 0 : i32
      %dma_wait3A_565 = tpu.memref_slice %arg2[%dma_wait3A_563, %dma_wait3A_564] : memref<100000x128xf32, #tpu.memory_space<hbm>> -> memref<128x128xf32, #tpu.memory_space<hbm>>
      tpu.wait_dma2 semaphore(%arg18 : memref<!tpu.dma_semaphore, #tpu.memory_space<semaphore_mem>>) src(%dma_wait3A_565 : memref<128x128xf32, #tpu.memory_space<hbm>>) dst(%arg7 : memref<128x128xf32, #tpu.memory_space<vmem>>)
      %run_scoped3A = arith.constant 28 : i32
      "tpu.region"() ({
        %run_scoped3A_592 = tpu.sem_alloc : memref<!tpu.dma_semaphore, #tpu.memory_space<semaphore_mem>>
        %dma_start3A_593 = arith.constant 0 : i32
        %dma_start3A_594 = tpu.memref_slice %arg11[%run_scoped3A, %dma_start3A_593] : memref<50x128xi32, #tpu.memory_space<vmem>> -> memref<1x128xi32, #tpu.memory_space<vmem>>
        %dma_start3A_595 = tpu.memref_squeeze %dma_start3A_594 : memref<1x128xi32, #tpu.memory_space<vmem>> -> memref<128xi32, #tpu.memory_space<vmem>>
        %dma_start3A_596 = arith.constant 0 : i32
        %dma_start3A_597 = arith.constant 0 : i32
        %dma_start3A_598 = tpu.memref_slice %arg22[%dma_start3A_596, %dma_start3A_597] : memref<1024x128xf32, #tpu.memory_space<vmem_shared>> -> memref<1024x128xf32, #tpu.memory_space<vmem_shared>>
        tpu.enqueue_indirect_dma source(%arg7 : memref<128x128xf32, #tpu.memory_space<vmem>>) target(%dma_start3A_598 : memref<1024x128xf32, #tpu.memory_space<vmem_shared>>) offsets(%dma_start3A_595 : memref<128xi32, #tpu.memory_space<vmem>>) semaphore(%run_scoped3A_592 : memref<!tpu.dma_semaphore, #tpu.memory_space<semaphore_mem>>) {add = true}
        %dma_wait3A_599 = arith.constant 0 : i32
        %dma_wait3A_600 = tpu.memref_slice %arg11[%run_scoped3A, %dma_wait3A_599] : memref<50x128xi32, #tpu.memory_space<vmem>> -> memref<1x128xi32, #tpu.memory_space<vmem>>
        %dma_wait3A_601 = tpu.memref_squeeze %dma_wait3A_600 : memref<1x128xi32, #tpu.memory_space<vmem>> -> memref<128xi32, #tpu.memory_space<vmem>>
        %dma_wait3A_602 = arith.constant 0 : i32
        %dma_wait3A_603 = arith.constant 0 : i32
        %dma_wait3A_604 = tpu.memref_slice %arg22[%dma_wait3A_602, %dma_wait3A_603] : memref<1024x128xf32, #tpu.memory_space<vmem_shared>> -> memref<1024x128xf32, #tpu.memory_space<vmem_shared>>
        tpu.wait_indirect_dma semaphore(%run_scoped3A_592 : memref<!tpu.dma_semaphore, #tpu.memory_space<semaphore_mem>>) src(%arg7 : memref<128x128xf32, #tpu.memory_space<vmem>>) dst(%dma_wait3A_604 : memref<1024x128xf32, #tpu.memory_space<vmem_shared>>)
        tpu.yield
      }) : () -> ()
      %dma_wait3A_566 = arith.constant 0 : i32
      %dma_wait3A_567 = arith.constant 0 : i32
      %dma_wait3A_568 = tpu.memref_slice %arg2[%dma_wait3A_566, %dma_wait3A_567] : memref<100000x128xf32, #tpu.memory_space<hbm>> -> memref<128x128xf32, #tpu.memory_space<hbm>>
      %dma_wait3A_569 = arith.constant 0 : i32
      %dma_wait3A_570 = arith.constant 0 : i32
      %dma_wait3A_571 = tpu.memref_slice %arg2[%dma_wait3A_569, %dma_wait3A_570] : memref<100000x128xf32, #tpu.memory_space<hbm>> -> memref<128x128xf32, #tpu.memory_space<hbm>>
      tpu.wait_dma2 semaphore(%arg19 : memref<!tpu.dma_semaphore, #tpu.memory_space<semaphore_mem>>) src(%dma_wait3A_571 : memref<128x128xf32, #tpu.memory_space<hbm>>) dst(%arg8 : memref<128x128xf32, #tpu.memory_space<vmem>>)
      %run_scoped3A_572 = arith.constant 29 : i32
      "tpu.region"() ({
        %run_scoped3A_592 = tpu.sem_alloc : memref<!tpu.dma_semaphore, #tpu.memory_space<semaphore_mem>>
        %dma_start3A_593 = arith.constant 0 : i32
        %dma_start3A_594 = tpu.memref_slice %arg11[%run_scoped3A_572, %dma_start3A_593] : memref<50x128xi32, #tpu.memory_space<vmem>> -> memref<1x128xi32, #tpu.memory_space<vmem>>
        %dma_start3A_595 = tpu.memref_squeeze %dma_start3A_594 : memref<1x128xi32, #tpu.memory_space<vmem>> -> memref<128xi32, #tpu.memory_space<vmem>>
        %dma_start3A_596 = arith.constant 0 : i32
        %dma_start3A_597 = arith.constant 0 : i32
        %dma_start3A_598 = tpu.memref_slice %arg22[%dma_start3A_596, %dma_start3A_597] : memref<1024x128xf32, #tpu.memory_space<vmem_shared>> -> memref<1024x128xf32, #tpu.memory_space<vmem_shared>>
        tpu.enqueue_indirect_dma source(%arg8 : memref<128x128xf32, #tpu.memory_space<vmem>>) target(%dma_start3A_598 : memref<1024x128xf32, #tpu.memory_space<vmem_shared>>) offsets(%dma_start3A_595 : memref<128xi32, #tpu.memory_space<vmem>>) semaphore(%run_scoped3A_592 : memref<!tpu.dma_semaphore, #tpu.memory_space<semaphore_mem>>) {add = true}
        %dma_wait3A_599 = arith.constant 0 : i32
        %dma_wait3A_600 = tpu.memref_slice %arg11[%run_scoped3A_572, %dma_wait3A_599] : memref<50x128xi32, #tpu.memory_space<vmem>> -> memref<1x128xi32, #tpu.memory_space<vmem>>
        %dma_wait3A_601 = tpu.memref_squeeze %dma_wait3A_600 : memref<1x128xi32, #tpu.memory_space<vmem>> -> memref<128xi32, #tpu.memory_space<vmem>>
        %dma_wait3A_602 = arith.constant 0 : i32
        %dma_wait3A_603 = arith.constant 0 : i32
        %dma_wait3A_604 = tpu.memref_slice %arg22[%dma_wait3A_602, %dma_wait3A_603] : memref<1024x128xf32, #tpu.memory_space<vmem_shared>> -> memref<1024x128xf32, #tpu.memory_space<vmem_shared>>
        tpu.wait_indirect_dma semaphore(%run_scoped3A_592 : memref<!tpu.dma_semaphore, #tpu.memory_space<semaphore_mem>>) src(%arg8 : memref<128x128xf32, #tpu.memory_space<vmem>>) dst(%dma_wait3A_604 : memref<1024x128xf32, #tpu.memory_space<vmem_shared>>)
        tpu.yield
      }) : () -> ()
      %dma_wait3A_573 = arith.constant 0 : i32
      %dma_wait3A_574 = arith.constant 0 : i32
      %dma_wait3A_575 = tpu.memref_slice %arg2[%dma_wait3A_573, %dma_wait3A_574] : memref<100000x128xf32, #tpu.memory_space<hbm>> -> memref<128x128xf32, #tpu.memory_space<hbm>>
      %dma_wait3A_576 = arith.constant 0 : i32
      %dma_wait3A_577 = arith.constant 0 : i32
      %dma_wait3A_578 = tpu.memref_slice %arg2[%dma_wait3A_576, %dma_wait3A_577] : memref<100000x128xf32, #tpu.memory_space<hbm>> -> memref<128x128xf32, #tpu.memory_space<hbm>>
      tpu.wait_dma2 semaphore(%arg20 : memref<!tpu.dma_semaphore, #tpu.memory_space<semaphore_mem>>) src(%dma_wait3A_578 : memref<128x128xf32, #tpu.memory_space<hbm>>) dst(%arg9 : memref<128x128xf32, #tpu.memory_space<vmem>>)
      %run_scoped3A_579 = arith.constant 30 : i32
      "tpu.region"() ({
        %run_scoped3A_592 = tpu.sem_alloc : memref<!tpu.dma_semaphore, #tpu.memory_space<semaphore_mem>>
        %dma_start3A_593 = arith.constant 0 : i32
        %dma_start3A_594 = tpu.memref_slice %arg11[%run_scoped3A_579, %dma_start3A_593] : memref<50x128xi32, #tpu.memory_space<vmem>> -> memref<1x128xi32, #tpu.memory_space<vmem>>
        %dma_start3A_595 = tpu.memref_squeeze %dma_start3A_594 : memref<1x128xi32, #tpu.memory_space<vmem>> -> memref<128xi32, #tpu.memory_space<vmem>>
        %dma_start3A_596 = arith.constant 0 : i32
        %dma_start3A_597 = arith.constant 0 : i32
        %dma_start3A_598 = tpu.memref_slice %arg22[%dma_start3A_596, %dma_start3A_597] : memref<1024x128xf32, #tpu.memory_space<vmem_shared>> -> memref<1024x128xf32, #tpu.memory_space<vmem_shared>>
        tpu.enqueue_indirect_dma source(%arg9 : memref<128x128xf32, #tpu.memory_space<vmem>>) target(%dma_start3A_598 : memref<1024x128xf32, #tpu.memory_space<vmem_shared>>) offsets(%dma_start3A_595 : memref<128xi32, #tpu.memory_space<vmem>>) semaphore(%run_scoped3A_592 : memref<!tpu.dma_semaphore, #tpu.memory_space<semaphore_mem>>) {add = true}
        %dma_wait3A_599 = arith.constant 0 : i32
        %dma_wait3A_600 = tpu.memref_slice %arg11[%run_scoped3A_579, %dma_wait3A_599] : memref<50x128xi32, #tpu.memory_space<vmem>> -> memref<1x128xi32, #tpu.memory_space<vmem>>
        %dma_wait3A_601 = tpu.memref_squeeze %dma_wait3A_600 : memref<1x128xi32, #tpu.memory_space<vmem>> -> memref<128xi32, #tpu.memory_space<vmem>>
        %dma_wait3A_602 = arith.constant 0 : i32
        %dma_wait3A_603 = arith.constant 0 : i32
        %dma_wait3A_604 = tpu.memref_slice %arg22[%dma_wait3A_602, %dma_wait3A_603] : memref<1024x128xf32, #tpu.memory_space<vmem_shared>> -> memref<1024x128xf32, #tpu.memory_space<vmem_shared>>
        tpu.wait_indirect_dma semaphore(%run_scoped3A_592 : memref<!tpu.dma_semaphore, #tpu.memory_space<semaphore_mem>>) src(%arg9 : memref<128x128xf32, #tpu.memory_space<vmem>>) dst(%dma_wait3A_604 : memref<1024x128xf32, #tpu.memory_space<vmem_shared>>)
        tpu.yield
      }) : () -> ()
      %get3A_580 = arith.constant 31 : i32
      %get3A_581 = arith.index_cast %get3A_580 : i32 to index
      %get3A_582 = arith.constant 0 : index
      %get3A_583 = tpu.vector_load %arg11[%get3A_581, %get3A_582] {strides = array<i32>} : memref<50x128xi32, #tpu.memory_space<vmem>>, vector<16xi32>,
      %swap3A_584 = arith.constant 0 : index
      %swap3A_585 = tpu.vector_load %arg12[%swap3A_584] {strides = array<i32>} : memref<32xi32, #tpu.memory_space<vmem>>, vector<16xi32>,
      tpu.vector_store %arg12[%swap3A_584], %get3A_583 {strides = array<i32>} : memref<32xi32, #tpu.memory_space<vmem>>, vector<16xi32>,
      %get3A_586 = arith.constant 31 : i32
      %get3A_587 = arith.index_cast %get3A_586 : i32 to index
      %get3A_588 = arith.constant 16 : index
      %get3A_589 = tpu.vector_load %arg11[%get3A_587, %get3A_588] {strides = array<i32>} : memref<50x128xi32, #tpu.memory_space<vmem>>, vector<16xi32>,
      %swap3A_590 = arith.constant 16 : index
      %swap3A_591 = tpu.vector_load %arg12[%swap3A_590] {strides = array<i32>} : memref<32xi32, #tpu.memory_space<vmem>>, vector<16xi32>,
      tpu.vector_store %arg12[%swap3A_590], %get3A_589 {strides = array<i32>} : memref<32xi32, #tpu.memory_space<vmem>>, vector<16xi32>,
      "tpu.region"() ({
        %run_scoped3A_592 = tpu.sem_alloc : memref<!tpu.dma_semaphore, #tpu.memory_space<semaphore_mem>>
        %dma_start3A_593 = arith.constant 0 : i32
        %dma_start3A_594 = arith.constant 0 : i32
        %dma_start3A_595 = tpu.memref_slice %arg7[%dma_start3A_593, %dma_start3A_594] : memref<128x128xf32, #tpu.memory_space<vmem>> -> memref<32x128xf32, #tpu.memory_space<vmem>>
        %dma_start3A_596 = arith.constant 99968 : i32
        %dma_start3A_597 = arith.constant 0 : i32
        %dma_start3A_598 = tpu.memref_slice %arg2[%dma_start3A_596, %dma_start3A_597] : memref<100000x128xf32, #tpu.memory_space<hbm>> -> memref<32x128xf32, #tpu.memory_space<hbm>>
        %dma_start3A_599 = arith.constant 0 : i32
        %dma_start3A_600 = arith.constant 0 : i32
        %dma_start3A_601 = tpu.memref_slice %arg7[%dma_start3A_599, %dma_start3A_600] : memref<128x128xf32, #tpu.memory_space<vmem>> -> memref<32x128xf32, #tpu.memory_space<vmem>>
        %dma_start3A_602 = arith.constant 99968 : i32
        %dma_start3A_603 = arith.constant 0 : i32
        %dma_start3A_604 = tpu.memref_slice %arg2[%dma_start3A_602, %dma_start3A_603] : memref<100000x128xf32, #tpu.memory_space<hbm>> -> memref<32x128xf32, #tpu.memory_space<hbm>>
        tpu.enqueue_dma source(%dma_start3A_604 : memref<32x128xf32, #tpu.memory_space<hbm>>) target(%dma_start3A_601 : memref<32x128xf32, #tpu.memory_space<vmem>>) target_semaphore(%run_scoped3A_592 : memref<!tpu.dma_semaphore, #tpu.memory_space<semaphore_mem>>)
        %dma_wait3A_605 = arith.constant 0 : i32
        %dma_wait3A_606 = arith.constant 0 : i32
        %dma_wait3A_607 = tpu.memref_slice %arg7[%dma_wait3A_605, %dma_wait3A_606] : memref<128x128xf32, #tpu.memory_space<vmem>> -> memref<32x128xf32, #tpu.memory_space<vmem>>
        %dma_wait3A_608 = arith.constant 99968 : i32
        %dma_wait3A_609 = arith.constant 0 : i32
        %dma_wait3A_610 = tpu.memref_slice %arg2[%dma_wait3A_608, %dma_wait3A_609] : memref<100000x128xf32, #tpu.memory_space<hbm>> -> memref<32x128xf32, #tpu.memory_space<hbm>>
        %dma_wait3A_611 = arith.constant 0 : i32
        %dma_wait3A_612 = arith.constant 0 : i32
        %dma_wait3A_613 = tpu.memref_slice %arg7[%dma_wait3A_611, %dma_wait3A_612] : memref<128x128xf32, #tpu.memory_space<vmem>> -> memref<32x128xf32, #tpu.memory_space<vmem>>
        %dma_wait3A_614 = arith.constant 99968 : i32
        %dma_wait3A_615 = arith.constant 0 : i32
        %dma_wait3A_616 = tpu.memref_slice %arg2[%dma_wait3A_614, %dma_wait3A_615] : memref<100000x128xf32, #tpu.memory_space<hbm>> -> memref<32x128xf32, #tpu.memory_space<hbm>>
        tpu.wait_dma2 semaphore(%run_scoped3A_592 : memref<!tpu.dma_semaphore, #tpu.memory_space<semaphore_mem>>) src(%dma_wait3A_616 : memref<32x128xf32, #tpu.memory_space<hbm>>) dst(%dma_wait3A_613 : memref<32x128xf32, #tpu.memory_space<vmem>>)
        tpu.yield
      }) : () -> ()
      "tpu.region"() ({
        %run_scoped3A_592 = tpu.sem_alloc : memref<!tpu.dma_semaphore, #tpu.memory_space<semaphore_mem>>
        %dma_start3A_593 = arith.constant 0 : i32
        %dma_start3A_594 = arith.constant 0 : i32
        %dma_start3A_595 = tpu.memref_slice %arg7[%dma_start3A_593, %dma_start3A_594] : memref<128x128xf32, #tpu.memory_space<vmem>> -> memref<32x128xf32, #tpu.memory_space<vmem>>
        %dma_start3A_596 = arith.constant 0 : i32
        %dma_start3A_597 = arith.constant 0 : i32
        %dma_start3A_598 = tpu.memref_slice %arg22[%dma_start3A_596, %dma_start3A_597] : memref<1024x128xf32, #tpu.memory_space<vmem_shared>> -> memref<1024x128xf32, #tpu.memory_space<vmem_shared>>
        tpu.enqueue_indirect_dma source(%dma_start3A_595 : memref<32x128xf32, #tpu.memory_space<vmem>>) target(%dma_start3A_598 : memref<1024x128xf32, #tpu.memory_space<vmem_shared>>) offsets(%arg12 : memref<32xi32, #tpu.memory_space<vmem>>) semaphore(%run_scoped3A_592 : memref<!tpu.dma_semaphore, #tpu.memory_space<semaphore_mem>>) {add = true}
        %dma_wait3A_599 = arith.constant 0 : i32
        %dma_wait3A_600 = arith.constant 0 : i32
        %dma_wait3A_601 = tpu.memref_slice %arg7[%dma_wait3A_599, %dma_wait3A_600] : memref<128x128xf32, #tpu.memory_space<vmem>> -> memref<32x128xf32, #tpu.memory_space<vmem>>
        %dma_wait3A_602 = arith.constant 0 : i32
        %dma_wait3A_603 = arith.constant 0 : i32
        %dma_wait3A_604 = tpu.memref_slice %arg22[%dma_wait3A_602, %dma_wait3A_603] : memref<1024x128xf32, #tpu.memory_space<vmem_shared>> -> memref<1024x128xf32, #tpu.memory_space<vmem_shared>>
        tpu.wait_indirect_dma semaphore(%run_scoped3A_592 : memref<!tpu.dma_semaphore, #tpu.memory_space<semaphore_mem>>) src(%dma_wait3A_601 : memref<32x128xf32, #tpu.memory_space<vmem>>) dst(%dma_wait3A_604 : memref<1024x128xf32, #tpu.memory_space<vmem_shared>>)
        tpu.yield
      }) : () -> ()
    } else {
    }
    %eq3A_25 = arith.constant 1 : i32
    %eq3A_26 = arith.cmpi eq, %arg0, %eq3A_25 : i32
    %lt3A_27 = arith.constant 15 : i32
    %lt3A_28 = arith.cmpi slt, %arg1, %lt3A_27 : i32
    %and3A_29 = arith.andi %eq3A_26, %lt3A_28 : i1
    %convert_element_type3A_30 = arith.extui %and3A_29 : i1 to i32
    %cond3A_31 = arith.constant 0 : i32
    %cond3A_32 = arith.cmpi ne, %convert_element_type3A_30, %cond3A_31 : i32
    scf.if %cond3A_32 {
      %mul3A_516 = arith.constant 6400 : i32
      %mul3A_517 = arith.muli %arg1, %mul3A_516 : i32
      "tpu.region"() ({
        %run_scoped3A_563 = tpu.sem_alloc : memref<!tpu.dma_semaphore, #tpu.memory_space<semaphore_mem>>
        %dma_start3A_564 = arith.constant 0 : i32
        %dma_start3A_565 = arith.constant 0 : i32
        %dma_start3A_566 = tpu.memref_slice %arg5[%arg1, %dma_start3A_564, %dma_start3A_565] : memref<16x50x128xi32, #tpu.memory_space<hbm>> -> memref<1x50x128xi32, #tpu.memory_space<hbm>>
        %dma_start3A_567 = tpu.memref_squeeze %dma_start3A_566 : memref<1x50x128xi32, #tpu.memory_space<hbm>> -> memref<50x128xi32, #tpu.memory_space<hbm>>
        %dma_start3A_568 = arith.constant 0 : i32
        %dma_start3A_569 = arith.constant 0 : i32
        %dma_start3A_570 = tpu.memref_slice %arg5[%arg1, %dma_start3A_568, %dma_start3A_569] : memref<16x50x128xi32, #tpu.memory_space<hbm>> -> memref<1x50x128xi32, #tpu.memory_space<hbm>>
        %dma_start3A_571 = tpu.memref_squeeze %dma_start3A_570 : memref<1x50x128xi32, #tpu.memory_space<hbm>> -> memref<50x128xi32, #tpu.memory_space<hbm>>
        tpu.enqueue_dma source(%dma_start3A_571 : memref<50x128xi32, #tpu.memory_space<hbm>>) target(%arg11 : memref<50x128xi32, #tpu.memory_space<vmem>>) target_semaphore(%run_scoped3A_563 : memref<!tpu.dma_semaphore, #tpu.memory_space<semaphore_mem>>)
        %dma_wait3A_572 = arith.constant 0 : i32
        %dma_wait3A_573 = arith.constant 0 : i32
        %dma_wait3A_574 = tpu.memref_slice %arg5[%arg1, %dma_wait3A_572, %dma_wait3A_573] : memref<16x50x128xi32, #tpu.memory_space<hbm>> -> memref<1x50x128xi32, #tpu.memory_space<hbm>>
        %dma_wait3A_575 = tpu.memref_squeeze %dma_wait3A_574 : memref<1x50x128xi32, #tpu.memory_space<hbm>> -> memref<50x128xi32, #tpu.memory_space<hbm>>
        %dma_wait3A_576 = arith.constant 0 : i32
        %dma_wait3A_577 = arith.constant 0 : i32
        %dma_wait3A_578 = tpu.memref_slice %arg5[%arg1, %dma_wait3A_576, %dma_wait3A_577] : memref<16x50x128xi32, #tpu.memory_space<hbm>> -> memref<1x50x128xi32, #tpu.memory_space<hbm>>
        %dma_wait3A_579 = tpu.memref_squeeze %dma_wait3A_578 : memref<1x50x128xi32, #tpu.memory_space<hbm>> -> memref<50x128xi32, #tpu.memory_space<hbm>>
        tpu.wait_dma2 semaphore(%run_scoped3A_563 : memref<!tpu.dma_semaphore, #tpu.memory_space<semaphore_mem>>) src(%dma_wait3A_579 : memref<50x128xi32, #tpu.memory_space<hbm>>) dst(%arg11 : memref<50x128xi32, #tpu.memory_space<vmem>>)
        tpu.yield
      }) : () -> ()
      %add3A_518 = arith.constant 0 : i32
      %add3A_519 = arith.addi %mul3A_517, %add3A_518 : i32
      %dma_start3A = arith.constant 0 : i32
      %dma_start3A_520 = tpu.memref_slice %arg4[%add3A_519, %dma_start3A] : memref<100000x128xf32, #tpu.memory_space<hbm>> -> memref<128x128xf32, #tpu.memory_space<hbm>>
      %dma_start3A_521 = arith.constant 0 : i32
      %dma_start3A_522 = tpu.memref_slice %arg4[%add3A_519, %dma_start3A_521] : memref<100000x128xf32, #tpu.memory_space<hbm>> -> memref<128x128xf32, #tpu.memory_space<hbm>>
      tpu.enqueue_dma source(%dma_start3A_522 : memref<128x128xf32, #tpu.memory_space<hbm>>) target(%arg7 : memref<128x128xf32, #tpu.memory_space<vmem>>) target_semaphore(%arg18 : memref<!tpu.dma_semaphore, #tpu.memory_space<semaphore_mem>>)
      %add3A_523 = arith.constant 128 : i32
      %add3A_524 = arith.addi %mul3A_517, %add3A_523 : i32
      %dma_start3A_525 = arith.constant 0 : i32
      %dma_start3A_526 = tpu.memref_slice %arg4[%add3A_524, %dma_start3A_525] : memref<100000x128xf32, #tpu.memory_space<hbm>> -> memref<128x128xf32, #tpu.memory_space<hbm>>
      %dma_start3A_527 = arith.constant 0 : i32
      %dma_start3A_528 = tpu.memref_slice %arg4[%add3A_524, %dma_start3A_527] : memref<100000x128xf32, #tpu.memory_space<hbm>> -> memref<128x128xf32, #tpu.memory_space<hbm>>
      tpu.enqueue_dma source(%dma_start3A_528 : memref<128x128xf32, #tpu.memory_space<hbm>>) target(%arg8 : memref<128x128xf32, #tpu.memory_space<vmem>>) target_semaphore(%arg19 : memref<!tpu.dma_semaphore, #tpu.memory_space<semaphore_mem>>)
      %add3A_529 = arith.constant 256 : i32
      %add3A_530 = arith.addi %mul3A_517, %add3A_529 : i32
      %dma_start3A_531 = arith.constant 0 : i32
      %dma_start3A_532 = tpu.memref_slice %arg4[%add3A_530, %dma_start3A_531] : memref<100000x128xf32, #tpu.memory_space<hbm>> -> memref<128x128xf32, #tpu.memory_space<hbm>>
      %dma_start3A_533 = arith.constant 0 : i32
      %dma_start3A_534 = tpu.memref_slice %arg4[%add3A_530, %dma_start3A_533] : memref<100000x128xf32, #tpu.memory_space<hbm>> -> memref<128x128xf32, #tpu.memory_space<hbm>>
      tpu.enqueue_dma source(%dma_start3A_534 : memref<128x128xf32, #tpu.memory_space<hbm>>) target(%arg9 : memref<128x128xf32, #tpu.memory_space<vmem>>) target_semaphore(%arg20 : memref<!tpu.dma_semaphore, #tpu.memory_space<semaphore_mem>>)
      %add3A_535 = arith.constant 384 : i32
      %add3A_536 = arith.addi %mul3A_517, %add3A_535 : i32
      %dma_start3A_537 = arith.constant 0 : i32
      %dma_start3A_538 = tpu.memref_slice %arg4[%add3A_536, %dma_start3A_537] : memref<100000x128xf32, #tpu.memory_space<hbm>> -> memref<128x128xf32, #tpu.memory_space<hbm>>
      %dma_start3A_539 = arith.constant 0 : i32
      %dma_start3A_540 = tpu.memref_slice %arg4[%add3A_536, %dma_start3A_539] : memref<100000x128xf32, #tpu.memory_space<hbm>> -> memref<128x128xf32, #tpu.memory_space<hbm>>
      tpu.enqueue_dma source(%dma_start3A_540 : memref<128x128xf32, #tpu.memory_space<hbm>>) target(%arg10 : memref<128x128xf32, #tpu.memory_space<vmem>>) target_semaphore(%arg21 : memref<!tpu.dma_semaphore, #tpu.memory_space<semaphore_mem>>)
      %scan3A_541 = arith.constant 0 : i32
      %scan3A_542 = arith.constant 50 : i32
      %scan3A_543 = arith.addi %scan3A_541, %scan3A_542 : i32
      %scan3A_544 = arith.constant 1 : i32
      scf.for %scan3A_563 = %scan3A_541 to %scan3A_543 step %scan3A_544  : i32 {
        %get3A_564 = arith.index_cast %scan3A_563 : i32 to index
        %get3A_565 = arith.constant 0 : index
        %get3A_566 = tpu.vector_load %arg11[%get3A_564, %get3A_565] {strides = array<i32>} : memref<50x128xi32, #tpu.memory_space<vmem>>, vector<16xi32>,
        %add3A_567 = arith.addi %mul3A_12, %get3A_566 : vector<16xi32>
        tpu.vector_store_idx %arg13[%add3A_567], %broadcast_in_dim3A_13 {add = true} : memref<16384xf32, #tpu.memory_space<vmem>>[vector<16xi32>], vector<16xf32>,
        %get3A_568 = arith.index_cast %scan3A_563 : i32 to index
        %get3A_569 = arith.constant 16 : index
        %get3A_570 = tpu.vector_load %arg11[%get3A_568, %get3A_569] {strides = array<i32>} : memref<50x128xi32, #tpu.memory_space<vmem>>, vector<16xi32>,
        %add3A_571 = arith.addi %mul3A_12, %get3A_570 : vector<16xi32>
        tpu.vector_store_idx %arg13[%add3A_571], %broadcast_in_dim3A_13 {add = true} : memref<16384xf32, #tpu.memory_space<vmem>>[vector<16xi32>], vector<16xf32>,
        %get3A_572 = arith.index_cast %scan3A_563 : i32 to index
        %get3A_573 = arith.constant 32 : index
        %get3A_574 = tpu.vector_load %arg11[%get3A_572, %get3A_573] {strides = array<i32>} : memref<50x128xi32, #tpu.memory_space<vmem>>, vector<16xi32>,
        %add3A_575 = arith.addi %mul3A_12, %get3A_574 : vector<16xi32>
        tpu.vector_store_idx %arg13[%add3A_575], %broadcast_in_dim3A_13 {add = true} : memref<16384xf32, #tpu.memory_space<vmem>>[vector<16xi32>], vector<16xf32>,
        %get3A_576 = arith.index_cast %scan3A_563 : i32 to index
        %get3A_577 = arith.constant 48 : index
        %get3A_578 = tpu.vector_load %arg11[%get3A_576, %get3A_577] {strides = array<i32>} : memref<50x128xi32, #tpu.memory_space<vmem>>, vector<16xi32>,
        %add3A_579 = arith.addi %mul3A_12, %get3A_578 : vector<16xi32>
        tpu.vector_store_idx %arg13[%add3A_579], %broadcast_in_dim3A_13 {add = true} : memref<16384xf32, #tpu.memory_space<vmem>>[vector<16xi32>], vector<16xf32>,
        %get3A_580 = arith.index_cast %scan3A_563 : i32 to index
        %get3A_581 = arith.constant 64 : index
        %get3A_582 = tpu.vector_load %arg11[%get3A_580, %get3A_581] {strides = array<i32>} : memref<50x128xi32, #tpu.memory_space<vmem>>, vector<16xi32>,
        %add3A_583 = arith.addi %mul3A_12, %get3A_582 : vector<16xi32>
        tpu.vector_store_idx %arg13[%add3A_583], %broadcast_in_dim3A_13 {add = true} : memref<16384xf32, #tpu.memory_space<vmem>>[vector<16xi32>], vector<16xf32>,
        %get3A_584 = arith.index_cast %scan3A_563 : i32 to index
        %get3A_585 = arith.constant 80 : index
        %get3A_586 = tpu.vector_load %arg11[%get3A_584, %get3A_585] {strides = array<i32>} : memref<50x128xi32, #tpu.memory_space<vmem>>, vector<16xi32>,
        %add3A_587 = arith.addi %mul3A_12, %get3A_586 : vector<16xi32>
        tpu.vector_store_idx %arg13[%add3A_587], %broadcast_in_dim3A_13 {add = true} : memref<16384xf32, #tpu.memory_space<vmem>>[vector<16xi32>], vector<16xf32>,
        %get3A_588 = arith.index_cast %scan3A_563 : i32 to index
        %get3A_589 = arith.constant 96 : index
        %get3A_590 = tpu.vector_load %arg11[%get3A_588, %get3A_589] {strides = array<i32>} : memref<50x128xi32, #tpu.memory_space<vmem>>, vector<16xi32>,
        %add3A_591 = arith.addi %mul3A_12, %get3A_590 : vector<16xi32>
        tpu.vector_store_idx %arg13[%add3A_591], %broadcast_in_dim3A_13 {add = true} : memref<16384xf32, #tpu.memory_space<vmem>>[vector<16xi32>], vector<16xf32>,
        %get3A_592 = arith.index_cast %scan3A_563 : i32 to index
        %get3A_593 = arith.constant 112 : index
        %get3A_594 = tpu.vector_load %arg11[%get3A_592, %get3A_593] {strides = array<i32>} : memref<50x128xi32, #tpu.memory_space<vmem>>, vector<16xi32>,
        %add3A_595 = arith.addi %mul3A_12, %get3A_594 : vector<16xi32>
        tpu.vector_store_idx %arg13[%add3A_595], %broadcast_in_dim3A_13 {add = true} : memref<16384xf32, #tpu.memory_space<vmem>>[vector<16xi32>], vector<16xf32>,
      }
      %scan3A_545 = arith.constant 50 : i32
      %scan3A_546 = arith.constant 0 : i32
      %scan3A_547 = arith.constant 12 : i32
      %scan3A_548 = arith.addi %scan3A_546, %scan3A_547 : i32
      %scan3A_549 = arith.constant 1 : i32
      scf.for %scan3A_563 = %scan3A_546 to %scan3A_548 step %scan3A_549  : i32 {
        %mul3A_564 = arith.constant 4 : i32
        %mul3A_565 = arith.muli %mul3A_564, %scan3A_563 : i32
        %add3A_566 = arith.constant 0 : i32
        %add3A_567 = arith.addi %mul3A_565, %add3A_566 : i32
        %dma_wait3A_568 = arith.constant 0 : i32
        %dma_wait3A_569 = arith.constant 0 : i32
        %dma_wait3A_570 = tpu.memref_slice %arg4[%dma_wait3A_568, %dma_wait3A_569] : memref<100000x128xf32, #tpu.memory_space<hbm>> -> memref<128x128xf32, #tpu.memory_space<hbm>>
        %dma_wait3A_571 = arith.constant 0 : i32
        %dma_wait3A_572 = arith.constant 0 : i32
        %dma_wait3A_573 = tpu.memref_slice %arg4[%dma_wait3A_571, %dma_wait3A_572] : memref<100000x128xf32, #tpu.memory_space<hbm>> -> memref<128x128xf32, #tpu.memory_space<hbm>>
        tpu.wait_dma2 semaphore(%arg18 : memref<!tpu.dma_semaphore, #tpu.memory_space<semaphore_mem>>) src(%dma_wait3A_573 : memref<128x128xf32, #tpu.memory_space<hbm>>) dst(%arg7 : memref<128x128xf32, #tpu.memory_space<vmem>>)
        "tpu.region"() ({
          %run_scoped3A_632 = tpu.sem_alloc : memref<!tpu.dma_semaphore, #tpu.memory_space<semaphore_mem>>
          %dma_start3A_633 = arith.constant 0 : i32
          %dma_start3A_634 = tpu.memref_slice %arg11[%add3A_567, %dma_start3A_633] : memref<50x128xi32, #tpu.memory_space<vmem>> -> memref<1x128xi32, #tpu.memory_space<vmem>>
          %dma_start3A_635 = tpu.memref_squeeze %dma_start3A_634 : memref<1x128xi32, #tpu.memory_space<vmem>> -> memref<128xi32, #tpu.memory_space<vmem>>
          %dma_start3A_636 = arith.constant 0 : i32
          %dma_start3A_637 = arith.constant 0 : i32
          %dma_start3A_638 = tpu.memref_slice %arg22[%dma_start3A_636, %dma_start3A_637] : memref<1024x128xf32, #tpu.memory_space<vmem_shared>> -> memref<1024x128xf32, #tpu.memory_space<vmem_shared>>
          tpu.enqueue_indirect_dma source(%arg7 : memref<128x128xf32, #tpu.memory_space<vmem>>) target(%dma_start3A_638 : memref<1024x128xf32, #tpu.memory_space<vmem_shared>>) offsets(%dma_start3A_635 : memref<128xi32, #tpu.memory_space<vmem>>) semaphore(%run_scoped3A_632 : memref<!tpu.dma_semaphore, #tpu.memory_space<semaphore_mem>>) {add = true}
          %dma_wait3A_639 = arith.constant 0 : i32
          %dma_wait3A_640 = tpu.memref_slice %arg11[%add3A_567, %dma_wait3A_639] : memref<50x128xi32, #tpu.memory_space<vmem>> -> memref<1x128xi32, #tpu.memory_space<vmem>>
          %dma_wait3A_641 = tpu.memref_squeeze %dma_wait3A_640 : memref<1x128xi32, #tpu.memory_space<vmem>> -> memref<128xi32, #tpu.memory_space<vmem>>
          %dma_wait3A_642 = arith.constant 0 : i32
          %dma_wait3A_643 = arith.constant 0 : i32
          %dma_wait3A_644 = tpu.memref_slice %arg22[%dma_wait3A_642, %dma_wait3A_643] : memref<1024x128xf32, #tpu.memory_space<vmem_shared>> -> memref<1024x128xf32, #tpu.memory_space<vmem_shared>>
          tpu.wait_indirect_dma semaphore(%run_scoped3A_632 : memref<!tpu.dma_semaphore, #tpu.memory_space<semaphore_mem>>) src(%arg7 : memref<128x128xf32, #tpu.memory_space<vmem>>) dst(%dma_wait3A_644 : memref<1024x128xf32, #tpu.memory_space<vmem_shared>>)
          tpu.yield
        }) : () -> ()
        %add3A_574 = arith.constant 4 : i32
        %add3A_575 = arith.addi %add3A_567, %add3A_574 : i32
        %lt3A_576 = arith.constant 50 : i32
        %lt3A_577 = arith.cmpi slt, %add3A_575, %lt3A_576 : i32
        %convert_element_type3A_578 = arith.extui %lt3A_577 : i1 to i32
        %cond3A_579 = arith.constant 0 : i32
        %cond3A_580 = arith.cmpi ne, %convert_element_type3A_578, %cond3A_579 : i32
        scf.if %cond3A_580 {
          %add3A_632 = arith.constant 4 : i32
          %add3A_633 = arith.addi %add3A_567, %add3A_632 : i32
          %mul3A_634 = arith.constant 128 : i32
          %mul3A_635 = arith.muli %add3A_633, %mul3A_634 : i32
          %add3A_636 = arith.addi %mul3A_517, %mul3A_635 : i32
          %dma_start3A_637 = arith.constant 0 : i32
          %dma_start3A_638 = tpu.memref_slice %arg4[%add3A_636, %dma_start3A_637] : memref<100000x128xf32, #tpu.memory_space<hbm>> -> memref<128x128xf32, #tpu.memory_space<hbm>>
          %dma_start3A_639 = arith.constant 0 : i32
          %dma_start3A_640 = tpu.memref_slice %arg4[%add3A_636, %dma_start3A_639] : memref<100000x128xf32, #tpu.memory_space<hbm>> -> memref<128x128xf32, #tpu.memory_space<hbm>>
          tpu.enqueue_dma source(%dma_start3A_640 : memref<128x128xf32, #tpu.memory_space<hbm>>) target(%arg7 : memref<128x128xf32, #tpu.memory_space<vmem>>) target_semaphore(%arg18 : memref<!tpu.dma_semaphore, #tpu.memory_space<semaphore_mem>>)
        } else {
        }
        %mul3A_581 = arith.constant 4 : i32
        %mul3A_582 = arith.muli %mul3A_581, %scan3A_563 : i32
        %add3A_583 = arith.constant 1 : i32
        %add3A_584 = arith.addi %mul3A_582, %add3A_583 : i32
        %dma_wait3A_585 = arith.constant 0 : i32
        %dma_wait3A_586 = arith.constant 0 : i32
        %dma_wait3A_587 = tpu.memref_slice %arg4[%dma_wait3A_585, %dma_wait3A_586] : memref<100000x128xf32, #tpu.memory_space<hbm>> -> memref<128x128xf32, #tpu.memory_space<hbm>>
        %dma_wait3A_588 = arith.constant 0 : i32
        %dma_wait3A_589 = arith.constant 0 : i32
        %dma_wait3A_590 = tpu.memref_slice %arg4[%dma_wait3A_588, %dma_wait3A_589] : memref<100000x128xf32, #tpu.memory_space<hbm>> -> memref<128x128xf32, #tpu.memory_space<hbm>>
        tpu.wait_dma2 semaphore(%arg19 : memref<!tpu.dma_semaphore, #tpu.memory_space<semaphore_mem>>) src(%dma_wait3A_590 : memref<128x128xf32, #tpu.memory_space<hbm>>) dst(%arg8 : memref<128x128xf32, #tpu.memory_space<vmem>>)
        "tpu.region"() ({
          %run_scoped3A_632 = tpu.sem_alloc : memref<!tpu.dma_semaphore, #tpu.memory_space<semaphore_mem>>
          %dma_start3A_633 = arith.constant 0 : i32
          %dma_start3A_634 = tpu.memref_slice %arg11[%add3A_584, %dma_start3A_633] : memref<50x128xi32, #tpu.memory_space<vmem>> -> memref<1x128xi32, #tpu.memory_space<vmem>>
          %dma_start3A_635 = tpu.memref_squeeze %dma_start3A_634 : memref<1x128xi32, #tpu.memory_space<vmem>> -> memref<128xi32, #tpu.memory_space<vmem>>
          %dma_start3A_636 = arith.constant 0 : i32
          %dma_start3A_637 = arith.constant 0 : i32
          %dma_start3A_638 = tpu.memref_slice %arg22[%dma_start3A_636, %dma_start3A_637] : memref<1024x128xf32, #tpu.memory_space<vmem_shared>> -> memref<1024x128xf32, #tpu.memory_space<vmem_shared>>
          tpu.enqueue_indirect_dma source(%arg8 : memref<128x128xf32, #tpu.memory_space<vmem>>) target(%dma_start3A_638 : memref<1024x128xf32, #tpu.memory_space<vmem_shared>>) offsets(%dma_start3A_635 : memref<128xi32, #tpu.memory_space<vmem>>) semaphore(%run_scoped3A_632 : memref<!tpu.dma_semaphore, #tpu.memory_space<semaphore_mem>>) {add = true}
          %dma_wait3A_639 = arith.constant 0 : i32
          %dma_wait3A_640 = tpu.memref_slice %arg11[%add3A_584, %dma_wait3A_639] : memref<50x128xi32, #tpu.memory_space<vmem>> -> memref<1x128xi32, #tpu.memory_space<vmem>>
          %dma_wait3A_641 = tpu.memref_squeeze %dma_wait3A_640 : memref<1x128xi32, #tpu.memory_space<vmem>> -> memref<128xi32, #tpu.memory_space<vmem>>
          %dma_wait3A_642 = arith.constant 0 : i32
          %dma_wait3A_643 = arith.constant 0 : i32
          %dma_wait3A_644 = tpu.memref_slice %arg22[%dma_wait3A_642, %dma_wait3A_643] : memref<1024x128xf32, #tpu.memory_space<vmem_shared>> -> memref<1024x128xf32, #tpu.memory_space<vmem_shared>>
          tpu.wait_indirect_dma semaphore(%run_scoped3A_632 : memref<!tpu.dma_semaphore, #tpu.memory_space<semaphore_mem>>) src(%arg8 : memref<128x128xf32, #tpu.memory_space<vmem>>) dst(%dma_wait3A_644 : memref<1024x128xf32, #tpu.memory_space<vmem_shared>>)
          tpu.yield
        }) : () -> ()
        %add3A_591 = arith.constant 4 : i32
        %add3A_592 = arith.addi %add3A_584, %add3A_591 : i32
        %lt3A_593 = arith.constant 50 : i32
        %lt3A_594 = arith.cmpi slt, %add3A_592, %lt3A_593 : i32
        %convert_element_type3A_595 = arith.extui %lt3A_594 : i1 to i32
        %cond3A_596 = arith.constant 0 : i32
        %cond3A_597 = arith.cmpi ne, %convert_element_type3A_595, %cond3A_596 : i32
        scf.if %cond3A_597 {
          %add3A_632 = arith.constant 4 : i32
          %add3A_633 = arith.addi %add3A_584, %add3A_632 : i32
          %mul3A_634 = arith.constant 128 : i32
          %mul3A_635 = arith.muli %add3A_633, %mul3A_634 : i32
          %add3A_636 = arith.addi %mul3A_517, %mul3A_635 : i32
          %dma_start3A_637 = arith.constant 0 : i32
          %dma_start3A_638 = tpu.memref_slice %arg4[%add3A_636, %dma_start3A_637] : memref<100000x128xf32, #tpu.memory_space<hbm>> -> memref<128x128xf32, #tpu.memory_space<hbm>>
          %dma_start3A_639 = arith.constant 0 : i32
          %dma_start3A_640 = tpu.memref_slice %arg4[%add3A_636, %dma_start3A_639] : memref<100000x128xf32, #tpu.memory_space<hbm>> -> memref<128x128xf32, #tpu.memory_space<hbm>>
          tpu.enqueue_dma source(%dma_start3A_640 : memref<128x128xf32, #tpu.memory_space<hbm>>) target(%arg8 : memref<128x128xf32, #tpu.memory_space<vmem>>) target_semaphore(%arg19 : memref<!tpu.dma_semaphore, #tpu.memory_space<semaphore_mem>>)
        } else {
        }
        %mul3A_598 = arith.constant 4 : i32
        %mul3A_599 = arith.muli %mul3A_598, %scan3A_563 : i32
        %add3A_600 = arith.constant 2 : i32
        %add3A_601 = arith.addi %mul3A_599, %add3A_600 : i32
        %dma_wait3A_602 = arith.constant 0 : i32
        %dma_wait3A_603 = arith.constant 0 : i32
        %dma_wait3A_604 = tpu.memref_slice %arg4[%dma_wait3A_602, %dma_wait3A_603] : memref<100000x128xf32, #tpu.memory_space<hbm>> -> memref<128x128xf32, #tpu.memory_space<hbm>>
        %dma_wait3A_605 = arith.constant 0 : i32
        %dma_wait3A_606 = arith.constant 0 : i32
        %dma_wait3A_607 = tpu.memref_slice %arg4[%dma_wait3A_605, %dma_wait3A_606] : memref<100000x128xf32, #tpu.memory_space<hbm>> -> memref<128x128xf32, #tpu.memory_space<hbm>>
        tpu.wait_dma2 semaphore(%arg20 : memref<!tpu.dma_semaphore, #tpu.memory_space<semaphore_mem>>) src(%dma_wait3A_607 : memref<128x128xf32, #tpu.memory_space<hbm>>) dst(%arg9 : memref<128x128xf32, #tpu.memory_space<vmem>>)
        "tpu.region"() ({
          %run_scoped3A_632 = tpu.sem_alloc : memref<!tpu.dma_semaphore, #tpu.memory_space<semaphore_mem>>
          %dma_start3A_633 = arith.constant 0 : i32
          %dma_start3A_634 = tpu.memref_slice %arg11[%add3A_601, %dma_start3A_633] : memref<50x128xi32, #tpu.memory_space<vmem>> -> memref<1x128xi32, #tpu.memory_space<vmem>>
          %dma_start3A_635 = tpu.memref_squeeze %dma_start3A_634 : memref<1x128xi32, #tpu.memory_space<vmem>> -> memref<128xi32, #tpu.memory_space<vmem>>
          %dma_start3A_636 = arith.constant 0 : i32
          %dma_start3A_637 = arith.constant 0 : i32
          %dma_start3A_638 = tpu.memref_slice %arg22[%dma_start3A_636, %dma_start3A_637] : memref<1024x128xf32, #tpu.memory_space<vmem_shared>> -> memref<1024x128xf32, #tpu.memory_space<vmem_shared>>
          tpu.enqueue_indirect_dma source(%arg9 : memref<128x128xf32, #tpu.memory_space<vmem>>) target(%dma_start3A_638 : memref<1024x128xf32, #tpu.memory_space<vmem_shared>>) offsets(%dma_start3A_635 : memref<128xi32, #tpu.memory_space<vmem>>) semaphore(%run_scoped3A_632 : memref<!tpu.dma_semaphore, #tpu.memory_space<semaphore_mem>>) {add = true}
          %dma_wait3A_639 = arith.constant 0 : i32
          %dma_wait3A_640 = tpu.memref_slice %arg11[%add3A_601, %dma_wait3A_639] : memref<50x128xi32, #tpu.memory_space<vmem>> -> memref<1x128xi32, #tpu.memory_space<vmem>>
          %dma_wait3A_641 = tpu.memref_squeeze %dma_wait3A_640 : memref<1x128xi32, #tpu.memory_space<vmem>> -> memref<128xi32, #tpu.memory_space<vmem>>
          %dma_wait3A_642 = arith.constant 0 : i32
          %dma_wait3A_643 = arith.constant 0 : i32
          %dma_wait3A_644 = tpu.memref_slice %arg22[%dma_wait3A_642, %dma_wait3A_643] : memref<1024x128xf32, #tpu.memory_space<vmem_shared>> -> memref<1024x128xf32, #tpu.memory_space<vmem_shared>>
          tpu.wait_indirect_dma semaphore(%run_scoped3A_632 : memref<!tpu.dma_semaphore, #tpu.memory_space<semaphore_mem>>) src(%arg9 : memref<128x128xf32, #tpu.memory_space<vmem>>) dst(%dma_wait3A_644 : memref<1024x128xf32, #tpu.memory_space<vmem_shared>>)
          tpu.yield
        }) : () -> ()
        %add3A_608 = arith.constant 4 : i32
        %add3A_609 = arith.addi %add3A_601, %add3A_608 : i32
        %lt3A_610 = arith.constant 50 : i32
        %lt3A_611 = arith.cmpi slt, %add3A_609, %lt3A_610 : i32
        %convert_element_type3A_612 = arith.extui %lt3A_611 : i1 to i32
        %cond3A_613 = arith.constant 0 : i32
        %cond3A_614 = arith.cmpi ne, %convert_element_type3A_612, %cond3A_613 : i32
        scf.if %cond3A_614 {
          %add3A_632 = arith.constant 4 : i32
          %add3A_633 = arith.addi %add3A_601, %add3A_632 : i32
          %mul3A_634 = arith.constant 128 : i32
          %mul3A_635 = arith.muli %add3A_633, %mul3A_634 : i32
          %add3A_636 = arith.addi %mul3A_517, %mul3A_635 : i32
          %dma_start3A_637 = arith.constant 0 : i32
          %dma_start3A_638 = tpu.memref_slice %arg4[%add3A_636, %dma_start3A_637] : memref<100000x128xf32, #tpu.memory_space<hbm>> -> memref<128x128xf32, #tpu.memory_space<hbm>>
          %dma_start3A_639 = arith.constant 0 : i32
          %dma_start3A_640 = tpu.memref_slice %arg4[%add3A_636, %dma_start3A_639] : memref<100000x128xf32, #tpu.memory_space<hbm>> -> memref<128x128xf32, #tpu.memory_space<hbm>>
          tpu.enqueue_dma source(%dma_start3A_640 : memref<128x128xf32, #tpu.memory_space<hbm>>) target(%arg9 : memref<128x128xf32, #tpu.memory_space<vmem>>) target_semaphore(%arg20 : memref<!tpu.dma_semaphore, #tpu.memory_space<semaphore_mem>>)
        } else {
        }
        %mul3A_615 = arith.constant 4 : i32
        %mul3A_616 = arith.muli %mul3A_615, %scan3A_563 : i32
        %add3A_617 = arith.constant 3 : i32
        %add3A_618 = arith.addi %mul3A_616, %add3A_617 : i32
        %dma_wait3A_619 = arith.constant 0 : i32
        %dma_wait3A_620 = arith.constant 0 : i32
        %dma_wait3A_621 = tpu.memref_slice %arg4[%dma_wait3A_619, %dma_wait3A_620] : memref<100000x128xf32, #tpu.memory_space<hbm>> -> memref<128x128xf32, #tpu.memory_space<hbm>>
        %dma_wait3A_622 = arith.constant 0 : i32
        %dma_wait3A_623 = arith.constant 0 : i32
        %dma_wait3A_624 = tpu.memref_slice %arg4[%dma_wait3A_622, %dma_wait3A_623] : memref<100000x128xf32, #tpu.memory_space<hbm>> -> memref<128x128xf32, #tpu.memory_space<hbm>>
        tpu.wait_dma2 semaphore(%arg21 : memref<!tpu.dma_semaphore, #tpu.memory_space<semaphore_mem>>) src(%dma_wait3A_624 : memref<128x128xf32, #tpu.memory_space<hbm>>) dst(%arg10 : memref<128x128xf32, #tpu.memory_space<vmem>>)
        "tpu.region"() ({
          %run_scoped3A_632 = tpu.sem_alloc : memref<!tpu.dma_semaphore, #tpu.memory_space<semaphore_mem>>
          %dma_start3A_633 = arith.constant 0 : i32
          %dma_start3A_634 = tpu.memref_slice %arg11[%add3A_618, %dma_start3A_633] : memref<50x128xi32, #tpu.memory_space<vmem>> -> memref<1x128xi32, #tpu.memory_space<vmem>>
          %dma_start3A_635 = tpu.memref_squeeze %dma_start3A_634 : memref<1x128xi32, #tpu.memory_space<vmem>> -> memref<128xi32, #tpu.memory_space<vmem>>
          %dma_start3A_636 = arith.constant 0 : i32
          %dma_start3A_637 = arith.constant 0 : i32
          %dma_start3A_638 = tpu.memref_slice %arg22[%dma_start3A_636, %dma_start3A_637] : memref<1024x128xf32, #tpu.memory_space<vmem_shared>> -> memref<1024x128xf32, #tpu.memory_space<vmem_shared>>
          tpu.enqueue_indirect_dma source(%arg10 : memref<128x128xf32, #tpu.memory_space<vmem>>) target(%dma_start3A_638 : memref<1024x128xf32, #tpu.memory_space<vmem_shared>>) offsets(%dma_start3A_635 : memref<128xi32, #tpu.memory_space<vmem>>) semaphore(%run_scoped3A_632 : memref<!tpu.dma_semaphore, #tpu.memory_space<semaphore_mem>>) {add = true}
          %dma_wait3A_639 = arith.constant 0 : i32
          %dma_wait3A_640 = tpu.memref_slice %arg11[%add3A_618, %dma_wait3A_639] : memref<50x128xi32, #tpu.memory_space<vmem>> -> memref<1x128xi32, #tpu.memory_space<vmem>>
          %dma_wait3A_641 = tpu.memref_squeeze %dma_wait3A_640 : memref<1x128xi32, #tpu.memory_space<vmem>> -> memref<128xi32, #tpu.memory_space<vmem>>
          %dma_wait3A_642 = arith.constant 0 : i32
          %dma_wait3A_643 = arith.constant 0 : i32
          %dma_wait3A_644 = tpu.memref_slice %arg22[%dma_wait3A_642, %dma_wait3A_643] : memref<1024x128xf32, #tpu.memory_space<vmem_shared>> -> memref<1024x128xf32, #tpu.memory_space<vmem_shared>>
          tpu.wait_indirect_dma semaphore(%run_scoped3A_632 : memref<!tpu.dma_semaphore, #tpu.memory_space<semaphore_mem>>) src(%arg10 : memref<128x128xf32, #tpu.memory_space<vmem>>) dst(%dma_wait3A_644 : memref<1024x128xf32, #tpu.memory_space<vmem_shared>>)
          tpu.yield
        }) : () -> ()
        %add3A_625 = arith.constant 4 : i32
        %add3A_626 = arith.addi %add3A_618, %add3A_625 : i32
        %lt3A_627 = arith.constant 50 : i32
        %lt3A_628 = arith.cmpi slt, %add3A_626, %lt3A_627 : i32
        %convert_element_type3A_629 = arith.extui %lt3A_628 : i1 to i32
        %cond3A_630 = arith.constant 0 : i32
        %cond3A_631 = arith.cmpi ne, %convert_element_type3A_629, %cond3A_630 : i32
        scf.if %cond3A_631 {
          %add3A_632 = arith.constant 4 : i32
          %add3A_633 = arith.addi %add3A_618, %add3A_632 : i32
          %mul3A_634 = arith.constant 128 : i32
          %mul3A_635 = arith.muli %add3A_633, %mul3A_634 : i32
          %add3A_636 = arith.addi %mul3A_517, %mul3A_635 : i32
          %dma_start3A_637 = arith.constant 0 : i32
          %dma_start3A_638 = tpu.memref_slice %arg4[%add3A_636, %dma_start3A_637] : memref<100000x128xf32, #tpu.memory_space<hbm>> -> memref<128x128xf32, #tpu.memory_space<hbm>>
          %dma_start3A_639 = arith.constant 0 : i32
          %dma_start3A_640 = tpu.memref_slice %arg4[%add3A_636, %dma_start3A_639] : memref<100000x128xf32, #tpu.memory_space<hbm>> -> memref<128x128xf32, #tpu.memory_space<hbm>>
          tpu.enqueue_dma source(%dma_start3A_640 : memref<128x128xf32, #tpu.memory_space<hbm>>) target(%arg10 : memref<128x128xf32, #tpu.memory_space<vmem>>) target_semaphore(%arg21 : memref<!tpu.dma_semaphore, #tpu.memory_space<semaphore_mem>>)
        } else {
        }
      }
      %scan3A_550 = arith.constant 12 : i32
      %dma_wait3A = arith.constant 0 : i32
      %dma_wait3A_551 = arith.constant 0 : i32
      %dma_wait3A_552 = tpu.memref_slice %arg4[%dma_wait3A, %dma_wait3A_551] : memref<100000x128xf32, #tpu.memory_space<hbm>> -> memref<128x128xf32, #tpu.memory_space<hbm>>
      %dma_wait3A_553 = arith.constant 0 : i32
      %dma_wait3A_554 = arith.constant 0 : i32
      %dma_wait3A_555 = tpu.memref_slice %arg4[%dma_wait3A_553, %dma_wait3A_554] : memref<100000x128xf32, #tpu.memory_space<hbm>> -> memref<128x128xf32, #tpu.memory_space<hbm>>
      tpu.wait_dma2 semaphore(%arg18 : memref<!tpu.dma_semaphore, #tpu.memory_space<semaphore_mem>>) src(%dma_wait3A_555 : memref<128x128xf32, #tpu.memory_space<hbm>>) dst(%arg7 : memref<128x128xf32, #tpu.memory_space<vmem>>)
      %run_scoped3A = arith.constant 48 : i32
      "tpu.region"() ({
        %run_scoped3A_563 = tpu.sem_alloc : memref<!tpu.dma_semaphore, #tpu.memory_space<semaphore_mem>>
        %dma_start3A_564 = arith.constant 0 : i32
        %dma_start3A_565 = tpu.memref_slice %arg11[%run_scoped3A, %dma_start3A_564] : memref<50x128xi32, #tpu.memory_space<vmem>> -> memref<1x128xi32, #tpu.memory_space<vmem>>
        %dma_start3A_566 = tpu.memref_squeeze %dma_start3A_565 : memref<1x128xi32, #tpu.memory_space<vmem>> -> memref<128xi32, #tpu.memory_space<vmem>>
        %dma_start3A_567 = arith.constant 0 : i32
        %dma_start3A_568 = arith.constant 0 : i32
        %dma_start3A_569 = tpu.memref_slice %arg22[%dma_start3A_567, %dma_start3A_568] : memref<1024x128xf32, #tpu.memory_space<vmem_shared>> -> memref<1024x128xf32, #tpu.memory_space<vmem_shared>>
        tpu.enqueue_indirect_dma source(%arg7 : memref<128x128xf32, #tpu.memory_space<vmem>>) target(%dma_start3A_569 : memref<1024x128xf32, #tpu.memory_space<vmem_shared>>) offsets(%dma_start3A_566 : memref<128xi32, #tpu.memory_space<vmem>>) semaphore(%run_scoped3A_563 : memref<!tpu.dma_semaphore, #tpu.memory_space<semaphore_mem>>) {add = true}
        %dma_wait3A_570 = arith.constant 0 : i32
        %dma_wait3A_571 = tpu.memref_slice %arg11[%run_scoped3A, %dma_wait3A_570] : memref<50x128xi32, #tpu.memory_space<vmem>> -> memref<1x128xi32, #tpu.memory_space<vmem>>
        %dma_wait3A_572 = tpu.memref_squeeze %dma_wait3A_571 : memref<1x128xi32, #tpu.memory_space<vmem>> -> memref<128xi32, #tpu.memory_space<vmem>>
        %dma_wait3A_573 = arith.constant 0 : i32
        %dma_wait3A_574 = arith.constant 0 : i32
        %dma_wait3A_575 = tpu.memref_slice %arg22[%dma_wait3A_573, %dma_wait3A_574] : memref<1024x128xf32, #tpu.memory_space<vmem_shared>> -> memref<1024x128xf32, #tpu.memory_space<vmem_shared>>
        tpu.wait_indirect_dma semaphore(%run_scoped3A_563 : memref<!tpu.dma_semaphore, #tpu.memory_space<semaphore_mem>>) src(%arg7 : memref<128x128xf32, #tpu.memory_space<vmem>>) dst(%dma_wait3A_575 : memref<1024x128xf32, #tpu.memory_space<vmem_shared>>)
        tpu.yield
      }) : () -> ()
      %dma_wait3A_556 = arith.constant 0 : i32
      %dma_wait3A_557 = arith.constant 0 : i32
      %dma_wait3A_558 = tpu.memref_slice %arg4[%dma_wait3A_556, %dma_wait3A_557] : memref<100000x128xf32, #tpu.memory_space<hbm>> -> memref<128x128xf32, #tpu.memory_space<hbm>>
      %dma_wait3A_559 = arith.constant 0 : i32
      %dma_wait3A_560 = arith.constant 0 : i32
      %dma_wait3A_561 = tpu.memref_slice %arg4[%dma_wait3A_559, %dma_wait3A_560] : memref<100000x128xf32, #tpu.memory_space<hbm>> -> memref<128x128xf32, #tpu.memory_space<hbm>>
      tpu.wait_dma2 semaphore(%arg19 : memref<!tpu.dma_semaphore, #tpu.memory_space<semaphore_mem>>) src(%dma_wait3A_561 : memref<128x128xf32, #tpu.memory_space<hbm>>) dst(%arg8 : memref<128x128xf32, #tpu.memory_space<vmem>>)
      %run_scoped3A_562 = arith.constant 49 : i32
      "tpu.region"() ({
        %run_scoped3A_563 = tpu.sem_alloc : memref<!tpu.dma_semaphore, #tpu.memory_space<semaphore_mem>>
        %dma_start3A_564 = arith.constant 0 : i32
        %dma_start3A_565 = tpu.memref_slice %arg11[%run_scoped3A_562, %dma_start3A_564] : memref<50x128xi32, #tpu.memory_space<vmem>> -> memref<1x128xi32, #tpu.memory_space<vmem>>
        %dma_start3A_566 = tpu.memref_squeeze %dma_start3A_565 : memref<1x128xi32, #tpu.memory_space<vmem>> -> memref<128xi32, #tpu.memory_space<vmem>>
        %dma_start3A_567 = arith.constant 0 : i32
        %dma_start3A_568 = arith.constant 0 : i32
        %dma_start3A_569 = tpu.memref_slice %arg22[%dma_start3A_567, %dma_start3A_568] : memref<1024x128xf32, #tpu.memory_space<vmem_shared>> -> memref<1024x128xf32, #tpu.memory_space<vmem_shared>>
        tpu.enqueue_indirect_dma source(%arg8 : memref<128x128xf32, #tpu.memory_space<vmem>>) target(%dma_start3A_569 : memref<1024x128xf32, #tpu.memory_space<vmem_shared>>) offsets(%dma_start3A_566 : memref<128xi32, #tpu.memory_space<vmem>>) semaphore(%run_scoped3A_563 : memref<!tpu.dma_semaphore, #tpu.memory_space<semaphore_mem>>) {add = true}
        %dma_wait3A_570 = arith.constant 0 : i32
        %dma_wait3A_571 = tpu.memref_slice %arg11[%run_scoped3A_562, %dma_wait3A_570] : memref<50x128xi32, #tpu.memory_space<vmem>> -> memref<1x128xi32, #tpu.memory_space<vmem>>
        %dma_wait3A_572 = tpu.memref_squeeze %dma_wait3A_571 : memref<1x128xi32, #tpu.memory_space<vmem>> -> memref<128xi32, #tpu.memory_space<vmem>>
        %dma_wait3A_573 = arith.constant 0 : i32
        %dma_wait3A_574 = arith.constant 0 : i32
        %dma_wait3A_575 = tpu.memref_slice %arg22[%dma_wait3A_573, %dma_wait3A_574] : memref<1024x128xf32, #tpu.memory_space<vmem_shared>> -> memref<1024x128xf32, #tpu.memory_space<vmem_shared>>
        tpu.wait_indirect_dma semaphore(%run_scoped3A_563 : memref<!tpu.dma_semaphore, #tpu.memory_space<semaphore_mem>>) src(%arg8 : memref<128x128xf32, #tpu.memory_space<vmem>>) dst(%dma_wait3A_575 : memref<1024x128xf32, #tpu.memory_space<vmem_shared>>)
        tpu.yield
      }) : () -> ()
    } else {
    }
    %eq3A_33 = arith.constant 1 : i32
    %eq3A_34 = arith.cmpi eq, %arg0, %eq3A_33 : i32
    %eq3A_35 = arith.constant 15 : i32
    %eq3A_36 = arith.cmpi eq, %arg1, %eq3A_35 : i32
    %and3A_37 = arith.andi %eq3A_34, %eq3A_36 : i1
    %convert_element_type3A_38 = arith.extui %and3A_37 : i1 to i32
    %cond3A_39 = arith.constant 0 : i32
    %cond3A_40 = arith.cmpi ne, %convert_element_type3A_38, %cond3A_39 : i32
    scf.if %cond3A_40 {
      %mul3A_516 = arith.constant 6400 : i32
      %mul3A_517 = arith.muli %arg1, %mul3A_516 : i32
      "tpu.region"() ({
        %run_scoped3A_592 = tpu.sem_alloc : memref<!tpu.dma_semaphore, #tpu.memory_space<semaphore_mem>>
        %dma_start3A_593 = arith.constant 0 : i32
        %dma_start3A_594 = arith.constant 0 : i32
        %dma_start3A_595 = tpu.memref_slice %arg5[%arg1, %dma_start3A_593, %dma_start3A_594] : memref<16x50x128xi32, #tpu.memory_space<hbm>> -> memref<1x50x128xi32, #tpu.memory_space<hbm>>
        %dma_start3A_596 = tpu.memref_squeeze %dma_start3A_595 : memref<1x50x128xi32, #tpu.memory_space<hbm>> -> memref<50x128xi32, #tpu.memory_space<hbm>>
        %dma_start3A_597 = arith.constant 0 : i32
        %dma_start3A_598 = arith.constant 0 : i32
        %dma_start3A_599 = tpu.memref_slice %arg5[%arg1, %dma_start3A_597, %dma_start3A_598] : memref<16x50x128xi32, #tpu.memory_space<hbm>> -> memref<1x50x128xi32, #tpu.memory_space<hbm>>
        %dma_start3A_600 = tpu.memref_squeeze %dma_start3A_599 : memref<1x50x128xi32, #tpu.memory_space<hbm>> -> memref<50x128xi32, #tpu.memory_space<hbm>>
        tpu.enqueue_dma source(%dma_start3A_600 : memref<50x128xi32, #tpu.memory_space<hbm>>) target(%arg11 : memref<50x128xi32, #tpu.memory_space<vmem>>) target_semaphore(%run_scoped3A_592 : memref<!tpu.dma_semaphore, #tpu.memory_space<semaphore_mem>>)
        %dma_wait3A_601 = arith.constant 0 : i32
        %dma_wait3A_602 = arith.constant 0 : i32
        %dma_wait3A_603 = tpu.memref_slice %arg5[%arg1, %dma_wait3A_601, %dma_wait3A_602] : memref<16x50x128xi32, #tpu.memory_space<hbm>> -> memref<1x50x128xi32, #tpu.memory_space<hbm>>
        %dma_wait3A_604 = tpu.memref_squeeze %dma_wait3A_603 : memref<1x50x128xi32, #tpu.memory_space<hbm>> -> memref<50x128xi32, #tpu.memory_space<hbm>>
        %dma_wait3A_605 = arith.constant 0 : i32
        %dma_wait3A_606 = arith.constant 0 : i32
        %dma_wait3A_607 = tpu.memref_slice %arg5[%arg1, %dma_wait3A_605, %dma_wait3A_606] : memref<16x50x128xi32, #tpu.memory_space<hbm>> -> memref<1x50x128xi32, #tpu.memory_space<hbm>>
        %dma_wait3A_608 = tpu.memref_squeeze %dma_wait3A_607 : memref<1x50x128xi32, #tpu.memory_space<hbm>> -> memref<50x128xi32, #tpu.memory_space<hbm>>
        tpu.wait_dma2 semaphore(%run_scoped3A_592 : memref<!tpu.dma_semaphore, #tpu.memory_space<semaphore_mem>>) src(%dma_wait3A_608 : memref<50x128xi32, #tpu.memory_space<hbm>>) dst(%arg11 : memref<50x128xi32, #tpu.memory_space<vmem>>)
        tpu.yield
      }) : () -> ()
      %add3A_518 = arith.constant 0 : i32
      %add3A_519 = arith.addi %mul3A_517, %add3A_518 : i32
      %dma_start3A = arith.constant 0 : i32
      %dma_start3A_520 = tpu.memref_slice %arg4[%add3A_519, %dma_start3A] : memref<100000x128xf32, #tpu.memory_space<hbm>> -> memref<128x128xf32, #tpu.memory_space<hbm>>
      %dma_start3A_521 = arith.constant 0 : i32
      %dma_start3A_522 = tpu.memref_slice %arg4[%add3A_519, %dma_start3A_521] : memref<100000x128xf32, #tpu.memory_space<hbm>> -> memref<128x128xf32, #tpu.memory_space<hbm>>
      tpu.enqueue_dma source(%dma_start3A_522 : memref<128x128xf32, #tpu.memory_space<hbm>>) target(%arg7 : memref<128x128xf32, #tpu.memory_space<vmem>>) target_semaphore(%arg18 : memref<!tpu.dma_semaphore, #tpu.memory_space<semaphore_mem>>)
      %add3A_523 = arith.constant 128 : i32
      %add3A_524 = arith.addi %mul3A_517, %add3A_523 : i32
      %dma_start3A_525 = arith.constant 0 : i32
      %dma_start3A_526 = tpu.memref_slice %arg4[%add3A_524, %dma_start3A_525] : memref<100000x128xf32, #tpu.memory_space<hbm>> -> memref<128x128xf32, #tpu.memory_space<hbm>>
      %dma_start3A_527 = arith.constant 0 : i32
      %dma_start3A_528 = tpu.memref_slice %arg4[%add3A_524, %dma_start3A_527] : memref<100000x128xf32, #tpu.memory_space<hbm>> -> memref<128x128xf32, #tpu.memory_space<hbm>>
      tpu.enqueue_dma source(%dma_start3A_528 : memref<128x128xf32, #tpu.memory_space<hbm>>) target(%arg8 : memref<128x128xf32, #tpu.memory_space<vmem>>) target_semaphore(%arg19 : memref<!tpu.dma_semaphore, #tpu.memory_space<semaphore_mem>>)
      %add3A_529 = arith.constant 256 : i32
      %add3A_530 = arith.addi %mul3A_517, %add3A_529 : i32
      %dma_start3A_531 = arith.constant 0 : i32
      %dma_start3A_532 = tpu.memref_slice %arg4[%add3A_530, %dma_start3A_531] : memref<100000x128xf32, #tpu.memory_space<hbm>> -> memref<128x128xf32, #tpu.memory_space<hbm>>
      %dma_start3A_533 = arith.constant 0 : i32
      %dma_start3A_534 = tpu.memref_slice %arg4[%add3A_530, %dma_start3A_533] : memref<100000x128xf32, #tpu.memory_space<hbm>> -> memref<128x128xf32, #tpu.memory_space<hbm>>
      tpu.enqueue_dma source(%dma_start3A_534 : memref<128x128xf32, #tpu.memory_space<hbm>>) target(%arg9 : memref<128x128xf32, #tpu.memory_space<vmem>>) target_semaphore(%arg20 : memref<!tpu.dma_semaphore, #tpu.memory_space<semaphore_mem>>)
      %add3A_535 = arith.constant 384 : i32
      %add3A_536 = arith.addi %mul3A_517, %add3A_535 : i32
      %dma_start3A_537 = arith.constant 0 : i32
      %dma_start3A_538 = tpu.memref_slice %arg4[%add3A_536, %dma_start3A_537] : memref<100000x128xf32, #tpu.memory_space<hbm>> -> memref<128x128xf32, #tpu.memory_space<hbm>>
      %dma_start3A_539 = arith.constant 0 : i32
      %dma_start3A_540 = tpu.memref_slice %arg4[%add3A_536, %dma_start3A_539] : memref<100000x128xf32, #tpu.memory_space<hbm>> -> memref<128x128xf32, #tpu.memory_space<hbm>>
      tpu.enqueue_dma source(%dma_start3A_540 : memref<128x128xf32, #tpu.memory_space<hbm>>) target(%arg10 : memref<128x128xf32, #tpu.memory_space<vmem>>) target_semaphore(%arg21 : memref<!tpu.dma_semaphore, #tpu.memory_space<semaphore_mem>>)
      %scan3A_541 = arith.constant 0 : i32
      %scan3A_542 = arith.constant 31 : i32
      %scan3A_543 = arith.addi %scan3A_541, %scan3A_542 : i32
      %scan3A_544 = arith.constant 1 : i32
      scf.for %scan3A_592 = %scan3A_541 to %scan3A_543 step %scan3A_544  : i32 {
        %get3A_593 = arith.index_cast %scan3A_592 : i32 to index
        %get3A_594 = arith.constant 0 : index
        %get3A_595 = tpu.vector_load %arg11[%get3A_593, %get3A_594] {strides = array<i32>} : memref<50x128xi32, #tpu.memory_space<vmem>>, vector<16xi32>,
        %add3A_596 = arith.addi %mul3A_12, %get3A_595 : vector<16xi32>
        tpu.vector_store_idx %arg13[%add3A_596], %broadcast_in_dim3A_13 {add = true} : memref<16384xf32, #tpu.memory_space<vmem>>[vector<16xi32>], vector<16xf32>,
        %get3A_597 = arith.index_cast %scan3A_592 : i32 to index
        %get3A_598 = arith.constant 16 : index
        %get3A_599 = tpu.vector_load %arg11[%get3A_597, %get3A_598] {strides = array<i32>} : memref<50x128xi32, #tpu.memory_space<vmem>>, vector<16xi32>,
        %add3A_600 = arith.addi %mul3A_12, %get3A_599 : vector<16xi32>
        tpu.vector_store_idx %arg13[%add3A_600], %broadcast_in_dim3A_13 {add = true} : memref<16384xf32, #tpu.memory_space<vmem>>[vector<16xi32>], vector<16xf32>,
        %get3A_601 = arith.index_cast %scan3A_592 : i32 to index
        %get3A_602 = arith.constant 32 : index
        %get3A_603 = tpu.vector_load %arg11[%get3A_601, %get3A_602] {strides = array<i32>} : memref<50x128xi32, #tpu.memory_space<vmem>>, vector<16xi32>,
        %add3A_604 = arith.addi %mul3A_12, %get3A_603 : vector<16xi32>
        tpu.vector_store_idx %arg13[%add3A_604], %broadcast_in_dim3A_13 {add = true} : memref<16384xf32, #tpu.memory_space<vmem>>[vector<16xi32>], vector<16xf32>,
        %get3A_605 = arith.index_cast %scan3A_592 : i32 to index
        %get3A_606 = arith.constant 48 : index
        %get3A_607 = tpu.vector_load %arg11[%get3A_605, %get3A_606] {strides = array<i32>} : memref<50x128xi32, #tpu.memory_space<vmem>>, vector<16xi32>,
        %add3A_608 = arith.addi %mul3A_12, %get3A_607 : vector<16xi32>
        tpu.vector_store_idx %arg13[%add3A_608], %broadcast_in_dim3A_13 {add = true} : memref<16384xf32, #tpu.memory_space<vmem>>[vector<16xi32>], vector<16xf32>,
        %get3A_609 = arith.index_cast %scan3A_592 : i32 to index
        %get3A_610 = arith.constant 64 : index
        %get3A_611 = tpu.vector_load %arg11[%get3A_609, %get3A_610] {strides = array<i32>} : memref<50x128xi32, #tpu.memory_space<vmem>>, vector<16xi32>,
        %add3A_612 = arith.addi %mul3A_12, %get3A_611 : vector<16xi32>
        tpu.vector_store_idx %arg13[%add3A_612], %broadcast_in_dim3A_13 {add = true} : memref<16384xf32, #tpu.memory_space<vmem>>[vector<16xi32>], vector<16xf32>,
        %get3A_613 = arith.index_cast %scan3A_592 : i32 to index
        %get3A_614 = arith.constant 80 : index
        %get3A_615 = tpu.vector_load %arg11[%get3A_613, %get3A_614] {strides = array<i32>} : memref<50x128xi32, #tpu.memory_space<vmem>>, vector<16xi32>,
        %add3A_616 = arith.addi %mul3A_12, %get3A_615 : vector<16xi32>
        tpu.vector_store_idx %arg13[%add3A_616], %broadcast_in_dim3A_13 {add = true} : memref<16384xf32, #tpu.memory_space<vmem>>[vector<16xi32>], vector<16xf32>,
        %get3A_617 = arith.index_cast %scan3A_592 : i32 to index
        %get3A_618 = arith.constant 96 : index
        %get3A_619 = tpu.vector_load %arg11[%get3A_617, %get3A_618] {strides = array<i32>} : memref<50x128xi32, #tpu.memory_space<vmem>>, vector<16xi32>,
        %add3A_620 = arith.addi %mul3A_12, %get3A_619 : vector<16xi32>
        tpu.vector_store_idx %arg13[%add3A_620], %broadcast_in_dim3A_13 {add = true} : memref<16384xf32, #tpu.memory_space<vmem>>[vector<16xi32>], vector<16xf32>,
        %get3A_621 = arith.index_cast %scan3A_592 : i32 to index
        %get3A_622 = arith.constant 112 : index
        %get3A_623 = tpu.vector_load %arg11[%get3A_621, %get3A_622] {strides = array<i32>} : memref<50x128xi32, #tpu.memory_space<vmem>>, vector<16xi32>,
        %add3A_624 = arith.addi %mul3A_12, %get3A_623 : vector<16xi32>
        tpu.vector_store_idx %arg13[%add3A_624], %broadcast_in_dim3A_13 {add = true} : memref<16384xf32, #tpu.memory_space<vmem>>[vector<16xi32>], vector<16xf32>,
      }
      %scan3A_545 = arith.constant 31 : i32
      %get3A_546 = arith.constant 31 : i32
      %get3A_547 = arith.index_cast %get3A_546 : i32 to index
      %get3A_548 = arith.constant 0 : index
      %get3A_549 = tpu.vector_load %arg11[%get3A_547, %get3A_548] {strides = array<i32>} : memref<50x128xi32, #tpu.memory_space<vmem>>, vector<16xi32>,
      %add3A_550 = arith.addi %mul3A_12, %get3A_549 : vector<16xi32>
      tpu.vector_store_idx %arg13[%add3A_550], %broadcast_in_dim3A_13 {add = true} : memref<16384xf32, #tpu.memory_space<vmem>>[vector<16xi32>], vector<16xf32>,
      %get3A_551 = arith.constant 31 : i32
      %get3A_552 = arith.index_cast %get3A_551 : i32 to index
      %get3A_553 = arith.constant 16 : index
      %get3A_554 = tpu.vector_load %arg11[%get3A_552, %get3A_553] {strides = array<i32>} : memref<50x128xi32, #tpu.memory_space<vmem>>, vector<16xi32>,
      %add3A_555 = arith.addi %mul3A_12, %get3A_554 : vector<16xi32>
      tpu.vector_store_idx %arg13[%add3A_555], %broadcast_in_dim3A_13 {add = true} : memref<16384xf32, #tpu.memory_space<vmem>>[vector<16xi32>], vector<16xf32>,
      %scan3A_556 = arith.constant 0 : i32
      %scan3A_557 = arith.constant 7 : i32
      %scan3A_558 = arith.addi %scan3A_556, %scan3A_557 : i32
      %scan3A_559 = arith.constant 1 : i32
      scf.for %scan3A_592 = %scan3A_556 to %scan3A_558 step %scan3A_559  : i32 {
        %mul3A_593 = arith.constant 4 : i32
        %mul3A_594 = arith.muli %mul3A_593, %scan3A_592 : i32
        %add3A_595 = arith.constant 0 : i32
        %add3A_596 = arith.addi %mul3A_594, %add3A_595 : i32
        %dma_wait3A_597 = arith.constant 0 : i32
        %dma_wait3A_598 = arith.constant 0 : i32
        %dma_wait3A_599 = tpu.memref_slice %arg4[%dma_wait3A_597, %dma_wait3A_598] : memref<100000x128xf32, #tpu.memory_space<hbm>> -> memref<128x128xf32, #tpu.memory_space<hbm>>
        %dma_wait3A_600 = arith.constant 0 : i32
        %dma_wait3A_601 = arith.constant 0 : i32
        %dma_wait3A_602 = tpu.memref_slice %arg4[%dma_wait3A_600, %dma_wait3A_601] : memref<100000x128xf32, #tpu.memory_space<hbm>> -> memref<128x128xf32, #tpu.memory_space<hbm>>
        tpu.wait_dma2 semaphore(%arg18 : memref<!tpu.dma_semaphore, #tpu.memory_space<semaphore_mem>>) src(%dma_wait3A_602 : memref<128x128xf32, #tpu.memory_space<hbm>>) dst(%arg7 : memref<128x128xf32, #tpu.memory_space<vmem>>)
        "tpu.region"() ({
          %run_scoped3A_661 = tpu.sem_alloc : memref<!tpu.dma_semaphore, #tpu.memory_space<semaphore_mem>>
          %dma_start3A_662 = arith.constant 0 : i32
          %dma_start3A_663 = tpu.memref_slice %arg11[%add3A_596, %dma_start3A_662] : memref<50x128xi32, #tpu.memory_space<vmem>> -> memref<1x128xi32, #tpu.memory_space<vmem>>
          %dma_start3A_664 = tpu.memref_squeeze %dma_start3A_663 : memref<1x128xi32, #tpu.memory_space<vmem>> -> memref<128xi32, #tpu.memory_space<vmem>>
          %dma_start3A_665 = arith.constant 0 : i32
          %dma_start3A_666 = arith.constant 0 : i32
          %dma_start3A_667 = tpu.memref_slice %arg22[%dma_start3A_665, %dma_start3A_666] : memref<1024x128xf32, #tpu.memory_space<vmem_shared>> -> memref<1024x128xf32, #tpu.memory_space<vmem_shared>>
          tpu.enqueue_indirect_dma source(%arg7 : memref<128x128xf32, #tpu.memory_space<vmem>>) target(%dma_start3A_667 : memref<1024x128xf32, #tpu.memory_space<vmem_shared>>) offsets(%dma_start3A_664 : memref<128xi32, #tpu.memory_space<vmem>>) semaphore(%run_scoped3A_661 : memref<!tpu.dma_semaphore, #tpu.memory_space<semaphore_mem>>) {add = true}
          %dma_wait3A_668 = arith.constant 0 : i32
          %dma_wait3A_669 = tpu.memref_slice %arg11[%add3A_596, %dma_wait3A_668] : memref<50x128xi32, #tpu.memory_space<vmem>> -> memref<1x128xi32, #tpu.memory_space<vmem>>
          %dma_wait3A_670 = tpu.memref_squeeze %dma_wait3A_669 : memref<1x128xi32, #tpu.memory_space<vmem>> -> memref<128xi32, #tpu.memory_space<vmem>>
          %dma_wait3A_671 = arith.constant 0 : i32
          %dma_wait3A_672 = arith.constant 0 : i32
          %dma_wait3A_673 = tpu.memref_slice %arg22[%dma_wait3A_671, %dma_wait3A_672] : memref<1024x128xf32, #tpu.memory_space<vmem_shared>> -> memref<1024x128xf32, #tpu.memory_space<vmem_shared>>
          tpu.wait_indirect_dma semaphore(%run_scoped3A_661 : memref<!tpu.dma_semaphore, #tpu.memory_space<semaphore_mem>>) src(%arg7 : memref<128x128xf32, #tpu.memory_space<vmem>>) dst(%dma_wait3A_673 : memref<1024x128xf32, #tpu.memory_space<vmem_shared>>)
          tpu.yield
        }) : () -> ()
        %add3A_603 = arith.constant 4 : i32
        %add3A_604 = arith.addi %add3A_596, %add3A_603 : i32
        %lt3A_605 = arith.constant 31 : i32
        %lt3A_606 = arith.cmpi slt, %add3A_604, %lt3A_605 : i32
        %convert_element_type3A_607 = arith.extui %lt3A_606 : i1 to i32
        %cond3A_608 = arith.constant 0 : i32
        %cond3A_609 = arith.cmpi ne, %convert_element_type3A_607, %cond3A_608 : i32
        scf.if %cond3A_609 {
          %add3A_661 = arith.constant 4 : i32
          %add3A_662 = arith.addi %add3A_596, %add3A_661 : i32
          %mul3A_663 = arith.constant 128 : i32
          %mul3A_664 = arith.muli %add3A_662, %mul3A_663 : i32
          %add3A_665 = arith.addi %mul3A_517, %mul3A_664 : i32
          %dma_start3A_666 = arith.constant 0 : i32
          %dma_start3A_667 = tpu.memref_slice %arg4[%add3A_665, %dma_start3A_666] : memref<100000x128xf32, #tpu.memory_space<hbm>> -> memref<128x128xf32, #tpu.memory_space<hbm>>
          %dma_start3A_668 = arith.constant 0 : i32
          %dma_start3A_669 = tpu.memref_slice %arg4[%add3A_665, %dma_start3A_668] : memref<100000x128xf32, #tpu.memory_space<hbm>> -> memref<128x128xf32, #tpu.memory_space<hbm>>
          tpu.enqueue_dma source(%dma_start3A_669 : memref<128x128xf32, #tpu.memory_space<hbm>>) target(%arg7 : memref<128x128xf32, #tpu.memory_space<vmem>>) target_semaphore(%arg18 : memref<!tpu.dma_semaphore, #tpu.memory_space<semaphore_mem>>)
        } else {
        }
        %mul3A_610 = arith.constant 4 : i32
        %mul3A_611 = arith.muli %mul3A_610, %scan3A_592 : i32
        %add3A_612 = arith.constant 1 : i32
        %add3A_613 = arith.addi %mul3A_611, %add3A_612 : i32
        %dma_wait3A_614 = arith.constant 0 : i32
        %dma_wait3A_615 = arith.constant 0 : i32
        %dma_wait3A_616 = tpu.memref_slice %arg4[%dma_wait3A_614, %dma_wait3A_615] : memref<100000x128xf32, #tpu.memory_space<hbm>> -> memref<128x128xf32, #tpu.memory_space<hbm>>
        %dma_wait3A_617 = arith.constant 0 : i32
        %dma_wait3A_618 = arith.constant 0 : i32
        %dma_wait3A_619 = tpu.memref_slice %arg4[%dma_wait3A_617, %dma_wait3A_618] : memref<100000x128xf32, #tpu.memory_space<hbm>> -> memref<128x128xf32, #tpu.memory_space<hbm>>
        tpu.wait_dma2 semaphore(%arg19 : memref<!tpu.dma_semaphore, #tpu.memory_space<semaphore_mem>>) src(%dma_wait3A_619 : memref<128x128xf32, #tpu.memory_space<hbm>>) dst(%arg8 : memref<128x128xf32, #tpu.memory_space<vmem>>)
        "tpu.region"() ({
          %run_scoped3A_661 = tpu.sem_alloc : memref<!tpu.dma_semaphore, #tpu.memory_space<semaphore_mem>>
          %dma_start3A_662 = arith.constant 0 : i32
          %dma_start3A_663 = tpu.memref_slice %arg11[%add3A_613, %dma_start3A_662] : memref<50x128xi32, #tpu.memory_space<vmem>> -> memref<1x128xi32, #tpu.memory_space<vmem>>
          %dma_start3A_664 = tpu.memref_squeeze %dma_start3A_663 : memref<1x128xi32, #tpu.memory_space<vmem>> -> memref<128xi32, #tpu.memory_space<vmem>>
          %dma_start3A_665 = arith.constant 0 : i32
          %dma_start3A_666 = arith.constant 0 : i32
          %dma_start3A_667 = tpu.memref_slice %arg22[%dma_start3A_665, %dma_start3A_666] : memref<1024x128xf32, #tpu.memory_space<vmem_shared>> -> memref<1024x128xf32, #tpu.memory_space<vmem_shared>>
          tpu.enqueue_indirect_dma source(%arg8 : memref<128x128xf32, #tpu.memory_space<vmem>>) target(%dma_start3A_667 : memref<1024x128xf32, #tpu.memory_space<vmem_shared>>) offsets(%dma_start3A_664 : memref<128xi32, #tpu.memory_space<vmem>>) semaphore(%run_scoped3A_661 : memref<!tpu.dma_semaphore, #tpu.memory_space<semaphore_mem>>) {add = true}
          %dma_wait3A_668 = arith.constant 0 : i32
          %dma_wait3A_669 = tpu.memref_slice %arg11[%add3A_613, %dma_wait3A_668] : memref<50x128xi32, #tpu.memory_space<vmem>> -> memref<1x128xi32, #tpu.memory_space<vmem>>
          %dma_wait3A_670 = tpu.memref_squeeze %dma_wait3A_669 : memref<1x128xi32, #tpu.memory_space<vmem>> -> memref<128xi32, #tpu.memory_space<vmem>>
          %dma_wait3A_671 = arith.constant 0 : i32
          %dma_wait3A_672 = arith.constant 0 : i32
          %dma_wait3A_673 = tpu.memref_slice %arg22[%dma_wait3A_671, %dma_wait3A_672] : memref<1024x128xf32, #tpu.memory_space<vmem_shared>> -> memref<1024x128xf32, #tpu.memory_space<vmem_shared>>
          tpu.wait_indirect_dma semaphore(%run_scoped3A_661 : memref<!tpu.dma_semaphore, #tpu.memory_space<semaphore_mem>>) src(%arg8 : memref<128x128xf32, #tpu.memory_space<vmem>>) dst(%dma_wait3A_673 : memref<1024x128xf32, #tpu.memory_space<vmem_shared>>)
          tpu.yield
        }) : () -> ()
        %add3A_620 = arith.constant 4 : i32
        %add3A_621 = arith.addi %add3A_613, %add3A_620 : i32
        %lt3A_622 = arith.constant 31 : i32
        %lt3A_623 = arith.cmpi slt, %add3A_621, %lt3A_622 : i32
        %convert_element_type3A_624 = arith.extui %lt3A_623 : i1 to i32
        %cond3A_625 = arith.constant 0 : i32
        %cond3A_626 = arith.cmpi ne, %convert_element_type3A_624, %cond3A_625 : i32
        scf.if %cond3A_626 {
          %add3A_661 = arith.constant 4 : i32
          %add3A_662 = arith.addi %add3A_613, %add3A_661 : i32
          %mul3A_663 = arith.constant 128 : i32
          %mul3A_664 = arith.muli %add3A_662, %mul3A_663 : i32
          %add3A_665 = arith.addi %mul3A_517, %mul3A_664 : i32
          %dma_start3A_666 = arith.constant 0 : i32
          %dma_start3A_667 = tpu.memref_slice %arg4[%add3A_665, %dma_start3A_666] : memref<100000x128xf32, #tpu.memory_space<hbm>> -> memref<128x128xf32, #tpu.memory_space<hbm>>
          %dma_start3A_668 = arith.constant 0 : i32
          %dma_start3A_669 = tpu.memref_slice %arg4[%add3A_665, %dma_start3A_668] : memref<100000x128xf32, #tpu.memory_space<hbm>> -> memref<128x128xf32, #tpu.memory_space<hbm>>
          tpu.enqueue_dma source(%dma_start3A_669 : memref<128x128xf32, #tpu.memory_space<hbm>>) target(%arg8 : memref<128x128xf32, #tpu.memory_space<vmem>>) target_semaphore(%arg19 : memref<!tpu.dma_semaphore, #tpu.memory_space<semaphore_mem>>)
        } else {
        }
        %mul3A_627 = arith.constant 4 : i32
        %mul3A_628 = arith.muli %mul3A_627, %scan3A_592 : i32
        %add3A_629 = arith.constant 2 : i32
        %add3A_630 = arith.addi %mul3A_628, %add3A_629 : i32
        %dma_wait3A_631 = arith.constant 0 : i32
        %dma_wait3A_632 = arith.constant 0 : i32
        %dma_wait3A_633 = tpu.memref_slice %arg4[%dma_wait3A_631, %dma_wait3A_632] : memref<100000x128xf32, #tpu.memory_space<hbm>> -> memref<128x128xf32, #tpu.memory_space<hbm>>
        %dma_wait3A_634 = arith.constant 0 : i32
        %dma_wait3A_635 = arith.constant 0 : i32
        %dma_wait3A_636 = tpu.memref_slice %arg4[%dma_wait3A_634, %dma_wait3A_635] : memref<100000x128xf32, #tpu.memory_space<hbm>> -> memref<128x128xf32, #tpu.memory_space<hbm>>
        tpu.wait_dma2 semaphore(%arg20 : memref<!tpu.dma_semaphore, #tpu.memory_space<semaphore_mem>>) src(%dma_wait3A_636 : memref<128x128xf32, #tpu.memory_space<hbm>>) dst(%arg9 : memref<128x128xf32, #tpu.memory_space<vmem>>)
        "tpu.region"() ({
          %run_scoped3A_661 = tpu.sem_alloc : memref<!tpu.dma_semaphore, #tpu.memory_space<semaphore_mem>>
          %dma_start3A_662 = arith.constant 0 : i32
          %dma_start3A_663 = tpu.memref_slice %arg11[%add3A_630, %dma_start3A_662] : memref<50x128xi32, #tpu.memory_space<vmem>> -> memref<1x128xi32, #tpu.memory_space<vmem>>
          %dma_start3A_664 = tpu.memref_squeeze %dma_start3A_663 : memref<1x128xi32, #tpu.memory_space<vmem>> -> memref<128xi32, #tpu.memory_space<vmem>>
          %dma_start3A_665 = arith.constant 0 : i32
          %dma_start3A_666 = arith.constant 0 : i32
          %dma_start3A_667 = tpu.memref_slice %arg22[%dma_start3A_665, %dma_start3A_666] : memref<1024x128xf32, #tpu.memory_space<vmem_shared>> -> memref<1024x128xf32, #tpu.memory_space<vmem_shared>>
          tpu.enqueue_indirect_dma source(%arg9 : memref<128x128xf32, #tpu.memory_space<vmem>>) target(%dma_start3A_667 : memref<1024x128xf32, #tpu.memory_space<vmem_shared>>) offsets(%dma_start3A_664 : memref<128xi32, #tpu.memory_space<vmem>>) semaphore(%run_scoped3A_661 : memref<!tpu.dma_semaphore, #tpu.memory_space<semaphore_mem>>) {add = true}
          %dma_wait3A_668 = arith.constant 0 : i32
          %dma_wait3A_669 = tpu.memref_slice %arg11[%add3A_630, %dma_wait3A_668] : memref<50x128xi32, #tpu.memory_space<vmem>> -> memref<1x128xi32, #tpu.memory_space<vmem>>
          %dma_wait3A_670 = tpu.memref_squeeze %dma_wait3A_669 : memref<1x128xi32, #tpu.memory_space<vmem>> -> memref<128xi32, #tpu.memory_space<vmem>>
          %dma_wait3A_671 = arith.constant 0 : i32
          %dma_wait3A_672 = arith.constant 0 : i32
          %dma_wait3A_673 = tpu.memref_slice %arg22[%dma_wait3A_671, %dma_wait3A_672] : memref<1024x128xf32, #tpu.memory_space<vmem_shared>> -> memref<1024x128xf32, #tpu.memory_space<vmem_shared>>
          tpu.wait_indirect_dma semaphore(%run_scoped3A_661 : memref<!tpu.dma_semaphore, #tpu.memory_space<semaphore_mem>>) src(%arg9 : memref<128x128xf32, #tpu.memory_space<vmem>>) dst(%dma_wait3A_673 : memref<1024x128xf32, #tpu.memory_space<vmem_shared>>)
          tpu.yield
        }) : () -> ()
        %add3A_637 = arith.constant 4 : i32
        %add3A_638 = arith.addi %add3A_630, %add3A_637 : i32
        %lt3A_639 = arith.constant 31 : i32
        %lt3A_640 = arith.cmpi slt, %add3A_638, %lt3A_639 : i32
        %convert_element_type3A_641 = arith.extui %lt3A_640 : i1 to i32
        %cond3A_642 = arith.constant 0 : i32
        %cond3A_643 = arith.cmpi ne, %convert_element_type3A_641, %cond3A_642 : i32
        scf.if %cond3A_643 {
          %add3A_661 = arith.constant 4 : i32
          %add3A_662 = arith.addi %add3A_630, %add3A_661 : i32
          %mul3A_663 = arith.constant 128 : i32
          %mul3A_664 = arith.muli %add3A_662, %mul3A_663 : i32
          %add3A_665 = arith.addi %mul3A_517, %mul3A_664 : i32
          %dma_start3A_666 = arith.constant 0 : i32
          %dma_start3A_667 = tpu.memref_slice %arg4[%add3A_665, %dma_start3A_666] : memref<100000x128xf32, #tpu.memory_space<hbm>> -> memref<128x128xf32, #tpu.memory_space<hbm>>
          %dma_start3A_668 = arith.constant 0 : i32
          %dma_start3A_669 = tpu.memref_slice %arg4[%add3A_665, %dma_start3A_668] : memref<100000x128xf32, #tpu.memory_space<hbm>> -> memref<128x128xf32, #tpu.memory_space<hbm>>
          tpu.enqueue_dma source(%dma_start3A_669 : memref<128x128xf32, #tpu.memory_space<hbm>>) target(%arg9 : memref<128x128xf32, #tpu.memory_space<vmem>>) target_semaphore(%arg20 : memref<!tpu.dma_semaphore, #tpu.memory_space<semaphore_mem>>)
        } else {
        }
        %mul3A_644 = arith.constant 4 : i32
        %mul3A_645 = arith.muli %mul3A_644, %scan3A_592 : i32
        %add3A_646 = arith.constant 3 : i32
        %add3A_647 = arith.addi %mul3A_645, %add3A_646 : i32
        %dma_wait3A_648 = arith.constant 0 : i32
        %dma_wait3A_649 = arith.constant 0 : i32
        %dma_wait3A_650 = tpu.memref_slice %arg4[%dma_wait3A_648, %dma_wait3A_649] : memref<100000x128xf32, #tpu.memory_space<hbm>> -> memref<128x128xf32, #tpu.memory_space<hbm>>
        %dma_wait3A_651 = arith.constant 0 : i32
        %dma_wait3A_652 = arith.constant 0 : i32
        %dma_wait3A_653 = tpu.memref_slice %arg4[%dma_wait3A_651, %dma_wait3A_652] : memref<100000x128xf32, #tpu.memory_space<hbm>> -> memref<128x128xf32, #tpu.memory_space<hbm>>
        tpu.wait_dma2 semaphore(%arg21 : memref<!tpu.dma_semaphore, #tpu.memory_space<semaphore_mem>>) src(%dma_wait3A_653 : memref<128x128xf32, #tpu.memory_space<hbm>>) dst(%arg10 : memref<128x128xf32, #tpu.memory_space<vmem>>)
        "tpu.region"() ({
          %run_scoped3A_661 = tpu.sem_alloc : memref<!tpu.dma_semaphore, #tpu.memory_space<semaphore_mem>>
          %dma_start3A_662 = arith.constant 0 : i32
          %dma_start3A_663 = tpu.memref_slice %arg11[%add3A_647, %dma_start3A_662] : memref<50x128xi32, #tpu.memory_space<vmem>> -> memref<1x128xi32, #tpu.memory_space<vmem>>
          %dma_start3A_664 = tpu.memref_squeeze %dma_start3A_663 : memref<1x128xi32, #tpu.memory_space<vmem>> -> memref<128xi32, #tpu.memory_space<vmem>>
          %dma_start3A_665 = arith.constant 0 : i32
          %dma_start3A_666 = arith.constant 0 : i32
          %dma_start3A_667 = tpu.memref_slice %arg22[%dma_start3A_665, %dma_start3A_666] : memref<1024x128xf32, #tpu.memory_space<vmem_shared>> -> memref<1024x128xf32, #tpu.memory_space<vmem_shared>>
          tpu.enqueue_indirect_dma source(%arg10 : memref<128x128xf32, #tpu.memory_space<vmem>>) target(%dma_start3A_667 : memref<1024x128xf32, #tpu.memory_space<vmem_shared>>) offsets(%dma_start3A_664 : memref<128xi32, #tpu.memory_space<vmem>>) semaphore(%run_scoped3A_661 : memref<!tpu.dma_semaphore, #tpu.memory_space<semaphore_mem>>) {add = true}
          %dma_wait3A_668 = arith.constant 0 : i32
          %dma_wait3A_669 = tpu.memref_slice %arg11[%add3A_647, %dma_wait3A_668] : memref<50x128xi32, #tpu.memory_space<vmem>> -> memref<1x128xi32, #tpu.memory_space<vmem>>
          %dma_wait3A_670 = tpu.memref_squeeze %dma_wait3A_669 : memref<1x128xi32, #tpu.memory_space<vmem>> -> memref<128xi32, #tpu.memory_space<vmem>>
          %dma_wait3A_671 = arith.constant 0 : i32
          %dma_wait3A_672 = arith.constant 0 : i32
          %dma_wait3A_673 = tpu.memref_slice %arg22[%dma_wait3A_671, %dma_wait3A_672] : memref<1024x128xf32, #tpu.memory_space<vmem_shared>> -> memref<1024x128xf32, #tpu.memory_space<vmem_shared>>
          tpu.wait_indirect_dma semaphore(%run_scoped3A_661 : memref<!tpu.dma_semaphore, #tpu.memory_space<semaphore_mem>>) src(%arg10 : memref<128x128xf32, #tpu.memory_space<vmem>>) dst(%dma_wait3A_673 : memref<1024x128xf32, #tpu.memory_space<vmem_shared>>)
          tpu.yield
        }) : () -> ()
        %add3A_654 = arith.constant 4 : i32
        %add3A_655 = arith.addi %add3A_647, %add3A_654 : i32
        %lt3A_656 = arith.constant 31 : i32
        %lt3A_657 = arith.cmpi slt, %add3A_655, %lt3A_656 : i32
        %convert_element_type3A_658 = arith.extui %lt3A_657 : i1 to i32
        %cond3A_659 = arith.constant 0 : i32
        %cond3A_660 = arith.cmpi ne, %convert_element_type3A_658, %cond3A_659 : i32
        scf.if %cond3A_660 {
          %add3A_661 = arith.constant 4 : i32
          %add3A_662 = arith.addi %add3A_647, %add3A_661 : i32
          %mul3A_663 = arith.constant 128 : i32
          %mul3A_664 = arith.muli %add3A_662, %mul3A_663 : i32
          %add3A_665 = arith.addi %mul3A_517, %mul3A_664 : i32
          %dma_start3A_666 = arith.constant 0 : i32
          %dma_start3A_667 = tpu.memref_slice %arg4[%add3A_665, %dma_start3A_666] : memref<100000x128xf32, #tpu.memory_space<hbm>> -> memref<128x128xf32, #tpu.memory_space<hbm>>
          %dma_start3A_668 = arith.constant 0 : i32
          %dma_start3A_669 = tpu.memref_slice %arg4[%add3A_665, %dma_start3A_668] : memref<100000x128xf32, #tpu.memory_space<hbm>> -> memref<128x128xf32, #tpu.memory_space<hbm>>
          tpu.enqueue_dma source(%dma_start3A_669 : memref<128x128xf32, #tpu.memory_space<hbm>>) target(%arg10 : memref<128x128xf32, #tpu.memory_space<vmem>>) target_semaphore(%arg21 : memref<!tpu.dma_semaphore, #tpu.memory_space<semaphore_mem>>)
        } else {
        }
      }
      %scan3A_560 = arith.constant 7 : i32
      %dma_wait3A = arith.constant 0 : i32
      %dma_wait3A_561 = arith.constant 0 : i32
      %dma_wait3A_562 = tpu.memref_slice %arg4[%dma_wait3A, %dma_wait3A_561] : memref<100000x128xf32, #tpu.memory_space<hbm>> -> memref<128x128xf32, #tpu.memory_space<hbm>>
      %dma_wait3A_563 = arith.constant 0 : i32
      %dma_wait3A_564 = arith.constant 0 : i32
      %dma_wait3A_565 = tpu.memref_slice %arg4[%dma_wait3A_563, %dma_wait3A_564] : memref<100000x128xf32, #tpu.memory_space<hbm>> -> memref<128x128xf32, #tpu.memory_space<hbm>>
      tpu.wait_dma2 semaphore(%arg18 : memref<!tpu.dma_semaphore, #tpu.memory_space<semaphore_mem>>) src(%dma_wait3A_565 : memref<128x128xf32, #tpu.memory_space<hbm>>) dst(%arg7 : memref<128x128xf32, #tpu.memory_space<vmem>>)
      %run_scoped3A = arith.constant 28 : i32
      "tpu.region"() ({
        %run_scoped3A_592 = tpu.sem_alloc : memref<!tpu.dma_semaphore, #tpu.memory_space<semaphore_mem>>
        %dma_start3A_593 = arith.constant 0 : i32
        %dma_start3A_594 = tpu.memref_slice %arg11[%run_scoped3A, %dma_start3A_593] : memref<50x128xi32, #tpu.memory_space<vmem>> -> memref<1x128xi32, #tpu.memory_space<vmem>>
        %dma_start3A_595 = tpu.memref_squeeze %dma_start3A_594 : memref<1x128xi32, #tpu.memory_space<vmem>> -> memref<128xi32, #tpu.memory_space<vmem>>
        %dma_start3A_596 = arith.constant 0 : i32
        %dma_start3A_597 = arith.constant 0 : i32
        %dma_start3A_598 = tpu.memref_slice %arg22[%dma_start3A_596, %dma_start3A_597] : memref<1024x128xf32, #tpu.memory_space<vmem_shared>> -> memref<1024x128xf32, #tpu.memory_space<vmem_shared>>
        tpu.enqueue_indirect_dma source(%arg7 : memref<128x128xf32, #tpu.memory_space<vmem>>) target(%dma_start3A_598 : memref<1024x128xf32, #tpu.memory_space<vmem_shared>>) offsets(%dma_start3A_595 : memref<128xi32, #tpu.memory_space<vmem>>) semaphore(%run_scoped3A_592 : memref<!tpu.dma_semaphore, #tpu.memory_space<semaphore_mem>>) {add = true}
        %dma_wait3A_599 = arith.constant 0 : i32
        %dma_wait3A_600 = tpu.memref_slice %arg11[%run_scoped3A, %dma_wait3A_599] : memref<50x128xi32, #tpu.memory_space<vmem>> -> memref<1x128xi32, #tpu.memory_space<vmem>>
        %dma_wait3A_601 = tpu.memref_squeeze %dma_wait3A_600 : memref<1x128xi32, #tpu.memory_space<vmem>> -> memref<128xi32, #tpu.memory_space<vmem>>
        %dma_wait3A_602 = arith.constant 0 : i32
        %dma_wait3A_603 = arith.constant 0 : i32
        %dma_wait3A_604 = tpu.memref_slice %arg22[%dma_wait3A_602, %dma_wait3A_603] : memref<1024x128xf32, #tpu.memory_space<vmem_shared>> -> memref<1024x128xf32, #tpu.memory_space<vmem_shared>>
        tpu.wait_indirect_dma semaphore(%run_scoped3A_592 : memref<!tpu.dma_semaphore, #tpu.memory_space<semaphore_mem>>) src(%arg7 : memref<128x128xf32, #tpu.memory_space<vmem>>) dst(%dma_wait3A_604 : memref<1024x128xf32, #tpu.memory_space<vmem_shared>>)
        tpu.yield
      }) : () -> ()
      %dma_wait3A_566 = arith.constant 0 : i32
      %dma_wait3A_567 = arith.constant 0 : i32
      %dma_wait3A_568 = tpu.memref_slice %arg4[%dma_wait3A_566, %dma_wait3A_567] : memref<100000x128xf32, #tpu.memory_space<hbm>> -> memref<128x128xf32, #tpu.memory_space<hbm>>
      %dma_wait3A_569 = arith.constant 0 : i32
      %dma_wait3A_570 = arith.constant 0 : i32
      %dma_wait3A_571 = tpu.memref_slice %arg4[%dma_wait3A_569, %dma_wait3A_570] : memref<100000x128xf32, #tpu.memory_space<hbm>> -> memref<128x128xf32, #tpu.memory_space<hbm>>
      tpu.wait_dma2 semaphore(%arg19 : memref<!tpu.dma_semaphore, #tpu.memory_space<semaphore_mem>>) src(%dma_wait3A_571 : memref<128x128xf32, #tpu.memory_space<hbm>>) dst(%arg8 : memref<128x128xf32, #tpu.memory_space<vmem>>)
      %run_scoped3A_572 = arith.constant 29 : i32
      "tpu.region"() ({
        %run_scoped3A_592 = tpu.sem_alloc : memref<!tpu.dma_semaphore, #tpu.memory_space<semaphore_mem>>
        %dma_start3A_593 = arith.constant 0 : i32
        %dma_start3A_594 = tpu.memref_slice %arg11[%run_scoped3A_572, %dma_start3A_593] : memref<50x128xi32, #tpu.memory_space<vmem>> -> memref<1x128xi32, #tpu.memory_space<vmem>>
        %dma_start3A_595 = tpu.memref_squeeze %dma_start3A_594 : memref<1x128xi32, #tpu.memory_space<vmem>> -> memref<128xi32, #tpu.memory_space<vmem>>
        %dma_start3A_596 = arith.constant 0 : i32
        %dma_start3A_597 = arith.constant 0 : i32
        %dma_start3A_598 = tpu.memref_slice %arg22[%dma_start3A_596, %dma_start3A_597] : memref<1024x128xf32, #tpu.memory_space<vmem_shared>> -> memref<1024x128xf32, #tpu.memory_space<vmem_shared>>
        tpu.enqueue_indirect_dma source(%arg8 : memref<128x128xf32, #tpu.memory_space<vmem>>) target(%dma_start3A_598 : memref<1024x128xf32, #tpu.memory_space<vmem_shared>>) offsets(%dma_start3A_595 : memref<128xi32, #tpu.memory_space<vmem>>) semaphore(%run_scoped3A_592 : memref<!tpu.dma_semaphore, #tpu.memory_space<semaphore_mem>>) {add = true}
        %dma_wait3A_599 = arith.constant 0 : i32
        %dma_wait3A_600 = tpu.memref_slice %arg11[%run_scoped3A_572, %dma_wait3A_599] : memref<50x128xi32, #tpu.memory_space<vmem>> -> memref<1x128xi32, #tpu.memory_space<vmem>>
        %dma_wait3A_601 = tpu.memref_squeeze %dma_wait3A_600 : memref<1x128xi32, #tpu.memory_space<vmem>> -> memref<128xi32, #tpu.memory_space<vmem>>
        %dma_wait3A_602 = arith.constant 0 : i32
        %dma_wait3A_603 = arith.constant 0 : i32
        %dma_wait3A_604 = tpu.memref_slice %arg22[%dma_wait3A_602, %dma_wait3A_603] : memref<1024x128xf32, #tpu.memory_space<vmem_shared>> -> memref<1024x128xf32, #tpu.memory_space<vmem_shared>>
        tpu.wait_indirect_dma semaphore(%run_scoped3A_592 : memref<!tpu.dma_semaphore, #tpu.memory_space<semaphore_mem>>) src(%arg8 : memref<128x128xf32, #tpu.memory_space<vmem>>) dst(%dma_wait3A_604 : memref<1024x128xf32, #tpu.memory_space<vmem_shared>>)
        tpu.yield
      }) : () -> ()
      %dma_wait3A_573 = arith.constant 0 : i32
      %dma_wait3A_574 = arith.constant 0 : i32
      %dma_wait3A_575 = tpu.memref_slice %arg4[%dma_wait3A_573, %dma_wait3A_574] : memref<100000x128xf32, #tpu.memory_space<hbm>> -> memref<128x128xf32, #tpu.memory_space<hbm>>
      %dma_wait3A_576 = arith.constant 0 : i32
      %dma_wait3A_577 = arith.constant 0 : i32
      %dma_wait3A_578 = tpu.memref_slice %arg4[%dma_wait3A_576, %dma_wait3A_577] : memref<100000x128xf32, #tpu.memory_space<hbm>> -> memref<128x128xf32, #tpu.memory_space<hbm>>
      tpu.wait_dma2 semaphore(%arg20 : memref<!tpu.dma_semaphore, #tpu.memory_space<semaphore_mem>>) src(%dma_wait3A_578 : memref<128x128xf32, #tpu.memory_space<hbm>>) dst(%arg9 : memref<128x128xf32, #tpu.memory_space<vmem>>)
      %run_scoped3A_579 = arith.constant 30 : i32
      "tpu.region"() ({
        %run_scoped3A_592 = tpu.sem_alloc : memref<!tpu.dma_semaphore, #tpu.memory_space<semaphore_mem>>
        %dma_start3A_593 = arith.constant 0 : i32
        %dma_start3A_594 = tpu.memref_slice %arg11[%run_scoped3A_579, %dma_start3A_593] : memref<50x128xi32, #tpu.memory_space<vmem>> -> memref<1x128xi32, #tpu.memory_space<vmem>>
        %dma_start3A_595 = tpu.memref_squeeze %dma_start3A_594 : memref<1x128xi32, #tpu.memory_space<vmem>> -> memref<128xi32, #tpu.memory_space<vmem>>
        %dma_start3A_596 = arith.constant 0 : i32
        %dma_start3A_597 = arith.constant 0 : i32
        %dma_start3A_598 = tpu.memref_slice %arg22[%dma_start3A_596, %dma_start3A_597] : memref<1024x128xf32, #tpu.memory_space<vmem_shared>> -> memref<1024x128xf32, #tpu.memory_space<vmem_shared>>
        tpu.enqueue_indirect_dma source(%arg9 : memref<128x128xf32, #tpu.memory_space<vmem>>) target(%dma_start3A_598 : memref<1024x128xf32, #tpu.memory_space<vmem_shared>>) offsets(%dma_start3A_595 : memref<128xi32, #tpu.memory_space<vmem>>) semaphore(%run_scoped3A_592 : memref<!tpu.dma_semaphore, #tpu.memory_space<semaphore_mem>>) {add = true}
        %dma_wait3A_599 = arith.constant 0 : i32
        %dma_wait3A_600 = tpu.memref_slice %arg11[%run_scoped3A_579, %dma_wait3A_599] : memref<50x128xi32, #tpu.memory_space<vmem>> -> memref<1x128xi32, #tpu.memory_space<vmem>>
        %dma_wait3A_601 = tpu.memref_squeeze %dma_wait3A_600 : memref<1x128xi32, #tpu.memory_space<vmem>> -> memref<128xi32, #tpu.memory_space<vmem>>
        %dma_wait3A_602 = arith.constant 0 : i32
        %dma_wait3A_603 = arith.constant 0 : i32
        %dma_wait3A_604 = tpu.memref_slice %arg22[%dma_wait3A_602, %dma_wait3A_603] : memref<1024x128xf32, #tpu.memory_space<vmem_shared>> -> memref<1024x128xf32, #tpu.memory_space<vmem_shared>>
        tpu.wait_indirect_dma semaphore(%run_scoped3A_592 : memref<!tpu.dma_semaphore, #tpu.memory_space<semaphore_mem>>) src(%arg9 : memref<128x128xf32, #tpu.memory_space<vmem>>) dst(%dma_wait3A_604 : memref<1024x128xf32, #tpu.memory_space<vmem_shared>>)
        tpu.yield
      }) : () -> ()
      %get3A_580 = arith.constant 31 : i32
      %get3A_581 = arith.index_cast %get3A_580 : i32 to index
      %get3A_582 = arith.constant 0 : index
      %get3A_583 = tpu.vector_load %arg11[%get3A_581, %get3A_582] {strides = array<i32>} : memref<50x128xi32, #tpu.memory_space<vmem>>, vector<16xi32>,
      %swap3A_584 = arith.constant 0 : index
      %swap3A_585 = tpu.vector_load %arg12[%swap3A_584] {strides = array<i32>} : memref<32xi32, #tpu.memory_space<vmem>>, vector<16xi32>,
      tpu.vector_store %arg12[%swap3A_584], %get3A_583 {strides = array<i32>} : memref<32xi32, #tpu.memory_space<vmem>>, vector<16xi32>,
      %get3A_586 = arith.constant 31 : i32
      %get3A_587 = arith.index_cast %get3A_586 : i32 to index
      %get3A_588 = arith.constant 16 : index
      %get3A_589 = tpu.vector_load %arg11[%get3A_587, %get3A_588] {strides = array<i32>} : memref<50x128xi32, #tpu.memory_space<vmem>>, vector<16xi32>,
      %swap3A_590 = arith.constant 16 : index
      %swap3A_591 = tpu.vector_load %arg12[%swap3A_590] {strides = array<i32>} : memref<32xi32, #tpu.memory_space<vmem>>, vector<16xi32>,
      tpu.vector_store %arg12[%swap3A_590], %get3A_589 {strides = array<i32>} : memref<32xi32, #tpu.memory_space<vmem>>, vector<16xi32>,
      "tpu.region"() ({
        %run_scoped3A_592 = tpu.sem_alloc : memref<!tpu.dma_semaphore, #tpu.memory_space<semaphore_mem>>
        %dma_start3A_593 = arith.constant 0 : i32
        %dma_start3A_594 = arith.constant 0 : i32
        %dma_start3A_595 = tpu.memref_slice %arg7[%dma_start3A_593, %dma_start3A_594] : memref<128x128xf32, #tpu.memory_space<vmem>> -> memref<32x128xf32, #tpu.memory_space<vmem>>
        %dma_start3A_596 = arith.constant 99968 : i32
        %dma_start3A_597 = arith.constant 0 : i32
        %dma_start3A_598 = tpu.memref_slice %arg4[%dma_start3A_596, %dma_start3A_597] : memref<100000x128xf32, #tpu.memory_space<hbm>> -> memref<32x128xf32, #tpu.memory_space<hbm>>
        %dma_start3A_599 = arith.constant 0 : i32
        %dma_start3A_600 = arith.constant 0 : i32
        %dma_start3A_601 = tpu.memref_slice %arg7[%dma_start3A_599, %dma_start3A_600] : memref<128x128xf32, #tpu.memory_space<vmem>> -> memref<32x128xf32, #tpu.memory_space<vmem>>
        %dma_start3A_602 = arith.constant 99968 : i32
        %dma_start3A_603 = arith.constant 0 : i32
        %dma_start3A_604 = tpu.memref_slice %arg4[%dma_start3A_602, %dma_start3A_603] : memref<100000x128xf32, #tpu.memory_space<hbm>> -> memref<32x128xf32, #tpu.memory_space<hbm>>
        tpu.enqueue_dma source(%dma_start3A_604 : memref<32x128xf32, #tpu.memory_space<hbm>>) target(%dma_start3A_601 : memref<32x128xf32, #tpu.memory_space<vmem>>) target_semaphore(%run_scoped3A_592 : memref<!tpu.dma_semaphore, #tpu.memory_space<semaphore_mem>>)
        %dma_wait3A_605 = arith.constant 0 : i32
        %dma_wait3A_606 = arith.constant 0 : i32
        %dma_wait3A_607 = tpu.memref_slice %arg7[%dma_wait3A_605, %dma_wait3A_606] : memref<128x128xf32, #tpu.memory_space<vmem>> -> memref<32x128xf32, #tpu.memory_space<vmem>>
        %dma_wait3A_608 = arith.constant 99968 : i32
        %dma_wait3A_609 = arith.constant 0 : i32
        %dma_wait3A_610 = tpu.memref_slice %arg4[%dma_wait3A_608, %dma_wait3A_609] : memref<100000x128xf32, #tpu.memory_space<hbm>> -> memref<32x128xf32, #tpu.memory_space<hbm>>
        %dma_wait3A_611 = arith.constant 0 : i32
        %dma_wait3A_612 = arith.constant 0 : i32
        %dma_wait3A_613 = tpu.memref_slice %arg7[%dma_wait3A_611, %dma_wait3A_612] : memref<128x128xf32, #tpu.memory_space<vmem>> -> memref<32x128xf32, #tpu.memory_space<vmem>>
        %dma_wait3A_614 = arith.constant 99968 : i32
        %dma_wait3A_615 = arith.constant 0 : i32
        %dma_wait3A_616 = tpu.memref_slice %arg4[%dma_wait3A_614, %dma_wait3A_615] : memref<100000x128xf32, #tpu.memory_space<hbm>> -> memref<32x128xf32, #tpu.memory_space<hbm>>
        tpu.wait_dma2 semaphore(%run_scoped3A_592 : memref<!tpu.dma_semaphore, #tpu.memory_space<semaphore_mem>>) src(%dma_wait3A_616 : memref<32x128xf32, #tpu.memory_space<hbm>>) dst(%dma_wait3A_613 : memref<32x128xf32, #tpu.memory_space<vmem>>)
        tpu.yield
      }) : () -> ()
      "tpu.region"() ({
        %run_scoped3A_592 = tpu.sem_alloc : memref<!tpu.dma_semaphore, #tpu.memory_space<semaphore_mem>>
        %dma_start3A_593 = arith.constant 0 : i32
        %dma_start3A_594 = arith.constant 0 : i32
        %dma_start3A_595 = tpu.memref_slice %arg7[%dma_start3A_593, %dma_start3A_594] : memref<128x128xf32, #tpu.memory_space<vmem>> -> memref<32x128xf32, #tpu.memory_space<vmem>>
        %dma_start3A_596 = arith.constant 0 : i32
        %dma_start3A_597 = arith.constant 0 : i32
        %dma_start3A_598 = tpu.memref_slice %arg22[%dma_start3A_596, %dma_start3A_597] : memref<1024x128xf32, #tpu.memory_space<vmem_shared>> -> memref<1024x128xf32, #tpu.memory_space<vmem_shared>>
        tpu.enqueue_indirect_dma source(%dma_start3A_595 : memref<32x128xf32, #tpu.memory_space<vmem>>) target(%dma_start3A_598 : memref<1024x128xf32, #tpu.memory_space<vmem_shared>>) offsets(%arg12 : memref<32xi32, #tpu.memory_space<vmem>>) semaphore(%run_scoped3A_592 : memref<!tpu.dma_semaphore, #tpu.memory_space<semaphore_mem>>) {add = true}
        %dma_wait3A_599 = arith.constant 0 : i32
        %dma_wait3A_600 = arith.constant 0 : i32
        %dma_wait3A_601 = tpu.memref_slice %arg7[%dma_wait3A_599, %dma_wait3A_600] : memref<128x128xf32, #tpu.memory_space<vmem>> -> memref<32x128xf32, #tpu.memory_space<vmem>>
        %dma_wait3A_602 = arith.constant 0 : i32
        %dma_wait3A_603 = arith.constant 0 : i32
        %dma_wait3A_604 = tpu.memref_slice %arg22[%dma_wait3A_602, %dma_wait3A_603] : memref<1024x128xf32, #tpu.memory_space<vmem_shared>> -> memref<1024x128xf32, #tpu.memory_space<vmem_shared>>
        tpu.wait_indirect_dma semaphore(%run_scoped3A_592 : memref<!tpu.dma_semaphore, #tpu.memory_space<semaphore_mem>>) src(%dma_wait3A_601 : memref<32x128xf32, #tpu.memory_space<vmem>>) dst(%dma_wait3A_604 : memref<1024x128xf32, #tpu.memory_space<vmem_shared>>)
        tpu.yield
      }) : () -> ()
    } else {
    }
    %scan3A_41 = arith.constant 0 : i32
    %scan3A_42 = arith.constant 64 : i32
    %scan3A_43 = arith.addi %scan3A_41, %scan3A_42 : i32
    %scan3A_44 = arith.constant 1 : i32
    scf.for %scan3A_516 = %scan3A_41 to %scan3A_43 step %scan3A_44  : i32 {
      %broadcast_in_dim3A_517 = arith.constant 0.000000e+00 : f32
      %broadcast_in_dim3A_518 = vector.broadcast %broadcast_in_dim3A_517 : f32 to vector<16xf32>
      %mul3A_519 = arith.constant 16 : i32
      %mul3A_520 = arith.muli %mul3A_519, %scan3A_516 : i32
      %add3A_521 = arith.constant 0 : i32
      %add3A_522 = arith.addi %add3A_521, %mul3A_520 : i32
      %get3A_523 = arith.index_cast %add3A_522 : i32 to index
      %get3A_524 = tpu.vector_load %arg13[%get3A_523] {strides = array<i32>} : memref<16384xf32, #tpu.memory_space<vmem>>, vector<16xf32>,
      %add3A_525 = arith.addf %broadcast_in_dim3A_518, %get3A_524 : vector<16xf32>
      %mul3A_526 = arith.constant 16 : i32
      %mul3A_527 = arith.muli %mul3A_526, %scan3A_516 : i32
      %add3A_528 = arith.constant 1024 : i32
      %add3A_529 = arith.addi %add3A_528, %mul3A_527 : i32
      %get3A_530 = arith.index_cast %add3A_529 : i32 to index
      %get3A_531 = tpu.vector_load %arg13[%get3A_530] {strides = array<i32>} : memref<16384xf32, #tpu.memory_space<vmem>>, vector<16xf32>,
      %add3A_532 = arith.addf %add3A_525, %get3A_531 : vector<16xf32>
      %mul3A_533 = arith.constant 16 : i32
      %mul3A_534 = arith.muli %mul3A_533, %scan3A_516 : i32
      %add3A_535 = arith.constant 2048 : i32
      %add3A_536 = arith.addi %add3A_535, %mul3A_534 : i32
      %get3A_537 = arith.index_cast %add3A_536 : i32 to index
      %get3A_538 = tpu.vector_load %arg13[%get3A_537] {strides = array<i32>} : memref<16384xf32, #tpu.memory_space<vmem>>, vector<16xf32>,
      %add3A_539 = arith.addf %add3A_532, %get3A_538 : vector<16xf32>
      %mul3A_540 = arith.constant 16 : i32
      %mul3A_541 = arith.muli %mul3A_540, %scan3A_516 : i32
      %add3A_542 = arith.constant 3072 : i32
      %add3A_543 = arith.addi %add3A_542, %mul3A_541 : i32
      %get3A_544 = arith.index_cast %add3A_543 : i32 to index
      %get3A_545 = tpu.vector_load %arg13[%get3A_544] {strides = array<i32>} : memref<16384xf32, #tpu.memory_space<vmem>>, vector<16xf32>,
      %add3A_546 = arith.addf %add3A_539, %get3A_545 : vector<16xf32>
      %mul3A_547 = arith.constant 16 : i32
      %mul3A_548 = arith.muli %mul3A_547, %scan3A_516 : i32
      %add3A_549 = arith.constant 4096 : i32
      %add3A_550 = arith.addi %add3A_549, %mul3A_548 : i32
      %get3A_551 = arith.index_cast %add3A_550 : i32 to index
      %get3A_552 = tpu.vector_load %arg13[%get3A_551] {strides = array<i32>} : memref<16384xf32, #tpu.memory_space<vmem>>, vector<16xf32>,
      %add3A_553 = arith.addf %add3A_546, %get3A_552 : vector<16xf32>
      %mul3A_554 = arith.constant 16 : i32
      %mul3A_555 = arith.muli %mul3A_554, %scan3A_516 : i32
      %add3A_556 = arith.constant 5120 : i32
      %add3A_557 = arith.addi %add3A_556, %mul3A_555 : i32
      %get3A_558 = arith.index_cast %add3A_557 : i32 to index
      %get3A_559 = tpu.vector_load %arg13[%get3A_558] {strides = array<i32>} : memref<16384xf32, #tpu.memory_space<vmem>>, vector<16xf32>,
      %add3A_560 = arith.addf %add3A_553, %get3A_559 : vector<16xf32>
      %mul3A_561 = arith.constant 16 : i32
      %mul3A_562 = arith.muli %mul3A_561, %scan3A_516 : i32
      %add3A_563 = arith.constant 6144 : i32
      %add3A_564 = arith.addi %add3A_563, %mul3A_562 : i32
      %get3A_565 = arith.index_cast %add3A_564 : i32 to index
      %get3A_566 = tpu.vector_load %arg13[%get3A_565] {strides = array<i32>} : memref<16384xf32, #tpu.memory_space<vmem>>, vector<16xf32>,
      %add3A_567 = arith.addf %add3A_560, %get3A_566 : vector<16xf32>
      %mul3A_568 = arith.constant 16 : i32
      %mul3A_569 = arith.muli %mul3A_568, %scan3A_516 : i32
      %add3A_570 = arith.constant 7168 : i32
      %add3A_571 = arith.addi %add3A_570, %mul3A_569 : i32
      %get3A_572 = arith.index_cast %add3A_571 : i32 to index
      %get3A_573 = tpu.vector_load %arg13[%get3A_572] {strides = array<i32>} : memref<16384xf32, #tpu.memory_space<vmem>>, vector<16xf32>,
      %add3A_574 = arith.addf %add3A_567, %get3A_573 : vector<16xf32>
      %mul3A_575 = arith.constant 16 : i32
      %mul3A_576 = arith.muli %mul3A_575, %scan3A_516 : i32
      %add3A_577 = arith.constant 8192 : i32
      %add3A_578 = arith.addi %add3A_577, %mul3A_576 : i32
      %get3A_579 = arith.index_cast %add3A_578 : i32 to index
      %get3A_580 = tpu.vector_load %arg13[%get3A_579] {strides = array<i32>} : memref<16384xf32, #tpu.memory_space<vmem>>, vector<16xf32>,
      %add3A_581 = arith.addf %add3A_574, %get3A_580 : vector<16xf32>
      %mul3A_582 = arith.constant 16 : i32
      %mul3A_583 = arith.muli %mul3A_582, %scan3A_516 : i32
      %add3A_584 = arith.constant 9216 : i32
      %add3A_585 = arith.addi %add3A_584, %mul3A_583 : i32
      %get3A_586 = arith.index_cast %add3A_585 : i32 to index
      %get3A_587 = tpu.vector_load %arg13[%get3A_586] {strides = array<i32>} : memref<16384xf32, #tpu.memory_space<vmem>>, vector<16xf32>,
      %add3A_588 = arith.addf %add3A_581, %get3A_587 : vector<16xf32>
      %mul3A_589 = arith.constant 16 : i32
      %mul3A_590 = arith.muli %mul3A_589, %scan3A_516 : i32
      %add3A_591 = arith.constant 10240 : i32
      %add3A_592 = arith.addi %add3A_591, %mul3A_590 : i32
      %get3A_593 = arith.index_cast %add3A_592 : i32 to index
      %get3A_594 = tpu.vector_load %arg13[%get3A_593] {strides = array<i32>} : memref<16384xf32, #tpu.memory_space<vmem>>, vector<16xf32>,
      %add3A_595 = arith.addf %add3A_588, %get3A_594 : vector<16xf32>
      %mul3A_596 = arith.constant 16 : i32
      %mul3A_597 = arith.muli %mul3A_596, %scan3A_516 : i32
      %add3A_598 = arith.constant 11264 : i32
      %add3A_599 = arith.addi %add3A_598, %mul3A_597 : i32
      %get3A_600 = arith.index_cast %add3A_599 : i32 to index
      %get3A_601 = tpu.vector_load %arg13[%get3A_600] {strides = array<i32>} : memref<16384xf32, #tpu.memory_space<vmem>>, vector<16xf32>,
      %add3A_602 = arith.addf %add3A_595, %get3A_601 : vector<16xf32>
      %mul3A_603 = arith.constant 16 : i32
      %mul3A_604 = arith.muli %mul3A_603, %scan3A_516 : i32
      %add3A_605 = arith.constant 12288 : i32
      %add3A_606 = arith.addi %add3A_605, %mul3A_604 : i32
      %get3A_607 = arith.index_cast %add3A_606 : i32 to index
      %get3A_608 = tpu.vector_load %arg13[%get3A_607] {strides = array<i32>} : memref<16384xf32, #tpu.memory_space<vmem>>, vector<16xf32>,
      %add3A_609 = arith.addf %add3A_602, %get3A_608 : vector<16xf32>
      %mul3A_610 = arith.constant 16 : i32
      %mul3A_611 = arith.muli %mul3A_610, %scan3A_516 : i32
      %add3A_612 = arith.constant 13312 : i32
      %add3A_613 = arith.addi %add3A_612, %mul3A_611 : i32
      %get3A_614 = arith.index_cast %add3A_613 : i32 to index
      %get3A_615 = tpu.vector_load %arg13[%get3A_614] {strides = array<i32>} : memref<16384xf32, #tpu.memory_space<vmem>>, vector<16xf32>,
      %add3A_616 = arith.addf %add3A_609, %get3A_615 : vector<16xf32>
      %mul3A_617 = arith.constant 16 : i32
      %mul3A_618 = arith.muli %mul3A_617, %scan3A_516 : i32
      %add3A_619 = arith.constant 14336 : i32
      %add3A_620 = arith.addi %add3A_619, %mul3A_618 : i32
      %get3A_621 = arith.index_cast %add3A_620 : i32 to index
      %get3A_622 = tpu.vector_load %arg13[%get3A_621] {strides = array<i32>} : memref<16384xf32, #tpu.memory_space<vmem>>, vector<16xf32>,
      %add3A_623 = arith.addf %add3A_616, %get3A_622 : vector<16xf32>
      %mul3A_624 = arith.constant 16 : i32
      %mul3A_625 = arith.muli %mul3A_624, %scan3A_516 : i32
      %add3A_626 = arith.constant 15360 : i32
      %add3A_627 = arith.addi %add3A_626, %mul3A_625 : i32
      %get3A_628 = arith.index_cast %add3A_627 : i32 to index
      %get3A_629 = tpu.vector_load %arg13[%get3A_628] {strides = array<i32>} : memref<16384xf32, #tpu.memory_space<vmem>>, vector<16xf32>,
      %add3A_630 = arith.addf %add3A_623, %get3A_629 : vector<16xf32>
      %mul3A_631 = arith.constant 16 : i32
      %mul3A_632 = arith.muli %mul3A_631, %scan3A_516 : i32
      %swap3A_633 = arith.index_cast %mul3A_632 : i32 to index
      %swap3A_634 = tpu.vector_load %arg14[%swap3A_633] {strides = array<i32>} : memref<1024xf32, #tpu.memory_space<vmem>>, vector<16xf32>,
      tpu.vector_store %arg14[%swap3A_633], %add3A_630 {strides = array<i32>} : memref<1024xf32, #tpu.memory_space<vmem>>, vector<16xf32>,
    }
    %scan3A_45 = arith.constant 64 : i32
    "tpu.region"() ({
      %run_scoped3A = tpu.sem_alloc : memref<!tpu.dma_semaphore, #tpu.memory_space<semaphore_mem>>
      %dma_start3A = arith.constant 0 : i32
      %dma_start3A_516 = tpu.memref_slice %arg23[%arg1, %dma_start3A] : memref<16x1024xf32, #tpu.memory_space<vmem_shared>> -> memref<1x1024xf32, #tpu.memory_space<vmem_shared>>
      %dma_start3A_517 = tpu.memref_squeeze %dma_start3A_516 : memref<1x1024xf32, #tpu.memory_space<vmem_shared>> -> memref<1024xf32, #tpu.memory_space<vmem_shared>>
      %dma_start3A_518 = arith.constant 0 : i32
      %dma_start3A_519 = tpu.memref_slice %arg23[%arg1, %dma_start3A_518] : memref<16x1024xf32, #tpu.memory_space<vmem_shared>> -> memref<1x1024xf32, #tpu.memory_space<vmem_shared>>
      %dma_start3A_520 = tpu.memref_squeeze %dma_start3A_519 : memref<1x1024xf32, #tpu.memory_space<vmem_shared>> -> memref<1024xf32, #tpu.memory_space<vmem_shared>>
      tpu.enqueue_dma source(%arg14 : memref<1024xf32, #tpu.memory_space<vmem>>) target(%dma_start3A_520 : memref<1024xf32, #tpu.memory_space<vmem_shared>>) target_semaphore(%run_scoped3A : memref<!tpu.dma_semaphore, #tpu.memory_space<semaphore_mem>>)
      %dma_wait3A = arith.constant 0 : i32
      %dma_wait3A_521 = tpu.memref_slice %arg23[%arg1, %dma_wait3A] : memref<16x1024xf32, #tpu.memory_space<vmem_shared>> -> memref<1x1024xf32, #tpu.memory_space<vmem_shared>>
      %dma_wait3A_522 = tpu.memref_squeeze %dma_wait3A_521 : memref<1x1024xf32, #tpu.memory_space<vmem_shared>> -> memref<1024xf32, #tpu.memory_space<vmem_shared>>
      %dma_wait3A_523 = arith.constant 0 : i32
      %dma_wait3A_524 = tpu.memref_slice %arg23[%arg1, %dma_wait3A_523] : memref<16x1024xf32, #tpu.memory_space<vmem_shared>> -> memref<1x1024xf32, #tpu.memory_space<vmem_shared>>
      %dma_wait3A_525 = tpu.memref_squeeze %dma_wait3A_524 : memref<1x1024xf32, #tpu.memory_space<vmem_shared>> -> memref<1024xf32, #tpu.memory_space<vmem_shared>>
      tpu.wait_dma2 semaphore(%run_scoped3A : memref<!tpu.dma_semaphore, #tpu.memory_space<semaphore_mem>>) src(%arg14 : memref<1024xf32, #tpu.memory_space<vmem>>) dst(%dma_wait3A_525 : memref<1024xf32, #tpu.memory_space<vmem_shared>>)
      tpu.yield
    }) : () -> ()
    %barrier3A_46 = arith.constant 0 : index
    tpu.barrier barrier_id(%barrier3A_46)
    "tpu.region"() ({
      %run_scoped3A = tpu.sem_alloc : memref<!tpu.dma_semaphore, #tpu.memory_space<semaphore_mem>>
      tpu.enqueue_dma source(%arg23 : memref<16x1024xf32, #tpu.memory_space<vmem_shared>>) target(%arg15 : memref<16x1024xf32, #tpu.memory_space<vmem>>) target_semaphore(%run_scoped3A : memref<!tpu.dma_semaphore, #tpu.memory_space<semaphore_mem>>)
      tpu.wait_dma2 semaphore(%run_scoped3A : memref<!tpu.dma_semaphore, #tpu.memory_space<semaphore_mem>>) src(%arg23 : memref<16x1024xf32, #tpu.memory_space<vmem_shared>>) dst(%arg15 : memref<16x1024xf32, #tpu.memory_space<vmem>>)
      tpu.yield
    }) : () -> ()
    %broadcast_in_dim3A_47 = arith.constant 0.000000e+00 : f32
    %broadcast_in_dim3A_48 = vector.broadcast %broadcast_in_dim3A_47 : f32 to vector<16xf32>
    %add3A = arith.constant 0 : i32
    %add3A_49 = arith.addi %mul3A_9, %add3A : i32
    %get3A = arith.constant 0 : i32
    %get3A_50 = arith.index_cast %get3A : i32 to index
    %get3A_51 = arith.index_cast %add3A_49 : i32 to index
    %get3A_52 = tpu.vector_load %arg15[%get3A_50, %get3A_51] {strides = array<i32>} : memref<16x1024xf32, #tpu.memory_space<vmem>>, vector<16xf32>,
    %add3A_53 = arith.addf %broadcast_in_dim3A_48, %get3A_52 : vector<16xf32>
    %add3A_54 = arith.constant 0 : i32
    %add3A_55 = arith.addi %mul3A_9, %add3A_54 : i32
    %get3A_56 = arith.constant 1 : i32
    %get3A_57 = arith.index_cast %get3A_56 : i32 to index
    %get3A_58 = arith.index_cast %add3A_55 : i32 to index
    %get3A_59 = tpu.vector_load %arg15[%get3A_57, %get3A_58] {strides = array<i32>} : memref<16x1024xf32, #tpu.memory_space<vmem>>, vector<16xf32>,
    %add3A_60 = arith.addf %add3A_53, %get3A_59 : vector<16xf32>
    %add3A_61 = arith.constant 0 : i32
    %add3A_62 = arith.addi %mul3A_9, %add3A_61 : i32
    %get3A_63 = arith.constant 2 : i32
    %get3A_64 = arith.index_cast %get3A_63 : i32 to index
    %get3A_65 = arith.index_cast %add3A_62 : i32 to index
    %get3A_66 = tpu.vector_load %arg15[%get3A_64, %get3A_65] {strides = array<i32>} : memref<16x1024xf32, #tpu.memory_space<vmem>>, vector<16xf32>,
    %add3A_67 = arith.addf %add3A_60, %get3A_66 : vector<16xf32>
    %add3A_68 = arith.constant 0 : i32
    %add3A_69 = arith.addi %mul3A_9, %add3A_68 : i32
    %get3A_70 = arith.constant 3 : i32
    %get3A_71 = arith.index_cast %get3A_70 : i32 to index
    %get3A_72 = arith.index_cast %add3A_69 : i32 to index
    %get3A_73 = tpu.vector_load %arg15[%get3A_71, %get3A_72] {strides = array<i32>} : memref<16x1024xf32, #tpu.memory_space<vmem>>, vector<16xf32>,
    %add3A_74 = arith.addf %add3A_67, %get3A_73 : vector<16xf32>
    %add3A_75 = arith.constant 0 : i32
    %add3A_76 = arith.addi %mul3A_9, %add3A_75 : i32
    %get3A_77 = arith.constant 4 : i32
    %get3A_78 = arith.index_cast %get3A_77 : i32 to index
    %get3A_79 = arith.index_cast %add3A_76 : i32 to index
    %get3A_80 = tpu.vector_load %arg15[%get3A_78, %get3A_79] {strides = array<i32>} : memref<16x1024xf32, #tpu.memory_space<vmem>>, vector<16xf32>,
    %add3A_81 = arith.addf %add3A_74, %get3A_80 : vector<16xf32>
    %add3A_82 = arith.constant 0 : i32
    %add3A_83 = arith.addi %mul3A_9, %add3A_82 : i32
    %get3A_84 = arith.constant 5 : i32
    %get3A_85 = arith.index_cast %get3A_84 : i32 to index
    %get3A_86 = arith.index_cast %add3A_83 : i32 to index
    %get3A_87 = tpu.vector_load %arg15[%get3A_85, %get3A_86] {strides = array<i32>} : memref<16x1024xf32, #tpu.memory_space<vmem>>, vector<16xf32>,
    %add3A_88 = arith.addf %add3A_81, %get3A_87 : vector<16xf32>
    %add3A_89 = arith.constant 0 : i32
    %add3A_90 = arith.addi %mul3A_9, %add3A_89 : i32
    %get3A_91 = arith.constant 6 : i32
    %get3A_92 = arith.index_cast %get3A_91 : i32 to index
    %get3A_93 = arith.index_cast %add3A_90 : i32 to index
    %get3A_94 = tpu.vector_load %arg15[%get3A_92, %get3A_93] {strides = array<i32>} : memref<16x1024xf32, #tpu.memory_space<vmem>>, vector<16xf32>,
    %add3A_95 = arith.addf %add3A_88, %get3A_94 : vector<16xf32>
    %add3A_96 = arith.constant 0 : i32
    %add3A_97 = arith.addi %mul3A_9, %add3A_96 : i32
    %get3A_98 = arith.constant 7 : i32
    %get3A_99 = arith.index_cast %get3A_98 : i32 to index
    %get3A_100 = arith.index_cast %add3A_97 : i32 to index
    %get3A_101 = tpu.vector_load %arg15[%get3A_99, %get3A_100] {strides = array<i32>} : memref<16x1024xf32, #tpu.memory_space<vmem>>, vector<16xf32>,
    %add3A_102 = arith.addf %add3A_95, %get3A_101 : vector<16xf32>
    %add3A_103 = arith.constant 0 : i32
    %add3A_104 = arith.addi %mul3A_9, %add3A_103 : i32
    %get3A_105 = arith.constant 8 : i32
    %get3A_106 = arith.index_cast %get3A_105 : i32 to index
    %get3A_107 = arith.index_cast %add3A_104 : i32 to index
    %get3A_108 = tpu.vector_load %arg15[%get3A_106, %get3A_107] {strides = array<i32>} : memref<16x1024xf32, #tpu.memory_space<vmem>>, vector<16xf32>,
    %add3A_109 = arith.addf %add3A_102, %get3A_108 : vector<16xf32>
    %add3A_110 = arith.constant 0 : i32
    %add3A_111 = arith.addi %mul3A_9, %add3A_110 : i32
    %get3A_112 = arith.constant 9 : i32
    %get3A_113 = arith.index_cast %get3A_112 : i32 to index
    %get3A_114 = arith.index_cast %add3A_111 : i32 to index
    %get3A_115 = tpu.vector_load %arg15[%get3A_113, %get3A_114] {strides = array<i32>} : memref<16x1024xf32, #tpu.memory_space<vmem>>, vector<16xf32>,
    %add3A_116 = arith.addf %add3A_109, %get3A_115 : vector<16xf32>
    %add3A_117 = arith.constant 0 : i32
    %add3A_118 = arith.addi %mul3A_9, %add3A_117 : i32
    %get3A_119 = arith.constant 10 : i32
    %get3A_120 = arith.index_cast %get3A_119 : i32 to index
    %get3A_121 = arith.index_cast %add3A_118 : i32 to index
    %get3A_122 = tpu.vector_load %arg15[%get3A_120, %get3A_121] {strides = array<i32>} : memref<16x1024xf32, #tpu.memory_space<vmem>>, vector<16xf32>,
    %add3A_123 = arith.addf %add3A_116, %get3A_122 : vector<16xf32>
    %add3A_124 = arith.constant 0 : i32
    %add3A_125 = arith.addi %mul3A_9, %add3A_124 : i32
    %get3A_126 = arith.constant 11 : i32
    %get3A_127 = arith.index_cast %get3A_126 : i32 to index
    %get3A_128 = arith.index_cast %add3A_125 : i32 to index
    %get3A_129 = tpu.vector_load %arg15[%get3A_127, %get3A_128] {strides = array<i32>} : memref<16x1024xf32, #tpu.memory_space<vmem>>, vector<16xf32>,
    %add3A_130 = arith.addf %add3A_123, %get3A_129 : vector<16xf32>
    %add3A_131 = arith.constant 0 : i32
    %add3A_132 = arith.addi %mul3A_9, %add3A_131 : i32
    %get3A_133 = arith.constant 12 : i32
    %get3A_134 = arith.index_cast %get3A_133 : i32 to index
    %get3A_135 = arith.index_cast %add3A_132 : i32 to index
    %get3A_136 = tpu.vector_load %arg15[%get3A_134, %get3A_135] {strides = array<i32>} : memref<16x1024xf32, #tpu.memory_space<vmem>>, vector<16xf32>,
    %add3A_137 = arith.addf %add3A_130, %get3A_136 : vector<16xf32>
    %add3A_138 = arith.constant 0 : i32
    %add3A_139 = arith.addi %mul3A_9, %add3A_138 : i32
    %get3A_140 = arith.constant 13 : i32
    %get3A_141 = arith.index_cast %get3A_140 : i32 to index
    %get3A_142 = arith.index_cast %add3A_139 : i32 to index
    %get3A_143 = tpu.vector_load %arg15[%get3A_141, %get3A_142] {strides = array<i32>} : memref<16x1024xf32, #tpu.memory_space<vmem>>, vector<16xf32>,
    %add3A_144 = arith.addf %add3A_137, %get3A_143 : vector<16xf32>
    %add3A_145 = arith.constant 0 : i32
    %add3A_146 = arith.addi %mul3A_9, %add3A_145 : i32
    %get3A_147 = arith.constant 14 : i32
    %get3A_148 = arith.index_cast %get3A_147 : i32 to index
    %get3A_149 = arith.index_cast %add3A_146 : i32 to index
    %get3A_150 = tpu.vector_load %arg15[%get3A_148, %get3A_149] {strides = array<i32>} : memref<16x1024xf32, #tpu.memory_space<vmem>>, vector<16xf32>,
    %add3A_151 = arith.addf %add3A_144, %get3A_150 : vector<16xf32>
    %add3A_152 = arith.constant 0 : i32
    %add3A_153 = arith.addi %mul3A_9, %add3A_152 : i32
    %get3A_154 = arith.constant 15 : i32
    %get3A_155 = arith.index_cast %get3A_154 : i32 to index
    %get3A_156 = arith.index_cast %add3A_153 : i32 to index
    %get3A_157 = tpu.vector_load %arg15[%get3A_155, %get3A_156] {strides = array<i32>} : memref<16x1024xf32, #tpu.memory_space<vmem>>, vector<16xf32>,
    %add3A_158 = arith.addf %add3A_151, %get3A_157 : vector<16xf32>
    %swap3A = arith.constant 0 : index
    %swap3A_159 = tpu.vector_load %arg16[%swap3A] {strides = array<i32>} : memref<64xf32, #tpu.memory_space<vmem>>, vector<16xf32>,
    tpu.vector_store %arg16[%swap3A], %add3A_158 {strides = array<i32>} : memref<64xf32, #tpu.memory_space<vmem>>, vector<16xf32>,
    %broadcast_in_dim3A_160 = arith.constant 0.000000e+00 : f32
    %broadcast_in_dim3A_161 = vector.broadcast %broadcast_in_dim3A_160 : f32 to vector<16xf32>
    %add3A_162 = arith.constant 16 : i32
    %add3A_163 = arith.addi %mul3A_9, %add3A_162 : i32
    %get3A_164 = arith.constant 0 : i32
    %get3A_165 = arith.index_cast %get3A_164 : i32 to index
    %get3A_166 = arith.index_cast %add3A_163 : i32 to index
    %get3A_167 = tpu.vector_load %arg15[%get3A_165, %get3A_166] {strides = array<i32>} : memref<16x1024xf32, #tpu.memory_space<vmem>>, vector<16xf32>,
    %add3A_168 = arith.addf %broadcast_in_dim3A_161, %get3A_167 : vector<16xf32>
    %add3A_169 = arith.constant 16 : i32
    %add3A_170 = arith.addi %mul3A_9, %add3A_169 : i32
    %get3A_171 = arith.constant 1 : i32
    %get3A_172 = arith.index_cast %get3A_171 : i32 to index
    %get3A_173 = arith.index_cast %add3A_170 : i32 to index
    %get3A_174 = tpu.vector_load %arg15[%get3A_172, %get3A_173] {strides = array<i32>} : memref<16x1024xf32, #tpu.memory_space<vmem>>, vector<16xf32>,
    %add3A_175 = arith.addf %add3A_168, %get3A_174 : vector<16xf32>
    %add3A_176 = arith.constant 16 : i32
    %add3A_177 = arith.addi %mul3A_9, %add3A_176 : i32
    %get3A_178 = arith.constant 2 : i32
    %get3A_179 = arith.index_cast %get3A_178 : i32 to index
    %get3A_180 = arith.index_cast %add3A_177 : i32 to index
    %get3A_181 = tpu.vector_load %arg15[%get3A_179, %get3A_180] {strides = array<i32>} : memref<16x1024xf32, #tpu.memory_space<vmem>>, vector<16xf32>,
    %add3A_182 = arith.addf %add3A_175, %get3A_181 : vector<16xf32>
    %add3A_183 = arith.constant 16 : i32
    %add3A_184 = arith.addi %mul3A_9, %add3A_183 : i32
    %get3A_185 = arith.constant 3 : i32
    %get3A_186 = arith.index_cast %get3A_185 : i32 to index
    %get3A_187 = arith.index_cast %add3A_184 : i32 to index
    %get3A_188 = tpu.vector_load %arg15[%get3A_186, %get3A_187] {strides = array<i32>} : memref<16x1024xf32, #tpu.memory_space<vmem>>, vector<16xf32>,
    %add3A_189 = arith.addf %add3A_182, %get3A_188 : vector<16xf32>
    %add3A_190 = arith.constant 16 : i32
    %add3A_191 = arith.addi %mul3A_9, %add3A_190 : i32
    %get3A_192 = arith.constant 4 : i32
    %get3A_193 = arith.index_cast %get3A_192 : i32 to index
    %get3A_194 = arith.index_cast %add3A_191 : i32 to index
    %get3A_195 = tpu.vector_load %arg15[%get3A_193, %get3A_194] {strides = array<i32>} : memref<16x1024xf32, #tpu.memory_space<vmem>>, vector<16xf32>,
    %add3A_196 = arith.addf %add3A_189, %get3A_195 : vector<16xf32>
    %add3A_197 = arith.constant 16 : i32
    %add3A_198 = arith.addi %mul3A_9, %add3A_197 : i32
    %get3A_199 = arith.constant 5 : i32
    %get3A_200 = arith.index_cast %get3A_199 : i32 to index
    %get3A_201 = arith.index_cast %add3A_198 : i32 to index
    %get3A_202 = tpu.vector_load %arg15[%get3A_200, %get3A_201] {strides = array<i32>} : memref<16x1024xf32, #tpu.memory_space<vmem>>, vector<16xf32>,
    %add3A_203 = arith.addf %add3A_196, %get3A_202 : vector<16xf32>
    %add3A_204 = arith.constant 16 : i32
    %add3A_205 = arith.addi %mul3A_9, %add3A_204 : i32
    %get3A_206 = arith.constant 6 : i32
    %get3A_207 = arith.index_cast %get3A_206 : i32 to index
    %get3A_208 = arith.index_cast %add3A_205 : i32 to index
    %get3A_209 = tpu.vector_load %arg15[%get3A_207, %get3A_208] {strides = array<i32>} : memref<16x1024xf32, #tpu.memory_space<vmem>>, vector<16xf32>,
    %add3A_210 = arith.addf %add3A_203, %get3A_209 : vector<16xf32>
    %add3A_211 = arith.constant 16 : i32
    %add3A_212 = arith.addi %mul3A_9, %add3A_211 : i32
    %get3A_213 = arith.constant 7 : i32
    %get3A_214 = arith.index_cast %get3A_213 : i32 to index
    %get3A_215 = arith.index_cast %add3A_212 : i32 to index
    %get3A_216 = tpu.vector_load %arg15[%get3A_214, %get3A_215] {strides = array<i32>} : memref<16x1024xf32, #tpu.memory_space<vmem>>, vector<16xf32>,
    %add3A_217 = arith.addf %add3A_210, %get3A_216 : vector<16xf32>
    %add3A_218 = arith.constant 16 : i32
    %add3A_219 = arith.addi %mul3A_9, %add3A_218 : i32
    %get3A_220 = arith.constant 8 : i32
    %get3A_221 = arith.index_cast %get3A_220 : i32 to index
    %get3A_222 = arith.index_cast %add3A_219 : i32 to index
    %get3A_223 = tpu.vector_load %arg15[%get3A_221, %get3A_222] {strides = array<i32>} : memref<16x1024xf32, #tpu.memory_space<vmem>>, vector<16xf32>,
    %add3A_224 = arith.addf %add3A_217, %get3A_223 : vector<16xf32>
    %add3A_225 = arith.constant 16 : i32
    %add3A_226 = arith.addi %mul3A_9, %add3A_225 : i32
    %get3A_227 = arith.constant 9 : i32
    %get3A_228 = arith.index_cast %get3A_227 : i32 to index
    %get3A_229 = arith.index_cast %add3A_226 : i32 to index
    %get3A_230 = tpu.vector_load %arg15[%get3A_228, %get3A_229] {strides = array<i32>} : memref<16x1024xf32, #tpu.memory_space<vmem>>, vector<16xf32>,
    %add3A_231 = arith.addf %add3A_224, %get3A_230 : vector<16xf32>
    %add3A_232 = arith.constant 16 : i32
    %add3A_233 = arith.addi %mul3A_9, %add3A_232 : i32
    %get3A_234 = arith.constant 10 : i32
    %get3A_235 = arith.index_cast %get3A_234 : i32 to index
    %get3A_236 = arith.index_cast %add3A_233 : i32 to index
    %get3A_237 = tpu.vector_load %arg15[%get3A_235, %get3A_236] {strides = array<i32>} : memref<16x1024xf32, #tpu.memory_space<vmem>>, vector<16xf32>,
    %add3A_238 = arith.addf %add3A_231, %get3A_237 : vector<16xf32>
    %add3A_239 = arith.constant 16 : i32
    %add3A_240 = arith.addi %mul3A_9, %add3A_239 : i32
    %get3A_241 = arith.constant 11 : i32
    %get3A_242 = arith.index_cast %get3A_241 : i32 to index
    %get3A_243 = arith.index_cast %add3A_240 : i32 to index
    %get3A_244 = tpu.vector_load %arg15[%get3A_242, %get3A_243] {strides = array<i32>} : memref<16x1024xf32, #tpu.memory_space<vmem>>, vector<16xf32>,
    %add3A_245 = arith.addf %add3A_238, %get3A_244 : vector<16xf32>
    %add3A_246 = arith.constant 16 : i32
    %add3A_247 = arith.addi %mul3A_9, %add3A_246 : i32
    %get3A_248 = arith.constant 12 : i32
    %get3A_249 = arith.index_cast %get3A_248 : i32 to index
    %get3A_250 = arith.index_cast %add3A_247 : i32 to index
    %get3A_251 = tpu.vector_load %arg15[%get3A_249, %get3A_250] {strides = array<i32>} : memref<16x1024xf32, #tpu.memory_space<vmem>>, vector<16xf32>,
    %add3A_252 = arith.addf %add3A_245, %get3A_251 : vector<16xf32>
    %add3A_253 = arith.constant 16 : i32
    %add3A_254 = arith.addi %mul3A_9, %add3A_253 : i32
    %get3A_255 = arith.constant 13 : i32
    %get3A_256 = arith.index_cast %get3A_255 : i32 to index
    %get3A_257 = arith.index_cast %add3A_254 : i32 to index
    %get3A_258 = tpu.vector_load %arg15[%get3A_256, %get3A_257] {strides = array<i32>} : memref<16x1024xf32, #tpu.memory_space<vmem>>, vector<16xf32>,
    %add3A_259 = arith.addf %add3A_252, %get3A_258 : vector<16xf32>
    %add3A_260 = arith.constant 16 : i32
    %add3A_261 = arith.addi %mul3A_9, %add3A_260 : i32
    %get3A_262 = arith.constant 14 : i32
    %get3A_263 = arith.index_cast %get3A_262 : i32 to index
    %get3A_264 = arith.index_cast %add3A_261 : i32 to index
    %get3A_265 = tpu.vector_load %arg15[%get3A_263, %get3A_264] {strides = array<i32>} : memref<16x1024xf32, #tpu.memory_space<vmem>>, vector<16xf32>,
    %add3A_266 = arith.addf %add3A_259, %get3A_265 : vector<16xf32>
    %add3A_267 = arith.constant 16 : i32
    %add3A_268 = arith.addi %mul3A_9, %add3A_267 : i32
    %get3A_269 = arith.constant 15 : i32
    %get3A_270 = arith.index_cast %get3A_269 : i32 to index
    %get3A_271 = arith.index_cast %add3A_268 : i32 to index
    %get3A_272 = tpu.vector_load %arg15[%get3A_270, %get3A_271] {strides = array<i32>} : memref<16x1024xf32, #tpu.memory_space<vmem>>, vector<16xf32>,
    %add3A_273 = arith.addf %add3A_266, %get3A_272 : vector<16xf32>
    %swap3A_274 = arith.constant 16 : index
    %swap3A_275 = tpu.vector_load %arg16[%swap3A_274] {strides = array<i32>} : memref<64xf32, #tpu.memory_space<vmem>>, vector<16xf32>,
    tpu.vector_store %arg16[%swap3A_274], %add3A_273 {strides = array<i32>} : memref<64xf32, #tpu.memory_space<vmem>>, vector<16xf32>,
    %broadcast_in_dim3A_276 = arith.constant 0.000000e+00 : f32
    %broadcast_in_dim3A_277 = vector.broadcast %broadcast_in_dim3A_276 : f32 to vector<16xf32>
    %add3A_278 = arith.constant 32 : i32
    %add3A_279 = arith.addi %mul3A_9, %add3A_278 : i32
    %get3A_280 = arith.constant 0 : i32
    %get3A_281 = arith.index_cast %get3A_280 : i32 to index
    %get3A_282 = arith.index_cast %add3A_279 : i32 to index
    %get3A_283 = tpu.vector_load %arg15[%get3A_281, %get3A_282] {strides = array<i32>} : memref<16x1024xf32, #tpu.memory_space<vmem>>, vector<16xf32>,
    %add3A_284 = arith.addf %broadcast_in_dim3A_277, %get3A_283 : vector<16xf32>
    %add3A_285 = arith.constant 32 : i32
    %add3A_286 = arith.addi %mul3A_9, %add3A_285 : i32
    %get3A_287 = arith.constant 1 : i32
    %get3A_288 = arith.index_cast %get3A_287 : i32 to index
    %get3A_289 = arith.index_cast %add3A_286 : i32 to index
    %get3A_290 = tpu.vector_load %arg15[%get3A_288, %get3A_289] {strides = array<i32>} : memref<16x1024xf32, #tpu.memory_space<vmem>>, vector<16xf32>,
    %add3A_291 = arith.addf %add3A_284, %get3A_290 : vector<16xf32>
    %add3A_292 = arith.constant 32 : i32
    %add3A_293 = arith.addi %mul3A_9, %add3A_292 : i32
    %get3A_294 = arith.constant 2 : i32
    %get3A_295 = arith.index_cast %get3A_294 : i32 to index
    %get3A_296 = arith.index_cast %add3A_293 : i32 to index
    %get3A_297 = tpu.vector_load %arg15[%get3A_295, %get3A_296] {strides = array<i32>} : memref<16x1024xf32, #tpu.memory_space<vmem>>, vector<16xf32>,
    %add3A_298 = arith.addf %add3A_291, %get3A_297 : vector<16xf32>
    %add3A_299 = arith.constant 32 : i32
    %add3A_300 = arith.addi %mul3A_9, %add3A_299 : i32
    %get3A_301 = arith.constant 3 : i32
    %get3A_302 = arith.index_cast %get3A_301 : i32 to index
    %get3A_303 = arith.index_cast %add3A_300 : i32 to index
    %get3A_304 = tpu.vector_load %arg15[%get3A_302, %get3A_303] {strides = array<i32>} : memref<16x1024xf32, #tpu.memory_space<vmem>>, vector<16xf32>,
    %add3A_305 = arith.addf %add3A_298, %get3A_304 : vector<16xf32>
    %add3A_306 = arith.constant 32 : i32
    %add3A_307 = arith.addi %mul3A_9, %add3A_306 : i32
    %get3A_308 = arith.constant 4 : i32
    %get3A_309 = arith.index_cast %get3A_308 : i32 to index
    %get3A_310 = arith.index_cast %add3A_307 : i32 to index
    %get3A_311 = tpu.vector_load %arg15[%get3A_309, %get3A_310] {strides = array<i32>} : memref<16x1024xf32, #tpu.memory_space<vmem>>, vector<16xf32>,
    %add3A_312 = arith.addf %add3A_305, %get3A_311 : vector<16xf32>
    %add3A_313 = arith.constant 32 : i32
    %add3A_314 = arith.addi %mul3A_9, %add3A_313 : i32
    %get3A_315 = arith.constant 5 : i32
    %get3A_316 = arith.index_cast %get3A_315 : i32 to index
    %get3A_317 = arith.index_cast %add3A_314 : i32 to index
    %get3A_318 = tpu.vector_load %arg15[%get3A_316, %get3A_317] {strides = array<i32>} : memref<16x1024xf32, #tpu.memory_space<vmem>>, vector<16xf32>,
    %add3A_319 = arith.addf %add3A_312, %get3A_318 : vector<16xf32>
    %add3A_320 = arith.constant 32 : i32
    %add3A_321 = arith.addi %mul3A_9, %add3A_320 : i32
    %get3A_322 = arith.constant 6 : i32
    %get3A_323 = arith.index_cast %get3A_322 : i32 to index
    %get3A_324 = arith.index_cast %add3A_321 : i32 to index
    %get3A_325 = tpu.vector_load %arg15[%get3A_323, %get3A_324] {strides = array<i32>} : memref<16x1024xf32, #tpu.memory_space<vmem>>, vector<16xf32>,
    %add3A_326 = arith.addf %add3A_319, %get3A_325 : vector<16xf32>
    %add3A_327 = arith.constant 32 : i32
    %add3A_328 = arith.addi %mul3A_9, %add3A_327 : i32
    %get3A_329 = arith.constant 7 : i32
    %get3A_330 = arith.index_cast %get3A_329 : i32 to index
    %get3A_331 = arith.index_cast %add3A_328 : i32 to index
    %get3A_332 = tpu.vector_load %arg15[%get3A_330, %get3A_331] {strides = array<i32>} : memref<16x1024xf32, #tpu.memory_space<vmem>>, vector<16xf32>,
    %add3A_333 = arith.addf %add3A_326, %get3A_332 : vector<16xf32>
    %add3A_334 = arith.constant 32 : i32
    %add3A_335 = arith.addi %mul3A_9, %add3A_334 : i32
    %get3A_336 = arith.constant 8 : i32
    %get3A_337 = arith.index_cast %get3A_336 : i32 to index
    %get3A_338 = arith.index_cast %add3A_335 : i32 to index
    %get3A_339 = tpu.vector_load %arg15[%get3A_337, %get3A_338] {strides = array<i32>} : memref<16x1024xf32, #tpu.memory_space<vmem>>, vector<16xf32>,
    %add3A_340 = arith.addf %add3A_333, %get3A_339 : vector<16xf32>
    %add3A_341 = arith.constant 32 : i32
    %add3A_342 = arith.addi %mul3A_9, %add3A_341 : i32
    %get3A_343 = arith.constant 9 : i32
    %get3A_344 = arith.index_cast %get3A_343 : i32 to index
    %get3A_345 = arith.index_cast %add3A_342 : i32 to index
    %get3A_346 = tpu.vector_load %arg15[%get3A_344, %get3A_345] {strides = array<i32>} : memref<16x1024xf32, #tpu.memory_space<vmem>>, vector<16xf32>,
    %add3A_347 = arith.addf %add3A_340, %get3A_346 : vector<16xf32>
    %add3A_348 = arith.constant 32 : i32
    %add3A_349 = arith.addi %mul3A_9, %add3A_348 : i32
    %get3A_350 = arith.constant 10 : i32
    %get3A_351 = arith.index_cast %get3A_350 : i32 to index
    %get3A_352 = arith.index_cast %add3A_349 : i32 to index
    %get3A_353 = tpu.vector_load %arg15[%get3A_351, %get3A_352] {strides = array<i32>} : memref<16x1024xf32, #tpu.memory_space<vmem>>, vector<16xf32>,
    %add3A_354 = arith.addf %add3A_347, %get3A_353 : vector<16xf32>
    %add3A_355 = arith.constant 32 : i32
    %add3A_356 = arith.addi %mul3A_9, %add3A_355 : i32
    %get3A_357 = arith.constant 11 : i32
    %get3A_358 = arith.index_cast %get3A_357 : i32 to index
    %get3A_359 = arith.index_cast %add3A_356 : i32 to index
    %get3A_360 = tpu.vector_load %arg15[%get3A_358, %get3A_359] {strides = array<i32>} : memref<16x1024xf32, #tpu.memory_space<vmem>>, vector<16xf32>,
    %add3A_361 = arith.addf %add3A_354, %get3A_360 : vector<16xf32>
    %add3A_362 = arith.constant 32 : i32
    %add3A_363 = arith.addi %mul3A_9, %add3A_362 : i32
    %get3A_364 = arith.constant 12 : i32
    %get3A_365 = arith.index_cast %get3A_364 : i32 to index
    %get3A_366 = arith.index_cast %add3A_363 : i32 to index
    %get3A_367 = tpu.vector_load %arg15[%get3A_365, %get3A_366] {strides = array<i32>} : memref<16x1024xf32, #tpu.memory_space<vmem>>, vector<16xf32>,
    %add3A_368 = arith.addf %add3A_361, %get3A_367 : vector<16xf32>
    %add3A_369 = arith.constant 32 : i32
    %add3A_370 = arith.addi %mul3A_9, %add3A_369 : i32
    %get3A_371 = arith.constant 13 : i32
    %get3A_372 = arith.index_cast %get3A_371 : i32 to index
    %get3A_373 = arith.index_cast %add3A_370 : i32 to index
    %get3A_374 = tpu.vector_load %arg15[%get3A_372, %get3A_373] {strides = array<i32>} : memref<16x1024xf32, #tpu.memory_space<vmem>>, vector<16xf32>,
    %add3A_375 = arith.addf %add3A_368, %get3A_374 : vector<16xf32>
    %add3A_376 = arith.constant 32 : i32
    %add3A_377 = arith.addi %mul3A_9, %add3A_376 : i32
    %get3A_378 = arith.constant 14 : i32
    %get3A_379 = arith.index_cast %get3A_378 : i32 to index
    %get3A_380 = arith.index_cast %add3A_377 : i32 to index
    %get3A_381 = tpu.vector_load %arg15[%get3A_379, %get3A_380] {strides = array<i32>} : memref<16x1024xf32, #tpu.memory_space<vmem>>, vector<16xf32>,
    %add3A_382 = arith.addf %add3A_375, %get3A_381 : vector<16xf32>
    %add3A_383 = arith.constant 32 : i32
    %add3A_384 = arith.addi %mul3A_9, %add3A_383 : i32
    %get3A_385 = arith.constant 15 : i32
    %get3A_386 = arith.index_cast %get3A_385 : i32 to index
    %get3A_387 = arith.index_cast %add3A_384 : i32 to index
    %get3A_388 = tpu.vector_load %arg15[%get3A_386, %get3A_387] {strides = array<i32>} : memref<16x1024xf32, #tpu.memory_space<vmem>>, vector<16xf32>,
    %add3A_389 = arith.addf %add3A_382, %get3A_388 : vector<16xf32>
    %swap3A_390 = arith.constant 32 : index
    %swap3A_391 = tpu.vector_load %arg16[%swap3A_390] {strides = array<i32>} : memref<64xf32, #tpu.memory_space<vmem>>, vector<16xf32>,
    tpu.vector_store %arg16[%swap3A_390], %add3A_389 {strides = array<i32>} : memref<64xf32, #tpu.memory_space<vmem>>, vector<16xf32>,
    %broadcast_in_dim3A_392 = arith.constant 0.000000e+00 : f32
    %broadcast_in_dim3A_393 = vector.broadcast %broadcast_in_dim3A_392 : f32 to vector<16xf32>
    %add3A_394 = arith.constant 48 : i32
    %add3A_395 = arith.addi %mul3A_9, %add3A_394 : i32
    %get3A_396 = arith.constant 0 : i32
    %get3A_397 = arith.index_cast %get3A_396 : i32 to index
    %get3A_398 = arith.index_cast %add3A_395 : i32 to index
    %get3A_399 = tpu.vector_load %arg15[%get3A_397, %get3A_398] {strides = array<i32>} : memref<16x1024xf32, #tpu.memory_space<vmem>>, vector<16xf32>,
    %add3A_400 = arith.addf %broadcast_in_dim3A_393, %get3A_399 : vector<16xf32>
    %add3A_401 = arith.constant 48 : i32
    %add3A_402 = arith.addi %mul3A_9, %add3A_401 : i32
    %get3A_403 = arith.constant 1 : i32
    %get3A_404 = arith.index_cast %get3A_403 : i32 to index
    %get3A_405 = arith.index_cast %add3A_402 : i32 to index
    %get3A_406 = tpu.vector_load %arg15[%get3A_404, %get3A_405] {strides = array<i32>} : memref<16x1024xf32, #tpu.memory_space<vmem>>, vector<16xf32>,
    %add3A_407 = arith.addf %add3A_400, %get3A_406 : vector<16xf32>
    %add3A_408 = arith.constant 48 : i32
    %add3A_409 = arith.addi %mul3A_9, %add3A_408 : i32
    %get3A_410 = arith.constant 2 : i32
    %get3A_411 = arith.index_cast %get3A_410 : i32 to index
    %get3A_412 = arith.index_cast %add3A_409 : i32 to index
    %get3A_413 = tpu.vector_load %arg15[%get3A_411, %get3A_412] {strides = array<i32>} : memref<16x1024xf32, #tpu.memory_space<vmem>>, vector<16xf32>,
    %add3A_414 = arith.addf %add3A_407, %get3A_413 : vector<16xf32>
    %add3A_415 = arith.constant 48 : i32
    %add3A_416 = arith.addi %mul3A_9, %add3A_415 : i32
    %get3A_417 = arith.constant 3 : i32
    %get3A_418 = arith.index_cast %get3A_417 : i32 to index
    %get3A_419 = arith.index_cast %add3A_416 : i32 to index
    %get3A_420 = tpu.vector_load %arg15[%get3A_418, %get3A_419] {strides = array<i32>} : memref<16x1024xf32, #tpu.memory_space<vmem>>, vector<16xf32>,
    %add3A_421 = arith.addf %add3A_414, %get3A_420 : vector<16xf32>
    %add3A_422 = arith.constant 48 : i32
    %add3A_423 = arith.addi %mul3A_9, %add3A_422 : i32
    %get3A_424 = arith.constant 4 : i32
    %get3A_425 = arith.index_cast %get3A_424 : i32 to index
    %get3A_426 = arith.index_cast %add3A_423 : i32 to index
    %get3A_427 = tpu.vector_load %arg15[%get3A_425, %get3A_426] {strides = array<i32>} : memref<16x1024xf32, #tpu.memory_space<vmem>>, vector<16xf32>,
    %add3A_428 = arith.addf %add3A_421, %get3A_427 : vector<16xf32>
    %add3A_429 = arith.constant 48 : i32
    %add3A_430 = arith.addi %mul3A_9, %add3A_429 : i32
    %get3A_431 = arith.constant 5 : i32
    %get3A_432 = arith.index_cast %get3A_431 : i32 to index
    %get3A_433 = arith.index_cast %add3A_430 : i32 to index
    %get3A_434 = tpu.vector_load %arg15[%get3A_432, %get3A_433] {strides = array<i32>} : memref<16x1024xf32, #tpu.memory_space<vmem>>, vector<16xf32>,
    %add3A_435 = arith.addf %add3A_428, %get3A_434 : vector<16xf32>
    %add3A_436 = arith.constant 48 : i32
    %add3A_437 = arith.addi %mul3A_9, %add3A_436 : i32
    %get3A_438 = arith.constant 6 : i32
    %get3A_439 = arith.index_cast %get3A_438 : i32 to index
    %get3A_440 = arith.index_cast %add3A_437 : i32 to index
    %get3A_441 = tpu.vector_load %arg15[%get3A_439, %get3A_440] {strides = array<i32>} : memref<16x1024xf32, #tpu.memory_space<vmem>>, vector<16xf32>,
    %add3A_442 = arith.addf %add3A_435, %get3A_441 : vector<16xf32>
    %add3A_443 = arith.constant 48 : i32
    %add3A_444 = arith.addi %mul3A_9, %add3A_443 : i32
    %get3A_445 = arith.constant 7 : i32
    %get3A_446 = arith.index_cast %get3A_445 : i32 to index
    %get3A_447 = arith.index_cast %add3A_444 : i32 to index
    %get3A_448 = tpu.vector_load %arg15[%get3A_446, %get3A_447] {strides = array<i32>} : memref<16x1024xf32, #tpu.memory_space<vmem>>, vector<16xf32>,
    %add3A_449 = arith.addf %add3A_442, %get3A_448 : vector<16xf32>
    %add3A_450 = arith.constant 48 : i32
    %add3A_451 = arith.addi %mul3A_9, %add3A_450 : i32
    %get3A_452 = arith.constant 8 : i32
    %get3A_453 = arith.index_cast %get3A_452 : i32 to index
    %get3A_454 = arith.index_cast %add3A_451 : i32 to index
    %get3A_455 = tpu.vector_load %arg15[%get3A_453, %get3A_454] {strides = array<i32>} : memref<16x1024xf32, #tpu.memory_space<vmem>>, vector<16xf32>,
    %add3A_456 = arith.addf %add3A_449, %get3A_455 : vector<16xf32>
    %add3A_457 = arith.constant 48 : i32
    %add3A_458 = arith.addi %mul3A_9, %add3A_457 : i32
    %get3A_459 = arith.constant 9 : i32
    %get3A_460 = arith.index_cast %get3A_459 : i32 to index
    %get3A_461 = arith.index_cast %add3A_458 : i32 to index
    %get3A_462 = tpu.vector_load %arg15[%get3A_460, %get3A_461] {strides = array<i32>} : memref<16x1024xf32, #tpu.memory_space<vmem>>, vector<16xf32>,
    %add3A_463 = arith.addf %add3A_456, %get3A_462 : vector<16xf32>
    %add3A_464 = arith.constant 48 : i32
    %add3A_465 = arith.addi %mul3A_9, %add3A_464 : i32
    %get3A_466 = arith.constant 10 : i32
    %get3A_467 = arith.index_cast %get3A_466 : i32 to index
    %get3A_468 = arith.index_cast %add3A_465 : i32 to index
    %get3A_469 = tpu.vector_load %arg15[%get3A_467, %get3A_468] {strides = array<i32>} : memref<16x1024xf32, #tpu.memory_space<vmem>>, vector<16xf32>,
    %add3A_470 = arith.addf %add3A_463, %get3A_469 : vector<16xf32>
    %add3A_471 = arith.constant 48 : i32
    %add3A_472 = arith.addi %mul3A_9, %add3A_471 : i32
    %get3A_473 = arith.constant 11 : i32
    %get3A_474 = arith.index_cast %get3A_473 : i32 to index
    %get3A_475 = arith.index_cast %add3A_472 : i32 to index
    %get3A_476 = tpu.vector_load %arg15[%get3A_474, %get3A_475] {strides = array<i32>} : memref<16x1024xf32, #tpu.memory_space<vmem>>, vector<16xf32>,
    %add3A_477 = arith.addf %add3A_470, %get3A_476 : vector<16xf32>
    %add3A_478 = arith.constant 48 : i32
    %add3A_479 = arith.addi %mul3A_9, %add3A_478 : i32
    %get3A_480 = arith.constant 12 : i32
    %get3A_481 = arith.index_cast %get3A_480 : i32 to index
    %get3A_482 = arith.index_cast %add3A_479 : i32 to index
    %get3A_483 = tpu.vector_load %arg15[%get3A_481, %get3A_482] {strides = array<i32>} : memref<16x1024xf32, #tpu.memory_space<vmem>>, vector<16xf32>,
    %add3A_484 = arith.addf %add3A_477, %get3A_483 : vector<16xf32>
    %add3A_485 = arith.constant 48 : i32
    %add3A_486 = arith.addi %mul3A_9, %add3A_485 : i32
    %get3A_487 = arith.constant 13 : i32
    %get3A_488 = arith.index_cast %get3A_487 : i32 to index
    %get3A_489 = arith.index_cast %add3A_486 : i32 to index
    %get3A_490 = tpu.vector_load %arg15[%get3A_488, %get3A_489] {strides = array<i32>} : memref<16x1024xf32, #tpu.memory_space<vmem>>, vector<16xf32>,
    %add3A_491 = arith.addf %add3A_484, %get3A_490 : vector<16xf32>
    %add3A_492 = arith.constant 48 : i32
    %add3A_493 = arith.addi %mul3A_9, %add3A_492 : i32
    %get3A_494 = arith.constant 14 : i32
    %get3A_495 = arith.index_cast %get3A_494 : i32 to index
    %get3A_496 = arith.index_cast %add3A_493 : i32 to index
    %get3A_497 = tpu.vector_load %arg15[%get3A_495, %get3A_496] {strides = array<i32>} : memref<16x1024xf32, #tpu.memory_space<vmem>>, vector<16xf32>,
    %add3A_498 = arith.addf %add3A_491, %get3A_497 : vector<16xf32>
    %add3A_499 = arith.constant 48 : i32
    %add3A_500 = arith.addi %mul3A_9, %add3A_499 : i32
    %get3A_501 = arith.constant 15 : i32
    %get3A_502 = arith.index_cast %get3A_501 : i32 to index
    %get3A_503 = arith.index_cast %add3A_500 : i32 to index
    %get3A_504 = tpu.vector_load %arg15[%get3A_502, %get3A_503] {strides = array<i32>} : memref<16x1024xf32, #tpu.memory_space<vmem>>, vector<16xf32>,
    %add3A_505 = arith.addf %add3A_498, %get3A_504 : vector<16xf32>
    %swap3A_506 = arith.constant 48 : index
    %swap3A_507 = tpu.vector_load %arg16[%swap3A_506] {strides = array<i32>} : memref<64xf32, #tpu.memory_space<vmem>>, vector<16xf32>,
    tpu.vector_store %arg16[%swap3A_506], %add3A_505 {strides = array<i32>} : memref<64xf32, #tpu.memory_space<vmem>>, vector<16xf32>,
    "tpu.region"() ({
      %run_scoped3A = tpu.sem_alloc : memref<!tpu.dma_semaphore, #tpu.memory_space<semaphore_mem>>
      %dma_start3A = arith.constant 0 : i32
      %dma_start3A_516 = tpu.memref_slice %arg22[%mul3A_9, %dma_start3A] : memref<1024x128xf32, #tpu.memory_space<vmem_shared>> -> memref<64x128xf32, #tpu.memory_space<vmem_shared>>
      %dma_start3A_517 = arith.constant 0 : i32
      %dma_start3A_518 = tpu.memref_slice %arg22[%mul3A_9, %dma_start3A_517] : memref<1024x128xf32, #tpu.memory_space<vmem_shared>> -> memref<64x128xf32, #tpu.memory_space<vmem_shared>>
      tpu.enqueue_dma source(%dma_start3A_518 : memref<64x128xf32, #tpu.memory_space<vmem_shared>>) target(%arg17 : memref<64x128xf32, #tpu.memory_space<vmem>>) target_semaphore(%run_scoped3A : memref<!tpu.dma_semaphore, #tpu.memory_space<semaphore_mem>>)
      %dma_wait3A = arith.constant 0 : i32
      %dma_wait3A_519 = tpu.memref_slice %arg22[%mul3A_9, %dma_wait3A] : memref<1024x128xf32, #tpu.memory_space<vmem_shared>> -> memref<64x128xf32, #tpu.memory_space<vmem_shared>>
      %dma_wait3A_520 = arith.constant 0 : i32
      %dma_wait3A_521 = tpu.memref_slice %arg22[%mul3A_9, %dma_wait3A_520] : memref<1024x128xf32, #tpu.memory_space<vmem_shared>> -> memref<64x128xf32, #tpu.memory_space<vmem_shared>>
      tpu.wait_dma2 semaphore(%run_scoped3A : memref<!tpu.dma_semaphore, #tpu.memory_space<semaphore_mem>>) src(%dma_wait3A_521 : memref<64x128xf32, #tpu.memory_space<vmem_shared>>) dst(%arg17 : memref<64x128xf32, #tpu.memory_space<vmem>>)
      tpu.yield
    }) : () -> ()
    %scan3A_508 = arith.constant 0 : i32
    %scan3A_509 = arith.constant 4 : i32
    %scan3A_510 = arith.addi %scan3A_508, %scan3A_509 : i32
    %scan3A_511 = arith.constant 1 : i32
    scf.for %scan3A_516 = %scan3A_508 to %scan3A_510 step %scan3A_511  : i32 {
      %mul3A_517 = arith.constant 16 : i32
      %mul3A_518 = arith.muli %mul3A_517, %scan3A_516 : i32
      %get3A_519 = arith.index_cast %mul3A_518 : i32 to index
      %get3A_520 = tpu.vector_load %arg16[%get3A_519] {strides = array<i32>} : memref<64xf32, #tpu.memory_space<vmem>>, vector<16xf32>,
      %max3A = arith.constant 1.000000e+00 : f32
      %max3A_521 = vector.broadcast %max3A : f32 to vector<16xf32>
      %max3A_522 = arith.maximumf %get3A_520, %max3A_521 : vector<16xf32>
      %div3A = arith.constant 1.000000e+00 : f32
      %div3A_523 = vector.broadcast %div3A : f32 to vector<16xf32>
      %div3A_524 = arith.divf %div3A_523, %max3A_522 : vector<16xf32>
      %mul3A_525 = arith.constant 16 : i32
      %mul3A_526 = arith.muli %mul3A_525, %scan3A_516 : i32
      %add3A_527 = arith.constant 0 : i32
      %add3A_528 = arith.addi %mul3A_526, %add3A_527 : i32
      %slice3A = vector.extract_strided_slice %div3A_524 {offsets = [0], sizes = [1], strides = [1]} : vector<16xf32> to vector<1xf32>
      %squeeze3A = vector.extract %slice3A[0] : f32 from vector<1xf32>
      %broadcast_in_dim3A_529 = vector.broadcast %squeeze3A : f32 to vector<16xf32>
      %get3A_530 = arith.index_cast %add3A_528 : i32 to index
      %get3A_531 = arith.constant 0 : index
      %get3A_532 = tpu.vector_load %arg17[%get3A_530, %get3A_531] {strides = array<i32>} : memref<64x128xf32, #tpu.memory_space<vmem>>, vector<16xf32>,
      %mul3A_533 = arith.mulf %get3A_532, %broadcast_in_dim3A_529 : vector<16xf32>
      %swap3A_534 = arith.index_cast %add3A_528 : i32 to index
      %swap3A_535 = arith.constant 0 : index
      %swap3A_536 = tpu.vector_load %arg17[%swap3A_534, %swap3A_535] {strides = array<i32>} : memref<64x128xf32, #tpu.memory_space<vmem>>, vector<16xf32>,
      tpu.vector_store %arg17[%swap3A_534, %swap3A_535], %mul3A_533 {strides = array<i32>} : memref<64x128xf32, #tpu.memory_space<vmem>>, vector<16xf32>,
      %get3A_537 = arith.index_cast %add3A_528 : i32 to index
      %get3A_538 = arith.constant 16 : index
      %get3A_539 = tpu.vector_load %arg17[%get3A_537, %get3A_538] {strides = array<i32>} : memref<64x128xf32, #tpu.memory_space<vmem>>, vector<16xf32>,
      %mul3A_540 = arith.mulf %get3A_539, %broadcast_in_dim3A_529 : vector<16xf32>
      %swap3A_541 = arith.index_cast %add3A_528 : i32 to index
      %swap3A_542 = arith.constant 16 : index
      %swap3A_543 = tpu.vector_load %arg17[%swap3A_541, %swap3A_542] {strides = array<i32>} : memref<64x128xf32, #tpu.memory_space<vmem>>, vector<16xf32>,
      tpu.vector_store %arg17[%swap3A_541, %swap3A_542], %mul3A_540 {strides = array<i32>} : memref<64x128xf32, #tpu.memory_space<vmem>>, vector<16xf32>,
      %get3A_544 = arith.index_cast %add3A_528 : i32 to index
      %get3A_545 = arith.constant 32 : index
      %get3A_546 = tpu.vector_load %arg17[%get3A_544, %get3A_545] {strides = array<i32>} : memref<64x128xf32, #tpu.memory_space<vmem>>, vector<16xf32>,
      %mul3A_547 = arith.mulf %get3A_546, %broadcast_in_dim3A_529 : vector<16xf32>
      %swap3A_548 = arith.index_cast %add3A_528 : i32 to index
      %swap3A_549 = arith.constant 32 : index
      %swap3A_550 = tpu.vector_load %arg17[%swap3A_548, %swap3A_549] {strides = array<i32>} : memref<64x128xf32, #tpu.memory_space<vmem>>, vector<16xf32>,
      tpu.vector_store %arg17[%swap3A_548, %swap3A_549], %mul3A_547 {strides = array<i32>} : memref<64x128xf32, #tpu.memory_space<vmem>>, vector<16xf32>,
      %get3A_551 = arith.index_cast %add3A_528 : i32 to index
      %get3A_552 = arith.constant 48 : index
      %get3A_553 = tpu.vector_load %arg17[%get3A_551, %get3A_552] {strides = array<i32>} : memref<64x128xf32, #tpu.memory_space<vmem>>, vector<16xf32>,
      %mul3A_554 = arith.mulf %get3A_553, %broadcast_in_dim3A_529 : vector<16xf32>
      %swap3A_555 = arith.index_cast %add3A_528 : i32 to index
      %swap3A_556 = arith.constant 48 : index
      %swap3A_557 = tpu.vector_load %arg17[%swap3A_555, %swap3A_556] {strides = array<i32>} : memref<64x128xf32, #tpu.memory_space<vmem>>, vector<16xf32>,
      tpu.vector_store %arg17[%swap3A_555, %swap3A_556], %mul3A_554 {strides = array<i32>} : memref<64x128xf32, #tpu.memory_space<vmem>>, vector<16xf32>,
      %get3A_558 = arith.index_cast %add3A_528 : i32 to index
      %get3A_559 = arith.constant 64 : index
      %get3A_560 = tpu.vector_load %arg17[%get3A_558, %get3A_559] {strides = array<i32>} : memref<64x128xf32, #tpu.memory_space<vmem>>, vector<16xf32>,
      %mul3A_561 = arith.mulf %get3A_560, %broadcast_in_dim3A_529 : vector<16xf32>
      %swap3A_562 = arith.index_cast %add3A_528 : i32 to index
      %swap3A_563 = arith.constant 64 : index
      %swap3A_564 = tpu.vector_load %arg17[%swap3A_562, %swap3A_563] {strides = array<i32>} : memref<64x128xf32, #tpu.memory_space<vmem>>, vector<16xf32>,
      tpu.vector_store %arg17[%swap3A_562, %swap3A_563], %mul3A_561 {strides = array<i32>} : memref<64x128xf32, #tpu.memory_space<vmem>>, vector<16xf32>,
      %get3A_565 = arith.index_cast %add3A_528 : i32 to index
      %get3A_566 = arith.constant 80 : index
      %get3A_567 = tpu.vector_load %arg17[%get3A_565, %get3A_566] {strides = array<i32>} : memref<64x128xf32, #tpu.memory_space<vmem>>, vector<16xf32>,
      %mul3A_568 = arith.mulf %get3A_567, %broadcast_in_dim3A_529 : vector<16xf32>
      %swap3A_569 = arith.index_cast %add3A_528 : i32 to index
      %swap3A_570 = arith.constant 80 : index
      %swap3A_571 = tpu.vector_load %arg17[%swap3A_569, %swap3A_570] {strides = array<i32>} : memref<64x128xf32, #tpu.memory_space<vmem>>, vector<16xf32>,
      tpu.vector_store %arg17[%swap3A_569, %swap3A_570], %mul3A_568 {strides = array<i32>} : memref<64x128xf32, #tpu.memory_space<vmem>>, vector<16xf32>,
      %get3A_572 = arith.index_cast %add3A_528 : i32 to index
      %get3A_573 = arith.constant 96 : index
      %get3A_574 = tpu.vector_load %arg17[%get3A_572, %get3A_573] {strides = array<i32>} : memref<64x128xf32, #tpu.memory_space<vmem>>, vector<16xf32>,
      %mul3A_575 = arith.mulf %get3A_574, %broadcast_in_dim3A_529 : vector<16xf32>
      %swap3A_576 = arith.index_cast %add3A_528 : i32 to index
      %swap3A_577 = arith.constant 96 : index
      %swap3A_578 = tpu.vector_load %arg17[%swap3A_576, %swap3A_577] {strides = array<i32>} : memref<64x128xf32, #tpu.memory_space<vmem>>, vector<16xf32>,
      tpu.vector_store %arg17[%swap3A_576, %swap3A_577], %mul3A_575 {strides = array<i32>} : memref<64x128xf32, #tpu.memory_space<vmem>>, vector<16xf32>,
      %get3A_579 = arith.index_cast %add3A_528 : i32 to index
      %get3A_580 = arith.constant 112 : index
      %get3A_581 = tpu.vector_load %arg17[%get3A_579, %get3A_580] {strides = array<i32>} : memref<64x128xf32, #tpu.memory_space<vmem>>, vector<16xf32>,
      %mul3A_582 = arith.mulf %get3A_581, %broadcast_in_dim3A_529 : vector<16xf32>
      %swap3A_583 = arith.index_cast %add3A_528 : i32 to index
      %swap3A_584 = arith.constant 112 : index
      %swap3A_585 = tpu.vector_load %arg17[%swap3A_583, %swap3A_584] {strides = array<i32>} : memref<64x128xf32, #tpu.memory_space<vmem>>, vector<16xf32>,
      tpu.vector_store %arg17[%swap3A_583, %swap3A_584], %mul3A_582 {strides = array<i32>} : memref<64x128xf32, #tpu.memory_space<vmem>>, vector<16xf32>,
      %mul3A_586 = arith.constant 16 : i32
      %mul3A_587 = arith.muli %mul3A_586, %scan3A_516 : i32
      %add3A_588 = arith.constant 1 : i32
      %add3A_589 = arith.addi %mul3A_587, %add3A_588 : i32
      %slice3A_590 = vector.extract_strided_slice %div3A_524 {offsets = [1], sizes = [1], strides = [1]} : vector<16xf32> to vector<1xf32>
      %squeeze3A_591 = vector.extract %slice3A_590[0] : f32 from vector<1xf32>
      %broadcast_in_dim3A_592 = vector.broadcast %squeeze3A_591 : f32 to vector<16xf32>
      %get3A_593 = arith.index_cast %add3A_589 : i32 to index
      %get3A_594 = arith.constant 0 : index
      %get3A_595 = tpu.vector_load %arg17[%get3A_593, %get3A_594] {strides = array<i32>} : memref<64x128xf32, #tpu.memory_space<vmem>>, vector<16xf32>,
      %mul3A_596 = arith.mulf %get3A_595, %broadcast_in_dim3A_592 : vector<16xf32>
      %swap3A_597 = arith.index_cast %add3A_589 : i32 to index
      %swap3A_598 = arith.constant 0 : index
      %swap3A_599 = tpu.vector_load %arg17[%swap3A_597, %swap3A_598] {strides = array<i32>} : memref<64x128xf32, #tpu.memory_space<vmem>>, vector<16xf32>,
      tpu.vector_store %arg17[%swap3A_597, %swap3A_598], %mul3A_596 {strides = array<i32>} : memref<64x128xf32, #tpu.memory_space<vmem>>, vector<16xf32>,
      %get3A_600 = arith.index_cast %add3A_589 : i32 to index
      %get3A_601 = arith.constant 16 : index
      %get3A_602 = tpu.vector_load %arg17[%get3A_600, %get3A_601] {strides = array<i32>} : memref<64x128xf32, #tpu.memory_space<vmem>>, vector<16xf32>,
      %mul3A_603 = arith.mulf %get3A_602, %broadcast_in_dim3A_592 : vector<16xf32>
      %swap3A_604 = arith.index_cast %add3A_589 : i32 to index
      %swap3A_605 = arith.constant 16 : index
      %swap3A_606 = tpu.vector_load %arg17[%swap3A_604, %swap3A_605] {strides = array<i32>} : memref<64x128xf32, #tpu.memory_space<vmem>>, vector<16xf32>,
      tpu.vector_store %arg17[%swap3A_604, %swap3A_605], %mul3A_603 {strides = array<i32>} : memref<64x128xf32, #tpu.memory_space<vmem>>, vector<16xf32>,
      %get3A_607 = arith.index_cast %add3A_589 : i32 to index
      %get3A_608 = arith.constant 32 : index
      %get3A_609 = tpu.vector_load %arg17[%get3A_607, %get3A_608] {strides = array<i32>} : memref<64x128xf32, #tpu.memory_space<vmem>>, vector<16xf32>,
      %mul3A_610 = arith.mulf %get3A_609, %broadcast_in_dim3A_592 : vector<16xf32>
      %swap3A_611 = arith.index_cast %add3A_589 : i32 to index
      %swap3A_612 = arith.constant 32 : index
      %swap3A_613 = tpu.vector_load %arg17[%swap3A_611, %swap3A_612] {strides = array<i32>} : memref<64x128xf32, #tpu.memory_space<vmem>>, vector<16xf32>,
      tpu.vector_store %arg17[%swap3A_611, %swap3A_612], %mul3A_610 {strides = array<i32>} : memref<64x128xf32, #tpu.memory_space<vmem>>, vector<16xf32>,
      %get3A_614 = arith.index_cast %add3A_589 : i32 to index
      %get3A_615 = arith.constant 48 : index
      %get3A_616 = tpu.vector_load %arg17[%get3A_614, %get3A_615] {strides = array<i32>} : memref<64x128xf32, #tpu.memory_space<vmem>>, vector<16xf32>,
      %mul3A_617 = arith.mulf %get3A_616, %broadcast_in_dim3A_592 : vector<16xf32>
      %swap3A_618 = arith.index_cast %add3A_589 : i32 to index
      %swap3A_619 = arith.constant 48 : index
      %swap3A_620 = tpu.vector_load %arg17[%swap3A_618, %swap3A_619] {strides = array<i32>} : memref<64x128xf32, #tpu.memory_space<vmem>>, vector<16xf32>,
      tpu.vector_store %arg17[%swap3A_618, %swap3A_619], %mul3A_617 {strides = array<i32>} : memref<64x128xf32, #tpu.memory_space<vmem>>, vector<16xf32>,
      %get3A_621 = arith.index_cast %add3A_589 : i32 to index
      %get3A_622 = arith.constant 64 : index
      %get3A_623 = tpu.vector_load %arg17[%get3A_621, %get3A_622] {strides = array<i32>} : memref<64x128xf32, #tpu.memory_space<vmem>>, vector<16xf32>,
      %mul3A_624 = arith.mulf %get3A_623, %broadcast_in_dim3A_592 : vector<16xf32>
      %swap3A_625 = arith.index_cast %add3A_589 : i32 to index
      %swap3A_626 = arith.constant 64 : index
      %swap3A_627 = tpu.vector_load %arg17[%swap3A_625, %swap3A_626] {strides = array<i32>} : memref<64x128xf32, #tpu.memory_space<vmem>>, vector<16xf32>,
      tpu.vector_store %arg17[%swap3A_625, %swap3A_626], %mul3A_624 {strides = array<i32>} : memref<64x128xf32, #tpu.memory_space<vmem>>, vector<16xf32>,
      %get3A_628 = arith.index_cast %add3A_589 : i32 to index
      %get3A_629 = arith.constant 80 : index
      %get3A_630 = tpu.vector_load %arg17[%get3A_628, %get3A_629] {strides = array<i32>} : memref<64x128xf32, #tpu.memory_space<vmem>>, vector<16xf32>,
      %mul3A_631 = arith.mulf %get3A_630, %broadcast_in_dim3A_592 : vector<16xf32>
      %swap3A_632 = arith.index_cast %add3A_589 : i32 to index
      %swap3A_633 = arith.constant 80 : index
      %swap3A_634 = tpu.vector_load %arg17[%swap3A_632, %swap3A_633] {strides = array<i32>} : memref<64x128xf32, #tpu.memory_space<vmem>>, vector<16xf32>,
      tpu.vector_store %arg17[%swap3A_632, %swap3A_633], %mul3A_631 {strides = array<i32>} : memref<64x128xf32, #tpu.memory_space<vmem>>, vector<16xf32>,
      %get3A_635 = arith.index_cast %add3A_589 : i32 to index
      %get3A_636 = arith.constant 96 : index
      %get3A_637 = tpu.vector_load %arg17[%get3A_635, %get3A_636] {strides = array<i32>} : memref<64x128xf32, #tpu.memory_space<vmem>>, vector<16xf32>,
      %mul3A_638 = arith.mulf %get3A_637, %broadcast_in_dim3A_592 : vector<16xf32>
      %swap3A_639 = arith.index_cast %add3A_589 : i32 to index
      %swap3A_640 = arith.constant 96 : index
      %swap3A_641 = tpu.vector_load %arg17[%swap3A_639, %swap3A_640] {strides = array<i32>} : memref<64x128xf32, #tpu.memory_space<vmem>>, vector<16xf32>,
      tpu.vector_store %arg17[%swap3A_639, %swap3A_640], %mul3A_638 {strides = array<i32>} : memref<64x128xf32, #tpu.memory_space<vmem>>, vector<16xf32>,
      %get3A_642 = arith.index_cast %add3A_589 : i32 to index
      %get3A_643 = arith.constant 112 : index
      %get3A_644 = tpu.vector_load %arg17[%get3A_642, %get3A_643] {strides = array<i32>} : memref<64x128xf32, #tpu.memory_space<vmem>>, vector<16xf32>,
      %mul3A_645 = arith.mulf %get3A_644, %broadcast_in_dim3A_592 : vector<16xf32>
      %swap3A_646 = arith.index_cast %add3A_589 : i32 to index
      %swap3A_647 = arith.constant 112 : index
      %swap3A_648 = tpu.vector_load %arg17[%swap3A_646, %swap3A_647] {strides = array<i32>} : memref<64x128xf32, #tpu.memory_space<vmem>>, vector<16xf32>,
      tpu.vector_store %arg17[%swap3A_646, %swap3A_647], %mul3A_645 {strides = array<i32>} : memref<64x128xf32, #tpu.memory_space<vmem>>, vector<16xf32>,
      %mul3A_649 = arith.constant 16 : i32
      %mul3A_650 = arith.muli %mul3A_649, %scan3A_516 : i32
      %add3A_651 = arith.constant 2 : i32
      %add3A_652 = arith.addi %mul3A_650, %add3A_651 : i32
      %slice3A_653 = vector.extract_strided_slice %div3A_524 {offsets = [2], sizes = [1], strides = [1]} : vector<16xf32> to vector<1xf32>
      %squeeze3A_654 = vector.extract %slice3A_653[0] : f32 from vector<1xf32>
      %broadcast_in_dim3A_655 = vector.broadcast %squeeze3A_654 : f32 to vector<16xf32>
      %get3A_656 = arith.index_cast %add3A_652 : i32 to index
      %get3A_657 = arith.constant 0 : index
      %get3A_658 = tpu.vector_load %arg17[%get3A_656, %get3A_657] {strides = array<i32>} : memref<64x128xf32, #tpu.memory_space<vmem>>, vector<16xf32>,
      %mul3A_659 = arith.mulf %get3A_658, %broadcast_in_dim3A_655 : vector<16xf32>
      %swap3A_660 = arith.index_cast %add3A_652 : i32 to index
      %swap3A_661 = arith.constant 0 : index
      %swap3A_662 = tpu.vector_load %arg17[%swap3A_660, %swap3A_661] {strides = array<i32>} : memref<64x128xf32, #tpu.memory_space<vmem>>, vector<16xf32>,
      tpu.vector_store %arg17[%swap3A_660, %swap3A_661], %mul3A_659 {strides = array<i32>} : memref<64x128xf32, #tpu.memory_space<vmem>>, vector<16xf32>,
      %get3A_663 = arith.index_cast %add3A_652 : i32 to index
      %get3A_664 = arith.constant 16 : index
      %get3A_665 = tpu.vector_load %arg17[%get3A_663, %get3A_664] {strides = array<i32>} : memref<64x128xf32, #tpu.memory_space<vmem>>, vector<16xf32>,
      %mul3A_666 = arith.mulf %get3A_665, %broadcast_in_dim3A_655 : vector<16xf32>
      %swap3A_667 = arith.index_cast %add3A_652 : i32 to index
      %swap3A_668 = arith.constant 16 : index
      %swap3A_669 = tpu.vector_load %arg17[%swap3A_667, %swap3A_668] {strides = array<i32>} : memref<64x128xf32, #tpu.memory_space<vmem>>, vector<16xf32>,
      tpu.vector_store %arg17[%swap3A_667, %swap3A_668], %mul3A_666 {strides = array<i32>} : memref<64x128xf32, #tpu.memory_space<vmem>>, vector<16xf32>,
      %get3A_670 = arith.index_cast %add3A_652 : i32 to index
      %get3A_671 = arith.constant 32 : index
      %get3A_672 = tpu.vector_load %arg17[%get3A_670, %get3A_671] {strides = array<i32>} : memref<64x128xf32, #tpu.memory_space<vmem>>, vector<16xf32>,
      %mul3A_673 = arith.mulf %get3A_672, %broadcast_in_dim3A_655 : vector<16xf32>
      %swap3A_674 = arith.index_cast %add3A_652 : i32 to index
      %swap3A_675 = arith.constant 32 : index
      %swap3A_676 = tpu.vector_load %arg17[%swap3A_674, %swap3A_675] {strides = array<i32>} : memref<64x128xf32, #tpu.memory_space<vmem>>, vector<16xf32>,
      tpu.vector_store %arg17[%swap3A_674, %swap3A_675], %mul3A_673 {strides = array<i32>} : memref<64x128xf32, #tpu.memory_space<vmem>>, vector<16xf32>,
      %get3A_677 = arith.index_cast %add3A_652 : i32 to index
      %get3A_678 = arith.constant 48 : index
      %get3A_679 = tpu.vector_load %arg17[%get3A_677, %get3A_678] {strides = array<i32>} : memref<64x128xf32, #tpu.memory_space<vmem>>, vector<16xf32>,
      %mul3A_680 = arith.mulf %get3A_679, %broadcast_in_dim3A_655 : vector<16xf32>
      %swap3A_681 = arith.index_cast %add3A_652 : i32 to index
      %swap3A_682 = arith.constant 48 : index
      %swap3A_683 = tpu.vector_load %arg17[%swap3A_681, %swap3A_682] {strides = array<i32>} : memref<64x128xf32, #tpu.memory_space<vmem>>, vector<16xf32>,
      tpu.vector_store %arg17[%swap3A_681, %swap3A_682], %mul3A_680 {strides = array<i32>} : memref<64x128xf32, #tpu.memory_space<vmem>>, vector<16xf32>,
      %get3A_684 = arith.index_cast %add3A_652 : i32 to index
      %get3A_685 = arith.constant 64 : index
      %get3A_686 = tpu.vector_load %arg17[%get3A_684, %get3A_685] {strides = array<i32>} : memref<64x128xf32, #tpu.memory_space<vmem>>, vector<16xf32>,
      %mul3A_687 = arith.mulf %get3A_686, %broadcast_in_dim3A_655 : vector<16xf32>
      %swap3A_688 = arith.index_cast %add3A_652 : i32 to index
      %swap3A_689 = arith.constant 64 : index
      %swap3A_690 = tpu.vector_load %arg17[%swap3A_688, %swap3A_689] {strides = array<i32>} : memref<64x128xf32, #tpu.memory_space<vmem>>, vector<16xf32>,
      tpu.vector_store %arg17[%swap3A_688, %swap3A_689], %mul3A_687 {strides = array<i32>} : memref<64x128xf32, #tpu.memory_space<vmem>>, vector<16xf32>,
      %get3A_691 = arith.index_cast %add3A_652 : i32 to index
      %get3A_692 = arith.constant 80 : index
      %get3A_693 = tpu.vector_load %arg17[%get3A_691, %get3A_692] {strides = array<i32>} : memref<64x128xf32, #tpu.memory_space<vmem>>, vector<16xf32>,
      %mul3A_694 = arith.mulf %get3A_693, %broadcast_in_dim3A_655 : vector<16xf32>
      %swap3A_695 = arith.index_cast %add3A_652 : i32 to index
      %swap3A_696 = arith.constant 80 : index
      %swap3A_697 = tpu.vector_load %arg17[%swap3A_695, %swap3A_696] {strides = array<i32>} : memref<64x128xf32, #tpu.memory_space<vmem>>, vector<16xf32>,
      tpu.vector_store %arg17[%swap3A_695, %swap3A_696], %mul3A_694 {strides = array<i32>} : memref<64x128xf32, #tpu.memory_space<vmem>>, vector<16xf32>,
      %get3A_698 = arith.index_cast %add3A_652 : i32 to index
      %get3A_699 = arith.constant 96 : index
      %get3A_700 = tpu.vector_load %arg17[%get3A_698, %get3A_699] {strides = array<i32>} : memref<64x128xf32, #tpu.memory_space<vmem>>, vector<16xf32>,
      %mul3A_701 = arith.mulf %get3A_700, %broadcast_in_dim3A_655 : vector<16xf32>
      %swap3A_702 = arith.index_cast %add3A_652 : i32 to index
      %swap3A_703 = arith.constant 96 : index
      %swap3A_704 = tpu.vector_load %arg17[%swap3A_702, %swap3A_703] {strides = array<i32>} : memref<64x128xf32, #tpu.memory_space<vmem>>, vector<16xf32>,
      tpu.vector_store %arg17[%swap3A_702, %swap3A_703], %mul3A_701 {strides = array<i32>} : memref<64x128xf32, #tpu.memory_space<vmem>>, vector<16xf32>,
      %get3A_705 = arith.index_cast %add3A_652 : i32 to index
      %get3A_706 = arith.constant 112 : index
      %get3A_707 = tpu.vector_load %arg17[%get3A_705, %get3A_706] {strides = array<i32>} : memref<64x128xf32, #tpu.memory_space<vmem>>, vector<16xf32>,
      %mul3A_708 = arith.mulf %get3A_707, %broadcast_in_dim3A_655 : vector<16xf32>
      %swap3A_709 = arith.index_cast %add3A_652 : i32 to index
      %swap3A_710 = arith.constant 112 : index
      %swap3A_711 = tpu.vector_load %arg17[%swap3A_709, %swap3A_710] {strides = array<i32>} : memref<64x128xf32, #tpu.memory_space<vmem>>, vector<16xf32>,
      tpu.vector_store %arg17[%swap3A_709, %swap3A_710], %mul3A_708 {strides = array<i32>} : memref<64x128xf32, #tpu.memory_space<vmem>>, vector<16xf32>,
      %mul3A_712 = arith.constant 16 : i32
      %mul3A_713 = arith.muli %mul3A_712, %scan3A_516 : i32
      %add3A_714 = arith.constant 3 : i32
      %add3A_715 = arith.addi %mul3A_713, %add3A_714 : i32
      %slice3A_716 = vector.extract_strided_slice %div3A_524 {offsets = [3], sizes = [1], strides = [1]} : vector<16xf32> to vector<1xf32>
      %squeeze3A_717 = vector.extract %slice3A_716[0] : f32 from vector<1xf32>
      %broadcast_in_dim3A_718 = vector.broadcast %squeeze3A_717 : f32 to vector<16xf32>
      %get3A_719 = arith.index_cast %add3A_715 : i32 to index
      %get3A_720 = arith.constant 0 : index
      %get3A_721 = tpu.vector_load %arg17[%get3A_719, %get3A_720] {strides = array<i32>} : memref<64x128xf32, #tpu.memory_space<vmem>>, vector<16xf32>,
      %mul3A_722 = arith.mulf %get3A_721, %broadcast_in_dim3A_718 : vector<16xf32>
      %swap3A_723 = arith.index_cast %add3A_715 : i32 to index
      %swap3A_724 = arith.constant 0 : index
      %swap3A_725 = tpu.vector_load %arg17[%swap3A_723, %swap3A_724] {strides = array<i32>} : memref<64x128xf32, #tpu.memory_space<vmem>>, vector<16xf32>,
      tpu.vector_store %arg17[%swap3A_723, %swap3A_724], %mul3A_722 {strides = array<i32>} : memref<64x128xf32, #tpu.memory_space<vmem>>, vector<16xf32>,
      %get3A_726 = arith.index_cast %add3A_715 : i32 to index
      %get3A_727 = arith.constant 16 : index
      %get3A_728 = tpu.vector_load %arg17[%get3A_726, %get3A_727] {strides = array<i32>} : memref<64x128xf32, #tpu.memory_space<vmem>>, vector<16xf32>,
      %mul3A_729 = arith.mulf %get3A_728, %broadcast_in_dim3A_718 : vector<16xf32>
      %swap3A_730 = arith.index_cast %add3A_715 : i32 to index
      %swap3A_731 = arith.constant 16 : index
      %swap3A_732 = tpu.vector_load %arg17[%swap3A_730, %swap3A_731] {strides = array<i32>} : memref<64x128xf32, #tpu.memory_space<vmem>>, vector<16xf32>,
      tpu.vector_store %arg17[%swap3A_730, %swap3A_731], %mul3A_729 {strides = array<i32>} : memref<64x128xf32, #tpu.memory_space<vmem>>, vector<16xf32>,
      %get3A_733 = arith.index_cast %add3A_715 : i32 to index
      %get3A_734 = arith.constant 32 : index
      %get3A_735 = tpu.vector_load %arg17[%get3A_733, %get3A_734] {strides = array<i32>} : memref<64x128xf32, #tpu.memory_space<vmem>>, vector<16xf32>,
      %mul3A_736 = arith.mulf %get3A_735, %broadcast_in_dim3A_718 : vector<16xf32>
      %swap3A_737 = arith.index_cast %add3A_715 : i32 to index
      %swap3A_738 = arith.constant 32 : index
      %swap3A_739 = tpu.vector_load %arg17[%swap3A_737, %swap3A_738] {strides = array<i32>} : memref<64x128xf32, #tpu.memory_space<vmem>>, vector<16xf32>,
      tpu.vector_store %arg17[%swap3A_737, %swap3A_738], %mul3A_736 {strides = array<i32>} : memref<64x128xf32, #tpu.memory_space<vmem>>, vector<16xf32>,
      %get3A_740 = arith.index_cast %add3A_715 : i32 to index
      %get3A_741 = arith.constant 48 : index
      %get3A_742 = tpu.vector_load %arg17[%get3A_740, %get3A_741] {strides = array<i32>} : memref<64x128xf32, #tpu.memory_space<vmem>>, vector<16xf32>,
      %mul3A_743 = arith.mulf %get3A_742, %broadcast_in_dim3A_718 : vector<16xf32>
      %swap3A_744 = arith.index_cast %add3A_715 : i32 to index
      %swap3A_745 = arith.constant 48 : index
      %swap3A_746 = tpu.vector_load %arg17[%swap3A_744, %swap3A_745] {strides = array<i32>} : memref<64x128xf32, #tpu.memory_space<vmem>>, vector<16xf32>,
      tpu.vector_store %arg17[%swap3A_744, %swap3A_745], %mul3A_743 {strides = array<i32>} : memref<64x128xf32, #tpu.memory_space<vmem>>, vector<16xf32>,
      %get3A_747 = arith.index_cast %add3A_715 : i32 to index
      %get3A_748 = arith.constant 64 : index
      %get3A_749 = tpu.vector_load %arg17[%get3A_747, %get3A_748] {strides = array<i32>} : memref<64x128xf32, #tpu.memory_space<vmem>>, vector<16xf32>,
      %mul3A_750 = arith.mulf %get3A_749, %broadcast_in_dim3A_718 : vector<16xf32>
      %swap3A_751 = arith.index_cast %add3A_715 : i32 to index
      %swap3A_752 = arith.constant 64 : index
      %swap3A_753 = tpu.vector_load %arg17[%swap3A_751, %swap3A_752] {strides = array<i32>} : memref<64x128xf32, #tpu.memory_space<vmem>>, vector<16xf32>,
      tpu.vector_store %arg17[%swap3A_751, %swap3A_752], %mul3A_750 {strides = array<i32>} : memref<64x128xf32, #tpu.memory_space<vmem>>, vector<16xf32>,
      %get3A_754 = arith.index_cast %add3A_715 : i32 to index
      %get3A_755 = arith.constant 80 : index
      %get3A_756 = tpu.vector_load %arg17[%get3A_754, %get3A_755] {strides = array<i32>} : memref<64x128xf32, #tpu.memory_space<vmem>>, vector<16xf32>,
      %mul3A_757 = arith.mulf %get3A_756, %broadcast_in_dim3A_718 : vector<16xf32>
      %swap3A_758 = arith.index_cast %add3A_715 : i32 to index
      %swap3A_759 = arith.constant 80 : index
      %swap3A_760 = tpu.vector_load %arg17[%swap3A_758, %swap3A_759] {strides = array<i32>} : memref<64x128xf32, #tpu.memory_space<vmem>>, vector<16xf32>,
      tpu.vector_store %arg17[%swap3A_758, %swap3A_759], %mul3A_757 {strides = array<i32>} : memref<64x128xf32, #tpu.memory_space<vmem>>, vector<16xf32>,
      %get3A_761 = arith.index_cast %add3A_715 : i32 to index
      %get3A_762 = arith.constant 96 : index
      %get3A_763 = tpu.vector_load %arg17[%get3A_761, %get3A_762] {strides = array<i32>} : memref<64x128xf32, #tpu.memory_space<vmem>>, vector<16xf32>,
      %mul3A_764 = arith.mulf %get3A_763, %broadcast_in_dim3A_718 : vector<16xf32>
      %swap3A_765 = arith.index_cast %add3A_715 : i32 to index
      %swap3A_766 = arith.constant 96 : index
      %swap3A_767 = tpu.vector_load %arg17[%swap3A_765, %swap3A_766] {strides = array<i32>} : memref<64x128xf32, #tpu.memory_space<vmem>>, vector<16xf32>,
      tpu.vector_store %arg17[%swap3A_765, %swap3A_766], %mul3A_764 {strides = array<i32>} : memref<64x128xf32, #tpu.memory_space<vmem>>, vector<16xf32>,
      %get3A_768 = arith.index_cast %add3A_715 : i32 to index
      %get3A_769 = arith.constant 112 : index
      %get3A_770 = tpu.vector_load %arg17[%get3A_768, %get3A_769] {strides = array<i32>} : memref<64x128xf32, #tpu.memory_space<vmem>>, vector<16xf32>,
      %mul3A_771 = arith.mulf %get3A_770, %broadcast_in_dim3A_718 : vector<16xf32>
      %swap3A_772 = arith.index_cast %add3A_715 : i32 to index
      %swap3A_773 = arith.constant 112 : index
      %swap3A_774 = tpu.vector_load %arg17[%swap3A_772, %swap3A_773] {strides = array<i32>} : memref<64x128xf32, #tpu.memory_space<vmem>>, vector<16xf32>,
      tpu.vector_store %arg17[%swap3A_772, %swap3A_773], %mul3A_771 {strides = array<i32>} : memref<64x128xf32, #tpu.memory_space<vmem>>, vector<16xf32>,
      %mul3A_775 = arith.constant 16 : i32
      %mul3A_776 = arith.muli %mul3A_775, %scan3A_516 : i32
      %add3A_777 = arith.constant 4 : i32
      %add3A_778 = arith.addi %mul3A_776, %add3A_777 : i32
      %slice3A_779 = vector.extract_strided_slice %div3A_524 {offsets = [4], sizes = [1], strides = [1]} : vector<16xf32> to vector<1xf32>
      %squeeze3A_780 = vector.extract %slice3A_779[0] : f32 from vector<1xf32>
      %broadcast_in_dim3A_781 = vector.broadcast %squeeze3A_780 : f32 to vector<16xf32>
      %get3A_782 = arith.index_cast %add3A_778 : i32 to index
      %get3A_783 = arith.constant 0 : index
      %get3A_784 = tpu.vector_load %arg17[%get3A_782, %get3A_783] {strides = array<i32>} : memref<64x128xf32, #tpu.memory_space<vmem>>, vector<16xf32>,
      %mul3A_785 = arith.mulf %get3A_784, %broadcast_in_dim3A_781 : vector<16xf32>
      %swap3A_786 = arith.index_cast %add3A_778 : i32 to index
      %swap3A_787 = arith.constant 0 : index
      %swap3A_788 = tpu.vector_load %arg17[%swap3A_786, %swap3A_787] {strides = array<i32>} : memref<64x128xf32, #tpu.memory_space<vmem>>, vector<16xf32>,
      tpu.vector_store %arg17[%swap3A_786, %swap3A_787], %mul3A_785 {strides = array<i32>} : memref<64x128xf32, #tpu.memory_space<vmem>>, vector<16xf32>,
      %get3A_789 = arith.index_cast %add3A_778 : i32 to index
      %get3A_790 = arith.constant 16 : index
      %get3A_791 = tpu.vector_load %arg17[%get3A_789, %get3A_790] {strides = array<i32>} : memref<64x128xf32, #tpu.memory_space<vmem>>, vector<16xf32>,
      %mul3A_792 = arith.mulf %get3A_791, %broadcast_in_dim3A_781 : vector<16xf32>
      %swap3A_793 = arith.index_cast %add3A_778 : i32 to index
      %swap3A_794 = arith.constant 16 : index
      %swap3A_795 = tpu.vector_load %arg17[%swap3A_793, %swap3A_794] {strides = array<i32>} : memref<64x128xf32, #tpu.memory_space<vmem>>, vector<16xf32>,
      tpu.vector_store %arg17[%swap3A_793, %swap3A_794], %mul3A_792 {strides = array<i32>} : memref<64x128xf32, #tpu.memory_space<vmem>>, vector<16xf32>,
      %get3A_796 = arith.index_cast %add3A_778 : i32 to index
      %get3A_797 = arith.constant 32 : index
      %get3A_798 = tpu.vector_load %arg17[%get3A_796, %get3A_797] {strides = array<i32>} : memref<64x128xf32, #tpu.memory_space<vmem>>, vector<16xf32>,
      %mul3A_799 = arith.mulf %get3A_798, %broadcast_in_dim3A_781 : vector<16xf32>
      %swap3A_800 = arith.index_cast %add3A_778 : i32 to index
      %swap3A_801 = arith.constant 32 : index
      %swap3A_802 = tpu.vector_load %arg17[%swap3A_800, %swap3A_801] {strides = array<i32>} : memref<64x128xf32, #tpu.memory_space<vmem>>, vector<16xf32>,
      tpu.vector_store %arg17[%swap3A_800, %swap3A_801], %mul3A_799 {strides = array<i32>} : memref<64x128xf32, #tpu.memory_space<vmem>>, vector<16xf32>,
      %get3A_803 = arith.index_cast %add3A_778 : i32 to index
      %get3A_804 = arith.constant 48 : index
      %get3A_805 = tpu.vector_load %arg17[%get3A_803, %get3A_804] {strides = array<i32>} : memref<64x128xf32, #tpu.memory_space<vmem>>, vector<16xf32>,
      %mul3A_806 = arith.mulf %get3A_805, %broadcast_in_dim3A_781 : vector<16xf32>
      %swap3A_807 = arith.index_cast %add3A_778 : i32 to index
      %swap3A_808 = arith.constant 48 : index
      %swap3A_809 = tpu.vector_load %arg17[%swap3A_807, %swap3A_808] {strides = array<i32>} : memref<64x128xf32, #tpu.memory_space<vmem>>, vector<16xf32>,
      tpu.vector_store %arg17[%swap3A_807, %swap3A_808], %mul3A_806 {strides = array<i32>} : memref<64x128xf32, #tpu.memory_space<vmem>>, vector<16xf32>,
      %get3A_810 = arith.index_cast %add3A_778 : i32 to index
      %get3A_811 = arith.constant 64 : index
      %get3A_812 = tpu.vector_load %arg17[%get3A_810, %get3A_811] {strides = array<i32>} : memref<64x128xf32, #tpu.memory_space<vmem>>, vector<16xf32>,
      %mul3A_813 = arith.mulf %get3A_812, %broadcast_in_dim3A_781 : vector<16xf32>
      %swap3A_814 = arith.index_cast %add3A_778 : i32 to index
      %swap3A_815 = arith.constant 64 : index
      %swap3A_816 = tpu.vector_load %arg17[%swap3A_814, %swap3A_815] {strides = array<i32>} : memref<64x128xf32, #tpu.memory_space<vmem>>, vector<16xf32>,
      tpu.vector_store %arg17[%swap3A_814, %swap3A_815], %mul3A_813 {strides = array<i32>} : memref<64x128xf32, #tpu.memory_space<vmem>>, vector<16xf32>,
      %get3A_817 = arith.index_cast %add3A_778 : i32 to index
      %get3A_818 = arith.constant 80 : index
      %get3A_819 = tpu.vector_load %arg17[%get3A_817, %get3A_818] {strides = array<i32>} : memref<64x128xf32, #tpu.memory_space<vmem>>, vector<16xf32>,
      %mul3A_820 = arith.mulf %get3A_819, %broadcast_in_dim3A_781 : vector<16xf32>
      %swap3A_821 = arith.index_cast %add3A_778 : i32 to index
      %swap3A_822 = arith.constant 80 : index
      %swap3A_823 = tpu.vector_load %arg17[%swap3A_821, %swap3A_822] {strides = array<i32>} : memref<64x128xf32, #tpu.memory_space<vmem>>, vector<16xf32>,
      tpu.vector_store %arg17[%swap3A_821, %swap3A_822], %mul3A_820 {strides = array<i32>} : memref<64x128xf32, #tpu.memory_space<vmem>>, vector<16xf32>,
      %get3A_824 = arith.index_cast %add3A_778 : i32 to index
      %get3A_825 = arith.constant 96 : index
      %get3A_826 = tpu.vector_load %arg17[%get3A_824, %get3A_825] {strides = array<i32>} : memref<64x128xf32, #tpu.memory_space<vmem>>, vector<16xf32>,
      %mul3A_827 = arith.mulf %get3A_826, %broadcast_in_dim3A_781 : vector<16xf32>
      %swap3A_828 = arith.index_cast %add3A_778 : i32 to index
      %swap3A_829 = arith.constant 96 : index
      %swap3A_830 = tpu.vector_load %arg17[%swap3A_828, %swap3A_829] {strides = array<i32>} : memref<64x128xf32, #tpu.memory_space<vmem>>, vector<16xf32>,
      tpu.vector_store %arg17[%swap3A_828, %swap3A_829], %mul3A_827 {strides = array<i32>} : memref<64x128xf32, #tpu.memory_space<vmem>>, vector<16xf32>,
      %get3A_831 = arith.index_cast %add3A_778 : i32 to index
      %get3A_832 = arith.constant 112 : index
      %get3A_833 = tpu.vector_load %arg17[%get3A_831, %get3A_832] {strides = array<i32>} : memref<64x128xf32, #tpu.memory_space<vmem>>, vector<16xf32>,
      %mul3A_834 = arith.mulf %get3A_833, %broadcast_in_dim3A_781 : vector<16xf32>
      %swap3A_835 = arith.index_cast %add3A_778 : i32 to index
      %swap3A_836 = arith.constant 112 : index
      %swap3A_837 = tpu.vector_load %arg17[%swap3A_835, %swap3A_836] {strides = array<i32>} : memref<64x128xf32, #tpu.memory_space<vmem>>, vector<16xf32>,
      tpu.vector_store %arg17[%swap3A_835, %swap3A_836], %mul3A_834 {strides = array<i32>} : memref<64x128xf32, #tpu.memory_space<vmem>>, vector<16xf32>,
      %mul3A_838 = arith.constant 16 : i32
      %mul3A_839 = arith.muli %mul3A_838, %scan3A_516 : i32
      %add3A_840 = arith.constant 5 : i32
      %add3A_841 = arith.addi %mul3A_839, %add3A_840 : i32
      %slice3A_842 = vector.extract_strided_slice %div3A_524 {offsets = [5], sizes = [1], strides = [1]} : vector<16xf32> to vector<1xf32>
      %squeeze3A_843 = vector.extract %slice3A_842[0] : f32 from vector<1xf32>
      %broadcast_in_dim3A_844 = vector.broadcast %squeeze3A_843 : f32 to vector<16xf32>
      %get3A_845 = arith.index_cast %add3A_841 : i32 to index
      %get3A_846 = arith.constant 0 : index
      %get3A_847 = tpu.vector_load %arg17[%get3A_845, %get3A_846] {strides = array<i32>} : memref<64x128xf32, #tpu.memory_space<vmem>>, vector<16xf32>,
      %mul3A_848 = arith.mulf %get3A_847, %broadcast_in_dim3A_844 : vector<16xf32>
      %swap3A_849 = arith.index_cast %add3A_841 : i32 to index
      %swap3A_850 = arith.constant 0 : index
      %swap3A_851 = tpu.vector_load %arg17[%swap3A_849, %swap3A_850] {strides = array<i32>} : memref<64x128xf32, #tpu.memory_space<vmem>>, vector<16xf32>,
      tpu.vector_store %arg17[%swap3A_849, %swap3A_850], %mul3A_848 {strides = array<i32>} : memref<64x128xf32, #tpu.memory_space<vmem>>, vector<16xf32>,
      %get3A_852 = arith.index_cast %add3A_841 : i32 to index
      %get3A_853 = arith.constant 16 : index
      %get3A_854 = tpu.vector_load %arg17[%get3A_852, %get3A_853] {strides = array<i32>} : memref<64x128xf32, #tpu.memory_space<vmem>>, vector<16xf32>,
      %mul3A_855 = arith.mulf %get3A_854, %broadcast_in_dim3A_844 : vector<16xf32>
      %swap3A_856 = arith.index_cast %add3A_841 : i32 to index
      %swap3A_857 = arith.constant 16 : index
      %swap3A_858 = tpu.vector_load %arg17[%swap3A_856, %swap3A_857] {strides = array<i32>} : memref<64x128xf32, #tpu.memory_space<vmem>>, vector<16xf32>,
      tpu.vector_store %arg17[%swap3A_856, %swap3A_857], %mul3A_855 {strides = array<i32>} : memref<64x128xf32, #tpu.memory_space<vmem>>, vector<16xf32>,
      %get3A_859 = arith.index_cast %add3A_841 : i32 to index
      %get3A_860 = arith.constant 32 : index
      %get3A_861 = tpu.vector_load %arg17[%get3A_859, %get3A_860] {strides = array<i32>} : memref<64x128xf32, #tpu.memory_space<vmem>>, vector<16xf32>,
      %mul3A_862 = arith.mulf %get3A_861, %broadcast_in_dim3A_844 : vector<16xf32>
      %swap3A_863 = arith.index_cast %add3A_841 : i32 to index
      %swap3A_864 = arith.constant 32 : index
      %swap3A_865 = tpu.vector_load %arg17[%swap3A_863, %swap3A_864] {strides = array<i32>} : memref<64x128xf32, #tpu.memory_space<vmem>>, vector<16xf32>,
      tpu.vector_store %arg17[%swap3A_863, %swap3A_864], %mul3A_862 {strides = array<i32>} : memref<64x128xf32, #tpu.memory_space<vmem>>, vector<16xf32>,
      %get3A_866 = arith.index_cast %add3A_841 : i32 to index
      %get3A_867 = arith.constant 48 : index
      %get3A_868 = tpu.vector_load %arg17[%get3A_866, %get3A_867] {strides = array<i32>} : memref<64x128xf32, #tpu.memory_space<vmem>>, vector<16xf32>,
      %mul3A_869 = arith.mulf %get3A_868, %broadcast_in_dim3A_844 : vector<16xf32>
      %swap3A_870 = arith.index_cast %add3A_841 : i32 to index
      %swap3A_871 = arith.constant 48 : index
      %swap3A_872 = tpu.vector_load %arg17[%swap3A_870, %swap3A_871] {strides = array<i32>} : memref<64x128xf32, #tpu.memory_space<vmem>>, vector<16xf32>,
      tpu.vector_store %arg17[%swap3A_870, %swap3A_871], %mul3A_869 {strides = array<i32>} : memref<64x128xf32, #tpu.memory_space<vmem>>, vector<16xf32>,
      %get3A_873 = arith.index_cast %add3A_841 : i32 to index
      %get3A_874 = arith.constant 64 : index
      %get3A_875 = tpu.vector_load %arg17[%get3A_873, %get3A_874] {strides = array<i32>} : memref<64x128xf32, #tpu.memory_space<vmem>>, vector<16xf32>,
      %mul3A_876 = arith.mulf %get3A_875, %broadcast_in_dim3A_844 : vector<16xf32>
      %swap3A_877 = arith.index_cast %add3A_841 : i32 to index
      %swap3A_878 = arith.constant 64 : index
      %swap3A_879 = tpu.vector_load %arg17[%swap3A_877, %swap3A_878] {strides = array<i32>} : memref<64x128xf32, #tpu.memory_space<vmem>>, vector<16xf32>,
      tpu.vector_store %arg17[%swap3A_877, %swap3A_878], %mul3A_876 {strides = array<i32>} : memref<64x128xf32, #tpu.memory_space<vmem>>, vector<16xf32>,
      %get3A_880 = arith.index_cast %add3A_841 : i32 to index
      %get3A_881 = arith.constant 80 : index
      %get3A_882 = tpu.vector_load %arg17[%get3A_880, %get3A_881] {strides = array<i32>} : memref<64x128xf32, #tpu.memory_space<vmem>>, vector<16xf32>,
      %mul3A_883 = arith.mulf %get3A_882, %broadcast_in_dim3A_844 : vector<16xf32>
      %swap3A_884 = arith.index_cast %add3A_841 : i32 to index
      %swap3A_885 = arith.constant 80 : index
      %swap3A_886 = tpu.vector_load %arg17[%swap3A_884, %swap3A_885] {strides = array<i32>} : memref<64x128xf32, #tpu.memory_space<vmem>>, vector<16xf32>,
      tpu.vector_store %arg17[%swap3A_884, %swap3A_885], %mul3A_883 {strides = array<i32>} : memref<64x128xf32, #tpu.memory_space<vmem>>, vector<16xf32>,
      %get3A_887 = arith.index_cast %add3A_841 : i32 to index
      %get3A_888 = arith.constant 96 : index
      %get3A_889 = tpu.vector_load %arg17[%get3A_887, %get3A_888] {strides = array<i32>} : memref<64x128xf32, #tpu.memory_space<vmem>>, vector<16xf32>,
      %mul3A_890 = arith.mulf %get3A_889, %broadcast_in_dim3A_844 : vector<16xf32>
      %swap3A_891 = arith.index_cast %add3A_841 : i32 to index
      %swap3A_892 = arith.constant 96 : index
      %swap3A_893 = tpu.vector_load %arg17[%swap3A_891, %swap3A_892] {strides = array<i32>} : memref<64x128xf32, #tpu.memory_space<vmem>>, vector<16xf32>,
      tpu.vector_store %arg17[%swap3A_891, %swap3A_892], %mul3A_890 {strides = array<i32>} : memref<64x128xf32, #tpu.memory_space<vmem>>, vector<16xf32>,
      %get3A_894 = arith.index_cast %add3A_841 : i32 to index
      %get3A_895 = arith.constant 112 : index
      %get3A_896 = tpu.vector_load %arg17[%get3A_894, %get3A_895] {strides = array<i32>} : memref<64x128xf32, #tpu.memory_space<vmem>>, vector<16xf32>,
      %mul3A_897 = arith.mulf %get3A_896, %broadcast_in_dim3A_844 : vector<16xf32>
      %swap3A_898 = arith.index_cast %add3A_841 : i32 to index
      %swap3A_899 = arith.constant 112 : index
      %swap3A_900 = tpu.vector_load %arg17[%swap3A_898, %swap3A_899] {strides = array<i32>} : memref<64x128xf32, #tpu.memory_space<vmem>>, vector<16xf32>,
      tpu.vector_store %arg17[%swap3A_898, %swap3A_899], %mul3A_897 {strides = array<i32>} : memref<64x128xf32, #tpu.memory_space<vmem>>, vector<16xf32>,
      %mul3A_901 = arith.constant 16 : i32
      %mul3A_902 = arith.muli %mul3A_901, %scan3A_516 : i32
      %add3A_903 = arith.constant 6 : i32
      %add3A_904 = arith.addi %mul3A_902, %add3A_903 : i32
      %slice3A_905 = vector.extract_strided_slice %div3A_524 {offsets = [6], sizes = [1], strides = [1]} : vector<16xf32> to vector<1xf32>
      %squeeze3A_906 = vector.extract %slice3A_905[0] : f32 from vector<1xf32>
      %broadcast_in_dim3A_907 = vector.broadcast %squeeze3A_906 : f32 to vector<16xf32>
      %get3A_908 = arith.index_cast %add3A_904 : i32 to index
      %get3A_909 = arith.constant 0 : index
      %get3A_910 = tpu.vector_load %arg17[%get3A_908, %get3A_909] {strides = array<i32>} : memref<64x128xf32, #tpu.memory_space<vmem>>, vector<16xf32>,
      %mul3A_911 = arith.mulf %get3A_910, %broadcast_in_dim3A_907 : vector<16xf32>
      %swap3A_912 = arith.index_cast %add3A_904 : i32 to index
      %swap3A_913 = arith.constant 0 : index
      %swap3A_914 = tpu.vector_load %arg17[%swap3A_912, %swap3A_913] {strides = array<i32>} : memref<64x128xf32, #tpu.memory_space<vmem>>, vector<16xf32>,
      tpu.vector_store %arg17[%swap3A_912, %swap3A_913], %mul3A_911 {strides = array<i32>} : memref<64x128xf32, #tpu.memory_space<vmem>>, vector<16xf32>,
      %get3A_915 = arith.index_cast %add3A_904 : i32 to index
      %get3A_916 = arith.constant 16 : index
      %get3A_917 = tpu.vector_load %arg17[%get3A_915, %get3A_916] {strides = array<i32>} : memref<64x128xf32, #tpu.memory_space<vmem>>, vector<16xf32>,
      %mul3A_918 = arith.mulf %get3A_917, %broadcast_in_dim3A_907 : vector<16xf32>
      %swap3A_919 = arith.index_cast %add3A_904 : i32 to index
      %swap3A_920 = arith.constant 16 : index
      %swap3A_921 = tpu.vector_load %arg17[%swap3A_919, %swap3A_920] {strides = array<i32>} : memref<64x128xf32, #tpu.memory_space<vmem>>, vector<16xf32>,
      tpu.vector_store %arg17[%swap3A_919, %swap3A_920], %mul3A_918 {strides = array<i32>} : memref<64x128xf32, #tpu.memory_space<vmem>>, vector<16xf32>,
      %get3A_922 = arith.index_cast %add3A_904 : i32 to index
      %get3A_923 = arith.constant 32 : index
      %get3A_924 = tpu.vector_load %arg17[%get3A_922, %get3A_923] {strides = array<i32>} : memref<64x128xf32, #tpu.memory_space<vmem>>, vector<16xf32>,
      %mul3A_925 = arith.mulf %get3A_924, %broadcast_in_dim3A_907 : vector<16xf32>
      %swap3A_926 = arith.index_cast %add3A_904 : i32 to index
      %swap3A_927 = arith.constant 32 : index
      %swap3A_928 = tpu.vector_load %arg17[%swap3A_926, %swap3A_927] {strides = array<i32>} : memref<64x128xf32, #tpu.memory_space<vmem>>, vector<16xf32>,
      tpu.vector_store %arg17[%swap3A_926, %swap3A_927], %mul3A_925 {strides = array<i32>} : memref<64x128xf32, #tpu.memory_space<vmem>>, vector<16xf32>,
      %get3A_929 = arith.index_cast %add3A_904 : i32 to index
      %get3A_930 = arith.constant 48 : index
      %get3A_931 = tpu.vector_load %arg17[%get3A_929, %get3A_930] {strides = array<i32>} : memref<64x128xf32, #tpu.memory_space<vmem>>, vector<16xf32>,
      %mul3A_932 = arith.mulf %get3A_931, %broadcast_in_dim3A_907 : vector<16xf32>
      %swap3A_933 = arith.index_cast %add3A_904 : i32 to index
      %swap3A_934 = arith.constant 48 : index
      %swap3A_935 = tpu.vector_load %arg17[%swap3A_933, %swap3A_934] {strides = array<i32>} : memref<64x128xf32, #tpu.memory_space<vmem>>, vector<16xf32>,
      tpu.vector_store %arg17[%swap3A_933, %swap3A_934], %mul3A_932 {strides = array<i32>} : memref<64x128xf32, #tpu.memory_space<vmem>>, vector<16xf32>,
      %get3A_936 = arith.index_cast %add3A_904 : i32 to index
      %get3A_937 = arith.constant 64 : index
      %get3A_938 = tpu.vector_load %arg17[%get3A_936, %get3A_937] {strides = array<i32>} : memref<64x128xf32, #tpu.memory_space<vmem>>, vector<16xf32>,
      %mul3A_939 = arith.mulf %get3A_938, %broadcast_in_dim3A_907 : vector<16xf32>
      %swap3A_940 = arith.index_cast %add3A_904 : i32 to index
      %swap3A_941 = arith.constant 64 : index
      %swap3A_942 = tpu.vector_load %arg17[%swap3A_940, %swap3A_941] {strides = array<i32>} : memref<64x128xf32, #tpu.memory_space<vmem>>, vector<16xf32>,
      tpu.vector_store %arg17[%swap3A_940, %swap3A_941], %mul3A_939 {strides = array<i32>} : memref<64x128xf32, #tpu.memory_space<vmem>>, vector<16xf32>,
      %get3A_943 = arith.index_cast %add3A_904 : i32 to index
      %get3A_944 = arith.constant 80 : index
      %get3A_945 = tpu.vector_load %arg17[%get3A_943, %get3A_944] {strides = array<i32>} : memref<64x128xf32, #tpu.memory_space<vmem>>, vector<16xf32>,
      %mul3A_946 = arith.mulf %get3A_945, %broadcast_in_dim3A_907 : vector<16xf32>
      %swap3A_947 = arith.index_cast %add3A_904 : i32 to index
      %swap3A_948 = arith.constant 80 : index
      %swap3A_949 = tpu.vector_load %arg17[%swap3A_947, %swap3A_948] {strides = array<i32>} : memref<64x128xf32, #tpu.memory_space<vmem>>, vector<16xf32>,
      tpu.vector_store %arg17[%swap3A_947, %swap3A_948], %mul3A_946 {strides = array<i32>} : memref<64x128xf32, #tpu.memory_space<vmem>>, vector<16xf32>,
      %get3A_950 = arith.index_cast %add3A_904 : i32 to index
      %get3A_951 = arith.constant 96 : index
      %get3A_952 = tpu.vector_load %arg17[%get3A_950, %get3A_951] {strides = array<i32>} : memref<64x128xf32, #tpu.memory_space<vmem>>, vector<16xf32>,
      %mul3A_953 = arith.mulf %get3A_952, %broadcast_in_dim3A_907 : vector<16xf32>
      %swap3A_954 = arith.index_cast %add3A_904 : i32 to index
      %swap3A_955 = arith.constant 96 : index
      %swap3A_956 = tpu.vector_load %arg17[%swap3A_954, %swap3A_955] {strides = array<i32>} : memref<64x128xf32, #tpu.memory_space<vmem>>, vector<16xf32>,
      tpu.vector_store %arg17[%swap3A_954, %swap3A_955], %mul3A_953 {strides = array<i32>} : memref<64x128xf32, #tpu.memory_space<vmem>>, vector<16xf32>,
      %get3A_957 = arith.index_cast %add3A_904 : i32 to index
      %get3A_958 = arith.constant 112 : index
      %get3A_959 = tpu.vector_load %arg17[%get3A_957, %get3A_958] {strides = array<i32>} : memref<64x128xf32, #tpu.memory_space<vmem>>, vector<16xf32>,
      %mul3A_960 = arith.mulf %get3A_959, %broadcast_in_dim3A_907 : vector<16xf32>
      %swap3A_961 = arith.index_cast %add3A_904 : i32 to index
      %swap3A_962 = arith.constant 112 : index
      %swap3A_963 = tpu.vector_load %arg17[%swap3A_961, %swap3A_962] {strides = array<i32>} : memref<64x128xf32, #tpu.memory_space<vmem>>, vector<16xf32>,
      tpu.vector_store %arg17[%swap3A_961, %swap3A_962], %mul3A_960 {strides = array<i32>} : memref<64x128xf32, #tpu.memory_space<vmem>>, vector<16xf32>,
      %mul3A_964 = arith.constant 16 : i32
      %mul3A_965 = arith.muli %mul3A_964, %scan3A_516 : i32
      %add3A_966 = arith.constant 7 : i32
      %add3A_967 = arith.addi %mul3A_965, %add3A_966 : i32
      %slice3A_968 = vector.extract_strided_slice %div3A_524 {offsets = [7], sizes = [1], strides = [1]} : vector<16xf32> to vector<1xf32>
      %squeeze3A_969 = vector.extract %slice3A_968[0] : f32 from vector<1xf32>
      %broadcast_in_dim3A_970 = vector.broadcast %squeeze3A_969 : f32 to vector<16xf32>
      %get3A_971 = arith.index_cast %add3A_967 : i32 to index
      %get3A_972 = arith.constant 0 : index
      %get3A_973 = tpu.vector_load %arg17[%get3A_971, %get3A_972] {strides = array<i32>} : memref<64x128xf32, #tpu.memory_space<vmem>>, vector<16xf32>,
      %mul3A_974 = arith.mulf %get3A_973, %broadcast_in_dim3A_970 : vector<16xf32>
      %swap3A_975 = arith.index_cast %add3A_967 : i32 to index
      %swap3A_976 = arith.constant 0 : index
      %swap3A_977 = tpu.vector_load %arg17[%swap3A_975, %swap3A_976] {strides = array<i32>} : memref<64x128xf32, #tpu.memory_space<vmem>>, vector<16xf32>,
      tpu.vector_store %arg17[%swap3A_975, %swap3A_976], %mul3A_974 {strides = array<i32>} : memref<64x128xf32, #tpu.memory_space<vmem>>, vector<16xf32>,
      %get3A_978 = arith.index_cast %add3A_967 : i32 to index
      %get3A_979 = arith.constant 16 : index
      %get3A_980 = tpu.vector_load %arg17[%get3A_978, %get3A_979] {strides = array<i32>} : memref<64x128xf32, #tpu.memory_space<vmem>>, vector<16xf32>,
      %mul3A_981 = arith.mulf %get3A_980, %broadcast_in_dim3A_970 : vector<16xf32>
      %swap3A_982 = arith.index_cast %add3A_967 : i32 to index
      %swap3A_983 = arith.constant 16 : index
      %swap3A_984 = tpu.vector_load %arg17[%swap3A_982, %swap3A_983] {strides = array<i32>} : memref<64x128xf32, #tpu.memory_space<vmem>>, vector<16xf32>,
      tpu.vector_store %arg17[%swap3A_982, %swap3A_983], %mul3A_981 {strides = array<i32>} : memref<64x128xf32, #tpu.memory_space<vmem>>, vector<16xf32>,
      %get3A_985 = arith.index_cast %add3A_967 : i32 to index
      %get3A_986 = arith.constant 32 : index
      %get3A_987 = tpu.vector_load %arg17[%get3A_985, %get3A_986] {strides = array<i32>} : memref<64x128xf32, #tpu.memory_space<vmem>>, vector<16xf32>,
      %mul3A_988 = arith.mulf %get3A_987, %broadcast_in_dim3A_970 : vector<16xf32>
      %swap3A_989 = arith.index_cast %add3A_967 : i32 to index
      %swap3A_990 = arith.constant 32 : index
      %swap3A_991 = tpu.vector_load %arg17[%swap3A_989, %swap3A_990] {strides = array<i32>} : memref<64x128xf32, #tpu.memory_space<vmem>>, vector<16xf32>,
      tpu.vector_store %arg17[%swap3A_989, %swap3A_990], %mul3A_988 {strides = array<i32>} : memref<64x128xf32, #tpu.memory_space<vmem>>, vector<16xf32>,
      %get3A_992 = arith.index_cast %add3A_967 : i32 to index
      %get3A_993 = arith.constant 48 : index
      %get3A_994 = tpu.vector_load %arg17[%get3A_992, %get3A_993] {strides = array<i32>} : memref<64x128xf32, #tpu.memory_space<vmem>>, vector<16xf32>,
      %mul3A_995 = arith.mulf %get3A_994, %broadcast_in_dim3A_970 : vector<16xf32>
      %swap3A_996 = arith.index_cast %add3A_967 : i32 to index
      %swap3A_997 = arith.constant 48 : index
      %swap3A_998 = tpu.vector_load %arg17[%swap3A_996, %swap3A_997] {strides = array<i32>} : memref<64x128xf32, #tpu.memory_space<vmem>>, vector<16xf32>,
      tpu.vector_store %arg17[%swap3A_996, %swap3A_997], %mul3A_995 {strides = array<i32>} : memref<64x128xf32, #tpu.memory_space<vmem>>, vector<16xf32>,
      %get3A_999 = arith.index_cast %add3A_967 : i32 to index
      %get3A_1000 = arith.constant 64 : index
      %get3A_1001 = tpu.vector_load %arg17[%get3A_999, %get3A_1000] {strides = array<i32>} : memref<64x128xf32, #tpu.memory_space<vmem>>, vector<16xf32>,
      %mul3A_1002 = arith.mulf %get3A_1001, %broadcast_in_dim3A_970 : vector<16xf32>
      %swap3A_1003 = arith.index_cast %add3A_967 : i32 to index
      %swap3A_1004 = arith.constant 64 : index
      %swap3A_1005 = tpu.vector_load %arg17[%swap3A_1003, %swap3A_1004] {strides = array<i32>} : memref<64x128xf32, #tpu.memory_space<vmem>>, vector<16xf32>,
      tpu.vector_store %arg17[%swap3A_1003, %swap3A_1004], %mul3A_1002 {strides = array<i32>} : memref<64x128xf32, #tpu.memory_space<vmem>>, vector<16xf32>,
      %get3A_1006 = arith.index_cast %add3A_967 : i32 to index
      %get3A_1007 = arith.constant 80 : index
      %get3A_1008 = tpu.vector_load %arg17[%get3A_1006, %get3A_1007] {strides = array<i32>} : memref<64x128xf32, #tpu.memory_space<vmem>>, vector<16xf32>,
      %mul3A_1009 = arith.mulf %get3A_1008, %broadcast_in_dim3A_970 : vector<16xf32>
      %swap3A_1010 = arith.index_cast %add3A_967 : i32 to index
      %swap3A_1011 = arith.constant 80 : index
      %swap3A_1012 = tpu.vector_load %arg17[%swap3A_1010, %swap3A_1011] {strides = array<i32>} : memref<64x128xf32, #tpu.memory_space<vmem>>, vector<16xf32>,
      tpu.vector_store %arg17[%swap3A_1010, %swap3A_1011], %mul3A_1009 {strides = array<i32>} : memref<64x128xf32, #tpu.memory_space<vmem>>, vector<16xf32>,
      %get3A_1013 = arith.index_cast %add3A_967 : i32 to index
      %get3A_1014 = arith.constant 96 : index
      %get3A_1015 = tpu.vector_load %arg17[%get3A_1013, %get3A_1014] {strides = array<i32>} : memref<64x128xf32, #tpu.memory_space<vmem>>, vector<16xf32>,
      %mul3A_1016 = arith.mulf %get3A_1015, %broadcast_in_dim3A_970 : vector<16xf32>
      %swap3A_1017 = arith.index_cast %add3A_967 : i32 to index
      %swap3A_1018 = arith.constant 96 : index
      %swap3A_1019 = tpu.vector_load %arg17[%swap3A_1017, %swap3A_1018] {strides = array<i32>} : memref<64x128xf32, #tpu.memory_space<vmem>>, vector<16xf32>,
      tpu.vector_store %arg17[%swap3A_1017, %swap3A_1018], %mul3A_1016 {strides = array<i32>} : memref<64x128xf32, #tpu.memory_space<vmem>>, vector<16xf32>,
      %get3A_1020 = arith.index_cast %add3A_967 : i32 to index
      %get3A_1021 = arith.constant 112 : index
      %get3A_1022 = tpu.vector_load %arg17[%get3A_1020, %get3A_1021] {strides = array<i32>} : memref<64x128xf32, #tpu.memory_space<vmem>>, vector<16xf32>,
      %mul3A_1023 = arith.mulf %get3A_1022, %broadcast_in_dim3A_970 : vector<16xf32>
      %swap3A_1024 = arith.index_cast %add3A_967 : i32 to index
      %swap3A_1025 = arith.constant 112 : index
      %swap3A_1026 = tpu.vector_load %arg17[%swap3A_1024, %swap3A_1025] {strides = array<i32>} : memref<64x128xf32, #tpu.memory_space<vmem>>, vector<16xf32>,
      tpu.vector_store %arg17[%swap3A_1024, %swap3A_1025], %mul3A_1023 {strides = array<i32>} : memref<64x128xf32, #tpu.memory_space<vmem>>, vector<16xf32>,
      %mul3A_1027 = arith.constant 16 : i32
      %mul3A_1028 = arith.muli %mul3A_1027, %scan3A_516 : i32
      %add3A_1029 = arith.constant 8 : i32
      %add3A_1030 = arith.addi %mul3A_1028, %add3A_1029 : i32
      %slice3A_1031 = vector.extract_strided_slice %div3A_524 {offsets = [8], sizes = [1], strides = [1]} : vector<16xf32> to vector<1xf32>
      %squeeze3A_1032 = vector.extract %slice3A_1031[0] : f32 from vector<1xf32>
      %broadcast_in_dim3A_1033 = vector.broadcast %squeeze3A_1032 : f32 to vector<16xf32>
      %get3A_1034 = arith.index_cast %add3A_1030 : i32 to index
      %get3A_1035 = arith.constant 0 : index
      %get3A_1036 = tpu.vector_load %arg17[%get3A_1034, %get3A_1035] {strides = array<i32>} : memref<64x128xf32, #tpu.memory_space<vmem>>, vector<16xf32>,
      %mul3A_1037 = arith.mulf %get3A_1036, %broadcast_in_dim3A_1033 : vector<16xf32>
      %swap3A_1038 = arith.index_cast %add3A_1030 : i32 to index
      %swap3A_1039 = arith.constant 0 : index
      %swap3A_1040 = tpu.vector_load %arg17[%swap3A_1038, %swap3A_1039] {strides = array<i32>} : memref<64x128xf32, #tpu.memory_space<vmem>>, vector<16xf32>,
      tpu.vector_store %arg17[%swap3A_1038, %swap3A_1039], %mul3A_1037 {strides = array<i32>} : memref<64x128xf32, #tpu.memory_space<vmem>>, vector<16xf32>,
      %get3A_1041 = arith.index_cast %add3A_1030 : i32 to index
      %get3A_1042 = arith.constant 16 : index
      %get3A_1043 = tpu.vector_load %arg17[%get3A_1041, %get3A_1042] {strides = array<i32>} : memref<64x128xf32, #tpu.memory_space<vmem>>, vector<16xf32>,
      %mul3A_1044 = arith.mulf %get3A_1043, %broadcast_in_dim3A_1033 : vector<16xf32>
      %swap3A_1045 = arith.index_cast %add3A_1030 : i32 to index
      %swap3A_1046 = arith.constant 16 : index
      %swap3A_1047 = tpu.vector_load %arg17[%swap3A_1045, %swap3A_1046] {strides = array<i32>} : memref<64x128xf32, #tpu.memory_space<vmem>>, vector<16xf32>,
      tpu.vector_store %arg17[%swap3A_1045, %swap3A_1046], %mul3A_1044 {strides = array<i32>} : memref<64x128xf32, #tpu.memory_space<vmem>>, vector<16xf32>,
      %get3A_1048 = arith.index_cast %add3A_1030 : i32 to index
      %get3A_1049 = arith.constant 32 : index
      %get3A_1050 = tpu.vector_load %arg17[%get3A_1048, %get3A_1049] {strides = array<i32>} : memref<64x128xf32, #tpu.memory_space<vmem>>, vector<16xf32>,
      %mul3A_1051 = arith.mulf %get3A_1050, %broadcast_in_dim3A_1033 : vector<16xf32>
      %swap3A_1052 = arith.index_cast %add3A_1030 : i32 to index
      %swap3A_1053 = arith.constant 32 : index
      %swap3A_1054 = tpu.vector_load %arg17[%swap3A_1052, %swap3A_1053] {strides = array<i32>} : memref<64x128xf32, #tpu.memory_space<vmem>>, vector<16xf32>,
      tpu.vector_store %arg17[%swap3A_1052, %swap3A_1053], %mul3A_1051 {strides = array<i32>} : memref<64x128xf32, #tpu.memory_space<vmem>>, vector<16xf32>,
      %get3A_1055 = arith.index_cast %add3A_1030 : i32 to index
      %get3A_1056 = arith.constant 48 : index
      %get3A_1057 = tpu.vector_load %arg17[%get3A_1055, %get3A_1056] {strides = array<i32>} : memref<64x128xf32, #tpu.memory_space<vmem>>, vector<16xf32>,
      %mul3A_1058 = arith.mulf %get3A_1057, %broadcast_in_dim3A_1033 : vector<16xf32>
      %swap3A_1059 = arith.index_cast %add3A_1030 : i32 to index
      %swap3A_1060 = arith.constant 48 : index
      %swap3A_1061 = tpu.vector_load %arg17[%swap3A_1059, %swap3A_1060] {strides = array<i32>} : memref<64x128xf32, #tpu.memory_space<vmem>>, vector<16xf32>,
      tpu.vector_store %arg17[%swap3A_1059, %swap3A_1060], %mul3A_1058 {strides = array<i32>} : memref<64x128xf32, #tpu.memory_space<vmem>>, vector<16xf32>,
      %get3A_1062 = arith.index_cast %add3A_1030 : i32 to index
      %get3A_1063 = arith.constant 64 : index
      %get3A_1064 = tpu.vector_load %arg17[%get3A_1062, %get3A_1063] {strides = array<i32>} : memref<64x128xf32, #tpu.memory_space<vmem>>, vector<16xf32>,
      %mul3A_1065 = arith.mulf %get3A_1064, %broadcast_in_dim3A_1033 : vector<16xf32>
      %swap3A_1066 = arith.index_cast %add3A_1030 : i32 to index
      %swap3A_1067 = arith.constant 64 : index
      %swap3A_1068 = tpu.vector_load %arg17[%swap3A_1066, %swap3A_1067] {strides = array<i32>} : memref<64x128xf32, #tpu.memory_space<vmem>>, vector<16xf32>,
      tpu.vector_store %arg17[%swap3A_1066, %swap3A_1067], %mul3A_1065 {strides = array<i32>} : memref<64x128xf32, #tpu.memory_space<vmem>>, vector<16xf32>,
      %get3A_1069 = arith.index_cast %add3A_1030 : i32 to index
      %get3A_1070 = arith.constant 80 : index
      %get3A_1071 = tpu.vector_load %arg17[%get3A_1069, %get3A_1070] {strides = array<i32>} : memref<64x128xf32, #tpu.memory_space<vmem>>, vector<16xf32>,
      %mul3A_1072 = arith.mulf %get3A_1071, %broadcast_in_dim3A_1033 : vector<16xf32>
      %swap3A_1073 = arith.index_cast %add3A_1030 : i32 to index
      %swap3A_1074 = arith.constant 80 : index
      %swap3A_1075 = tpu.vector_load %arg17[%swap3A_1073, %swap3A_1074] {strides = array<i32>} : memref<64x128xf32, #tpu.memory_space<vmem>>, vector<16xf32>,
      tpu.vector_store %arg17[%swap3A_1073, %swap3A_1074], %mul3A_1072 {strides = array<i32>} : memref<64x128xf32, #tpu.memory_space<vmem>>, vector<16xf32>,
      %get3A_1076 = arith.index_cast %add3A_1030 : i32 to index
      %get3A_1077 = arith.constant 96 : index
      %get3A_1078 = tpu.vector_load %arg17[%get3A_1076, %get3A_1077] {strides = array<i32>} : memref<64x128xf32, #tpu.memory_space<vmem>>, vector<16xf32>,
      %mul3A_1079 = arith.mulf %get3A_1078, %broadcast_in_dim3A_1033 : vector<16xf32>
      %swap3A_1080 = arith.index_cast %add3A_1030 : i32 to index
      %swap3A_1081 = arith.constant 96 : index
      %swap3A_1082 = tpu.vector_load %arg17[%swap3A_1080, %swap3A_1081] {strides = array<i32>} : memref<64x128xf32, #tpu.memory_space<vmem>>, vector<16xf32>,
      tpu.vector_store %arg17[%swap3A_1080, %swap3A_1081], %mul3A_1079 {strides = array<i32>} : memref<64x128xf32, #tpu.memory_space<vmem>>, vector<16xf32>,
      %get3A_1083 = arith.index_cast %add3A_1030 : i32 to index
      %get3A_1084 = arith.constant 112 : index
      %get3A_1085 = tpu.vector_load %arg17[%get3A_1083, %get3A_1084] {strides = array<i32>} : memref<64x128xf32, #tpu.memory_space<vmem>>, vector<16xf32>,
      %mul3A_1086 = arith.mulf %get3A_1085, %broadcast_in_dim3A_1033 : vector<16xf32>
      %swap3A_1087 = arith.index_cast %add3A_1030 : i32 to index
      %swap3A_1088 = arith.constant 112 : index
      %swap3A_1089 = tpu.vector_load %arg17[%swap3A_1087, %swap3A_1088] {strides = array<i32>} : memref<64x128xf32, #tpu.memory_space<vmem>>, vector<16xf32>,
      tpu.vector_store %arg17[%swap3A_1087, %swap3A_1088], %mul3A_1086 {strides = array<i32>} : memref<64x128xf32, #tpu.memory_space<vmem>>, vector<16xf32>,
      %mul3A_1090 = arith.constant 16 : i32
      %mul3A_1091 = arith.muli %mul3A_1090, %scan3A_516 : i32
      %add3A_1092 = arith.constant 9 : i32
      %add3A_1093 = arith.addi %mul3A_1091, %add3A_1092 : i32
      %slice3A_1094 = vector.extract_strided_slice %div3A_524 {offsets = [9], sizes = [1], strides = [1]} : vector<16xf32> to vector<1xf32>
      %squeeze3A_1095 = vector.extract %slice3A_1094[0] : f32 from vector<1xf32>
      %broadcast_in_dim3A_1096 = vector.broadcast %squeeze3A_1095 : f32 to vector<16xf32>
      %get3A_1097 = arith.index_cast %add3A_1093 : i32 to index
      %get3A_1098 = arith.constant 0 : index
      %get3A_1099 = tpu.vector_load %arg17[%get3A_1097, %get3A_1098] {strides = array<i32>} : memref<64x128xf32, #tpu.memory_space<vmem>>, vector<16xf32>,
      %mul3A_1100 = arith.mulf %get3A_1099, %broadcast_in_dim3A_1096 : vector<16xf32>
      %swap3A_1101 = arith.index_cast %add3A_1093 : i32 to index
      %swap3A_1102 = arith.constant 0 : index
      %swap3A_1103 = tpu.vector_load %arg17[%swap3A_1101, %swap3A_1102] {strides = array<i32>} : memref<64x128xf32, #tpu.memory_space<vmem>>, vector<16xf32>,
      tpu.vector_store %arg17[%swap3A_1101, %swap3A_1102], %mul3A_1100 {strides = array<i32>} : memref<64x128xf32, #tpu.memory_space<vmem>>, vector<16xf32>,
      %get3A_1104 = arith.index_cast %add3A_1093 : i32 to index
      %get3A_1105 = arith.constant 16 : index
      %get3A_1106 = tpu.vector_load %arg17[%get3A_1104, %get3A_1105] {strides = array<i32>} : memref<64x128xf32, #tpu.memory_space<vmem>>, vector<16xf32>,
      %mul3A_1107 = arith.mulf %get3A_1106, %broadcast_in_dim3A_1096 : vector<16xf32>
      %swap3A_1108 = arith.index_cast %add3A_1093 : i32 to index
      %swap3A_1109 = arith.constant 16 : index
      %swap3A_1110 = tpu.vector_load %arg17[%swap3A_1108, %swap3A_1109] {strides = array<i32>} : memref<64x128xf32, #tpu.memory_space<vmem>>, vector<16xf32>,
      tpu.vector_store %arg17[%swap3A_1108, %swap3A_1109], %mul3A_1107 {strides = array<i32>} : memref<64x128xf32, #tpu.memory_space<vmem>>, vector<16xf32>,
      %get3A_1111 = arith.index_cast %add3A_1093 : i32 to index
      %get3A_1112 = arith.constant 32 : index
      %get3A_1113 = tpu.vector_load %arg17[%get3A_1111, %get3A_1112] {strides = array<i32>} : memref<64x128xf32, #tpu.memory_space<vmem>>, vector<16xf32>,
      %mul3A_1114 = arith.mulf %get3A_1113, %broadcast_in_dim3A_1096 : vector<16xf32>
      %swap3A_1115 = arith.index_cast %add3A_1093 : i32 to index
      %swap3A_1116 = arith.constant 32 : index
      %swap3A_1117 = tpu.vector_load %arg17[%swap3A_1115, %swap3A_1116] {strides = array<i32>} : memref<64x128xf32, #tpu.memory_space<vmem>>, vector<16xf32>,
      tpu.vector_store %arg17[%swap3A_1115, %swap3A_1116], %mul3A_1114 {strides = array<i32>} : memref<64x128xf32, #tpu.memory_space<vmem>>, vector<16xf32>,
      %get3A_1118 = arith.index_cast %add3A_1093 : i32 to index
      %get3A_1119 = arith.constant 48 : index
      %get3A_1120 = tpu.vector_load %arg17[%get3A_1118, %get3A_1119] {strides = array<i32>} : memref<64x128xf32, #tpu.memory_space<vmem>>, vector<16xf32>,
      %mul3A_1121 = arith.mulf %get3A_1120, %broadcast_in_dim3A_1096 : vector<16xf32>
      %swap3A_1122 = arith.index_cast %add3A_1093 : i32 to index
      %swap3A_1123 = arith.constant 48 : index
      %swap3A_1124 = tpu.vector_load %arg17[%swap3A_1122, %swap3A_1123] {strides = array<i32>} : memref<64x128xf32, #tpu.memory_space<vmem>>, vector<16xf32>,
      tpu.vector_store %arg17[%swap3A_1122, %swap3A_1123], %mul3A_1121 {strides = array<i32>} : memref<64x128xf32, #tpu.memory_space<vmem>>, vector<16xf32>,
      %get3A_1125 = arith.index_cast %add3A_1093 : i32 to index
      %get3A_1126 = arith.constant 64 : index
      %get3A_1127 = tpu.vector_load %arg17[%get3A_1125, %get3A_1126] {strides = array<i32>} : memref<64x128xf32, #tpu.memory_space<vmem>>, vector<16xf32>,
      %mul3A_1128 = arith.mulf %get3A_1127, %broadcast_in_dim3A_1096 : vector<16xf32>
      %swap3A_1129 = arith.index_cast %add3A_1093 : i32 to index
      %swap3A_1130 = arith.constant 64 : index
      %swap3A_1131 = tpu.vector_load %arg17[%swap3A_1129, %swap3A_1130] {strides = array<i32>} : memref<64x128xf32, #tpu.memory_space<vmem>>, vector<16xf32>,
      tpu.vector_store %arg17[%swap3A_1129, %swap3A_1130], %mul3A_1128 {strides = array<i32>} : memref<64x128xf32, #tpu.memory_space<vmem>>, vector<16xf32>,
      %get3A_1132 = arith.index_cast %add3A_1093 : i32 to index
      %get3A_1133 = arith.constant 80 : index
      %get3A_1134 = tpu.vector_load %arg17[%get3A_1132, %get3A_1133] {strides = array<i32>} : memref<64x128xf32, #tpu.memory_space<vmem>>, vector<16xf32>,
      %mul3A_1135 = arith.mulf %get3A_1134, %broadcast_in_dim3A_1096 : vector<16xf32>
      %swap3A_1136 = arith.index_cast %add3A_1093 : i32 to index
      %swap3A_1137 = arith.constant 80 : index
      %swap3A_1138 = tpu.vector_load %arg17[%swap3A_1136, %swap3A_1137] {strides = array<i32>} : memref<64x128xf32, #tpu.memory_space<vmem>>, vector<16xf32>,
      tpu.vector_store %arg17[%swap3A_1136, %swap3A_1137], %mul3A_1135 {strides = array<i32>} : memref<64x128xf32, #tpu.memory_space<vmem>>, vector<16xf32>,
      %get3A_1139 = arith.index_cast %add3A_1093 : i32 to index
      %get3A_1140 = arith.constant 96 : index
      %get3A_1141 = tpu.vector_load %arg17[%get3A_1139, %get3A_1140] {strides = array<i32>} : memref<64x128xf32, #tpu.memory_space<vmem>>, vector<16xf32>,
      %mul3A_1142 = arith.mulf %get3A_1141, %broadcast_in_dim3A_1096 : vector<16xf32>
      %swap3A_1143 = arith.index_cast %add3A_1093 : i32 to index
      %swap3A_1144 = arith.constant 96 : index
      %swap3A_1145 = tpu.vector_load %arg17[%swap3A_1143, %swap3A_1144] {strides = array<i32>} : memref<64x128xf32, #tpu.memory_space<vmem>>, vector<16xf32>,
      tpu.vector_store %arg17[%swap3A_1143, %swap3A_1144], %mul3A_1142 {strides = array<i32>} : memref<64x128xf32, #tpu.memory_space<vmem>>, vector<16xf32>,
      %get3A_1146 = arith.index_cast %add3A_1093 : i32 to index
      %get3A_1147 = arith.constant 112 : index
      %get3A_1148 = tpu.vector_load %arg17[%get3A_1146, %get3A_1147] {strides = array<i32>} : memref<64x128xf32, #tpu.memory_space<vmem>>, vector<16xf32>,
      %mul3A_1149 = arith.mulf %get3A_1148, %broadcast_in_dim3A_1096 : vector<16xf32>
      %swap3A_1150 = arith.index_cast %add3A_1093 : i32 to index
      %swap3A_1151 = arith.constant 112 : index
      %swap3A_1152 = tpu.vector_load %arg17[%swap3A_1150, %swap3A_1151] {strides = array<i32>} : memref<64x128xf32, #tpu.memory_space<vmem>>, vector<16xf32>,
      tpu.vector_store %arg17[%swap3A_1150, %swap3A_1151], %mul3A_1149 {strides = array<i32>} : memref<64x128xf32, #tpu.memory_space<vmem>>, vector<16xf32>,
      %mul3A_1153 = arith.constant 16 : i32
      %mul3A_1154 = arith.muli %mul3A_1153, %scan3A_516 : i32
      %add3A_1155 = arith.constant 10 : i32
      %add3A_1156 = arith.addi %mul3A_1154, %add3A_1155 : i32
      %slice3A_1157 = vector.extract_strided_slice %div3A_524 {offsets = [10], sizes = [1], strides = [1]} : vector<16xf32> to vector<1xf32>
      %squeeze3A_1158 = vector.extract %slice3A_1157[0] : f32 from vector<1xf32>
      %broadcast_in_dim3A_1159 = vector.broadcast %squeeze3A_1158 : f32 to vector<16xf32>
      %get3A_1160 = arith.index_cast %add3A_1156 : i32 to index
      %get3A_1161 = arith.constant 0 : index
      %get3A_1162 = tpu.vector_load %arg17[%get3A_1160, %get3A_1161] {strides = array<i32>} : memref<64x128xf32, #tpu.memory_space<vmem>>, vector<16xf32>,
      %mul3A_1163 = arith.mulf %get3A_1162, %broadcast_in_dim3A_1159 : vector<16xf32>
      %swap3A_1164 = arith.index_cast %add3A_1156 : i32 to index
      %swap3A_1165 = arith.constant 0 : index
      %swap3A_1166 = tpu.vector_load %arg17[%swap3A_1164, %swap3A_1165] {strides = array<i32>} : memref<64x128xf32, #tpu.memory_space<vmem>>, vector<16xf32>,
      tpu.vector_store %arg17[%swap3A_1164, %swap3A_1165], %mul3A_1163 {strides = array<i32>} : memref<64x128xf32, #tpu.memory_space<vmem>>, vector<16xf32>,
      %get3A_1167 = arith.index_cast %add3A_1156 : i32 to index
      %get3A_1168 = arith.constant 16 : index
      %get3A_1169 = tpu.vector_load %arg17[%get3A_1167, %get3A_1168] {strides = array<i32>} : memref<64x128xf32, #tpu.memory_space<vmem>>, vector<16xf32>,
      %mul3A_1170 = arith.mulf %get3A_1169, %broadcast_in_dim3A_1159 : vector<16xf32>
      %swap3A_1171 = arith.index_cast %add3A_1156 : i32 to index
      %swap3A_1172 = arith.constant 16 : index
      %swap3A_1173 = tpu.vector_load %arg17[%swap3A_1171, %swap3A_1172] {strides = array<i32>} : memref<64x128xf32, #tpu.memory_space<vmem>>, vector<16xf32>,
      tpu.vector_store %arg17[%swap3A_1171, %swap3A_1172], %mul3A_1170 {strides = array<i32>} : memref<64x128xf32, #tpu.memory_space<vmem>>, vector<16xf32>,
      %get3A_1174 = arith.index_cast %add3A_1156 : i32 to index
      %get3A_1175 = arith.constant 32 : index
      %get3A_1176 = tpu.vector_load %arg17[%get3A_1174, %get3A_1175] {strides = array<i32>} : memref<64x128xf32, #tpu.memory_space<vmem>>, vector<16xf32>,
      %mul3A_1177 = arith.mulf %get3A_1176, %broadcast_in_dim3A_1159 : vector<16xf32>
      %swap3A_1178 = arith.index_cast %add3A_1156 : i32 to index
      %swap3A_1179 = arith.constant 32 : index
      %swap3A_1180 = tpu.vector_load %arg17[%swap3A_1178, %swap3A_1179] {strides = array<i32>} : memref<64x128xf32, #tpu.memory_space<vmem>>, vector<16xf32>,
      tpu.vector_store %arg17[%swap3A_1178, %swap3A_1179], %mul3A_1177 {strides = array<i32>} : memref<64x128xf32, #tpu.memory_space<vmem>>, vector<16xf32>,
      %get3A_1181 = arith.index_cast %add3A_1156 : i32 to index
      %get3A_1182 = arith.constant 48 : index
      %get3A_1183 = tpu.vector_load %arg17[%get3A_1181, %get3A_1182] {strides = array<i32>} : memref<64x128xf32, #tpu.memory_space<vmem>>, vector<16xf32>,
      %mul3A_1184 = arith.mulf %get3A_1183, %broadcast_in_dim3A_1159 : vector<16xf32>
      %swap3A_1185 = arith.index_cast %add3A_1156 : i32 to index
      %swap3A_1186 = arith.constant 48 : index
      %swap3A_1187 = tpu.vector_load %arg17[%swap3A_1185, %swap3A_1186] {strides = array<i32>} : memref<64x128xf32, #tpu.memory_space<vmem>>, vector<16xf32>,
      tpu.vector_store %arg17[%swap3A_1185, %swap3A_1186], %mul3A_1184 {strides = array<i32>} : memref<64x128xf32, #tpu.memory_space<vmem>>, vector<16xf32>,
      %get3A_1188 = arith.index_cast %add3A_1156 : i32 to index
      %get3A_1189 = arith.constant 64 : index
      %get3A_1190 = tpu.vector_load %arg17[%get3A_1188, %get3A_1189] {strides = array<i32>} : memref<64x128xf32, #tpu.memory_space<vmem>>, vector<16xf32>,
      %mul3A_1191 = arith.mulf %get3A_1190, %broadcast_in_dim3A_1159 : vector<16xf32>
      %swap3A_1192 = arith.index_cast %add3A_1156 : i32 to index
      %swap3A_1193 = arith.constant 64 : index
      %swap3A_1194 = tpu.vector_load %arg17[%swap3A_1192, %swap3A_1193] {strides = array<i32>} : memref<64x128xf32, #tpu.memory_space<vmem>>, vector<16xf32>,
      tpu.vector_store %arg17[%swap3A_1192, %swap3A_1193], %mul3A_1191 {strides = array<i32>} : memref<64x128xf32, #tpu.memory_space<vmem>>, vector<16xf32>,
      %get3A_1195 = arith.index_cast %add3A_1156 : i32 to index
      %get3A_1196 = arith.constant 80 : index
      %get3A_1197 = tpu.vector_load %arg17[%get3A_1195, %get3A_1196] {strides = array<i32>} : memref<64x128xf32, #tpu.memory_space<vmem>>, vector<16xf32>,
      %mul3A_1198 = arith.mulf %get3A_1197, %broadcast_in_dim3A_1159 : vector<16xf32>
      %swap3A_1199 = arith.index_cast %add3A_1156 : i32 to index
      %swap3A_1200 = arith.constant 80 : index
      %swap3A_1201 = tpu.vector_load %arg17[%swap3A_1199, %swap3A_1200] {strides = array<i32>} : memref<64x128xf32, #tpu.memory_space<vmem>>, vector<16xf32>,
      tpu.vector_store %arg17[%swap3A_1199, %swap3A_1200], %mul3A_1198 {strides = array<i32>} : memref<64x128xf32, #tpu.memory_space<vmem>>, vector<16xf32>,
      %get3A_1202 = arith.index_cast %add3A_1156 : i32 to index
      %get3A_1203 = arith.constant 96 : index
      %get3A_1204 = tpu.vector_load %arg17[%get3A_1202, %get3A_1203] {strides = array<i32>} : memref<64x128xf32, #tpu.memory_space<vmem>>, vector<16xf32>,
      %mul3A_1205 = arith.mulf %get3A_1204, %broadcast_in_dim3A_1159 : vector<16xf32>
      %swap3A_1206 = arith.index_cast %add3A_1156 : i32 to index
      %swap3A_1207 = arith.constant 96 : index
      %swap3A_1208 = tpu.vector_load %arg17[%swap3A_1206, %swap3A_1207] {strides = array<i32>} : memref<64x128xf32, #tpu.memory_space<vmem>>, vector<16xf32>,
      tpu.vector_store %arg17[%swap3A_1206, %swap3A_1207], %mul3A_1205 {strides = array<i32>} : memref<64x128xf32, #tpu.memory_space<vmem>>, vector<16xf32>,
      %get3A_1209 = arith.index_cast %add3A_1156 : i32 to index
      %get3A_1210 = arith.constant 112 : index
      %get3A_1211 = tpu.vector_load %arg17[%get3A_1209, %get3A_1210] {strides = array<i32>} : memref<64x128xf32, #tpu.memory_space<vmem>>, vector<16xf32>,
      %mul3A_1212 = arith.mulf %get3A_1211, %broadcast_in_dim3A_1159 : vector<16xf32>
      %swap3A_1213 = arith.index_cast %add3A_1156 : i32 to index
      %swap3A_1214 = arith.constant 112 : index
      %swap3A_1215 = tpu.vector_load %arg17[%swap3A_1213, %swap3A_1214] {strides = array<i32>} : memref<64x128xf32, #tpu.memory_space<vmem>>, vector<16xf32>,
      tpu.vector_store %arg17[%swap3A_1213, %swap3A_1214], %mul3A_1212 {strides = array<i32>} : memref<64x128xf32, #tpu.memory_space<vmem>>, vector<16xf32>,
      %mul3A_1216 = arith.constant 16 : i32
      %mul3A_1217 = arith.muli %mul3A_1216, %scan3A_516 : i32
      %add3A_1218 = arith.constant 11 : i32
      %add3A_1219 = arith.addi %mul3A_1217, %add3A_1218 : i32
      %slice3A_1220 = vector.extract_strided_slice %div3A_524 {offsets = [11], sizes = [1], strides = [1]} : vector<16xf32> to vector<1xf32>
      %squeeze3A_1221 = vector.extract %slice3A_1220[0] : f32 from vector<1xf32>
      %broadcast_in_dim3A_1222 = vector.broadcast %squeeze3A_1221 : f32 to vector<16xf32>
      %get3A_1223 = arith.index_cast %add3A_1219 : i32 to index
      %get3A_1224 = arith.constant 0 : index
      %get3A_1225 = tpu.vector_load %arg17[%get3A_1223, %get3A_1224] {strides = array<i32>} : memref<64x128xf32, #tpu.memory_space<vmem>>, vector<16xf32>,
      %mul3A_1226 = arith.mulf %get3A_1225, %broadcast_in_dim3A_1222 : vector<16xf32>
      %swap3A_1227 = arith.index_cast %add3A_1219 : i32 to index
      %swap3A_1228 = arith.constant 0 : index
      %swap3A_1229 = tpu.vector_load %arg17[%swap3A_1227, %swap3A_1228] {strides = array<i32>} : memref<64x128xf32, #tpu.memory_space<vmem>>, vector<16xf32>,
      tpu.vector_store %arg17[%swap3A_1227, %swap3A_1228], %mul3A_1226 {strides = array<i32>} : memref<64x128xf32, #tpu.memory_space<vmem>>, vector<16xf32>,
      %get3A_1230 = arith.index_cast %add3A_1219 : i32 to index
      %get3A_1231 = arith.constant 16 : index
      %get3A_1232 = tpu.vector_load %arg17[%get3A_1230, %get3A_1231] {strides = array<i32>} : memref<64x128xf32, #tpu.memory_space<vmem>>, vector<16xf32>,
      %mul3A_1233 = arith.mulf %get3A_1232, %broadcast_in_dim3A_1222 : vector<16xf32>
      %swap3A_1234 = arith.index_cast %add3A_1219 : i32 to index
      %swap3A_1235 = arith.constant 16 : index
      %swap3A_1236 = tpu.vector_load %arg17[%swap3A_1234, %swap3A_1235] {strides = array<i32>} : memref<64x128xf32, #tpu.memory_space<vmem>>, vector<16xf32>,
      tpu.vector_store %arg17[%swap3A_1234, %swap3A_1235], %mul3A_1233 {strides = array<i32>} : memref<64x128xf32, #tpu.memory_space<vmem>>, vector<16xf32>,
      %get3A_1237 = arith.index_cast %add3A_1219 : i32 to index
      %get3A_1238 = arith.constant 32 : index
      %get3A_1239 = tpu.vector_load %arg17[%get3A_1237, %get3A_1238] {strides = array<i32>} : memref<64x128xf32, #tpu.memory_space<vmem>>, vector<16xf32>,
      %mul3A_1240 = arith.mulf %get3A_1239, %broadcast_in_dim3A_1222 : vector<16xf32>
      %swap3A_1241 = arith.index_cast %add3A_1219 : i32 to index
      %swap3A_1242 = arith.constant 32 : index
      %swap3A_1243 = tpu.vector_load %arg17[%swap3A_1241, %swap3A_1242] {strides = array<i32>} : memref<64x128xf32, #tpu.memory_space<vmem>>, vector<16xf32>,
      tpu.vector_store %arg17[%swap3A_1241, %swap3A_1242], %mul3A_1240 {strides = array<i32>} : memref<64x128xf32, #tpu.memory_space<vmem>>, vector<16xf32>,
      %get3A_1244 = arith.index_cast %add3A_1219 : i32 to index
      %get3A_1245 = arith.constant 48 : index
      %get3A_1246 = tpu.vector_load %arg17[%get3A_1244, %get3A_1245] {strides = array<i32>} : memref<64x128xf32, #tpu.memory_space<vmem>>, vector<16xf32>,
      %mul3A_1247 = arith.mulf %get3A_1246, %broadcast_in_dim3A_1222 : vector<16xf32>
      %swap3A_1248 = arith.index_cast %add3A_1219 : i32 to index
      %swap3A_1249 = arith.constant 48 : index
      %swap3A_1250 = tpu.vector_load %arg17[%swap3A_1248, %swap3A_1249] {strides = array<i32>} : memref<64x128xf32, #tpu.memory_space<vmem>>, vector<16xf32>,
      tpu.vector_store %arg17[%swap3A_1248, %swap3A_1249], %mul3A_1247 {strides = array<i32>} : memref<64x128xf32, #tpu.memory_space<vmem>>, vector<16xf32>,
      %get3A_1251 = arith.index_cast %add3A_1219 : i32 to index
      %get3A_1252 = arith.constant 64 : index
      %get3A_1253 = tpu.vector_load %arg17[%get3A_1251, %get3A_1252] {strides = array<i32>} : memref<64x128xf32, #tpu.memory_space<vmem>>, vector<16xf32>,
      %mul3A_1254 = arith.mulf %get3A_1253, %broadcast_in_dim3A_1222 : vector<16xf32>
      %swap3A_1255 = arith.index_cast %add3A_1219 : i32 to index
      %swap3A_1256 = arith.constant 64 : index
      %swap3A_1257 = tpu.vector_load %arg17[%swap3A_1255, %swap3A_1256] {strides = array<i32>} : memref<64x128xf32, #tpu.memory_space<vmem>>, vector<16xf32>,
      tpu.vector_store %arg17[%swap3A_1255, %swap3A_1256], %mul3A_1254 {strides = array<i32>} : memref<64x128xf32, #tpu.memory_space<vmem>>, vector<16xf32>,
      %get3A_1258 = arith.index_cast %add3A_1219 : i32 to index
      %get3A_1259 = arith.constant 80 : index
      %get3A_1260 = tpu.vector_load %arg17[%get3A_1258, %get3A_1259] {strides = array<i32>} : memref<64x128xf32, #tpu.memory_space<vmem>>, vector<16xf32>,
      %mul3A_1261 = arith.mulf %get3A_1260, %broadcast_in_dim3A_1222 : vector<16xf32>
      %swap3A_1262 = arith.index_cast %add3A_1219 : i32 to index
      %swap3A_1263 = arith.constant 80 : index
      %swap3A_1264 = tpu.vector_load %arg17[%swap3A_1262, %swap3A_1263] {strides = array<i32>} : memref<64x128xf32, #tpu.memory_space<vmem>>, vector<16xf32>,
      tpu.vector_store %arg17[%swap3A_1262, %swap3A_1263], %mul3A_1261 {strides = array<i32>} : memref<64x128xf32, #tpu.memory_space<vmem>>, vector<16xf32>,
      %get3A_1265 = arith.index_cast %add3A_1219 : i32 to index
      %get3A_1266 = arith.constant 96 : index
      %get3A_1267 = tpu.vector_load %arg17[%get3A_1265, %get3A_1266] {strides = array<i32>} : memref<64x128xf32, #tpu.memory_space<vmem>>, vector<16xf32>,
      %mul3A_1268 = arith.mulf %get3A_1267, %broadcast_in_dim3A_1222 : vector<16xf32>
      %swap3A_1269 = arith.index_cast %add3A_1219 : i32 to index
      %swap3A_1270 = arith.constant 96 : index
      %swap3A_1271 = tpu.vector_load %arg17[%swap3A_1269, %swap3A_1270] {strides = array<i32>} : memref<64x128xf32, #tpu.memory_space<vmem>>, vector<16xf32>,
      tpu.vector_store %arg17[%swap3A_1269, %swap3A_1270], %mul3A_1268 {strides = array<i32>} : memref<64x128xf32, #tpu.memory_space<vmem>>, vector<16xf32>,
      %get3A_1272 = arith.index_cast %add3A_1219 : i32 to index
      %get3A_1273 = arith.constant 112 : index
      %get3A_1274 = tpu.vector_load %arg17[%get3A_1272, %get3A_1273] {strides = array<i32>} : memref<64x128xf32, #tpu.memory_space<vmem>>, vector<16xf32>,
      %mul3A_1275 = arith.mulf %get3A_1274, %broadcast_in_dim3A_1222 : vector<16xf32>
      %swap3A_1276 = arith.index_cast %add3A_1219 : i32 to index
      %swap3A_1277 = arith.constant 112 : index
      %swap3A_1278 = tpu.vector_load %arg17[%swap3A_1276, %swap3A_1277] {strides = array<i32>} : memref<64x128xf32, #tpu.memory_space<vmem>>, vector<16xf32>,
      tpu.vector_store %arg17[%swap3A_1276, %swap3A_1277], %mul3A_1275 {strides = array<i32>} : memref<64x128xf32, #tpu.memory_space<vmem>>, vector<16xf32>,
      %mul3A_1279 = arith.constant 16 : i32
      %mul3A_1280 = arith.muli %mul3A_1279, %scan3A_516 : i32
      %add3A_1281 = arith.constant 12 : i32
      %add3A_1282 = arith.addi %mul3A_1280, %add3A_1281 : i32
      %slice3A_1283 = vector.extract_strided_slice %div3A_524 {offsets = [12], sizes = [1], strides = [1]} : vector<16xf32> to vector<1xf32>
      %squeeze3A_1284 = vector.extract %slice3A_1283[0] : f32 from vector<1xf32>
      %broadcast_in_dim3A_1285 = vector.broadcast %squeeze3A_1284 : f32 to vector<16xf32>
      %get3A_1286 = arith.index_cast %add3A_1282 : i32 to index
      %get3A_1287 = arith.constant 0 : index
      %get3A_1288 = tpu.vector_load %arg17[%get3A_1286, %get3A_1287] {strides = array<i32>} : memref<64x128xf32, #tpu.memory_space<vmem>>, vector<16xf32>,
      %mul3A_1289 = arith.mulf %get3A_1288, %broadcast_in_dim3A_1285 : vector<16xf32>
      %swap3A_1290 = arith.index_cast %add3A_1282 : i32 to index
      %swap3A_1291 = arith.constant 0 : index
      %swap3A_1292 = tpu.vector_load %arg17[%swap3A_1290, %swap3A_1291] {strides = array<i32>} : memref<64x128xf32, #tpu.memory_space<vmem>>, vector<16xf32>,
      tpu.vector_store %arg17[%swap3A_1290, %swap3A_1291], %mul3A_1289 {strides = array<i32>} : memref<64x128xf32, #tpu.memory_space<vmem>>, vector<16xf32>,
      %get3A_1293 = arith.index_cast %add3A_1282 : i32 to index
      %get3A_1294 = arith.constant 16 : index
      %get3A_1295 = tpu.vector_load %arg17[%get3A_1293, %get3A_1294] {strides = array<i32>} : memref<64x128xf32, #tpu.memory_space<vmem>>, vector<16xf32>,
      %mul3A_1296 = arith.mulf %get3A_1295, %broadcast_in_dim3A_1285 : vector<16xf32>
      %swap3A_1297 = arith.index_cast %add3A_1282 : i32 to index
      %swap3A_1298 = arith.constant 16 : index
      %swap3A_1299 = tpu.vector_load %arg17[%swap3A_1297, %swap3A_1298] {strides = array<i32>} : memref<64x128xf32, #tpu.memory_space<vmem>>, vector<16xf32>,
      tpu.vector_store %arg17[%swap3A_1297, %swap3A_1298], %mul3A_1296 {strides = array<i32>} : memref<64x128xf32, #tpu.memory_space<vmem>>, vector<16xf32>,
      %get3A_1300 = arith.index_cast %add3A_1282 : i32 to index
      %get3A_1301 = arith.constant 32 : index
      %get3A_1302 = tpu.vector_load %arg17[%get3A_1300, %get3A_1301] {strides = array<i32>} : memref<64x128xf32, #tpu.memory_space<vmem>>, vector<16xf32>,
      %mul3A_1303 = arith.mulf %get3A_1302, %broadcast_in_dim3A_1285 : vector<16xf32>
      %swap3A_1304 = arith.index_cast %add3A_1282 : i32 to index
      %swap3A_1305 = arith.constant 32 : index
      %swap3A_1306 = tpu.vector_load %arg17[%swap3A_1304, %swap3A_1305] {strides = array<i32>} : memref<64x128xf32, #tpu.memory_space<vmem>>, vector<16xf32>,
      tpu.vector_store %arg17[%swap3A_1304, %swap3A_1305], %mul3A_1303 {strides = array<i32>} : memref<64x128xf32, #tpu.memory_space<vmem>>, vector<16xf32>,
      %get3A_1307 = arith.index_cast %add3A_1282 : i32 to index
      %get3A_1308 = arith.constant 48 : index
      %get3A_1309 = tpu.vector_load %arg17[%get3A_1307, %get3A_1308] {strides = array<i32>} : memref<64x128xf32, #tpu.memory_space<vmem>>, vector<16xf32>,
      %mul3A_1310 = arith.mulf %get3A_1309, %broadcast_in_dim3A_1285 : vector<16xf32>
      %swap3A_1311 = arith.index_cast %add3A_1282 : i32 to index
      %swap3A_1312 = arith.constant 48 : index
      %swap3A_1313 = tpu.vector_load %arg17[%swap3A_1311, %swap3A_1312] {strides = array<i32>} : memref<64x128xf32, #tpu.memory_space<vmem>>, vector<16xf32>,
      tpu.vector_store %arg17[%swap3A_1311, %swap3A_1312], %mul3A_1310 {strides = array<i32>} : memref<64x128xf32, #tpu.memory_space<vmem>>, vector<16xf32>,
      %get3A_1314 = arith.index_cast %add3A_1282 : i32 to index
      %get3A_1315 = arith.constant 64 : index
      %get3A_1316 = tpu.vector_load %arg17[%get3A_1314, %get3A_1315] {strides = array<i32>} : memref<64x128xf32, #tpu.memory_space<vmem>>, vector<16xf32>,
      %mul3A_1317 = arith.mulf %get3A_1316, %broadcast_in_dim3A_1285 : vector<16xf32>
      %swap3A_1318 = arith.index_cast %add3A_1282 : i32 to index
      %swap3A_1319 = arith.constant 64 : index
      %swap3A_1320 = tpu.vector_load %arg17[%swap3A_1318, %swap3A_1319] {strides = array<i32>} : memref<64x128xf32, #tpu.memory_space<vmem>>, vector<16xf32>,
      tpu.vector_store %arg17[%swap3A_1318, %swap3A_1319], %mul3A_1317 {strides = array<i32>} : memref<64x128xf32, #tpu.memory_space<vmem>>, vector<16xf32>,
      %get3A_1321 = arith.index_cast %add3A_1282 : i32 to index
      %get3A_1322 = arith.constant 80 : index
      %get3A_1323 = tpu.vector_load %arg17[%get3A_1321, %get3A_1322] {strides = array<i32>} : memref<64x128xf32, #tpu.memory_space<vmem>>, vector<16xf32>,
      %mul3A_1324 = arith.mulf %get3A_1323, %broadcast_in_dim3A_1285 : vector<16xf32>
      %swap3A_1325 = arith.index_cast %add3A_1282 : i32 to index
      %swap3A_1326 = arith.constant 80 : index
      %swap3A_1327 = tpu.vector_load %arg17[%swap3A_1325, %swap3A_1326] {strides = array<i32>} : memref<64x128xf32, #tpu.memory_space<vmem>>, vector<16xf32>,
      tpu.vector_store %arg17[%swap3A_1325, %swap3A_1326], %mul3A_1324 {strides = array<i32>} : memref<64x128xf32, #tpu.memory_space<vmem>>, vector<16xf32>,
      %get3A_1328 = arith.index_cast %add3A_1282 : i32 to index
      %get3A_1329 = arith.constant 96 : index
      %get3A_1330 = tpu.vector_load %arg17[%get3A_1328, %get3A_1329] {strides = array<i32>} : memref<64x128xf32, #tpu.memory_space<vmem>>, vector<16xf32>,
      %mul3A_1331 = arith.mulf %get3A_1330, %broadcast_in_dim3A_1285 : vector<16xf32>
      %swap3A_1332 = arith.index_cast %add3A_1282 : i32 to index
      %swap3A_1333 = arith.constant 96 : index
      %swap3A_1334 = tpu.vector_load %arg17[%swap3A_1332, %swap3A_1333] {strides = array<i32>} : memref<64x128xf32, #tpu.memory_space<vmem>>, vector<16xf32>,
      tpu.vector_store %arg17[%swap3A_1332, %swap3A_1333], %mul3A_1331 {strides = array<i32>} : memref<64x128xf32, #tpu.memory_space<vmem>>, vector<16xf32>,
      %get3A_1335 = arith.index_cast %add3A_1282 : i32 to index
      %get3A_1336 = arith.constant 112 : index
      %get3A_1337 = tpu.vector_load %arg17[%get3A_1335, %get3A_1336] {strides = array<i32>} : memref<64x128xf32, #tpu.memory_space<vmem>>, vector<16xf32>,
      %mul3A_1338 = arith.mulf %get3A_1337, %broadcast_in_dim3A_1285 : vector<16xf32>
      %swap3A_1339 = arith.index_cast %add3A_1282 : i32 to index
      %swap3A_1340 = arith.constant 112 : index
      %swap3A_1341 = tpu.vector_load %arg17[%swap3A_1339, %swap3A_1340] {strides = array<i32>} : memref<64x128xf32, #tpu.memory_space<vmem>>, vector<16xf32>,
      tpu.vector_store %arg17[%swap3A_1339, %swap3A_1340], %mul3A_1338 {strides = array<i32>} : memref<64x128xf32, #tpu.memory_space<vmem>>, vector<16xf32>,
      %mul3A_1342 = arith.constant 16 : i32
      %mul3A_1343 = arith.muli %mul3A_1342, %scan3A_516 : i32
      %add3A_1344 = arith.constant 13 : i32
      %add3A_1345 = arith.addi %mul3A_1343, %add3A_1344 : i32
      %slice3A_1346 = vector.extract_strided_slice %div3A_524 {offsets = [13], sizes = [1], strides = [1]} : vector<16xf32> to vector<1xf32>
      %squeeze3A_1347 = vector.extract %slice3A_1346[0] : f32 from vector<1xf32>
      %broadcast_in_dim3A_1348 = vector.broadcast %squeeze3A_1347 : f32 to vector<16xf32>
      %get3A_1349 = arith.index_cast %add3A_1345 : i32 to index
      %get3A_1350 = arith.constant 0 : index
      %get3A_1351 = tpu.vector_load %arg17[%get3A_1349, %get3A_1350] {strides = array<i32>} : memref<64x128xf32, #tpu.memory_space<vmem>>, vector<16xf32>,
      %mul3A_1352 = arith.mulf %get3A_1351, %broadcast_in_dim3A_1348 : vector<16xf32>
      %swap3A_1353 = arith.index_cast %add3A_1345 : i32 to index
      %swap3A_1354 = arith.constant 0 : index
      %swap3A_1355 = tpu.vector_load %arg17[%swap3A_1353, %swap3A_1354] {strides = array<i32>} : memref<64x128xf32, #tpu.memory_space<vmem>>, vector<16xf32>,
      tpu.vector_store %arg17[%swap3A_1353, %swap3A_1354], %mul3A_1352 {strides = array<i32>} : memref<64x128xf32, #tpu.memory_space<vmem>>, vector<16xf32>,
      %get3A_1356 = arith.index_cast %add3A_1345 : i32 to index
      %get3A_1357 = arith.constant 16 : index
      %get3A_1358 = tpu.vector_load %arg17[%get3A_1356, %get3A_1357] {strides = array<i32>} : memref<64x128xf32, #tpu.memory_space<vmem>>, vector<16xf32>,
      %mul3A_1359 = arith.mulf %get3A_1358, %broadcast_in_dim3A_1348 : vector<16xf32>
      %swap3A_1360 = arith.index_cast %add3A_1345 : i32 to index
      %swap3A_1361 = arith.constant 16 : index
      %swap3A_1362 = tpu.vector_load %arg17[%swap3A_1360, %swap3A_1361] {strides = array<i32>} : memref<64x128xf32, #tpu.memory_space<vmem>>, vector<16xf32>,
      tpu.vector_store %arg17[%swap3A_1360, %swap3A_1361], %mul3A_1359 {strides = array<i32>} : memref<64x128xf32, #tpu.memory_space<vmem>>, vector<16xf32>,
      %get3A_1363 = arith.index_cast %add3A_1345 : i32 to index
      %get3A_1364 = arith.constant 32 : index
      %get3A_1365 = tpu.vector_load %arg17[%get3A_1363, %get3A_1364] {strides = array<i32>} : memref<64x128xf32, #tpu.memory_space<vmem>>, vector<16xf32>,
      %mul3A_1366 = arith.mulf %get3A_1365, %broadcast_in_dim3A_1348 : vector<16xf32>
      %swap3A_1367 = arith.index_cast %add3A_1345 : i32 to index
      %swap3A_1368 = arith.constant 32 : index
      %swap3A_1369 = tpu.vector_load %arg17[%swap3A_1367, %swap3A_1368] {strides = array<i32>} : memref<64x128xf32, #tpu.memory_space<vmem>>, vector<16xf32>,
      tpu.vector_store %arg17[%swap3A_1367, %swap3A_1368], %mul3A_1366 {strides = array<i32>} : memref<64x128xf32, #tpu.memory_space<vmem>>, vector<16xf32>,
      %get3A_1370 = arith.index_cast %add3A_1345 : i32 to index
      %get3A_1371 = arith.constant 48 : index
      %get3A_1372 = tpu.vector_load %arg17[%get3A_1370, %get3A_1371] {strides = array<i32>} : memref<64x128xf32, #tpu.memory_space<vmem>>, vector<16xf32>,
      %mul3A_1373 = arith.mulf %get3A_1372, %broadcast_in_dim3A_1348 : vector<16xf32>
      %swap3A_1374 = arith.index_cast %add3A_1345 : i32 to index
      %swap3A_1375 = arith.constant 48 : index
      %swap3A_1376 = tpu.vector_load %arg17[%swap3A_1374, %swap3A_1375] {strides = array<i32>} : memref<64x128xf32, #tpu.memory_space<vmem>>, vector<16xf32>,
      tpu.vector_store %arg17[%swap3A_1374, %swap3A_1375], %mul3A_1373 {strides = array<i32>} : memref<64x128xf32, #tpu.memory_space<vmem>>, vector<16xf32>,
      %get3A_1377 = arith.index_cast %add3A_1345 : i32 to index
      %get3A_1378 = arith.constant 64 : index
      %get3A_1379 = tpu.vector_load %arg17[%get3A_1377, %get3A_1378] {strides = array<i32>} : memref<64x128xf32, #tpu.memory_space<vmem>>, vector<16xf32>,
      %mul3A_1380 = arith.mulf %get3A_1379, %broadcast_in_dim3A_1348 : vector<16xf32>
      %swap3A_1381 = arith.index_cast %add3A_1345 : i32 to index
      %swap3A_1382 = arith.constant 64 : index
      %swap3A_1383 = tpu.vector_load %arg17[%swap3A_1381, %swap3A_1382] {strides = array<i32>} : memref<64x128xf32, #tpu.memory_space<vmem>>, vector<16xf32>,
      tpu.vector_store %arg17[%swap3A_1381, %swap3A_1382], %mul3A_1380 {strides = array<i32>} : memref<64x128xf32, #tpu.memory_space<vmem>>, vector<16xf32>,
      %get3A_1384 = arith.index_cast %add3A_1345 : i32 to index
      %get3A_1385 = arith.constant 80 : index
      %get3A_1386 = tpu.vector_load %arg17[%get3A_1384, %get3A_1385] {strides = array<i32>} : memref<64x128xf32, #tpu.memory_space<vmem>>, vector<16xf32>,
      %mul3A_1387 = arith.mulf %get3A_1386, %broadcast_in_dim3A_1348 : vector<16xf32>
      %swap3A_1388 = arith.index_cast %add3A_1345 : i32 to index
      %swap3A_1389 = arith.constant 80 : index
      %swap3A_1390 = tpu.vector_load %arg17[%swap3A_1388, %swap3A_1389] {strides = array<i32>} : memref<64x128xf32, #tpu.memory_space<vmem>>, vector<16xf32>,
      tpu.vector_store %arg17[%swap3A_1388, %swap3A_1389], %mul3A_1387 {strides = array<i32>} : memref<64x128xf32, #tpu.memory_space<vmem>>, vector<16xf32>,
      %get3A_1391 = arith.index_cast %add3A_1345 : i32 to index
      %get3A_1392 = arith.constant 96 : index
      %get3A_1393 = tpu.vector_load %arg17[%get3A_1391, %get3A_1392] {strides = array<i32>} : memref<64x128xf32, #tpu.memory_space<vmem>>, vector<16xf32>,
      %mul3A_1394 = arith.mulf %get3A_1393, %broadcast_in_dim3A_1348 : vector<16xf32>
      %swap3A_1395 = arith.index_cast %add3A_1345 : i32 to index
      %swap3A_1396 = arith.constant 96 : index
      %swap3A_1397 = tpu.vector_load %arg17[%swap3A_1395, %swap3A_1396] {strides = array<i32>} : memref<64x128xf32, #tpu.memory_space<vmem>>, vector<16xf32>,
      tpu.vector_store %arg17[%swap3A_1395, %swap3A_1396], %mul3A_1394 {strides = array<i32>} : memref<64x128xf32, #tpu.memory_space<vmem>>, vector<16xf32>,
      %get3A_1398 = arith.index_cast %add3A_1345 : i32 to index
      %get3A_1399 = arith.constant 112 : index
      %get3A_1400 = tpu.vector_load %arg17[%get3A_1398, %get3A_1399] {strides = array<i32>} : memref<64x128xf32, #tpu.memory_space<vmem>>, vector<16xf32>,
      %mul3A_1401 = arith.mulf %get3A_1400, %broadcast_in_dim3A_1348 : vector<16xf32>
      %swap3A_1402 = arith.index_cast %add3A_1345 : i32 to index
      %swap3A_1403 = arith.constant 112 : index
      %swap3A_1404 = tpu.vector_load %arg17[%swap3A_1402, %swap3A_1403] {strides = array<i32>} : memref<64x128xf32, #tpu.memory_space<vmem>>, vector<16xf32>,
      tpu.vector_store %arg17[%swap3A_1402, %swap3A_1403], %mul3A_1401 {strides = array<i32>} : memref<64x128xf32, #tpu.memory_space<vmem>>, vector<16xf32>,
      %mul3A_1405 = arith.constant 16 : i32
      %mul3A_1406 = arith.muli %mul3A_1405, %scan3A_516 : i32
      %add3A_1407 = arith.constant 14 : i32
      %add3A_1408 = arith.addi %mul3A_1406, %add3A_1407 : i32
      %slice3A_1409 = vector.extract_strided_slice %div3A_524 {offsets = [14], sizes = [1], strides = [1]} : vector<16xf32> to vector<1xf32>
      %squeeze3A_1410 = vector.extract %slice3A_1409[0] : f32 from vector<1xf32>
      %broadcast_in_dim3A_1411 = vector.broadcast %squeeze3A_1410 : f32 to vector<16xf32>
      %get3A_1412 = arith.index_cast %add3A_1408 : i32 to index
      %get3A_1413 = arith.constant 0 : index
      %get3A_1414 = tpu.vector_load %arg17[%get3A_1412, %get3A_1413] {strides = array<i32>} : memref<64x128xf32, #tpu.memory_space<vmem>>, vector<16xf32>,
      %mul3A_1415 = arith.mulf %get3A_1414, %broadcast_in_dim3A_1411 : vector<16xf32>
      %swap3A_1416 = arith.index_cast %add3A_1408 : i32 to index
      %swap3A_1417 = arith.constant 0 : index
      %swap3A_1418 = tpu.vector_load %arg17[%swap3A_1416, %swap3A_1417] {strides = array<i32>} : memref<64x128xf32, #tpu.memory_space<vmem>>, vector<16xf32>,
      tpu.vector_store %arg17[%swap3A_1416, %swap3A_1417], %mul3A_1415 {strides = array<i32>} : memref<64x128xf32, #tpu.memory_space<vmem>>, vector<16xf32>,
      %get3A_1419 = arith.index_cast %add3A_1408 : i32 to index
      %get3A_1420 = arith.constant 16 : index
      %get3A_1421 = tpu.vector_load %arg17[%get3A_1419, %get3A_1420] {strides = array<i32>} : memref<64x128xf32, #tpu.memory_space<vmem>>, vector<16xf32>,
      %mul3A_1422 = arith.mulf %get3A_1421, %broadcast_in_dim3A_1411 : vector<16xf32>
      %swap3A_1423 = arith.index_cast %add3A_1408 : i32 to index
      %swap3A_1424 = arith.constant 16 : index
      %swap3A_1425 = tpu.vector_load %arg17[%swap3A_1423, %swap3A_1424] {strides = array<i32>} : memref<64x128xf32, #tpu.memory_space<vmem>>, vector<16xf32>,
      tpu.vector_store %arg17[%swap3A_1423, %swap3A_1424], %mul3A_1422 {strides = array<i32>} : memref<64x128xf32, #tpu.memory_space<vmem>>, vector<16xf32>,
      %get3A_1426 = arith.index_cast %add3A_1408 : i32 to index
      %get3A_1427 = arith.constant 32 : index
      %get3A_1428 = tpu.vector_load %arg17[%get3A_1426, %get3A_1427] {strides = array<i32>} : memref<64x128xf32, #tpu.memory_space<vmem>>, vector<16xf32>,
      %mul3A_1429 = arith.mulf %get3A_1428, %broadcast_in_dim3A_1411 : vector<16xf32>
      %swap3A_1430 = arith.index_cast %add3A_1408 : i32 to index
      %swap3A_1431 = arith.constant 32 : index
      %swap3A_1432 = tpu.vector_load %arg17[%swap3A_1430, %swap3A_1431] {strides = array<i32>} : memref<64x128xf32, #tpu.memory_space<vmem>>, vector<16xf32>,
      tpu.vector_store %arg17[%swap3A_1430, %swap3A_1431], %mul3A_1429 {strides = array<i32>} : memref<64x128xf32, #tpu.memory_space<vmem>>, vector<16xf32>,
      %get3A_1433 = arith.index_cast %add3A_1408 : i32 to index
      %get3A_1434 = arith.constant 48 : index
      %get3A_1435 = tpu.vector_load %arg17[%get3A_1433, %get3A_1434] {strides = array<i32>} : memref<64x128xf32, #tpu.memory_space<vmem>>, vector<16xf32>,
      %mul3A_1436 = arith.mulf %get3A_1435, %broadcast_in_dim3A_1411 : vector<16xf32>
      %swap3A_1437 = arith.index_cast %add3A_1408 : i32 to index
      %swap3A_1438 = arith.constant 48 : index
      %swap3A_1439 = tpu.vector_load %arg17[%swap3A_1437, %swap3A_1438] {strides = array<i32>} : memref<64x128xf32, #tpu.memory_space<vmem>>, vector<16xf32>,
      tpu.vector_store %arg17[%swap3A_1437, %swap3A_1438], %mul3A_1436 {strides = array<i32>} : memref<64x128xf32, #tpu.memory_space<vmem>>, vector<16xf32>,
      %get3A_1440 = arith.index_cast %add3A_1408 : i32 to index
      %get3A_1441 = arith.constant 64 : index
      %get3A_1442 = tpu.vector_load %arg17[%get3A_1440, %get3A_1441] {strides = array<i32>} : memref<64x128xf32, #tpu.memory_space<vmem>>, vector<16xf32>,
      %mul3A_1443 = arith.mulf %get3A_1442, %broadcast_in_dim3A_1411 : vector<16xf32>
      %swap3A_1444 = arith.index_cast %add3A_1408 : i32 to index
      %swap3A_1445 = arith.constant 64 : index
      %swap3A_1446 = tpu.vector_load %arg17[%swap3A_1444, %swap3A_1445] {strides = array<i32>} : memref<64x128xf32, #tpu.memory_space<vmem>>, vector<16xf32>,
      tpu.vector_store %arg17[%swap3A_1444, %swap3A_1445], %mul3A_1443 {strides = array<i32>} : memref<64x128xf32, #tpu.memory_space<vmem>>, vector<16xf32>,
      %get3A_1447 = arith.index_cast %add3A_1408 : i32 to index
      %get3A_1448 = arith.constant 80 : index
      %get3A_1449 = tpu.vector_load %arg17[%get3A_1447, %get3A_1448] {strides = array<i32>} : memref<64x128xf32, #tpu.memory_space<vmem>>, vector<16xf32>,
      %mul3A_1450 = arith.mulf %get3A_1449, %broadcast_in_dim3A_1411 : vector<16xf32>
      %swap3A_1451 = arith.index_cast %add3A_1408 : i32 to index
      %swap3A_1452 = arith.constant 80 : index
      %swap3A_1453 = tpu.vector_load %arg17[%swap3A_1451, %swap3A_1452] {strides = array<i32>} : memref<64x128xf32, #tpu.memory_space<vmem>>, vector<16xf32>,
      tpu.vector_store %arg17[%swap3A_1451, %swap3A_1452], %mul3A_1450 {strides = array<i32>} : memref<64x128xf32, #tpu.memory_space<vmem>>, vector<16xf32>,
      %get3A_1454 = arith.index_cast %add3A_1408 : i32 to index
      %get3A_1455 = arith.constant 96 : index
      %get3A_1456 = tpu.vector_load %arg17[%get3A_1454, %get3A_1455] {strides = array<i32>} : memref<64x128xf32, #tpu.memory_space<vmem>>, vector<16xf32>,
      %mul3A_1457 = arith.mulf %get3A_1456, %broadcast_in_dim3A_1411 : vector<16xf32>
      %swap3A_1458 = arith.index_cast %add3A_1408 : i32 to index
      %swap3A_1459 = arith.constant 96 : index
      %swap3A_1460 = tpu.vector_load %arg17[%swap3A_1458, %swap3A_1459] {strides = array<i32>} : memref<64x128xf32, #tpu.memory_space<vmem>>, vector<16xf32>,
      tpu.vector_store %arg17[%swap3A_1458, %swap3A_1459], %mul3A_1457 {strides = array<i32>} : memref<64x128xf32, #tpu.memory_space<vmem>>, vector<16xf32>,
      %get3A_1461 = arith.index_cast %add3A_1408 : i32 to index
      %get3A_1462 = arith.constant 112 : index
      %get3A_1463 = tpu.vector_load %arg17[%get3A_1461, %get3A_1462] {strides = array<i32>} : memref<64x128xf32, #tpu.memory_space<vmem>>, vector<16xf32>,
      %mul3A_1464 = arith.mulf %get3A_1463, %broadcast_in_dim3A_1411 : vector<16xf32>
      %swap3A_1465 = arith.index_cast %add3A_1408 : i32 to index
      %swap3A_1466 = arith.constant 112 : index
      %swap3A_1467 = tpu.vector_load %arg17[%swap3A_1465, %swap3A_1466] {strides = array<i32>} : memref<64x128xf32, #tpu.memory_space<vmem>>, vector<16xf32>,
      tpu.vector_store %arg17[%swap3A_1465, %swap3A_1466], %mul3A_1464 {strides = array<i32>} : memref<64x128xf32, #tpu.memory_space<vmem>>, vector<16xf32>,
      %mul3A_1468 = arith.constant 16 : i32
      %mul3A_1469 = arith.muli %mul3A_1468, %scan3A_516 : i32
      %add3A_1470 = arith.constant 15 : i32
      %add3A_1471 = arith.addi %mul3A_1469, %add3A_1470 : i32
      %slice3A_1472 = vector.extract_strided_slice %div3A_524 {offsets = [15], sizes = [1], strides = [1]} : vector<16xf32> to vector<1xf32>
      %squeeze3A_1473 = vector.extract %slice3A_1472[0] : f32 from vector<1xf32>
      %broadcast_in_dim3A_1474 = vector.broadcast %squeeze3A_1473 : f32 to vector<16xf32>
      %get3A_1475 = arith.index_cast %add3A_1471 : i32 to index
      %get3A_1476 = arith.constant 0 : index
      %get3A_1477 = tpu.vector_load %arg17[%get3A_1475, %get3A_1476] {strides = array<i32>} : memref<64x128xf32, #tpu.memory_space<vmem>>, vector<16xf32>,
      %mul3A_1478 = arith.mulf %get3A_1477, %broadcast_in_dim3A_1474 : vector<16xf32>
      %swap3A_1479 = arith.index_cast %add3A_1471 : i32 to index
      %swap3A_1480 = arith.constant 0 : index
      %swap3A_1481 = tpu.vector_load %arg17[%swap3A_1479, %swap3A_1480] {strides = array<i32>} : memref<64x128xf32, #tpu.memory_space<vmem>>, vector<16xf32>,
      tpu.vector_store %arg17[%swap3A_1479, %swap3A_1480], %mul3A_1478 {strides = array<i32>} : memref<64x128xf32, #tpu.memory_space<vmem>>, vector<16xf32>,
      %get3A_1482 = arith.index_cast %add3A_1471 : i32 to index
      %get3A_1483 = arith.constant 16 : index
      %get3A_1484 = tpu.vector_load %arg17[%get3A_1482, %get3A_1483] {strides = array<i32>} : memref<64x128xf32, #tpu.memory_space<vmem>>, vector<16xf32>,
      %mul3A_1485 = arith.mulf %get3A_1484, %broadcast_in_dim3A_1474 : vector<16xf32>
      %swap3A_1486 = arith.index_cast %add3A_1471 : i32 to index
      %swap3A_1487 = arith.constant 16 : index
      %swap3A_1488 = tpu.vector_load %arg17[%swap3A_1486, %swap3A_1487] {strides = array<i32>} : memref<64x128xf32, #tpu.memory_space<vmem>>, vector<16xf32>,
      tpu.vector_store %arg17[%swap3A_1486, %swap3A_1487], %mul3A_1485 {strides = array<i32>} : memref<64x128xf32, #tpu.memory_space<vmem>>, vector<16xf32>,
      %get3A_1489 = arith.index_cast %add3A_1471 : i32 to index
      %get3A_1490 = arith.constant 32 : index
      %get3A_1491 = tpu.vector_load %arg17[%get3A_1489, %get3A_1490] {strides = array<i32>} : memref<64x128xf32, #tpu.memory_space<vmem>>, vector<16xf32>,
      %mul3A_1492 = arith.mulf %get3A_1491, %broadcast_in_dim3A_1474 : vector<16xf32>
      %swap3A_1493 = arith.index_cast %add3A_1471 : i32 to index
      %swap3A_1494 = arith.constant 32 : index
      %swap3A_1495 = tpu.vector_load %arg17[%swap3A_1493, %swap3A_1494] {strides = array<i32>} : memref<64x128xf32, #tpu.memory_space<vmem>>, vector<16xf32>,
      tpu.vector_store %arg17[%swap3A_1493, %swap3A_1494], %mul3A_1492 {strides = array<i32>} : memref<64x128xf32, #tpu.memory_space<vmem>>, vector<16xf32>,
      %get3A_1496 = arith.index_cast %add3A_1471 : i32 to index
      %get3A_1497 = arith.constant 48 : index
      %get3A_1498 = tpu.vector_load %arg17[%get3A_1496, %get3A_1497] {strides = array<i32>} : memref<64x128xf32, #tpu.memory_space<vmem>>, vector<16xf32>,
      %mul3A_1499 = arith.mulf %get3A_1498, %broadcast_in_dim3A_1474 : vector<16xf32>
      %swap3A_1500 = arith.index_cast %add3A_1471 : i32 to index
      %swap3A_1501 = arith.constant 48 : index
      %swap3A_1502 = tpu.vector_load %arg17[%swap3A_1500, %swap3A_1501] {strides = array<i32>} : memref<64x128xf32, #tpu.memory_space<vmem>>, vector<16xf32>,
      tpu.vector_store %arg17[%swap3A_1500, %swap3A_1501], %mul3A_1499 {strides = array<i32>} : memref<64x128xf32, #tpu.memory_space<vmem>>, vector<16xf32>,
      %get3A_1503 = arith.index_cast %add3A_1471 : i32 to index
      %get3A_1504 = arith.constant 64 : index
      %get3A_1505 = tpu.vector_load %arg17[%get3A_1503, %get3A_1504] {strides = array<i32>} : memref<64x128xf32, #tpu.memory_space<vmem>>, vector<16xf32>,
      %mul3A_1506 = arith.mulf %get3A_1505, %broadcast_in_dim3A_1474 : vector<16xf32>
      %swap3A_1507 = arith.index_cast %add3A_1471 : i32 to index
      %swap3A_1508 = arith.constant 64 : index
      %swap3A_1509 = tpu.vector_load %arg17[%swap3A_1507, %swap3A_1508] {strides = array<i32>} : memref<64x128xf32, #tpu.memory_space<vmem>>, vector<16xf32>,
      tpu.vector_store %arg17[%swap3A_1507, %swap3A_1508], %mul3A_1506 {strides = array<i32>} : memref<64x128xf32, #tpu.memory_space<vmem>>, vector<16xf32>,
      %get3A_1510 = arith.index_cast %add3A_1471 : i32 to index
      %get3A_1511 = arith.constant 80 : index
      %get3A_1512 = tpu.vector_load %arg17[%get3A_1510, %get3A_1511] {strides = array<i32>} : memref<64x128xf32, #tpu.memory_space<vmem>>, vector<16xf32>,
      %mul3A_1513 = arith.mulf %get3A_1512, %broadcast_in_dim3A_1474 : vector<16xf32>
      %swap3A_1514 = arith.index_cast %add3A_1471 : i32 to index
      %swap3A_1515 = arith.constant 80 : index
      %swap3A_1516 = tpu.vector_load %arg17[%swap3A_1514, %swap3A_1515] {strides = array<i32>} : memref<64x128xf32, #tpu.memory_space<vmem>>, vector<16xf32>,
      tpu.vector_store %arg17[%swap3A_1514, %swap3A_1515], %mul3A_1513 {strides = array<i32>} : memref<64x128xf32, #tpu.memory_space<vmem>>, vector<16xf32>,
      %get3A_1517 = arith.index_cast %add3A_1471 : i32 to index
      %get3A_1518 = arith.constant 96 : index
      %get3A_1519 = tpu.vector_load %arg17[%get3A_1517, %get3A_1518] {strides = array<i32>} : memref<64x128xf32, #tpu.memory_space<vmem>>, vector<16xf32>,
      %mul3A_1520 = arith.mulf %get3A_1519, %broadcast_in_dim3A_1474 : vector<16xf32>
      %swap3A_1521 = arith.index_cast %add3A_1471 : i32 to index
      %swap3A_1522 = arith.constant 96 : index
      %swap3A_1523 = tpu.vector_load %arg17[%swap3A_1521, %swap3A_1522] {strides = array<i32>} : memref<64x128xf32, #tpu.memory_space<vmem>>, vector<16xf32>,
      tpu.vector_store %arg17[%swap3A_1521, %swap3A_1522], %mul3A_1520 {strides = array<i32>} : memref<64x128xf32, #tpu.memory_space<vmem>>, vector<16xf32>,
      %get3A_1524 = arith.index_cast %add3A_1471 : i32 to index
      %get3A_1525 = arith.constant 112 : index
      %get3A_1526 = tpu.vector_load %arg17[%get3A_1524, %get3A_1525] {strides = array<i32>} : memref<64x128xf32, #tpu.memory_space<vmem>>, vector<16xf32>,
      %mul3A_1527 = arith.mulf %get3A_1526, %broadcast_in_dim3A_1474 : vector<16xf32>
      %swap3A_1528 = arith.index_cast %add3A_1471 : i32 to index
      %swap3A_1529 = arith.constant 112 : index
      %swap3A_1530 = tpu.vector_load %arg17[%swap3A_1528, %swap3A_1529] {strides = array<i32>} : memref<64x128xf32, #tpu.memory_space<vmem>>, vector<16xf32>,
      tpu.vector_store %arg17[%swap3A_1528, %swap3A_1529], %mul3A_1527 {strides = array<i32>} : memref<64x128xf32, #tpu.memory_space<vmem>>, vector<16xf32>,
    }
    %scan3A_512 = arith.constant 4 : i32
    %mul3A_513 = arith.constant 1024 : i32
    %mul3A_514 = arith.muli %arg0, %mul3A_513 : i32
    %add3A_515 = arith.addi %mul3A_514, %mul3A_9 : i32
    "tpu.region"() ({
      %run_scoped3A = tpu.sem_alloc : memref<!tpu.dma_semaphore, #tpu.memory_space<semaphore_mem>>
      %dma_start3A = arith.constant 0 : i32
      %dma_start3A_516 = tpu.memref_slice %arg6[%add3A_515, %dma_start3A] : memref<2048x128xf32, #tpu.memory_space<hbm>> -> memref<64x128xf32, #tpu.memory_space<hbm>>
      %dma_start3A_517 = arith.constant 0 : i32
      %dma_start3A_518 = tpu.memref_slice %arg6[%add3A_515, %dma_start3A_517] : memref<2048x128xf32, #tpu.memory_space<hbm>> -> memref<64x128xf32, #tpu.memory_space<hbm>>
      tpu.enqueue_dma source(%arg17 : memref<64x128xf32, #tpu.memory_space<vmem>>) target(%dma_start3A_518 : memref<64x128xf32, #tpu.memory_space<hbm>>) target_semaphore(%run_scoped3A : memref<!tpu.dma_semaphore, #tpu.memory_space<semaphore_mem>>)
      %dma_wait3A = arith.constant 0 : i32
      %dma_wait3A_519 = tpu.memref_slice %arg6[%add3A_515, %dma_wait3A] : memref<2048x128xf32, #tpu.memory_space<hbm>> -> memref<64x128xf32, #tpu.memory_space<hbm>>
      %dma_wait3A_520 = arith.constant 0 : i32
      %dma_wait3A_521 = tpu.memref_slice %arg6[%add3A_515, %dma_wait3A_520] : memref<2048x128xf32, #tpu.memory_space<hbm>> -> memref<64x128xf32, #tpu.memory_space<hbm>>
      tpu.wait_dma2 semaphore(%run_scoped3A : memref<!tpu.dma_semaphore, #tpu.memory_space<semaphore_mem>>) src(%arg17 : memref<64x128xf32, #tpu.memory_space<vmem>>) dst(%dma_wait3A_521 : memref<64x128xf32, #tpu.memory_space<hbm>>)
      tpu.yield
    }) : () -> ()
    return
  }
}

module attributes {stable_mosaic.version = 14 : i64} {
  func.func @_mlp_body(%arg0: memref<2048x128xf32, #tpu.memory_space<vmem>>, %arg1: memref<1024x128xf32, #tpu.memory_space<vmem>>, %arg2: memref<256x128xf32, #tpu.memory_space<vmem>>, %arg3: memref<1x128xf32, #tpu.memory_space<vmem>>, %arg4: memref<128x128xf32, #tpu.memory_space<vmem>>, %arg5: memref<1x128xf32, #tpu.memory_space<vmem>>, %arg6: memref<128x128xf32, #tpu.memory_space<vmem>>, %arg7: memref<1x128xf32, #tpu.memory_space<vmem>>, %arg8: memref<1024x128xf32, #tpu.memory_space<vmem>>) attributes {dimension_semantics = [], scalar_prefetch = 0 : i64, scratch_operands = 0 : i64, tpu.core_type = #tpu.core_type<tc>} {
    %get3A = arith.constant 0 : index
    %get3A_0 = arith.constant 0 : index
    %get3A_1 = vector.load %arg0[%get3A, %get3A_0] : memref<2048x128xf32, #tpu.memory_space<vmem>>, vector<1024x128xf32>
    %get3A_2 = arith.constant 1024 : index
    %get3A_3 = arith.constant 0 : index
    %get3A_4 = vector.load %arg0[%get3A_2, %get3A_3] : memref<2048x128xf32, #tpu.memory_space<vmem>>, vector<1024x128xf32>
    %get3A_5 = arith.constant 0 : index
    %get3A_6 = arith.constant 0 : index
    %get3A_7 = vector.load %arg2[%get3A_5, %get3A_6] : memref<256x128xf32, #tpu.memory_space<vmem>>, vector<128x128xf32>
    %dot_general3A = arith.constant dense<0.000000e+00> : vector<1024x128xf32>
    %dot_general3A_8 = tpu.matmul %get3A_1, %get3A_7, %dot_general3A {dimension_numbers = #tpu.dot_dimension_numbers<[1], [0], [0], [1], [0, 0, 1, 1], [], []>, precision = #tpu.contract_precision<fp32>, transpose_lhs_hint = false} : vector<1024x128xf32>, vector<128x128xf32>, vector<1024x128xf32> -> vector<1024x128xf32>
    %get3A_9 = arith.constant 128 : index
    %get3A_10 = arith.constant 0 : index
    %get3A_11 = vector.load %arg2[%get3A_9, %get3A_10] : memref<256x128xf32, #tpu.memory_space<vmem>>, vector<128x128xf32>
    %dot_general3A_12 = arith.constant dense<0.000000e+00> : vector<1024x128xf32>
    %dot_general3A_13 = tpu.matmul %get3A_4, %get3A_11, %dot_general3A_12 {dimension_numbers = #tpu.dot_dimension_numbers<[1], [0], [0], [1], [0, 0, 1, 1], [], []>, precision = #tpu.contract_precision<fp32>, transpose_lhs_hint = false} : vector<1024x128xf32>, vector<128x128xf32>, vector<1024x128xf32> -> vector<1024x128xf32>
    %add3A = arith.addf %dot_general3A_8, %dot_general3A_13 : vector<1024x128xf32>
    %get3A_14 = arith.constant 0 : index
    %get3A_15 = arith.constant 0 : index
    %get3A_16 = vector.load %arg3[%get3A_14, %get3A_15] : memref<1x128xf32, #tpu.memory_space<vmem>>, vector<1x128xf32>
    %add3A_17 = vector.broadcast %get3A_16 : vector<1x128xf32> to vector<1024x128xf32>
    %add3A_18 = arith.addf %add3A, %add3A_17 : vector<1024x128xf32>
    %max3A = arith.constant 0.000000e+00 : f32
    %max3A_19 = vector.broadcast %max3A : f32 to vector<1024x128xf32>
    %max3A_20 = arith.maximumf %add3A_18, %max3A_19 : vector<1024x128xf32>
    %get3A_21 = arith.constant 0 : index
    %get3A_22 = arith.constant 0 : index
    %get3A_23 = vector.load %arg4[%get3A_21, %get3A_22] : memref<128x128xf32, #tpu.memory_space<vmem>>, vector<128x128xf32>
    %dot_general3A_24 = arith.constant dense<0.000000e+00> : vector<1024x128xf32>
    %dot_general3A_25 = tpu.matmul %max3A_20, %get3A_23, %dot_general3A_24 {dimension_numbers = #tpu.dot_dimension_numbers<[1], [0], [0], [1], [0, 0, 1, 1], [], []>, precision = #tpu.contract_precision<fp32>, transpose_lhs_hint = false} : vector<1024x128xf32>, vector<128x128xf32>, vector<1024x128xf32> -> vector<1024x128xf32>
    %get3A_26 = arith.constant 0 : index
    %get3A_27 = arith.constant 0 : index
    %get3A_28 = vector.load %arg5[%get3A_26, %get3A_27] : memref<1x128xf32, #tpu.memory_space<vmem>>, vector<1x128xf32>
    %add3A_29 = vector.broadcast %get3A_28 : vector<1x128xf32> to vector<1024x128xf32>
    %add3A_30 = arith.addf %dot_general3A_25, %add3A_29 : vector<1024x128xf32>
    %max3A_31 = arith.constant 0.000000e+00 : f32
    %max3A_32 = vector.broadcast %max3A_31 : f32 to vector<1024x128xf32>
    %max3A_33 = arith.maximumf %add3A_30, %max3A_32 : vector<1024x128xf32>
    %get3A_34 = arith.constant 0 : index
    %get3A_35 = arith.constant 0 : index
    %get3A_36 = vector.load %arg6[%get3A_34, %get3A_35] : memref<128x128xf32, #tpu.memory_space<vmem>>, vector<128x128xf32>
    %dot_general3A_37 = arith.constant dense<0.000000e+00> : vector<1024x128xf32>
    %dot_general3A_38 = tpu.matmul %max3A_33, %get3A_36, %dot_general3A_37 {dimension_numbers = #tpu.dot_dimension_numbers<[1], [0], [0], [1], [0, 0, 1, 1], [], []>, precision = #tpu.contract_precision<fp32>, transpose_lhs_hint = false} : vector<1024x128xf32>, vector<128x128xf32>, vector<1024x128xf32> -> vector<1024x128xf32>
    %get3A_39 = arith.constant 0 : index
    %get3A_40 = arith.constant 0 : index
    %get3A_41 = vector.load %arg7[%get3A_39, %get3A_40] : memref<1x128xf32, #tpu.memory_space<vmem>>, vector<1x128xf32>
    %add3A_42 = vector.broadcast %get3A_41 : vector<1x128xf32> to vector<1024x128xf32>
    %add3A_43 = arith.addf %dot_general3A_38, %add3A_42 : vector<1024x128xf32>
    %get3A_44 = arith.constant 0 : index
    %get3A_45 = arith.constant 0 : index
    %get3A_46 = vector.load %arg1[%get3A_44, %get3A_45] : memref<1024x128xf32, #tpu.memory_space<vmem>>, vector<1024x128xf32>
    %add3A_47 = arith.addf %add3A_43, %get3A_46 : vector<1024x128xf32>
    %swap3A = arith.constant 0 : index
    %swap3A_48 = arith.constant 0 : index
    %swap3A_49 = vector.load %arg8[%swap3A, %swap3A_48] : memref<1024x128xf32, #tpu.memory_space<vmem>>, vector<1024x128xf32>
    tpu.vector_store %arg8[%swap3A, %swap3A_48], %add3A_47 {strides = array<i32>} : memref<1024x128xf32, #tpu.memory_space<vmem>>, vector<1024x128xf32>,
    return
  }
}

</mosaic_0001>

<sc_bundles>
// kernel: kernel.4.cloned.1.call-start
scs
__scs_entry_jumppad:
0x0: {  	(pc) =	sbr.rel $0x88, $3  }
0x1: {  	(tag) =	ssettag $0x0;
	lr =	simm.s32 $0x1  }
0x2: {  	[smem:$0x3F96] =	sst lr;
	_ =	strace $0xD0000000  }
0x3: {  	_ = 	snop  }
0x4: {  	_ = 	snop  }
0x5: {  	_ = 	snop  }
0x6: {  	_ = 	snop  }
0x7: {  	_ = 	snop  }
__scs_overlays_trampoline_lowered:
0x8: {  	[smem:$0x3FA5] =	sst s0  }
0x9: {  	[smem:$0x3FA6] =	sst s1  }
0xa: {  	[smem:$0x3FA7] =	sst s2  }
0xb: {  	[smem:$0x3FA8] =	sst s3  }
0xc: {  	[smem:$0x3FA9] =	sst s4  }
0xd: {  	[smem:$0x3FAA] =	sst s5  }
0xe: {  	[smem:$0x3FAB] =	sst s6  }
0xf: {  	[smem:$0x3FAC] =	sst s7  }
0x10: {  	[smem:$0x3FAD] =	sst s8  }
0x11: {  	[smem:$0x3FAE] =	sst s9;
	s0 =	simm.s32 @!p0 $0x0  }
0x12: {  	s1 =	sld [smem:$0x3F94];
	s0 =	simm.s32 @p0 $0x1  }
0x13: {  	[smem:$0x3FAF] =	sst s0;
	s0 =	simm.s32 @!p1 $0x0  }
0x14: {  	s2 =	sld [smem:$0x3F93];
	s0 =	simm.s32 @p1 $0x1  }
0x15: {  	[smem:$0x3FB0] =	sst s0;
	s0 =	simm.s32 @!p2 $0x0  }
0x16: {  	s3 =	sld [smem:$0x3FDB];
	s0 =	simm.s32 @p2 $0x1  }
0x17: {  	s4 =	simm.s32 $0x1BF5;
	[smem:$0x3FB2] =	sst s0  }
0x18: {  	s0 =	sld [smem:$0x3F95];
	_ =	swait.ge [sflag:s4], $0x0  }
0x19: {  	s7 =	sld [smem:$0x3F96]  }
0x1a: {  	s8 =	sadd.s32 $0xFFFFE003, lr  }
0x1b: {  	s9 =	sadd.s32 $0xFFFFFEF7, lr;
	s5 =	simm.s32 $0xFFFFFFFF;
	p2 =	slt.u32 s8, $0xFFFFF086  }
0x1c: {  	p1 =	slt.u32 s9, $0xF7A;
	s5 =	simm.s32 @!p2 $0x0  }
0x1d: {  	s5 =	simm.s32 @p1 $0x1;
	p0 =	seq.s32 s7, s2  }
0x1e: {  	s7 =	smul.u32 @!p0 $0xF7A, s2;
	p2 =	seq.s32 @!p0 s5, $0x0  }
0x1f: {  	s9 =	smul.u32 $0xF7A, s1;
	s8 =	simm.s32 @!p0 $0x1BF5;
	p2 =	por !p2, p0  }
0x20: {  	[sflag:s8] =	ssyncset.s32 @!p0 $0xFFFFF086;
	s6 =	sadd.s32 @!p0 s3, s7;
	s7 =	simm.s32 @!p0 $0x108  }
0x21: {  	s3 =	sadd.s32 s3, s9;
	s6 =	sadd.s32 @!p0 $0x88, s6;
	s7 =	simm.s32 @p2 $0x1082  }
0x22: {  	[simem:s7], [sflag:s8] =	dma.local @!p0 [hbm:s6], $0xF7A  }
0x23: {  	s9 =	sor.u32 $0xD0000000, s2;
	s6 =	simm.s32 $0x108;
	_ =	swait.ge @!p0 [sflag:s8], $0x0  }
0x24: {  	s3 =	sadd.s32 $0x88, s3;
	s6 =	simm.s32 @!p1 $0x1082;
	[sflag:s4] =	ssyncset.s32 $0xFFFFF086  }
0x25: {  	[simem:s6], [sflag:s4] =	dma.local [hbm:s3], $0xF7A  }
0x26: {  	[smem:$0x3F96] =	sst s1;
	(tag) =	ssettag s2;
	_ =	strace s9  }
0x27: {  	s1 =	sld [smem:$0x3FA6]  }
0x28: {  	s2 =	sld [smem:$0x3FA7]  }
0x29: {  	s4 =	sld [smem:$0x3FA9]  }
0x2a: {  	p0 =	seq.s32 s5, $0x0;
	s5 =	sld [smem:$0x3FAA]  }
0x2b: {  	s6 =	sld [smem:$0x3FAB]  }
0x2c: {  	s7 =	sld [smem:$0x3FAC]  }
0x2d: {  	s3 =	simm.s32 $0x108;
	s8 =	sld [smem:$0x3FAD]  }
0x2e: {  	s3 =	simm.s32 @!p0 $0x1082;
	s9 =	sld [smem:$0x3FAE]  }
0x2f: {  	lr =	sadd.s32 s0, s3;
	s0 =	sld [smem:$0x3FA5]  }
0x30: {  	s3 =	sld [smem:$0x3FA8]  }
0x31: {  	[smem:$0x3FB1] =	sst s10  }
0x32: {  	s10 =	sld [smem:$0x3FAF];
	_ =	sdelay $0x3  }
0x33: {  	p0 =	seq.s32 s10, $0x1;
	s10 =	sld [smem:$0x3FB1];
	_ =	sdelay $0x3  }
0x34: {  	[smem:$0x3FB1] =	sst s10  }
0x35: {  	s10 =	sld [smem:$0x3FB0];
	_ =	sdelay $0x3  }
0x36: {  	p1 =	seq.s32 s10, $0x1;
	s10 =	sld [smem:$0x3FB1];
	_ =	sdelay $0x3  }
0x37: {  	[smem:$0x3FB1] =	sst s10  }
0x38: {  	s10 =	sld [smem:$0x3FB2]  }
0x39: {  	_ = 	snop;
	(pc) =	sbr.ind lr, $3  }
0x3a: {  	_ = 	snop  }
0x3b: {  	_ = 	snop  }
0x3c: {  	p2 =	seq.s32 s10, $0x1;
	s10 =	sld [smem:$0x3FB1]  }
0x3d: {  	_ =	shalt  }
0x3e: {  	_ =	shalt  }
0x3f: {  	_ =	shalt  }
0x40: {  	_ =	shalt  }
0x41: {  	_ =	shalt  }
0x42: {  	_ =	shalt  }
0x43: {  	_ =	shalt  }
0x44: {  	_ =	shalt  }
0x45: {  	_ =	shalt  }
0x46: {  	_ =	shalt  }
0x47: {  	_ =	shalt  }
0x48: {  	_ =	shalt  }
0x49: {  	_ =	shalt  }
0x4a: {  	_ =	shalt  }
0x4b: {  	_ =	shalt  }
0x4c: {  	_ =	shalt  }
0x4d: {  	_ =	shalt  }
0x4e: {  	_ =	shalt  }
0x4f: {  	_ =	shalt  }
0x50: {  	_ =	shalt  }
0x51: {  	_ =	shalt  }
0x52: {  	_ =	shalt  }
0x53: {  	_ =	shalt  }
0x54: {  	_ =	shalt  }
0x55: {  	_ =	shalt  }
0x56: {  	_ =	shalt  }
0x57: {  	_ =	shalt  }
0x58: {  	_ =	shalt  }
0x59: {  	_ =	shalt  }
0x5a: {  	_ =	shalt  }
0x5b: {  	_ =	shalt  }
0x5c: {  	_ =	shalt  }
0x5d: {  	_ =	shalt  }
0x5e: {  	_ =	shalt  }
0x5f: {  	_ =	shalt  }
0x60: {  	_ =	shalt  }
0x61: {  	_ =	shalt  }
0x62: {  	_ =	shalt  }
0x63: {  	_ =	shalt  }
0x64: {  	_ =	shalt  }
0x65: {  	_ =	shalt  }
0x66: {  	_ =	shalt  }
0x67: {  	_ =	shalt  }
0x68: {  	_ =	shalt  }
0x69: {  	_ =	shalt  }
0x6a: {  	_ =	shalt  }
0x6b: {  	_ =	shalt  }
0x6c: {  	_ =	shalt  }
0x6d: {  	_ =	shalt  }
0x6e: {  	_ =	shalt  }
0x6f: {  	_ =	shalt  }
0x70: {  	_ =	shalt  }
0x71: {  	_ =	shalt  }
0x72: {  	_ =	shalt  }
0x73: {  	_ =	shalt  }
0x74: {  	_ =	shalt  }
0x75: {  	_ =	shalt  }
0x76: {  	_ =	shalt  }
0x77: {  	_ =	shalt  }
0x78: {  	_ =	shalt  }
0x79: {  	_ =	shalt  }
0x7a: {  	_ =	shalt  }
0x7b: {  	_ =	shalt  }
0x7c: {  	_ =	shalt  }
0x7d: {  	_ =	shalt  }
0x7e: {  	_ =	shalt  }
0x7f: {  	_ =	shalt  }
0x80: {  	_ =	shalt  }
0x81: {  	_ =	shalt  }
0x82: {  	_ =	shalt  }
0x83: {  	_ =	shalt  }
0x84: {  	_ =	shalt  }
0x85: {  	_ =	shalt  }
0x86: {  	_ =	shalt  }
0x87: {  	_ =	shalt  }
.Lfunc_end0:
.L_simem_size_0:
called_computation_lowered:
.L_overlay_start_0:
0x88: {  	s2 =	sld [smem:$0x3FD9]  }
0x89: {  	s3 =	sld [smem:$0x3FFE];
	_ =	sdelay $0x1  }
0x8a: {  	s1 =	srdreg.scid  }
0x8b: {  	s0 =	sand.u32 $0x1, s1  }
0x8c: {  	s17 =	sshll.u32 s0, $0xA;
	s2 =	sadd.s32 s3, s2  }
0x8d: {  	s2 =	sadd.s32 s2, s17  }
0x8e: {  	[smem:$0x3FBD] =	sst s2  }
0x8f: {  	_ = 	snop  }
0x90: {  	s2 =	sld [smem:$0x3FC9]  }
0x91: {  	s18 =	sld [smem:$0x3FC7]  }
0x92: {  	s4 =	sld [smem:$0x3FD0];
	(tm) =	ssettm $0x1  }
0x93: {  	s5 =	sld [smem:$0x3FFB];
	_ =	sdelay $0x3  }
0x94: {  	_ =	strace s5  }
0x95: {  	s5 =	sld [smem:$0x3FFC];
	_ =	sdelay $0x3  }
0x96: {  	_ =	strace s5  }
0x97: {  	s5 =	sld [smem:$0x3FFD];
	_ =	sdelay $0x3  }
0x98: {  	_ =	strace s5  }
0x99: {  	_ =	strace $0x8FFFFFFF  }
0x9a: {  	s19 =	sld [smem:$0x3FDB];
	_ =	sdelay $0x1  }
0x9b: {  	s6 =	simm.s32 $_scs_section_size  }
0x9c: {  	s7 =	simm.s32 $_size__tile_overlayer_lowered;
	s8 =	simm.s32 $_tile_overlayer_lowered  }
0x9d: {  	s22 =	simm.s32 $0x1BFF;
	s21 =	sshll.u32 s8, $0x1;
	s5 =	sadd.s32 s6, s19  }
0x9e: {  	s9 =	simm.s32 $0x0;
	s20 =	sshll.u32 s7, $0x1;
	s7 =	sadd.s32 s21, s5  }
0x9f: {  	[timem:s9], [sflag:s22] =	dma.local [hbm:s7], s20  }
0xa0: {  	_ =	swait.ge [sflag:s22], s20  }
0xa1: {  	s6 =	ssub.s32 $0x0, s20;
	[sflag:s22] =	ssyncset.done $0x0  }
0xa2: {  	[sflag:s22] =	ssyncadd.s32 s6;
	_ =	sdelay $0x1  }
0xa3: {  	s23 =	simm.s32 $0x1B8B  }
0xa4: {  	_ =	swait.ge [sflag:s23], $0x1  }
0xa5: {  	[sflag:s23] =	ssyncset.done $0x0  }
0xa6: {  	s25 =	simm.s32 $0x1B8E;
	s24 =	sld [smem:$0x3FFE];
	[sflag:s23] =	ssyncadd.s32 $0xFFFFFFFF  }
0xa7: {  	s26 =	simm.s32 $execute0_lowered;
	[smem:$0x3FD2] =	sst s25  }
0xa8: {  	s7 =	sshll.u32 s26, $0x1;
	_ =	strace $0x80000046;
	[dreg:$0x1] =	wrdreg $0xFFFFFFFF  }
0xa9: {  	s28 =	simm.s32 $_size_execute0_lowered;
	s5 =	sadd.s32 s5, s7;
	[dreg:$0x0] =	wrdreg $0x0  }
0xaa: {  	s7 =	sshll.u32 s28, $0x1;
	[dreg:$0x2] =	wrdreg s5  }
0xab: {  	[dreg:$0x3] =	wrdreg s7  }
0xac: {  	[dreg:$0x4] =	wrdreg $0xC0  }
0xad: {  	_ =	task [dreg:s9], $0x5FFFF  }
0xae: {  	[dreg:$0x1] =	wrdreg $0xFFFFFFFF  }
0xaf: {  	[dreg:$0x0] =	wrdreg $0x60  }
0xb0: {  	[dreg:$0x2] =	wrdreg s2  }
0xb1: {  	[dreg:$0x3] =	wrdreg s4  }
0xb2: {  	[dreg:$0x4] =	wrdreg s18  }
0xb3: {  	[dreg:$0x5] =	wrdreg s24  }
0xb4: {  	[dreg:$0x6] =	wrdreg $0x1C1000  }
0xb5: {  	[dreg:$0x7] =	wrdreg $0x1E1000  }
0xb6: {  	[dreg:$0x8] =	wrdreg $0x9  }
0xb7: {  	_ =	task.clear_ibuf [dreg:s9], $0x9FFFF;
	_ =	strace $0x90000046  }
0xb8: {  	s29 =	simm.s32 $0x9;
	_ =	strace $0x80000048  }
0xb9: {  	_ =	swait.ge [sflag:s29], $0x1  }
0xba: {  	[sflag:s29] =	ssyncadd.s32 $0xFFFFFFFF  }
0xbb: {  	_ =	strace $0x90000048  }
0xbc: {  	_ =	sfence  }
0xbd: {  	s30 =	sld [smem:$0x0];
	_ =	sdelay $0x2  }
0xbe: {  	s31 =	sshll.u32 s1, $0xD;
	s1 =	sshrl.u32 s1, $0x2  }
0xbf: {  	s3 =	sand.u32 $0x4000, s31;
	s1 =	sadd.s32 s1, s30  }
0xc0: {  	s0 =	sor.u32 s3, s0;
	s1 =	sshll.u32 s1, $0x11  }
0xc1: {  	s0 =	sor.u32 s1, s0  }
0xc2: {  	s0 =	sadd.s32 $0x8F2B, s0  }
0xc3: {  	[sflag:s0] =	ssyncadd.remote.s32 $0x1  }
0xc4: {  	_ =	sfence.sel $0xFFFF  }
0xc5: {  	[dreg:$0x0] =	wrdreg $0xFFFFFFFF;
	(pc) =	sbr.abs _section_cstart, $3  }
0xc6: {  	[dreg:$0x1] =	wrdreg $0xFFFFFFFF  }
0xc7: {  	_ =	task.clear_ibuf [dreg:s9], $0x2FFFF;
	_ =	strace $0x9FFFFFFF  }
0xc8: {  	(tm) =	ssettm $0x7FFFFFFF  }
0xc9: {  	_ =	shalt  }
tec
execute0_lowered:
.L_overlay_start_1:
0x0: {  	(tag) =	ssettag $0x1  }
0x1: {  	s0 =	srdreg.scid  }
0x2: {  	s4 =	rddreg [dreg:$0x5];
	s24 =	stileid.u32  }
0x3: {  	s2 =	simm.s32 $0x0;
	s7 =	sand.u32 $0x1, s0;
	s10 =	sshll.u32 s24, $0xA  }
0x4: {  	s30 =	sshll.u32 s24, $0x7;
	s5 =	sshll.u32 s24, $0x9;
	s0 =	ssub.s32 $0x2, s7  }
0x5: {  	s31 =	sshll.u32 s24, $0x6;
	s29 =	sand.u32 $0x2000, s10;
	s1 =	sshrl.u32 s0, $0x1  }
0x6: {  	s3 =	ssub.s32 s0, s1;
	s1 =	sand.u32 $0x380, s30;
	s0 =	sadd.s32 s29, s4  }
0x7: {  	s6 =	sand.u32 $0x40, s31;
	s0 =	sadd.s32 s1, s0;
	s1 =	sand.u32 $0x1C00, s5  }
0x8: {  	[smem:$0x7FF] =	sst s2;
	s8 =	sor.u32 $0x10, s6;
	s12 =	sor.u32 $0x18080, s1  }
0x9: {  	[dreg:$0x7] =	wrdreg s0;
	s15 =	sor.u32 $0x18100, s1;
	s9 =	sor.u32 s8, s12  }
0xa: {  	s16 =	sor.u32 $0x18180, s1;
	s13 =	sor.u32 s8, s15;
	[dreg:$0x8] =	wrdreg s9  }
0xb: {  	s17 =	sor.u32 $0x18200, s1;
	s14 =	sor.u32 s8, s16;
	[dreg:$0x9] =	wrdreg s13  }
0xc: {  	s18 =	sor.u32 $0x18280, s1;
	s22 =	sor.u32 s8, s17;
	[dreg:$0xa] =	wrdreg s14  }
0xd: {  	s19 =	sor.u32 $0x18300, s1;
	s23 =	sor.u32 s8, s18;
	[dreg:$0xb] =	wrdreg s22  }
0xe: {  	s20 =	sor.u32 $0x18380, s1;
	s25 =	sor.u32 s8, s19;
	[dreg:$0xc] =	wrdreg s23  }
0xf: {  	s21 =	sadd.s32 $0x18400, s1;
	s26 =	sor.u32 s8, s20;
	[dreg:$0xd] =	wrdreg s25  }
0x10: {  	s28 =	sor.u32 s8, s21;
	[dreg:$0xe] =	wrdreg s26  }
0x11: {  	s29 =	sor.u32 s6, s12;
	[dreg:$0xf] =	wrdreg s28  }
0x12: {  	s30 =	sor.u32 s6, s15;
	[dreg:$0x10] =	wrdreg s29  }
0x13: {  	s31 =	sor.u32 s6, s16;
	[dreg:$0x11] =	wrdreg s30  }
0x14: {  	[dreg:$0x12] =	wrdreg s31;
	s9 =	sor.u32 s6, s17  }
0x15: {  	s14 =	sor.u32 s6, s18;
	[dreg:$0x13] =	wrdreg s9  }
0x16: {  	s22 =	sor.u32 s6, s19;
	[dreg:$0x14] =	wrdreg s14  }
0x17: {  	s23 =	sor.u32 s6, s20;
	[dreg:$0x15] =	wrdreg s22  }
0x18: {  	s0 =	sor.u32 $0x20, s6;
	s25 =	sor.u32 s6, s21;
	[dreg:$0x16] =	wrdreg s23  }
0x19: {  	s26 =	sor.u32 s0, s12;
	[dreg:$0x17] =	wrdreg s25  }
0x1a: {  	s28 =	sor.u32 s0, s15;
	[dreg:$0x18] =	wrdreg s26  }
0x1b: {  	s29 =	sor.u32 s0, s16;
	[dreg:$0x19] =	wrdreg s28  }
0x1c: {  	s30 =	sor.u32 s0, s17;
	[dreg:$0x1a] =	wrdreg s29  }
0x1d: {  	s11 =	sor.u32 $0x16080, s1;
	s31 =	sor.u32 s0, s18;
	[dreg:$0x1b] =	wrdreg s30  }
0x1e: {  	s1 =	sor.u32 s5, s8;
	s4 =	sor.u32 s8, s11;
	[dreg:$0x1c] =	wrdreg s31  }
0x1f: {  	s8 =	sor.u32 s5, s6;
	s13 =	sor.u32 s6, s11;
	s31 =	rddreg [dreg:$0x1]  }
0x20: {  	s23 =	sor.u32 $0x30, s6;
	s14 =	sor.u32 s0, s19;
	s6 =	rddreg [dreg:$0x2]  }
0x21: {  	s22 =	sor.u32 s0, s11;
	s25 =	sor.u32 s0, s20;
	[dreg:$0x1d] =	wrdreg s14  }
0x22: {  	s9 =	sor.u32 s5, s0;
	s0 =	sor.u32 s0, s21;
	[dreg:$0x1e] =	wrdreg s25  }
0x23: {  	[dreg:$0x1f] =	wrdreg s0  }
0x24: {  	s14 =	sor.u32 s5, s23;
	s5 =	rddreg [dreg:$0x0]  }
0x25: {  	p2 =	sne.s32 s24, $0xF;
	s29 =	sor.u32 s23, s16;
	s16 =	rddreg [dreg:$0x3]  }
0x26: {  	s0 =	sor.u32 s23, s11;
	s26 =	sor.u32 s23, s12;
	s11 =	rddreg [dreg:$0x4]  }
0x27: {  	p4 =	seq.s32 s24, $0xF;
	s28 =	sor.u32 s23, s15;
	[smem:$0x7C6] =	sst s26  }
0x28: {  	p1 =	seq.s32 s7, $0x0;
	p3 =	seq.s32 s7, $0x1;
	[smem:$0x7C7] =	sst s28  }
0x29: {  	s7 =	sshll.u32 s7, $0xE;
	s30 =	sor.u32 s23, s17;
	[smem:$0x7C8] =	sst s29  }
0x2a: {  	s17 =	sor.u32 s23, s18;
	s18 =	sor.u32 s23, s19;
	[smem:$0x7C9] =	sst s30  }
0x2b: {  	s19 =	sor.u32 s23, s20;
	s20 =	sor.u32 s23, s21;
	[smem:$0x7CA] =	sst s17  }
0x2c: {  	s21 =	sshll.u32 s24, $0xD;
	s23 =	smul.u32 $0x380, s24;
	[smem:$0x7CB] =	sst s18  }
0x2d: {  	s25 =	smul.u32 $0xC8000, s24;
	s15 =	sadd.s32 $0x3480, s31;
	[smem:$0x7CC] =	sst s19  }
0x2e: {  	[smem:$0x7CD] =	sst s20;
	s10 =	sadd.s32 s10, s16;
	s28 =	smul.u32 $0x19000, s24  }
0x2f: {  	s24 =	sor.u32 $0x200, s8;
	_ =	strace $0x80000047;
	[smem:$0x7CF] =	sst s15  }
0x30: {  	s7 =	sadd.s32 s7, s10;
	s10 =	sadd.s32 s31, s23;
	[smem:$0x7D6] =	sst s24  }
0x31: {  	s26 =	sadd.s32 s23, s16;
	s23 =	sadd.s32 $0x4880, s16;
	[smem:$0x7CE] =	sst s10  }
0x32: {  	s16 =	sor.u32 $0x380, s9;
	[smem:$0x7D5] =	sst s23  }
0x33: {  	s29 =	sadd.s32 $0x1400, s26;
	[smem:$0x7E1] =	sst s16  }
0x34: {  	s10 =	sshrl.u32 s25, $0x3;
	s25 =	sor.u32 $0x280, s8;
	[smem:$0x7D0] =	sst s29  }
0x35: {  	s26 =	sor.u32 $0x300, s8;
	[smem:$0x7D7] =	sst s25  }
0x36: {  	s18 =	sadd.s32 s5, s28;
	s8 =	sor.u32 $0x380, s8;
	[smem:$0x7D8] =	sst s26  }
0x37: {  	s19 =	sadd.s32 s6, s28;
	s28 =	sor.u32 $0x200, s1;
	[smem:$0x7D9] =	sst s8  }
0x38: {  	s23 =	sor.u32 $0x380, s14;
	[smem:$0x7DA] =	sst s28  }
0x39: {  	s16 =	sadd.s32 $0x186000, s5;
	[smem:$0x7E5] =	sst s23  }
0x3a: {  	[smem:$0x7F0] =	sst s16  }
0x3b: {  	[smem:$0x7FC] =	sst s18  }
0x3c: {  	s29 =	sor.u32 $0x280, s1;
	[smem:$0x7FD] =	sst s19  }
0x3d: {  	s8 =	sor.u32 $0x280, s9;
	[smem:$0x7DB] =	sst s29  }
0x3e: {  	s30 =	sadd.s32 $0x1000, s10;
	s28 =	sadd.s32 $0x177800, s5;
	[smem:$0x7DF] =	sst s8  }
0x3f: {  	s31 =	sadd.s32 s5, s30;
	[smem:$0x7E8] =	sst s28  }
0x40: {  	s20 =	sadd.s32 $0x1800, s10;
	s17 =	sadd.s32 s6, s30;
	[smem:$0x7D1] =	sst s31  }
0x41: {  	s12 =	sadd.s32 s21, s11;
	s21 =	sadd.s32 s5, s20;
	[smem:$0x7D2] =	sst s17  }
0x42: {  	s15 =	sadd.s32 s6, s20;
	[smem:$0x7D3] =	sst s21  }
0x43: {  	s30 =	sor.u32 $0x300, s1;
	[smem:$0x7D4] =	sst s15  }
0x44: {  	s1 =	sor.u32 $0x380, s1;
	[smem:$0x7DC] =	sst s30  }
0x45: {  	s24 =	sadd.s32 $0x18000, s10;
	s20 =	sor.u32 $0x280, s14;
	[smem:$0x7DD] =	sst s1  }
0x46: {  	s26 =	sadd.s32 s5, s24;
	[smem:$0x7E3] =	sst s20  }
0x47: {  	s25 =	sadd.s32 $0x18800, s10;
	s29 =	sadd.s32 $0x177000, s5;
	[smem:$0x7E6] =	sst s26  }
0x48: {  	p0 =	por !p1, !p2;
	s10 =	sadd.s32 s5, s25;
	[smem:$0x7E9] =	sst s29  }
0x49: {  	p1 =	por !p1, !p4;
	s23 =	sadd.s32 s6, s25;
	[smem:$0x7ED] =	sst s10  }
0x4a: {  	p2 =	por !p2, !p3;
	s25 =	sadd.s32 $0x186800, s6;
	[smem:$0x7F4] =	sst s23  }
0x4b: {  	p3 =	por !p4, !p3;
	s28 =	sadd.s32 $0x185800, s6;
	[smem:$0x7F6] =	sst s25  }
0x4c: {  	p0 =	por !p0, !p0;
	s31 =	sor.u32 $0x200, s9;
	[smem:$0x7F8] =	sst s28  }
0x4d: {  	p1 =	por !p1, !p1;
	s15 =	sor.u32 $0x300, s9;
	[smem:$0x7DE] =	sst s31  }
0x4e: {  	p2 =	por !p2, !p2;
	s17 =	sor.u32 $0x200, s14;
	[smem:$0x7E0] =	sst s15  }
0x4f: {  	p3 =	por !p3, !p3;
	s21 =	sor.u32 $0x300, s14;
	[smem:$0x7E2] =	sst s17  }
0x50: {  	s1 =	sadd.s32 $0x4C00, s7;
	s7 =	sadd.s32 s6, s24;
	[smem:$0x7E4] =	sst s21  }
0x51: {  	s30 =	sadd.s32 $0x178000, s5;
	s9 =	sadd.s32 $0x186800, s5;
	[smem:$0x7E7] =	sst s7  }
0x52: {  	s3 =	smax.u32 s3, $0x1;
	s14 =	sadd.s32 $0x185800, s5;
	[smem:$0x7EA] =	sst s30  }
0x53: {  	s16 =	simm.s32 $0x8000;
	s20 =	sadd.s32 $0x177800, s6;
	[smem:$0x7EC] =	sst s9  }
0x54: {  	s8 =	sadd.s32 $0x3800, s19;
	s24 =	sadd.s32 $0x178800, s6;
	[smem:$0x7EE] =	sst s14  }
0x55: {  	s26 =	sadd.s32 $0x185000, s6;
	s29 =	sadd.s32 $0x186000, s6;
	[smem:$0x7F2] =	sst s20  }
0x56: {  	s10 =	simm.s32 $0x5;
	s23 =	simm.s32 $0x3;
	[smem:$0x7F5] =	sst s24  }
0x57: {  	s25 =	simm.s32 $0x0;
	s31 =	sadd.s32 $0x178800, s5;
	[smem:$0x7F7] =	sst s26  }
0x58: {  	s15 =	sadd.s32 $0x185000, s5;
	s5 =	sadd.s32 $0x17A800, s5;
	[smem:$0x7F9] =	sst s29  }
0x59: {  	s17 =	sadd.s32 $0x177000, s6;
	s21 =	sadd.s32 $0x178000, s6;
	[smem:$0x7EB] =	sst s31  }
0x5a: {  	s6 =	sadd.s32 $0x17A800, s6;
	s30 =	sadd.s32 $0x800, s18;
	[smem:$0x7EF] =	sst s15  }
0x5b: {  	s7 =	sadd.s32 $0x3800, s18;
	s9 =	simm.s32 $0x1A100;
	[smem:$0x7F1] =	sst s17  }
0x5c: {  	s14 =	simm.s32 $0x10000;
	s18 =	simm.s32 $0x11C80;
	[smem:$0x7F3] =	sst s21  }
0x5d: {  	s20 =	simm.s32 $0x80;
	s24 =	simm.s32 $0x4;
	[smem:$0x7FA] =	sst s30  }
0x5e: {  	v1 =	vlaneseq.u32;
	s31 =	sadd.s32 $0x800, s19;
	s15 =	simm.s32 $0x4000;
	s17 =	simm.s32 $0xC000  }
0x5f: {  	v0 =	vimm.f32 $0.0e+00;
	v2 =	vimm.f32 $1.000000000e+00;
	v1 =	vmul.u32 $0x400, v1;
	s19 =	simm.s32 $0x1;
	s21 =	simm.s32 $0x2;
	[smem:$0x7FB] =	sst s31  }
.LBB2_1:
0x60: {  	s26 =	simm.s32 $0x0;
	s28 =	simm.s32 $0x200  }
.LBB2_2:
0x61: {  	p4 =	sne.s32 s28, $0x7E00;
	[tilespmem:s26+$0x1A170] =	vst v0  }
0x62: {  	[tilespmem:s26+$0x1A100] =	vst v0  }
0x63: {  	[tilespmem:s26+$0x1A110] =	vst v0  }
.Ltmp0:
0x64: {  	[tilespmem:s26+$0x1A120] =	vst v0;
	(pc) =	sbr.rel @p4 .LBB2_2-.Ltmp0, $4  }
0x65: {  	[tilespmem:s26+$0x1A130] =	vst v0  }
0x66: {  	[tilespmem:s26+$0x1A140] =	vst v0  }
0x67: {  	[tilespmem:s26+$0x1A150] =	vst v0  }
0x68: {  	[tilespmem:s26+$0x1A160] =	vst v0;
	s26 =	sshra.s32 s28, $0x2;
	s28 =	sadd.s32 $0x200, s28  }
0x69: {  	[tilespmem:s26+$0x1A170] =	vst v0  }
0x6a: {  	[tilespmem:s26+$0x1A100] =	vst v0  }
0x6b: {  	[tilespmem:s26+$0x1A110] =	vst v0  }
0x6c: {  	[tilespmem:s26+$0x1A120] =	vst v0  }
0x6d: {  	[tilespmem:s26+$0x1A130] =	vst v0  }
0x6e: {  	[tilespmem:s26+$0x1A140] =	vst v0  }
0x6f: {  	[tilespmem:s26+$0x1A150] =	vst v0  }
0x70: {  	[tilespmem:s26+$0x1A160] =	vst v0;
	s26 =	simm.s32 $0x40;
	s28 =	simm.s32 $0x0  }
.LBB2_4:
0x71: {  	p4 =	sne.s32 s26, $0xFFC0;
	[tilespmem:s28+$0x11C80] =	vst v0;
	s28 =	smov.u32 s26;
	s26 =	sadd.s32 $0x40, s26  }
.Ltmp1:
0x72: {  	(pc) =	sbr.rel @p4 .LBB2_4-.Ltmp1, $2  }
0x73: {  	_ =	sdelay $0x2  }
0x74: {  	s28 =	sshra.s32 s28, $0x2  }
0x75: {  	[tilespmem:s28+$0x11C80] =	vst v0  }
0x76: {  	[spmem:s12] =	stream.linear.scatter [tilespmem:s9], [sflag:$0x5], $0x2000, $0x38;
	[tilespmem:$0x1E500] =	vst v63  }
.Ltmp2:
0x77: {  	_ =	swait.ge [sflag:s10], $0x2000;
	(pc) =	sbr.rel @!p0 .LBB2_11-.Ltmp2, $3  }
0x78: {  	[sflag:s10] =	ssyncset.done $0x0  }
0x79: {  	[sflag:s10] =	ssyncadd.s32 $0xFFFFE000  }
0x7a: {  	[bflag:$0x0] =	sbarrier.arrive $0xFFFF;
	_ =	sdelay $0x1  }
0x7b: {  	s28 =	sld [smem:$0x7CE];
	_ =	sdelay $0x1  }
0x7c: {  	s26 =	simm.s32 $0x0  }
0x7d: {  	[tilespmem:s14], [sflag:$0x5] =	stream.linear.gather [hbm4b:s28+s26], $0x1900, $0x38;
	[tilespmem:$0x1E500] =	vst v63  }
0x7e: {  	_ =	swait.ge [sflag:s10], $0x1900  }
0x7f: {  	s31 =	sld [smem:$0x7FC]  }
0x80: {  	[sflag:s10] =	ssyncset.done $0x0  }
0x81: {  	s29 =	sld [smem:$0x7FA];
	[sflag:s10] =	ssyncadd.s32 $0xFFFFE700  }
0x82: {  	[tilespmem:s26], [sflag:$0x1] =	stream.linear.gather [hbm4b:s31+s26], $0x4000, $0x38;
	[tilespmem:$0x1E500] =	vst v63  }
0x83: {  	s30 =	sld [smem:$0x7D1]  }
0x84: {  	[tilespmem:s15], [sflag:$0x2] =	stream.linear.gather [hbm4b:s29+s26], $0x4000, $0x38;
	[tilespmem:$0x1E500] =	vst v63  }
0x85: {  	s31 =	sld [smem:$0x7D3]  }
0x86: {  	[tilespmem:s16], [sflag:$0x3] =	stream.linear.gather [hbm4b:s30+s26], $0x4000, $0x38;
	[tilespmem:$0x1E500] =	vst v63  }
0x87: {  	_ = 	snop  }
0x88: {  	[tilespmem:s17], [sflag:$0x4] =	stream.linear.gather [hbm4b:s31+s26], $0x4000, $0x38;
	[tilespmem:$0x1E500] =	vst v63  }
.LBB2_7:
0x89: {  	s28 =	sshra.s32 s26, $0x2  }
0x8a: {  	v3 =	vld [tilespmem:s28+$0x10000];
	_ =	sdelay $0x4  }
0x8b: {  	v3 =	vadd.s32 v1, v3;
	_ =	sdelay $0x4  }
0x8c: {  	[tilespmem:v3+s18+$0x0] =	vst.idx.add.f32.msk $0xffff, v2  }
0x8d: {  	v3 =	vld [tilespmem:s28+$0x10010];
	_ =	sdelay $0x4  }
0x8e: {  	v3 =	vadd.s32 v1, v3;
	_ =	sdelay $0x4  }
0x8f: {  	[tilespmem:v3+s18+$0x0] =	vst.idx.add.f32.msk $0xffff, v2  }
0x90: {  	v3 =	vld [tilespmem:s28+$0x10020];
	_ =	sdelay $0x4  }
0x91: {  	v3 =	vadd.s32 v1, v3;
	_ =	sdelay $0x4  }
0x92: {  	[tilespmem:v3+s18+$0x0] =	vst.idx.add.f32.msk $0xffff, v2  }
0x93: {  	v3 =	vld [tilespmem:s28+$0x10030];
	_ =	sdelay $0x4  }
0x94: {  	v3 =	vadd.s32 v1, v3;
	_ =	sdelay $0x4  }
0x95: {  	[tilespmem:v3+s18+$0x0] =	vst.idx.add.f32.msk $0xffff, v2  }
0x96: {  	v3 =	vld [tilespmem:s28+$0x10040];
	_ =	sdelay $0x4  }
0x97: {  	v3 =	vadd.s32 v1, v3;
	_ =	sdelay $0x4  }
0x98: {  	[tilespmem:v3+s18+$0x0] =	vst.idx.add.f32.msk $0xffff, v2  }
0x99: {  	v3 =	vld [tilespmem:s28+$0x10050];
	_ =	sdelay $0x4  }
0x9a: {  	v3 =	vadd.s32 v1, v3;
	_ =	sdelay $0x4  }
0x9b: {  	[tilespmem:v3+s18+$0x0] =	vst.idx.add.f32.msk $0xffff, v2  }
0x9c: {  	v3 =	vld [tilespmem:s28+$0x10060];
	_ =	sdelay $0x4  }
0x9d: {  	v3 =	vadd.s32 v1, v3;
	_ =	sdelay $0x4  }
0x9e: {  	[tilespmem:v3+s18+$0x0] =	vst.idx.add.f32.msk $0xffff, v2  }
0x9f: {  	v3 =	vld [tilespmem:s28+$0x10070];
	_ =	sdelay $0x4  }
0xa0: {  	p4 =	sne.s32 s26, $0x6200;
	v3 =	vadd.s32 v1, v3  }
.Ltmp3:
0xa1: {  	_ = 	snop;
	(pc) =	sbr.rel @p4 .LBB2_7-.Ltmp3, $2  }
0xa2: {  	_ =	sdelay $0x2  }
0xa3: {  	s26 =	sadd.s32 $0x200, s26;
	[tilespmem:v3+s18+$0x0] =	vst.idx.add.f32.msk $0xffff, v2  }
0xa4: {  	_ =	swait.ge [sflag:s19], $0x4000  }
0xa5: {  	[sflag:s19] =	ssyncset.done $0x0  }
0xa6: {  	s26 =	simm.s32 $0x10000;
	[sflag:s19] =	ssyncadd.s32 $0xFFFFC000  }
0xa7: {  	[spmem:s11] =	stream.indirect.scatter.add.f32 [tilespmem:s2], [sflag:$0x5], $0x80, s26, s20, $0xb8;
	[tilespmem:$0x1E500] =	vst v63  }
0xa8: {  	_ =	swait.ge [sflag:s10], $0x4000  }
0xa9: {  	[sflag:s10] =	ssyncset.done $0x0  }
0xaa: {  	s30 =	sadd.s32 $0xFFFFE800, s7;
	[sflag:s10] =	ssyncadd.s32 $0xFFFFC000  }
0xab: {  	[tilespmem:s2], [sflag:$0x1] =	stream.linear.gather [hbm4b:s30+s2], $0x4000, $0x38;
	[tilespmem:$0x1E500] =	vst v63  }
0xac: {  	_ =	swait.ge [sflag:s21], $0x4000  }
0xad: {  	[sflag:s21] =	ssyncset.done $0x0  }
0xae: {  	s31 =	simm.s32 $0x10080;
	[sflag:s21] =	ssyncadd.s32 $0xFFFFC000  }
0xaf: {  	[spmem:s11] =	stream.indirect.scatter.add.f32 [tilespmem:s15], [sflag:$0x5], $0x80, s31, s20, $0xb8;
	[tilespmem:$0x1E500] =	vst v63  }
0xb0: {  	_ =	swait.ge [sflag:s10], $0x4000  }
0xb1: {  	[sflag:s10] =	ssyncset.done $0x0  }
0xb2: {  	s30 =	sadd.s32 $0xFFFFF000, s7;
	[sflag:s10] =	ssyncadd.s32 $0xFFFFC000  }
0xb3: {  	[tilespmem:s15], [sflag:$0x2] =	stream.linear.gather [hbm4b:s30+s2], $0x4000, $0x38;
	[tilespmem:$0x1E500] =	vst v63  }
0xb4: {  	_ =	swait.ge [sflag:s23], $0x4000  }
0xb5: {  	[sflag:s23] =	ssyncset.done $0x0  }
0xb6: {  	s31 =	simm.s32 $0x10100;
	[sflag:s23] =	ssyncadd.s32 $0xFFFFC000  }
0xb7: {  	[spmem:s11] =	stream.indirect.scatter.add.f32 [tilespmem:s16], [sflag:$0x5], $0x80, s31, s20, $0xb8;
	[tilespmem:$0x1E500] =	vst v63  }
0xb8: {  	_ =	swait.ge [sflag:s10], $0x4000  }
0xb9: {  	[sflag:s10] =	ssyncset.done $0x0  }
0xba: {  	s30 =	sadd.s32 $0xFFFFF800, s7;
	[sflag:s10] =	ssyncadd.s32 $0xFFFFC000  }
0xbb: {  	[tilespmem:s16], [sflag:$0x3] =	stream.linear.gather [hbm4b:s30+s2], $0x4000, $0x38;
	[tilespmem:$0x1E500] =	vst v63  }
0xbc: {  	_ =	swait.ge [sflag:s24], $0x4000  }
0xbd: {  	[sflag:s24] =	ssyncset.done $0x0  }
0xbe: {  	s31 =	simm.s32 $0x10180;
	[sflag:s24] =	ssyncadd.s32 $0xFFFFC000  }
0xbf: {  	[spmem:s11] =	stream.indirect.scatter.add.f32 [tilespmem:s17], [sflag:$0x5], $0x80, s31, s20, $0xb8;
	[tilespmem:$0x1E500] =	vst v63  }
0xc0: {  	_ =	swait.ge [sflag:s10], $0x4000  }
0xc1: {  	s28 =	sadd.s32 $0x2000, s7;
	[sflag:s10] =	ssyncset.done $0x0  }
0xc2: {  	s29 =	smov.u32 s7;
	s26 =	simm.s32 $0x800;
	[sflag:s10] =	ssyncadd.s32 $0xFFFFC000  }
.LBB2_9:
0xc3: {  	[tilespmem:s17], [sflag:$0x4] =	stream.linear.gather [hbm4b:s29+s2], $0x4000, $0x38;
	[tilespmem:$0x1E500] =	vst v63  }
0xc4: {  	s30 =	smov.u32 s26;
	s29 =	smov.u32 s28  }
0xc5: {  	p4 =	sne.s32 s26, $0x5000;
	s26 =	sadd.s32 $0x800, s26;
	_ =	swait.ge [sflag:s19], $0x4000  }
0xc6: {  	s30 =	sshra.s32 s30, $0x2;
	[sflag:s19] =	ssyncset.done $0x0  }
0xc7: {  	s31 =	sadd.s32 $0x10000, s30;
	[sflag:s19] =	ssyncadd.s32 $0xFFFFC000  }
0xc8: {  	[spmem:s11] =	stream.indirect.scatter.add.f32 [tilespmem:s2], [sflag:$0x5], $0x80, s31, s20, $0xb8;
	[tilespmem:$0x1E500] =	vst v63  }
0xc9: {  	_ =	swait.ge [sflag:s10], $0x4000  }
0xca: {  	[sflag:s10] =	ssyncset.done $0x0  }
0xcb: {  	s31 =	sadd.s32 $0xFFFFE800, s28;
	[sflag:s10] =	ssyncadd.s32 $0xFFFFC000  }
0xcc: {  	[tilespmem:s2], [sflag:$0x1] =	stream.linear.gather [hbm4b:s31+s2], $0x4000, $0x38;
	[tilespmem:$0x1E500] =	vst v63  }
0xcd: {  	_ =	swait.ge [sflag:s21], $0x4000  }
0xce: {  	[sflag:s21] =	ssyncset.done $0x0  }
0xcf: {  	s31 =	sadd.s32 $0x10080, s30;
	[sflag:s21] =	ssyncadd.s32 $0xFFFFC000  }
0xd0: {  	[spmem:s11] =	stream.indirect.scatter.add.f32 [tilespmem:s15], [sflag:$0x5], $0x80, s31, s20, $0xb8;
	[tilespmem:$0x1E500] =	vst v63  }
0xd1: {  	_ =	swait.ge [sflag:s10], $0x4000  }
0xd2: {  	[sflag:s10] =	ssyncset.done $0x0  }
0xd3: {  	s31 =	sadd.s32 $0xFFFFF000, s28;
	[sflag:s10] =	ssyncadd.s32 $0xFFFFC000  }
0xd4: {  	[tilespmem:s15], [sflag:$0x2] =	stream.linear.gather [hbm4b:s31+s2], $0x4000, $0x38;
	[tilespmem:$0x1E500] =	vst v63  }
0xd5: {  	_ =	swait.ge [sflag:s23], $0x4000  }
0xd6: {  	[sflag:s23] =	ssyncset.done $0x0  }
0xd7: {  	s31 =	sadd.s32 $0x10100, s30;
	[sflag:s23] =	ssyncadd.s32 $0xFFFFC000  }
0xd8: {  	[spmem:s11] =	stream.indirect.scatter.add.f32 [tilespmem:s16], [sflag:$0x5], $0x80, s31, s20, $0xb8;
	[tilespmem:$0x1E500] =	vst v63  }
0xd9: {  	_ =	swait.ge [sflag:s10], $0x4000  }
0xda: {  	[sflag:s10] =	ssyncset.done $0x0  }
0xdb: {  	s31 =	sadd.s32 $0xFFFFF800, s28;
	[sflag:s10] =	ssyncadd.s32 $0xFFFFC000  }
0xdc: {  	[tilespmem:s16], [sflag:$0x3] =	stream.linear.gather [hbm4b:s31+s2], $0x4000, $0x38;
	[tilespmem:$0x1E500] =	vst v63  }
0xdd: {  	_ =	swait.ge [sflag:s24], $0x4000  }
0xde: {  	[sflag:s24] =	ssyncset.done $0x0  }
.Ltmp4:
0xdf: {  	s30 =	sadd.s32 $0x10180, s30;
	[sflag:s24] =	ssyncadd.s32 $0xFFFFC000;
	(pc) =	sbr.rel @p4 .LBB2_9-.Ltmp4, $4  }
0xe0: {  	[spmem:s11] =	stream.indirect.scatter.add.f32 [tilespmem:s17], [sflag:$0x5], $0x80, s30, s20, $0xb8;
	[tilespmem:$0x1E500] =	vst v63  }
0xe1: {  	_ =	swait.ge [sflag:s10], $0x4000  }
0xe2: {  	[sflag:s10] =	ssyncset.done $0x0  }
0xe3: {  	s28 =	sadd.s32 $0x2000, s28;
	[sflag:s10] =	ssyncadd.s32 $0xFFFFC000  }
0xe4: {  	[tilespmem:s17], [sflag:$0x4] =	stream.linear.gather [hbm4b:s29+s2], $0x4000, $0x38;
	[tilespmem:$0x1E500] =	vst v63  }
0xe5: {  	_ =	swait.ge [sflag:s19], $0x4000  }
0xe6: {  	[sflag:s19] =	ssyncset.done $0x0  }
0xe7: {  	s26 =	simm.s32 $0x11600;
	[sflag:s19] =	ssyncadd.s32 $0xFFFFC000  }
0xe8: {  	[spmem:s11] =	stream.indirect.scatter.add.f32 [tilespmem:s2], [sflag:$0x5], $0x80, s26, s20, $0xb8;
	[tilespmem:$0x1E500] =	vst v63  }
0xe9: {  	_ =	swait.ge [sflag:s10], $0x4000  }
0xea: {  	s29 =	sld [smem:$0x7E6]  }
0xeb: {  	[sflag:s10] =	ssyncset.done $0x0  }
0xec: {  	[sflag:s10] =	ssyncadd.s32 $0xFFFFC000  }
0xed: {  	[tilespmem:s2], [sflag:$0x1] =	stream.linear.gather [hbm4b:s29+s2], $0x4000, $0x38;
	[tilespmem:$0x1E500] =	vst v63  }
0xee: {  	_ =	swait.ge [sflag:s21], $0x4000  }
0xef: {  	[sflag:s21] =	ssyncset.done $0x0  }
0xf0: {  	s30 =	simm.s32 $0x11680;
	[sflag:s21] =	ssyncadd.s32 $0xFFFFC000  }
0xf1: {  	[spmem:s11] =	stream.indirect.scatter.add.f32 [tilespmem:s15], [sflag:$0x5], $0x80, s30, s20, $0xb8;
	[tilespmem:$0x1E500] =	vst v63  }
0xf2: {  	_ =	swait.ge [sflag:s10], $0x4000  }
0xf3: {  	s31 =	sld [smem:$0x7ED]  }
0xf4: {  	[sflag:s10] =	ssyncset.done $0x0  }
0xf5: {  	[sflag:s10] =	ssyncadd.s32 $0xFFFFC000  }
0xf6: {  	[tilespmem:s15], [sflag:$0x2] =	stream.linear.gather [hbm4b:s31+s2], $0x4000, $0x38;
	[tilespmem:$0x1E500] =	vst v63  }
0xf7: {  	_ =	swait.ge [sflag:s23], $0x4000  }
0xf8: {  	[sflag:s23] =	ssyncset.done $0x0  }
0xf9: {  	s28 =	simm.s32 $0x11700;
	[sflag:s23] =	ssyncadd.s32 $0xFFFFC000  }
0xfa: {  	[spmem:s11] =	stream.indirect.scatter.add.f32 [tilespmem:s16], [sflag:$0x5], $0x80, s28, s20, $0xb8;
	[tilespmem:$0x1E500] =	vst v63  }
0xfb: {  	_ =	swait.ge [sflag:s10], $0x4000  }
0xfc: {  	[sflag:s10] =	ssyncset.done $0x0  }
0xfd: {  	[sflag:s10] =	ssyncadd.s32 $0xFFFFC000  }
0xfe: {  	_ =	swait.ge [sflag:s24], $0x4000  }
0xff: {  	[sflag:s24] =	ssyncset.done $0x0  }
0x100: {  	s29 =	simm.s32 $0x11780;
	[sflag:s24] =	ssyncadd.s32 $0xFFFFC000  }
0x101: {  	[spmem:s11] =	stream.indirect.scatter.add.f32 [tilespmem:s17], [sflag:$0x5], $0x80, s29, s20, $0xb8;
	[tilespmem:$0x1E500] =	vst v63  }
0x102: {  	_ =	swait.ge [sflag:s10], $0x4000  }
0x103: {  	[sflag:s10] =	ssyncset.done $0x0  }
0x104: {  	[sflag:s10] =	ssyncadd.s32 $0xFFFFC000  }
0x105: {  	_ =	swait.ge [sflag:s19], $0x4000  }
0x106: {  	[sflag:s19] =	ssyncset.done $0x0  }
0x107: {  	s30 =	simm.s32 $0x11800;
	[sflag:s19] =	ssyncadd.s32 $0xFFFFC000  }
0x108: {  	[spmem:s11] =	stream.indirect.scatter.add.f32 [tilespmem:s2], [sflag:$0x5], $0x80, s30, s20, $0xb8;
	[tilespmem:$0x1E500] =	vst v63  }
0x109: {  	_ =	swait.ge [sflag:s10], $0x4000  }
0x10a: {  	[sflag:s10] =	ssyncset.done $0x0  }
0x10b: {  	[sflag:s10] =	ssyncadd.s32 $0xFFFFC000  }
0x10c: {  	_ =	swait.ge [sflag:s21], $0x4000  }
0x10d: {  	[sflag:s21] =	ssyncset.done $0x0  }
0x10e: {  	s31 =	simm.s32 $0x11880;
	[sflag:s21] =	ssyncadd.s32 $0xFFFFC000  }
0x10f: {  	[spmem:s11] =	stream.indirect.scatter.add.f32 [tilespmem:s15], [sflag:$0x5], $0x80, s31, s20, $0xb8;
	[tilespmem:$0x1E500] =	vst v63  }
0x110: {  	_ =	swait.ge [sflag:s10], $0x4000  }
0x111: {  	[sflag:s10] =	ssyncset.done $0x0  }
0x112: {  	[sflag:s10] =	ssyncadd.s32 $0xFFFFC000  }
.LBB2_11:
.Ltmp5:
0x113: {  	(pc) =	sbr.rel @!p1 .LBB2_17-.Ltmp5, $1  }
0x114: {  	_ =	sdelay $0x3  }
0x115: {  	s28 =	sld [smem:$0x7CF];
	_ =	sdelay $0x1  }
0x116: {  	s26 =	simm.s32 $0x0  }
0x117: {  	[tilespmem:s14], [sflag:$0x5] =	stream.linear.gather [hbm4b:s28+s26], $0x1900, $0x38;
	[tilespmem:$0x1E500] =	vst v63  }
0x118: {  	_ =	swait.ge [sflag:s10], $0x1900  }
0x119: {  	s31 =	sld [smem:$0x7E9]  }
0x11a: {  	[sflag:s10] =	ssyncset.done $0x0  }
0x11b: {  	s29 =	sld [smem:$0x7E8];
	[sflag:s10] =	ssyncadd.s32 $0xFFFFE700  }
0x11c: {  	[tilespmem:s26], [sflag:$0x1] =	stream.linear.gather [hbm4b:s31+s26], $0x4000, $0x38;
	[tilespmem:$0x1E500] =	vst v63  }
0x11d: {  	s30 =	sld [smem:$0x7EA]  }
0x11e: {  	[tilespmem:s15], [sflag:$0x2] =	stream.linear.gather [hbm4b:s29+s26], $0x4000, $0x38;
	[tilespmem:$0x1E500] =	vst v63  }
0x11f: {  	s31 =	sld [smem:$0x7EB]  }
0x120: {  	[tilespmem:s16], [sflag:$0x3] =	stream.linear.gather [hbm4b:s30+s26], $0x4000, $0x38;
	[tilespmem:$0x1E500] =	vst v63  }
0x121: {  	_ = 	snop  }
0x122: {  	[tilespmem:s17], [sflag:$0x4] =	stream.linear.gather [hbm4b:s31+s26], $0x4000, $0x38;
	[tilespmem:$0x1E500] =	vst v63  }
.LBB2_13:
0x123: {  	s28 =	sshra.s32 s26, $0x2  }
0x124: {  	v3 =	vld [tilespmem:s28+$0x10000];
	_ =	sdelay $0x4  }
0x125: {  	v3 =	vadd.s32 v1, v3;
	_ =	sdelay $0x4  }
0x126: {  	[tilespmem:v3+s18+$0x0] =	vst.idx.add.f32.msk $0xffff, v2  }
0x127: {  	v3 =	vld [tilespmem:s28+$0x10010];
	_ =	sdelay $0x4  }
0x128: {  	v3 =	vadd.s32 v1, v3;
	_ =	sdelay $0x4  }
0x129: {  	[tilespmem:v3+s18+$0x0] =	vst.idx.add.f32.msk $0xffff, v2  }
0x12a: {  	v3 =	vld [tilespmem:s28+$0x10020];
	_ =	sdelay $0x4  }
0x12b: {  	v3 =	vadd.s32 v1, v3;
	_ =	sdelay $0x4  }
0x12c: {  	[tilespmem:v3+s18+$0x0] =	vst.idx.add.f32.msk $0xffff, v2  }
0x12d: {  	v3 =	vld [tilespmem:s28+$0x10030];
	_ =	sdelay $0x4  }
0x12e: {  	v3 =	vadd.s32 v1, v3;
	_ =	sdelay $0x4  }
0x12f: {  	[tilespmem:v3+s18+$0x0] =	vst.idx.add.f32.msk $0xffff, v2  }
0x130: {  	v3 =	vld [tilespmem:s28+$0x10040];
	_ =	sdelay $0x4  }
0x131: {  	v3 =	vadd.s32 v1, v3;
	_ =	sdelay $0x4  }
0x132: {  	[tilespmem:v3+s18+$0x0] =	vst.idx.add.f32.msk $0xffff, v2  }
0x133: {  	v3 =	vld [tilespmem:s28+$0x10050];
	_ =	sdelay $0x4  }
0x134: {  	v3 =	vadd.s32 v1, v3;
	_ =	sdelay $0x4  }
0x135: {  	[tilespmem:v3+s18+$0x0] =	vst.idx.add.f32.msk $0xffff, v2  }
0x136: {  	v3 =	vld [tilespmem:s28+$0x10060];
	_ =	sdelay $0x4  }
0x137: {  	v3 =	vadd.s32 v1, v3;
	_ =	sdelay $0x4  }
0x138: {  	[tilespmem:v3+s18+$0x0] =	vst.idx.add.f32.msk $0xffff, v2  }
0x139: {  	v3 =	vld [tilespmem:s28+$0x10070];
	_ =	sdelay $0x4  }
0x13a: {  	p4 =	sne.s32 s26, $0x3C00;
	v3 =	vadd.s32 v1, v3  }
.Ltmp6:
0x13b: {  	_ = 	snop;
	(pc) =	sbr.rel @p4 .LBB2_13-.Ltmp6, $2  }
0x13c: {  	_ =	sdelay $0x2  }
0x13d: {  	s26 =	sadd.s32 $0x200, s26;
	[tilespmem:v3+s18+$0x0] =	vst.idx.add.f32.msk $0xffff, v2  }
0x13e: {  	v3 =	vld [tilespmem:$0x10F80];
	_ =	sdelay $0x4  }
0x13f: {  	v3 =	vadd.s32 v1, v3;
	_ =	sdelay $0x4  }
0x140: {  	[tilespmem:v3+s18+$0x0] =	vst.idx.add.f32.msk $0xffff, v2  }
0x141: {  	v3 =	vld [tilespmem:$0x10F90];
	_ =	sdelay $0x4  }
0x142: {  	v3 =	vadd.s32 v1, v3;
	_ =	sdelay $0x4  }
0x143: {  	[tilespmem:v3+s18+$0x0] =	vst.idx.add.f32.msk $0xffff, v2  }
0x144: {  	_ =	swait.ge [sflag:s19], $0x4000  }
0x145: {  	[sflag:s19] =	ssyncset.done $0x0  }
0x146: {  	s26 =	simm.s32 $0x10000;
	[sflag:s19] =	ssyncadd.s32 $0xFFFFC000  }
0x147: {  	[spmem:s11] =	stream.indirect.scatter.add.f32 [tilespmem:s2], [sflag:$0x5], $0x80, s26, s20, $0xb8;
	[tilespmem:$0x1E500] =	vst v63  }
0x148: {  	_ =	swait.ge [sflag:s10], $0x4000  }
0x149: {  	[sflag:s10] =	ssyncset.done $0x0  }
0x14a: {  	s30 =	sadd.s32 $0xFFFFE800, s5;
	[sflag:s10] =	ssyncadd.s32 $0xFFFFC000  }
0x14b: {  	[tilespmem:s2], [sflag:$0x1] =	stream.linear.gather [hbm4b:s30+s2], $0x4000, $0x38;
	[tilespmem:$0x1E500] =	vst v63  }
0x14c: {  	_ =	swait.ge [sflag:s21], $0x4000  }
0x14d: {  	[sflag:s21] =	ssyncset.done $0x0  }
0x14e: {  	s31 =	simm.s32 $0x10080;
	[sflag:s21] =	ssyncadd.s32 $0xFFFFC000  }
0x14f: {  	[spmem:s11] =	stream.indirect.scatter.add.f32 [tilespmem:s15], [sflag:$0x5], $0x80, s31, s20, $0xb8;
	[tilespmem:$0x1E500] =	vst v63  }
0x150: {  	_ =	swait.ge [sflag:s10], $0x4000  }
0x151: {  	[sflag:s10] =	ssyncset.done $0x0  }
0x152: {  	s30 =	sadd.s32 $0xFFFFF000, s5;
	[sflag:s10] =	ssyncadd.s32 $0xFFFFC000  }
0x153: {  	[tilespmem:s15], [sflag:$0x2] =	stream.linear.gather [hbm4b:s30+s2], $0x4000, $0x38;
	[tilespmem:$0x1E500] =	vst v63  }
0x154: {  	_ =	swait.ge [sflag:s23], $0x4000  }
0x155: {  	[sflag:s23] =	ssyncset.done $0x0  }
0x156: {  	s31 =	simm.s32 $0x10100;
	[sflag:s23] =	ssyncadd.s32 $0xFFFFC000  }
0x157: {  	[spmem:s11] =	stream.indirect.scatter.add.f32 [tilespmem:s16], [sflag:$0x5], $0x80, s31, s20, $0xb8;
	[tilespmem:$0x1E500] =	vst v63  }
0x158: {  	_ =	swait.ge [sflag:s10], $0x4000  }
0x159: {  	[sflag:s10] =	ssyncset.done $0x0  }
0x15a: {  	s30 =	sadd.s32 $0xFFFFF800, s5;
	[sflag:s10] =	ssyncadd.s32 $0xFFFFC000  }
0x15b: {  	[tilespmem:s16], [sflag:$0x3] =	stream.linear.gather [hbm4b:s30+s2], $0x4000, $0x38;
	[tilespmem:$0x1E500] =	vst v63  }
0x15c: {  	_ =	swait.ge [sflag:s24], $0x4000  }
0x15d: {  	[sflag:s24] =	ssyncset.done $0x0  }
0x15e: {  	s31 =	simm.s32 $0x10180;
	[sflag:s24] =	ssyncadd.s32 $0xFFFFC000  }
0x15f: {  	[spmem:s11] =	stream.indirect.scatter.add.f32 [tilespmem:s17], [sflag:$0x5], $0x80, s31, s20, $0xb8;
	[tilespmem:$0x1E500] =	vst v63  }
0x160: {  	_ =	swait.ge [sflag:s10], $0x4000  }
0x161: {  	s28 =	sadd.s32 $0x2000, s5;
	[sflag:s10] =	ssyncset.done $0x0  }
0x162: {  	s29 =	smov.u32 s5;
	s26 =	simm.s32 $0x800;
	[sflag:s10] =	ssyncadd.s32 $0xFFFFC000  }
.LBB2_15:
0x163: {  	[tilespmem:s17], [sflag:$0x4] =	stream.linear.gather [hbm4b:s29+s2], $0x4000, $0x38;
	[tilespmem:$0x1E500] =	vst v63  }
0x164: {  	s30 =	smov.u32 s26;
	s29 =	smov.u32 s28  }
0x165: {  	p4 =	sne.s32 s26, $0x2800;
	s26 =	sadd.s32 $0x800, s26;
	_ =	swait.ge [sflag:s19], $0x4000  }
0x166: {  	s30 =	sshra.s32 s30, $0x2;
	[sflag:s19] =	ssyncset.done $0x0  }
0x167: {  	s31 =	sadd.s32 $0x10000, s30;
	[sflag:s19] =	ssyncadd.s32 $0xFFFFC000  }
0x168: {  	[spmem:s11] =	stream.indirect.scatter.add.f32 [tilespmem:s2], [sflag:$0x5], $0x80, s31, s20, $0xb8;
	[tilespmem:$0x1E500] =	vst v63  }
0x169: {  	_ =	swait.ge [sflag:s10], $0x4000  }
0x16a: {  	[sflag:s10] =	ssyncset.done $0x0  }
0x16b: {  	s31 =	sadd.s32 $0xFFFFE800, s28;
	[sflag:s10] =	ssyncadd.s32 $0xFFFFC000  }
0x16c: {  	[tilespmem:s2], [sflag:$0x1] =	stream.linear.gather [hbm4b:s31+s2], $0x4000, $0x38;
	[tilespmem:$0x1E500] =	vst v63  }
0x16d: {  	_ =	swait.ge [sflag:s21], $0x4000  }
0x16e: {  	[sflag:s21] =	ssyncset.done $0x0  }
0x16f: {  	s31 =	sadd.s32 $0x10080, s30;
	[sflag:s21] =	ssyncadd.s32 $0xFFFFC000  }
0x170: {  	[spmem:s11] =	stream.indirect.scatter.add.f32 [tilespmem:s15], [sflag:$0x5], $0x80, s31, s20, $0xb8;
	[tilespmem:$0x1E500] =	vst v63  }
0x171: {  	_ =	swait.ge [sflag:s10], $0x4000  }
0x172: {  	[sflag:s10] =	ssyncset.done $0x0  }
0x173: {  	s31 =	sadd.s32 $0xFFFFF000, s28;
	[sflag:s10] =	ssyncadd.s32 $0xFFFFC000  }
0x174: {  	[tilespmem:s15], [sflag:$0x2] =	stream.linear.gather [hbm4b:s31+s2], $0x4000, $0x38;
	[tilespmem:$0x1E500] =	vst v63  }
0x175: {  	_ =	swait.ge [sflag:s23], $0x4000  }
0x176: {  	[sflag:s23] =	ssyncset.done $0x0  }
0x177: {  	s31 =	sadd.s32 $0x10100, s30;
	[sflag:s23] =	ssyncadd.s32 $0xFFFFC000  }
0x178: {  	[spmem:s11] =	stream.indirect.scatter.add.f32 [tilespmem:s16], [sflag:$0x5], $0x80, s31, s20, $0xb8;
	[tilespmem:$0x1E500] =	vst v63  }
0x179: {  	_ =	swait.ge [sflag:s10], $0x4000  }
0x17a: {  	[sflag:s10] =	ssyncset.done $0x0  }
0x17b: {  	s31 =	sadd.s32 $0xFFFFF800, s28;
	[sflag:s10] =	ssyncadd.s32 $0xFFFFC000  }
0x17c: {  	[tilespmem:s16], [sflag:$0x3] =	stream.linear.gather [hbm4b:s31+s2], $0x4000, $0x38;
	[tilespmem:$0x1E500] =	vst v63  }
0x17d: {  	_ =	swait.ge [sflag:s24], $0x4000  }
0x17e: {  	[sflag:s24] =	ssyncset.done $0x0  }
.Ltmp7:
0x17f: {  	s30 =	sadd.s32 $0x10180, s30;
	[sflag:s24] =	ssyncadd.s32 $0xFFFFC000;
	(pc) =	sbr.rel @p4 .LBB2_15-.Ltmp7, $4  }
0x180: {  	[spmem:s11] =	stream.indirect.scatter.add.f32 [tilespmem:s17], [sflag:$0x5], $0x80, s30, s20, $0xb8;
	[tilespmem:$0x1E500] =	vst v63  }
0x181: {  	_ =	swait.ge [sflag:s10], $0x4000  }
0x182: {  	[sflag:s10] =	ssyncset.done $0x0  }
0x183: {  	s28 =	sadd.s32 $0x2000, s28;
	[sflag:s10] =	ssyncadd.s32 $0xFFFFC000  }
0x184: {  	[tilespmem:s17], [sflag:$0x4] =	stream.linear.gather [hbm4b:s29+s2], $0x4000, $0x38;
	[tilespmem:$0x1E500] =	vst v63  }
0x185: {  	_ =	swait.ge [sflag:s19], $0x4000  }
0x186: {  	[sflag:s19] =	ssyncset.done $0x0  }
0x187: {  	s26 =	simm.s32 $0x10C00;
	[sflag:s19] =	ssyncadd.s32 $0xFFFFC000  }
0x188: {  	[spmem:s11] =	stream.indirect.scatter.add.f32 [tilespmem:s2], [sflag:$0x5], $0x80, s26, s20, $0xb8;
	[tilespmem:$0x1E500] =	vst v63  }
0x189: {  	_ =	swait.ge [sflag:s10], $0x4000  }
0x18a: {  	s29 =	sld [smem:$0x7EF]  }
0x18b: {  	[sflag:s10] =	ssyncset.done $0x0  }
0x18c: {  	[sflag:s10] =	ssyncadd.s32 $0xFFFFC000  }
0x18d: {  	[tilespmem:s2], [sflag:$0x1] =	stream.linear.gather [hbm4b:s29+s2], $0x4000, $0x38;
	[tilespmem:$0x1E500] =	vst v63  }
0x18e: {  	_ =	swait.ge [sflag:s21], $0x4000  }
0x18f: {  	[sflag:s21] =	ssyncset.done $0x0  }
0x190: {  	s30 =	simm.s32 $0x10C80;
	[sflag:s21] =	ssyncadd.s32 $0xFFFFC000  }
0x191: {  	[spmem:s11] =	stream.indirect.scatter.add.f32 [tilespmem:s15], [sflag:$0x5], $0x80, s30, s20, $0xb8;
	[tilespmem:$0x1E500] =	vst v63  }
0x192: {  	_ =	swait.ge [sflag:s10], $0x4000  }
0x193: {  	s31 =	sld [smem:$0x7EE]  }
0x194: {  	[sflag:s10] =	ssyncset.done $0x0  }
0x195: {  	[sflag:s10] =	ssyncadd.s32 $0xFFFFC000  }
0x196: {  	[tilespmem:s15], [sflag:$0x2] =	stream.linear.gather [hbm4b:s31+s2], $0x4000, $0x38;
	[tilespmem:$0x1E500] =	vst v63  }
0x197: {  	_ =	swait.ge [sflag:s23], $0x4000  }
0x198: {  	[sflag:s23] =	ssyncset.done $0x0  }
0x199: {  	s28 =	simm.s32 $0x10D00;
	[sflag:s23] =	ssyncadd.s32 $0xFFFFC000  }
0x19a: {  	[spmem:s11] =	stream.indirect.scatter.add.f32 [tilespmem:s16], [sflag:$0x5], $0x80, s28, s20, $0xb8;
	[tilespmem:$0x1E500] =	vst v63  }
0x19b: {  	_ =	swait.ge [sflag:s10], $0x4000  }
0x19c: {  	s29 =	sld [smem:$0x7F0]  }
0x19d: {  	[sflag:s10] =	ssyncset.done $0x0  }
0x19e: {  	[sflag:s10] =	ssyncadd.s32 $0xFFFFC000  }
0x19f: {  	[tilespmem:s16], [sflag:$0x3] =	stream.linear.gather [hbm4b:s29+s2], $0x4000, $0x38;
	[tilespmem:$0x1E500] =	vst v63  }
0x1a0: {  	_ =	swait.ge [sflag:s24], $0x4000  }
0x1a1: {  	[sflag:s24] =	ssyncset.done $0x0  }
0x1a2: {  	s30 =	simm.s32 $0x10D80;
	[sflag:s24] =	ssyncadd.s32 $0xFFFFC000  }
0x1a3: {  	[spmem:s11] =	stream.indirect.scatter.add.f32 [tilespmem:s17], [sflag:$0x5], $0x80, s30, s20, $0xb8;
	[tilespmem:$0x1E500] =	vst v63  }
0x1a4: {  	_ =	swait.ge [sflag:s10], $0x4000  }
0x1a5: {  	[sflag:s10] =	ssyncset.done $0x0  }
0x1a6: {  	[sflag:s10] =	ssyncadd.s32 $0xFFFFC000  }
0x1a7: {  	_ =	swait.ge [sflag:s19], $0x4000  }
0x1a8: {  	[sflag:s19] =	ssyncset.done $0x0  }
0x1a9: {  	s31 =	simm.s32 $0x10E00;
	[sflag:s19] =	ssyncadd.s32 $0xFFFFC000  }
0x1aa: {  	[spmem:s11] =	stream.indirect.scatter.add.f32 [tilespmem:s2], [sflag:$0x5], $0x80, s31, s20, $0xb8;
	[tilespmem:$0x1E500] =	vst v63  }
0x1ab: {  	_ =	swait.ge [sflag:s10], $0x4000  }
0x1ac: {  	[sflag:s10] =	ssyncset.done $0x0  }
0x1ad: {  	[sflag:s10] =	ssyncadd.s32 $0xFFFFC000  }
0x1ae: {  	_ =	swait.ge [sflag:s21], $0x4000  }
0x1af: {  	[sflag:s21] =	ssyncset.done $0x0  }
0x1b0: {  	s28 =	simm.s32 $0x10E80;
	[sflag:s21] =	ssyncadd.s32 $0xFFFFC000  }
0x1b1: {  	[spmem:s11] =	stream.indirect.scatter.add.f32 [tilespmem:s15], [sflag:$0x5], $0x80, s28, s20, $0xb8;
	[tilespmem:$0x1E500] =	vst v63  }
0x1b2: {  	_ =	swait.ge [sflag:s10], $0x4000  }
0x1b3: {  	[sflag:s10] =	ssyncset.done $0x0  }
0x1b4: {  	[sflag:s10] =	ssyncadd.s32 $0xFFFFC000  }
0x1b5: {  	_ =	swait.ge [sflag:s23], $0x4000  }
0x1b6: {  	[sflag:s23] =	ssyncset.done $0x0  }
0x1b7: {  	s29 =	simm.s32 $0x10F00;
	[sflag:s23] =	ssyncadd.s32 $0xFFFFC000  }
0x1b8: {  	[spmem:s11] =	stream.indirect.scatter.add.f32 [tilespmem:s16], [sflag:$0x5], $0x80, s29, s20, $0xb8;
	[tilespmem:$0x1E500] =	vst v63  }
0x1b9: {  	_ =	swait.ge [sflag:s10], $0x4000  }
0x1ba: {  	[sflag:s10] =	ssyncset.done $0x0  }
0x1bb: {  	[sflag:s10] =	ssyncadd.s32 $0xFFFFC000  }
0x1bc: {  	v3 =	vld [tilespmem:$0x10F80]  }
0x1bd: {  	v4 =	vld [tilespmem:$0x10F90];
	_ =	sdelay $0x2  }
0x1be: {  	s30 =	sld [smem:$0x7EC]  }
0x1bf: {  	[tilespmem:$0x11C00] =	vst v3  }
0x1c0: {  	[tilespmem:$0x11C10] =	vst v4  }
0x1c1: {  	[tilespmem:s2], [sflag:$0x5] =	stream.linear.gather [hbm4b:s30+s2], $0x1000, $0x38;
	[tilespmem:$0x1E500] =	vst v63  }
0x1c2: {  	_ =	swait.ge [sflag:s10], $0x1000  }
0x1c3: {  	[sflag:s10] =	ssyncset.done $0x0  }
0x1c4: {  	s31 =	simm.s32 $0x20;
	s28 =	simm.s32 $0x11C00;
	[sflag:s10] =	ssyncadd.s32 $0xFFFFF000  }
0x1c5: {  	[spmem:s11] =	stream.indirect.scatter.add.f32 [tilespmem:s2], [sflag:$0x5], $0x80, s28, s31, $0xb8;
	[tilespmem:$0x1E500] =	vst v63  }
0x1c6: {  	_ =	swait.ge [sflag:s10], $0x1000  }
0x1c7: {  	[sflag:s10] =	ssyncset.done $0x0  }
0x1c8: {  	[sflag:s10] =	ssyncadd.s32 $0xFFFFF000  }
.LBB2_17:
.Ltmp8:
0x1c9: {  	(pc) =	sbr.rel @!p2 .LBB2_23-.Ltmp8, $1  }
0x1ca: {  	_ =	sdelay $0x3  }
0x1cb: {  	s28 =	sld [smem:$0x7D0];
	_ =	sdelay $0x1  }
0x1cc: {  	s26 =	simm.s32 $0x0  }
0x1cd: {  	[tilespmem:s14], [sflag:$0x5] =	stream.linear.gather [hbm4b:s28+s26], $0x1900, $0x38;
	[tilespmem:$0x1E500] =	vst v63  }
0x1ce: {  	_ =	swait.ge [sflag:s10], $0x1900  }
0x1cf: {  	s31 =	sld [smem:$0x7FD]  }
0x1d0: {  	[sflag:s10] =	ssyncset.done $0x0  }
0x1d1: {  	s29 =	sld [smem:$0x7FB];
	[sflag:s10] =	ssyncadd.s32 $0xFFFFE700  }
0x1d2: {  	[tilespmem:s26], [sflag:$0x1] =	stream.linear.gather [hbm4b:s31+s26], $0x4000, $0x38;
	[tilespmem:$0x1E500] =	vst v63  }
0x1d3: {  	s30 =	sld [smem:$0x7D2]  }
0x1d4: {  	[tilespmem:s15], [sflag:$0x2] =	stream.linear.gather [hbm4b:s29+s26], $0x4000, $0x38;
	[tilespmem:$0x1E500] =	vst v63  }
0x1d5: {  	s31 =	sld [smem:$0x7D4]  }
0x1d6: {  	[tilespmem:s16], [sflag:$0x3] =	stream.linear.gather [hbm4b:s30+s26], $0x4000, $0x38;
	[tilespmem:$0x1E500] =	vst v63  }
0x1d7: {  	_ = 	snop  }
0x1d8: {  	[tilespmem:s17], [sflag:$0x4] =	stream.linear.gather [hbm4b:s31+s26], $0x4000, $0x38;
	[tilespmem:$0x1E500] =	vst v63  }
.LBB2_19:
0x1d9: {  	s28 =	sshra.s32 s26, $0x2  }
0x1da: {  	v3 =	vld [tilespmem:s28+$0x10000];
	_ =	sdelay $0x4  }
0x1db: {  	v3 =	vadd.s32 v1, v3;
	_ =	sdelay $0x4  }
0x1dc: {  	[tilespmem:v3+s18+$0x0] =	vst.idx.add.f32.msk $0xffff, v2  }
0x1dd: {  	v3 =	vld [tilespmem:s28+$0x10010];
	_ =	sdelay $0x4  }
0x1de: {  	v3 =	vadd.s32 v1, v3;
	_ =	sdelay $0x4  }
0x1df: {  	[tilespmem:v3+s18+$0x0] =	vst.idx.add.f32.msk $0xffff, v2  }
0x1e0: {  	v3 =	vld [tilespmem:s28+$0x10020];
	_ =	sdelay $0x4  }
0x1e1: {  	v3 =	vadd.s32 v1, v3;
	_ =	sdelay $0x4  }
0x1e2: {  	[tilespmem:v3+s18+$0x0] =	vst.idx.add.f32.msk $0xffff, v2  }
0x1e3: {  	v3 =	vld [tilespmem:s28+$0x10030];
	_ =	sdelay $0x4  }
0x1e4: {  	v3 =	vadd.s32 v1, v3;
	_ =	sdelay $0x4  }
0x1e5: {  	[tilespmem:v3+s18+$0x0] =	vst.idx.add.f32.msk $0xffff, v2  }
0x1e6: {  	v3 =	vld [tilespmem:s28+$0x10040];
	_ =	sdelay $0x4  }
0x1e7: {  	v3 =	vadd.s32 v1, v3;
	_ =	sdelay $0x4  }
0x1e8: {  	[tilespmem:v3+s18+$0x0] =	vst.idx.add.f32.msk $0xffff, v2  }
0x1e9: {  	v3 =	vld [tilespmem:s28+$0x10050];
	_ =	sdelay $0x4  }
0x1ea: {  	v3 =	vadd.s32 v1, v3;
	_ =	sdelay $0x4  }
0x1eb: {  	[tilespmem:v3+s18+$0x0] =	vst.idx.add.f32.msk $0xffff, v2  }
0x1ec: {  	v3 =	vld [tilespmem:s28+$0x10060];
	_ =	sdelay $0x4  }
0x1ed: {  	v3 =	vadd.s32 v1, v3;
	_ =	sdelay $0x4  }
0x1ee: {  	[tilespmem:v3+s18+$0x0] =	vst.idx.add.f32.msk $0xffff, v2  }
0x1ef: {  	v3 =	vld [tilespmem:s28+$0x10070];
	_ =	sdelay $0x4  }
0x1f0: {  	p4 =	sne.s32 s26, $0x6200;
	v3 =	vadd.s32 v1, v3  }
.Ltmp9:
0x1f1: {  	_ = 	snop;
	(pc) =	sbr.rel @p4 .LBB2_19-.Ltmp9, $2  }
0x1f2: {  	_ =	sdelay $0x2  }
0x1f3: {  	s26 =	sadd.s32 $0x200, s26;
	[tilespmem:v3+s18+$0x0] =	vst.idx.add.f32.msk $0xffff, v2  }
0x1f4: {  	_ =	swait.ge [sflag:s19], $0x4000  }
0x1f5: {  	[sflag:s19] =	ssyncset.done $0x0  }
0x1f6: {  	s26 =	simm.s32 $0x10000;
	[sflag:s19] =	ssyncadd.s32 $0xFFFFC000  }
0x1f7: {  	[spmem:s11] =	stream.indirect.scatter.add.f32 [tilespmem:s2], [sflag:$0x5], $0x80, s26, s20, $0xb8;
	[tilespmem:$0x1E500] =	vst v63  }
0x1f8: {  	_ =	swait.ge [sflag:s10], $0x4000  }
0x1f9: {  	[sflag:s10] =	ssyncset.done $0x0  }
0x1fa: {  	s30 =	sadd.s32 $0xFFFFE800, s8;
	[sflag:s10] =	ssyncadd.s32 $0xFFFFC000  }
0x1fb: {  	[tilespmem:s2], [sflag:$0x1] =	stream.linear.gather [hbm4b:s30+s2], $0x4000, $0x38;
	[tilespmem:$0x1E500] =	vst v63  }
0x1fc: {  	_ =	swait.ge [sflag:s21], $0x4000  }
0x1fd: {  	[sflag:s21] =	ssyncset.done $0x0  }
0x1fe: {  	s31 =	simm.s32 $0x10080;
	[sflag:s21] =	ssyncadd.s32 $0xFFFFC000  }
0x1ff: {  	[spmem:s11] =	stream.indirect.scatter.add.f32 [tilespmem:s15], [sflag:$0x5], $0x80, s31, s20, $0xb8;
	[tilespmem:$0x1E500] =	vst v63  }
0x200: {  	_ =	swait.ge [sflag:s10], $0x4000  }
0x201: {  	[sflag:s10] =	ssyncset.done $0x0  }
0x202: {  	s30 =	sadd.s32 $0xFFFFF000, s8;
	[sflag:s10] =	ssyncadd.s32 $0xFFFFC000  }
0x203: {  	[tilespmem:s15], [sflag:$0x2] =	stream.linear.gather [hbm4b:s30+s2], $0x4000, $0x38;
	[tilespmem:$0x1E500] =	vst v63  }
0x204: {  	_ =	swait.ge [sflag:s23], $0x4000  }
0x205: {  	[sflag:s23] =	ssyncset.done $0x0  }
0x206: {  	s31 =	simm.s32 $0x10100;
	[sflag:s23] =	ssyncadd.s32 $0xFFFFC000  }
0x207: {  	[spmem:s11] =	stream.indirect.scatter.add.f32 [tilespmem:s16], [sflag:$0x5], $0x80, s31, s20, $0xb8;
	[tilespmem:$0x1E500] =	vst v63  }
0x208: {  	_ =	swait.ge [sflag:s10], $0x4000  }
0x209: {  	[sflag:s10] =	ssyncset.done $0x0  }
0x20a: {  	s30 =	sadd.s32 $0xFFFFF800, s8;
	[sflag:s10] =	ssyncadd.s32 $0xFFFFC000  }
0x20b: {  	[tilespmem:s16], [sflag:$0x3] =	stream.linear.gather [hbm4b:s30+s2], $0x4000, $0x38;
	[tilespmem:$0x1E500] =	vst v63  }
0x20c: {  	_ =	swait.ge [sflag:s24], $0x4000  }
0x20d: {  	[sflag:s24] =	ssyncset.done $0x0  }
0x20e: {  	s31 =	simm.s32 $0x10180;
	[sflag:s24] =	ssyncadd.s32 $0xFFFFC000  }
0x20f: {  	[spmem:s11] =	stream.indirect.scatter.add.f32 [tilespmem:s17], [sflag:$0x5], $0x80, s31, s20, $0xb8;
	[tilespmem:$0x1E500] =	vst v63  }
0x210: {  	_ =	swait.ge [sflag:s10], $0x4000  }
0x211: {  	s28 =	sadd.s32 $0x2000, s8;
	[sflag:s10] =	ssyncset.done $0x0  }
0x212: {  	s29 =	smov.u32 s8;
	s26 =	simm.s32 $0x800;
	[sflag:s10] =	ssyncadd.s32 $0xFFFFC000  }
.LBB2_21:
0x213: {  	[tilespmem:s17], [sflag:$0x4] =	stream.linear.gather [hbm4b:s29+s2], $0x4000, $0x38;
	[tilespmem:$0x1E500] =	vst v63  }
0x214: {  	s30 =	smov.u32 s26;
	s29 =	smov.u32 s28  }
0x215: {  	p4 =	sne.s32 s26, $0x5000;
	s26 =	sadd.s32 $0x800, s26;
	_ =	swait.ge [sflag:s19], $0x4000  }
0x216: {  	s30 =	sshra.s32 s30, $0x2;
	[sflag:s19] =	ssyncset.done $0x0  }
0x217: {  	s31 =	sadd.s32 $0x10000, s30;
	[sflag:s19] =	ssyncadd.s32 $0xFFFFC000  }
0x218: {  	[spmem:s11] =	stream.indirect.scatter.add.f32 [tilespmem:s2], [sflag:$0x5], $0x80, s31, s20, $0xb8;
	[tilespmem:$0x1E500] =	vst v63  }
0x219: {  	_ =	swait.ge [sflag:s10], $0x4000  }
0x21a: {  	[sflag:s10] =	ssyncset.done $0x0  }
0x21b: {  	s31 =	sadd.s32 $0xFFFFE800, s28;
	[sflag:s10] =	ssyncadd.s32 $0xFFFFC000  }
0x21c: {  	[tilespmem:s2], [sflag:$0x1] =	stream.linear.gather [hbm4b:s31+s2], $0x4000, $0x38;
	[tilespmem:$0x1E500] =	vst v63  }
0x21d: {  	_ =	swait.ge [sflag:s21], $0x4000  }
0x21e: {  	[sflag:s21] =	ssyncset.done $0x0  }
0x21f: {  	s31 =	sadd.s32 $0x10080, s30;
	[sflag:s21] =	ssyncadd.s32 $0xFFFFC000  }
0x220: {  	[spmem:s11] =	stream.indirect.scatter.add.f32 [tilespmem:s15], [sflag:$0x5], $0x80, s31, s20, $0xb8;
	[tilespmem:$0x1E500] =	vst v63  }
0x221: {  	_ =	swait.ge [sflag:s10], $0x4000  }
0x222: {  	[sflag:s10] =	ssyncset.done $0x0  }
0x223: {  	s31 =	sadd.s32 $0xFFFFF000, s28;
	[sflag:s10] =	ssyncadd.s32 $0xFFFFC000  }
0x224: {  	[tilespmem:s15], [sflag:$0x2] =	stream.linear.gather [hbm4b:s31+s2], $0x4000, $0x38;
	[tilespmem:$0x1E500] =	vst v63  }
0x225: {  	_ =	swait.ge [sflag:s23], $0x4000  }
0x226: {  	[sflag:s23] =	ssyncset.done $0x0  }
0x227: {  	s31 =	sadd.s32 $0x10100, s30;
	[sflag:s23] =	ssyncadd.s32 $0xFFFFC000  }
0x228: {  	[spmem:s11] =	stream.indirect.scatter.add.f32 [tilespmem:s16], [sflag:$0x5], $0x80, s31, s20, $0xb8;
	[tilespmem:$0x1E500] =	vst v63  }
0x229: {  	_ =	swait.ge [sflag:s10], $0x4000  }
0x22a: {  	[sflag:s10] =	ssyncset.done $0x0  }
0x22b: {  	s31 =	sadd.s32 $0xFFFFF800, s28;
	[sflag:s10] =	ssyncadd.s32 $0xFFFFC000  }
0x22c: {  	[tilespmem:s16], [sflag:$0x3] =	stream.linear.gather [hbm4b:s31+s2], $0x4000, $0x38;
	[tilespmem:$0x1E500] =	vst v63  }
0x22d: {  	_ =	swait.ge [sflag:s24], $0x4000  }
0x22e: {  	[sflag:s24] =	ssyncset.done $0x0  }
.Ltmp10:
0x22f: {  	s30 =	sadd.s32 $0x10180, s30;
	[sflag:s24] =	ssyncadd.s32 $0xFFFFC000;
	(pc) =	sbr.rel @p4 .LBB2_21-.Ltmp10, $4  }
0x230: {  	[spmem:s11] =	stream.indirect.scatter.add.f32 [tilespmem:s17], [sflag:$0x5], $0x80, s30, s20, $0xb8;
	[tilespmem:$0x1E500] =	vst v63  }
0x231: {  	_ =	swait.ge [sflag:s10], $0x4000  }
0x232: {  	[sflag:s10] =	ssyncset.done $0x0  }
0x233: {  	s28 =	sadd.s32 $0x2000, s28;
	[sflag:s10] =	ssyncadd.s32 $0xFFFFC000  }
0x234: {  	[tilespmem:s17], [sflag:$0x4] =	stream.linear.gather [hbm4b:s29+s2], $0x4000, $0x38;
	[tilespmem:$0x1E500] =	vst v63  }
0x235: {  	_ =	swait.ge [sflag:s19], $0x4000  }
0x236: {  	[sflag:s19] =	ssyncset.done $0x0  }
0x237: {  	s26 =	simm.s32 $0x11600;
	[sflag:s19] =	ssyncadd.s32 $0xFFFFC000  }
0x238: {  	[spmem:s11] =	stream.indirect.scatter.add.f32 [tilespmem:s2], [sflag:$0x5], $0x80, s26, s20, $0xb8;
	[tilespmem:$0x1E500] =	vst v63  }
0x239: {  	_ =	swait.ge [sflag:s10], $0x4000  }
0x23a: {  	s29 =	sld [smem:$0x7E7]  }
0x23b: {  	[sflag:s10] =	ssyncset.done $0x0  }
0x23c: {  	[sflag:s10] =	ssyncadd.s32 $0xFFFFC000  }
0x23d: {  	[tilespmem:s2], [sflag:$0x1] =	stream.linear.gather [hbm4b:s29+s2], $0x4000, $0x38;
	[tilespmem:$0x1E500] =	vst v63  }
0x23e: {  	_ =	swait.ge [sflag:s21], $0x4000  }
0x23f: {  	[sflag:s21] =	ssyncset.done $0x0  }
0x240: {  	s30 =	simm.s32 $0x11680;
	[sflag:s21] =	ssyncadd.s32 $0xFFFFC000  }
0x241: {  	[spmem:s11] =	stream.indirect.scatter.add.f32 [tilespmem:s15], [sflag:$0x5], $0x80, s30, s20, $0xb8;
	[tilespmem:$0x1E500] =	vst v63  }
0x242: {  	_ =	swait.ge [sflag:s10], $0x4000  }
0x243: {  	s31 =	sld [smem:$0x7F4]  }
0x244: {  	[sflag:s10] =	ssyncset.done $0x0  }
0x245: {  	[sflag:s10] =	ssyncadd.s32 $0xFFFFC000  }
0x246: {  	[tilespmem:s15], [sflag:$0x2] =	stream.linear.gather [hbm4b:s31+s2], $0x4000, $0x38;
	[tilespmem:$0x1E500] =	vst v63  }
0x247: {  	_ =	swait.ge [sflag:s23], $0x4000  }
0x248: {  	[sflag:s23] =	ssyncset.done $0x0  }
0x249: {  	s28 =	simm.s32 $0x11700;
	[sflag:s23] =	ssyncadd.s32 $0xFFFFC000  }
0x24a: {  	[spmem:s11] =	stream.indirect.scatter.add.f32 [tilespmem:s16], [sflag:$0x5], $0x80, s28, s20, $0xb8;
	[tilespmem:$0x1E500] =	vst v63  }
0x24b: {  	_ =	swait.ge [sflag:s10], $0x4000  }
0x24c: {  	[sflag:s10] =	ssyncset.done $0x0  }
0x24d: {  	[sflag:s10] =	ssyncadd.s32 $0xFFFFC000  }
0x24e: {  	_ =	swait.ge [sflag:s24], $0x4000  }
0x24f: {  	[sflag:s24] =	ssyncset.done $0x0  }
0x250: {  	s29 =	simm.s32 $0x11780;
	[sflag:s24] =	ssyncadd.s32 $0xFFFFC000  }
0x251: {  	[spmem:s11] =	stream.indirect.scatter.add.f32 [tilespmem:s17], [sflag:$0x5], $0x80, s29, s20, $0xb8;
	[tilespmem:$0x1E500] =	vst v63  }
0x252: {  	_ =	swait.ge [sflag:s10], $0x4000  }
0x253: {  	[sflag:s10] =	ssyncset.done $0x0  }
0x254: {  	[sflag:s10] =	ssyncadd.s32 $0xFFFFC000  }
0x255: {  	_ =	swait.ge [sflag:s19], $0x4000  }
0x256: {  	[sflag:s19] =	ssyncset.done $0x0  }
0x257: {  	s30 =	simm.s32 $0x11800;
	[sflag:s19] =	ssyncadd.s32 $0xFFFFC000  }
0x258: {  	[spmem:s11] =	stream.indirect.scatter.add.f32 [tilespmem:s2], [sflag:$0x5], $0x80, s30, s20, $0xb8;
	[tilespmem:$0x1E500] =	vst v63  }
0x259: {  	_ =	swait.ge [sflag:s10], $0x4000  }
0x25a: {  	[sflag:s10] =	ssyncset.done $0x0  }
0x25b: {  	[sflag:s10] =	ssyncadd.s32 $0xFFFFC000  }
0x25c: {  	_ =	swait.ge [sflag:s21], $0x4000  }
0x25d: {  	[sflag:s21] =	ssyncset.done $0x0  }
0x25e: {  	s31 =	simm.s32 $0x11880;
	[sflag:s21] =	ssyncadd.s32 $0xFFFFC000  }
0x25f: {  	[spmem:s11] =	stream.indirect.scatter.add.f32 [tilespmem:s15], [sflag:$0x5], $0x80, s31, s20, $0xb8;
	[tilespmem:$0x1E500] =	vst v63  }
0x260: {  	_ =	swait.ge [sflag:s10], $0x4000  }
0x261: {  	[sflag:s10] =	ssyncset.done $0x0  }
0x262: {  	[sflag:s10] =	ssyncadd.s32 $0xFFFFC000  }
.LBB2_23:
.Ltmp11:
0x263: {  	(pc) =	sbr.rel @!p3 .LBB2_29-.Ltmp11, $1  }
0x264: {  	_ =	sdelay $0x3  }
0x265: {  	s28 =	sld [smem:$0x7D5];
	_ =	sdelay $0x1  }
0x266: {  	s26 =	simm.s32 $0x0  }
0x267: {  	[tilespmem:s14], [sflag:$0x5] =	stream.linear.gather [hbm4b:s28+s26], $0x1900, $0x38;
	[tilespmem:$0x1E500] =	vst v63  }
0x268: {  	_ =	swait.ge [sflag:s10], $0x1900  }
0x269: {  	s31 =	sld [smem:$0x7F1]  }
0x26a: {  	[sflag:s10] =	ssyncset.done $0x0  }
0x26b: {  	s29 =	sld [smem:$0x7F2];
	[sflag:s10] =	ssyncadd.s32 $0xFFFFE700  }
0x26c: {  	[tilespmem:s26], [sflag:$0x1] =	stream.linear.gather [hbm4b:s31+s26], $0x4000, $0x38;
	[tilespmem:$0x1E500] =	vst v63  }
0x26d: {  	s30 =	sld [smem:$0x7F3]  }
0x26e: {  	[tilespmem:s15], [sflag:$0x2] =	stream.linear.gather [hbm4b:s29+s26], $0x4000, $0x38;
	[tilespmem:$0x1E500] =	vst v63  }
0x26f: {  	s31 =	sld [smem:$0x7F5]  }
0x270: {  	[tilespmem:s16], [sflag:$0x3] =	stream.linear.gather [hbm4b:s30+s26], $0x4000, $0x38;
	[tilespmem:$0x1E500] =	vst v63  }
0x271: {  	_ = 	snop  }
0x272: {  	[tilespmem:s17], [sflag:$0x4] =	stream.linear.gather [hbm4b:s31+s26], $0x4000, $0x38;
	[tilespmem:$0x1E500] =	vst v63  }
.LBB2_25:
0x273: {  	s28 =	sshra.s32 s26, $0x2  }
0x274: {  	v3 =	vld [tilespmem:s28+$0x10000];
	_ =	sdelay $0x4  }
0x275: {  	v3 =	vadd.s32 v1, v3;
	_ =	sdelay $0x4  }
0x276: {  	[tilespmem:v3+s18+$0x0] =	vst.idx.add.f32.msk $0xffff, v2  }
0x277: {  	v3 =	vld [tilespmem:s28+$0x10010];
	_ =	sdelay $0x4  }
0x278: {  	v3 =	vadd.s32 v1, v3;
	_ =	sdelay $0x4  }
0x279: {  	[tilespmem:v3+s18+$0x0] =	vst.idx.add.f32.msk $0xffff, v2  }
0x27a: {  	v3 =	vld [tilespmem:s28+$0x10020];
	_ =	sdelay $0x4  }
0x27b: {  	v3 =	vadd.s32 v1, v3;
	_ =	sdelay $0x4  }
0x27c: {  	[tilespmem:v3+s18+$0x0] =	vst.idx.add.f32.msk $0xffff, v2  }
0x27d: {  	v3 =	vld [tilespmem:s28+$0x10030];
	_ =	sdelay $0x4  }
0x27e: {  	v3 =	vadd.s32 v1, v3;
	_ =	sdelay $0x4  }
0x27f: {  	[tilespmem:v3+s18+$0x0] =	vst.idx.add.f32.msk $0xffff, v2  }
0x280: {  	v3 =	vld [tilespmem:s28+$0x10040];
	_ =	sdelay $0x4  }
0x281: {  	v3 =	vadd.s32 v1, v3;
	_ =	sdelay $0x4  }
0x282: {  	[tilespmem:v3+s18+$0x0] =	vst.idx.add.f32.msk $0xffff, v2  }
0x283: {  	v3 =	vld [tilespmem:s28+$0x10050];
	_ =	sdelay $0x4  }
0x284: {  	v3 =	vadd.s32 v1, v3;
	_ =	sdelay $0x4  }
0x285: {  	[tilespmem:v3+s18+$0x0] =	vst.idx.add.f32.msk $0xffff, v2  }
0x286: {  	v3 =	vld [tilespmem:s28+$0x10060];
	_ =	sdelay $0x4  }
0x287: {  	v3 =	vadd.s32 v1, v3;
	_ =	sdelay $0x4  }
0x288: {  	[tilespmem:v3+s18+$0x0] =	vst.idx.add.f32.msk $0xffff, v2  }
0x289: {  	v3 =	vld [tilespmem:s28+$0x10070];
	_ =	sdelay $0x4  }
0x28a: {  	p4 =	sne.s32 s26, $0x3C00;
	v3 =	vadd.s32 v1, v3  }
.Ltmp12:
0x28b: {  	_ = 	snop;
	(pc) =	sbr.rel @p4 .LBB2_25-.Ltmp12, $2  }
0x28c: {  	_ =	sdelay $0x2  }
0x28d: {  	s26 =	sadd.s32 $0x200, s26;
	[tilespmem:v3+s18+$0x0] =	vst.idx.add.f32.msk $0xffff, v2  }
0x28e: {  	v3 =	vld [tilespmem:$0x10F80];
	_ =	sdelay $0x4  }
0x28f: {  	v3 =	vadd.s32 v1, v3;
	_ =	sdelay $0x4  }
0x290: {  	[tilespmem:v3+s18+$0x0] =	vst.idx.add.f32.msk $0xffff, v2  }
0x291: {  	v3 =	vld [tilespmem:$0x10F90];
	_ =	sdelay $0x4  }
0x292: {  	v3 =	vadd.s32 v1, v3;
	_ =	sdelay $0x4  }
0x293: {  	[tilespmem:v3+s18+$0x0] =	vst.idx.add.f32.msk $0xffff, v2  }
0x294: {  	_ =	swait.ge [sflag:s19], $0x4000  }
0x295: {  	[sflag:s19] =	ssyncset.done $0x0  }
0x296: {  	s26 =	simm.s32 $0x10000;
	[sflag:s19] =	ssyncadd.s32 $0xFFFFC000  }
0x297: {  	[spmem:s11] =	stream.indirect.scatter.add.f32 [tilespmem:s2], [sflag:$0x5], $0x80, s26, s20, $0xb8;
	[tilespmem:$0x1E500] =	vst v63  }
0x298: {  	_ =	swait.ge [sflag:s10], $0x4000  }
0x299: {  	[sflag:s10] =	ssyncset.done $0x0  }
0x29a: {  	s30 =	sadd.s32 $0xFFFFE800, s6;
	[sflag:s10] =	ssyncadd.s32 $0xFFFFC000  }
0x29b: {  	[tilespmem:s2], [sflag:$0x1] =	stream.linear.gather [hbm4b:s30+s2], $0x4000, $0x38;
	[tilespmem:$0x1E500] =	vst v63  }
0x29c: {  	_ =	swait.ge [sflag:s21], $0x4000  }
0x29d: {  	[sflag:s21] =	ssyncset.done $0x0  }
0x29e: {  	s31 =	simm.s32 $0x10080;
	[sflag:s21] =	ssyncadd.s32 $0xFFFFC000  }
0x29f: {  	[spmem:s11] =	stream.indirect.scatter.add.f32 [tilespmem:s15], [sflag:$0x5], $0x80, s31, s20, $0xb8;
	[tilespmem:$0x1E500] =	vst v63  }
0x2a0: {  	_ =	swait.ge [sflag:s10], $0x4000  }
0x2a1: {  	[sflag:s10] =	ssyncset.done $0x0  }
0x2a2: {  	s30 =	sadd.s32 $0xFFFFF000, s6;
	[sflag:s10] =	ssyncadd.s32 $0xFFFFC000  }
0x2a3: {  	[tilespmem:s15], [sflag:$0x2] =	stream.linear.gather [hbm4b:s30+s2], $0x4000, $0x38;
	[tilespmem:$0x1E500] =	vst v63  }
0x2a4: {  	_ =	swait.ge [sflag:s23], $0x4000  }
0x2a5: {  	[sflag:s23] =	ssyncset.done $0x0  }
0x2a6: {  	s31 =	simm.s32 $0x10100;
	[sflag:s23] =	ssyncadd.s32 $0xFFFFC000  }
0x2a7: {  	[spmem:s11] =	stream.indirect.scatter.add.f32 [tilespmem:s16], [sflag:$0x5], $0x80, s31, s20, $0xb8;
	[tilespmem:$0x1E500] =	vst v63  }
0x2a8: {  	_ =	swait.ge [sflag:s10], $0x4000  }
0x2a9: {  	[sflag:s10] =	ssyncset.done $0x0  }
0x2aa: {  	s30 =	sadd.s32 $0xFFFFF800, s6;
	[sflag:s10] =	ssyncadd.s32 $0xFFFFC000  }
0x2ab: {  	[tilespmem:s16], [sflag:$0x3] =	stream.linear.gather [hbm4b:s30+s2], $0x4000, $0x38;
	[tilespmem:$0x1E500] =	vst v63  }
0x2ac: {  	_ =	swait.ge [sflag:s24], $0x4000  }
0x2ad: {  	[sflag:s24] =	ssyncset.done $0x0  }
0x2ae: {  	s31 =	simm.s32 $0x10180;
	[sflag:s24] =	ssyncadd.s32 $0xFFFFC000  }
0x2af: {  	[spmem:s11] =	stream.indirect.scatter.add.f32 [tilespmem:s17], [sflag:$0x5], $0x80, s31, s20, $0xb8;
	[tilespmem:$0x1E500] =	vst v63  }
0x2b0: {  	_ =	swait.ge [sflag:s10], $0x4000  }
0x2b1: {  	s28 =	sadd.s32 $0x2000, s6;
	[sflag:s10] =	ssyncset.done $0x0  }
0x2b2: {  	s29 =	smov.u32 s6;
	s26 =	simm.s32 $0x800;
	[sflag:s10] =	ssyncadd.s32 $0xFFFFC000  }
.LBB2_27:
0x2b3: {  	[tilespmem:s17], [sflag:$0x4] =	stream.linear.gather [hbm4b:s29+s2], $0x4000, $0x38;
	[tilespmem:$0x1E500] =	vst v63  }
0x2b4: {  	s30 =	smov.u32 s26;
	s29 =	smov.u32 s28  }
0x2b5: {  	p4 =	sne.s32 s26, $0x2800;
	s26 =	sadd.s32 $0x800, s26;
	_ =	swait.ge [sflag:s19], $0x4000  }
0x2b6: {  	s30 =	sshra.s32 s30, $0x2;
	[sflag:s19] =	ssyncset.done $0x0  }
0x2b7: {  	s31 =	sadd.s32 $0x10000, s30;
	[sflag:s19] =	ssyncadd.s32 $0xFFFFC000  }
0x2b8: {  	[spmem:s11] =	stream.indirect.scatter.add.f32 [tilespmem:s2], [sflag:$0x5], $0x80, s31, s20, $0xb8;
	[tilespmem:$0x1E500] =	vst v63  }
0x2b9: {  	_ =	swait.ge [sflag:s10], $0x4000  }
0x2ba: {  	[sflag:s10] =	ssyncset.done $0x0  }
0x2bb: {  	s31 =	sadd.s32 $0xFFFFE800, s28;
	[sflag:s10] =	ssyncadd.s32 $0xFFFFC000  }
0x2bc: {  	[tilespmem:s2], [sflag:$0x1] =	stream.linear.gather [hbm4b:s31+s2], $0x4000, $0x38;
	[tilespmem:$0x1E500] =	vst v63  }
0x2bd: {  	_ =	swait.ge [sflag:s21], $0x4000  }
0x2be: {  	[sflag:s21] =	ssyncset.done $0x0  }
0x2bf: {  	s31 =	sadd.s32 $0x10080, s30;
	[sflag:s21] =	ssyncadd.s32 $0xFFFFC000  }
0x2c0: {  	[spmem:s11] =	stream.indirect.scatter.add.f32 [tilespmem:s15], [sflag:$0x5], $0x80, s31, s20, $0xb8;
	[tilespmem:$0x1E500] =	vst v63  }
0x2c1: {  	_ =	swait.ge [sflag:s10], $0x4000  }
0x2c2: {  	[sflag:s10] =	ssyncset.done $0x0  }
0x2c3: {  	s31 =	sadd.s32 $0xFFFFF000, s28;
	[sflag:s10] =	ssyncadd.s32 $0xFFFFC000  }
0x2c4: {  	[tilespmem:s15], [sflag:$0x2] =	stream.linear.gather [hbm4b:s31+s2], $0x4000, $0x38;
	[tilespmem:$0x1E500] =	vst v63  }
0x2c5: {  	_ =	swait.ge [sflag:s23], $0x4000  }
0x2c6: {  	[sflag:s23] =	ssyncset.done $0x0  }
0x2c7: {  	s31 =	sadd.s32 $0x10100, s30;
	[sflag:s23] =	ssyncadd.s32 $0xFFFFC000  }
0x2c8: {  	[spmem:s11] =	stream.indirect.scatter.add.f32 [tilespmem:s16], [sflag:$0x5], $0x80, s31, s20, $0xb8;
	[tilespmem:$0x1E500] =	vst v63  }
0x2c9: {  	_ =	swait.ge [sflag:s10], $0x4000  }
0x2ca: {  	[sflag:s10] =	ssyncset.done $0x0  }
0x2cb: {  	s31 =	sadd.s32 $0xFFFFF800, s28;
	[sflag:s10] =	ssyncadd.s32 $0xFFFFC000  }
0x2cc: {  	[tilespmem:s16], [sflag:$0x3] =	stream.linear.gather [hbm4b:s31+s2], $0x4000, $0x38;
	[tilespmem:$0x1E500] =	vst v63  }
0x2cd: {  	_ =	swait.ge [sflag:s24], $0x4000  }
0x2ce: {  	[sflag:s24] =	ssyncset.done $0x0  }
.Ltmp13:
0x2cf: {  	s30 =	sadd.s32 $0x10180, s30;
	[sflag:s24] =	ssyncadd.s32 $0xFFFFC000;
	(pc) =	sbr.rel @p4 .LBB2_27-.Ltmp13, $4  }
0x2d0: {  	[spmem:s11] =	stream.indirect.scatter.add.f32 [tilespmem:s17], [sflag:$0x5], $0x80, s30, s20, $0xb8;
	[tilespmem:$0x1E500] =	vst v63  }
0x2d1: {  	_ =	swait.ge [sflag:s10], $0x4000  }
0x2d2: {  	[sflag:s10] =	ssyncset.done $0x0  }
0x2d3: {  	s28 =	sadd.s32 $0x2000, s28;
	[sflag:s10] =	ssyncadd.s32 $0xFFFFC000  }
0x2d4: {  	[tilespmem:s17], [sflag:$0x4] =	stream.linear.gather [hbm4b:s29+s2], $0x4000, $0x38;
	[tilespmem:$0x1E500] =	vst v63  }
0x2d5: {  	_ =	swait.ge [sflag:s19], $0x4000  }
0x2d6: {  	[sflag:s19] =	ssyncset.done $0x0  }
0x2d7: {  	s26 =	simm.s32 $0x10C00;
	[sflag:s19] =	ssyncadd.s32 $0xFFFFC000  }
0x2d8: {  	[spmem:s11] =	stream.indirect.scatter.add.f32 [tilespmem:s2], [sflag:$0x5], $0x80, s26, s20, $0xb8;
	[tilespmem:$0x1E500] =	vst v63  }
0x2d9: {  	_ =	swait.ge [sflag:s10], $0x4000  }
0x2da: {  	s29 =	sld [smem:$0x7F7]  }
0x2db: {  	[sflag:s10] =	ssyncset.done $0x0  }
0x2dc: {  	[sflag:s10] =	ssyncadd.s32 $0xFFFFC000  }
0x2dd: {  	[tilespmem:s2], [sflag:$0x1] =	stream.linear.gather [hbm4b:s29+s2], $0x4000, $0x38;
	[tilespmem:$0x1E500] =	vst v63  }
0x2de: {  	_ =	swait.ge [sflag:s21], $0x4000  }
0x2df: {  	[sflag:s21] =	ssyncset.done $0x0  }
0x2e0: {  	s30 =	simm.s32 $0x10C80;
	[sflag:s21] =	ssyncadd.s32 $0xFFFFC000  }
0x2e1: {  	[spmem:s11] =	stream.indirect.scatter.add.f32 [tilespmem:s15], [sflag:$0x5], $0x80, s30, s20, $0xb8;
	[tilespmem:$0x1E500] =	vst v63  }
0x2e2: {  	_ =	swait.ge [sflag:s10], $0x4000  }
0x2e3: {  	s31 =	sld [smem:$0x7F8]  }
0x2e4: {  	[sflag:s10] =	ssyncset.done $0x0  }
0x2e5: {  	[sflag:s10] =	ssyncadd.s32 $0xFFFFC000  }
0x2e6: {  	[tilespmem:s15], [sflag:$0x2] =	stream.linear.gather [hbm4b:s31+s2], $0x4000, $0x38;
	[tilespmem:$0x1E500] =	vst v63  }
0x2e7: {  	_ =	swait.ge [sflag:s23], $0x4000  }
0x2e8: {  	[sflag:s23] =	ssyncset.done $0x0  }
0x2e9: {  	s28 =	simm.s32 $0x10D00;
	[sflag:s23] =	ssyncadd.s32 $0xFFFFC000  }
0x2ea: {  	[spmem:s11] =	stream.indirect.scatter.add.f32 [tilespmem:s16], [sflag:$0x5], $0x80, s28, s20, $0xb8;
	[tilespmem:$0x1E500] =	vst v63  }
0x2eb: {  	_ =	swait.ge [sflag:s10], $0x4000  }
0x2ec: {  	s29 =	sld [smem:$0x7F9]  }
0x2ed: {  	[sflag:s10] =	ssyncset.done $0x0  }
0x2ee: {  	[sflag:s10] =	ssyncadd.s32 $0xFFFFC000  }
0x2ef: {  	[tilespmem:s16], [sflag:$0x3] =	stream.linear.gather [hbm4b:s29+s2], $0x4000, $0x38;
	[tilespmem:$0x1E500] =	vst v63  }
0x2f0: {  	_ =	swait.ge [sflag:s24], $0x4000  }
0x2f1: {  	[sflag:s24] =	ssyncset.done $0x0  }
0x2f2: {  	s30 =	simm.s32 $0x10D80;
	[sflag:s24] =	ssyncadd.s32 $0xFFFFC000  }
0x2f3: {  	[spmem:s11] =	stream.indirect.scatter.add.f32 [tilespmem:s17], [sflag:$0x5], $0x80, s30, s20, $0xb8;
	[tilespmem:$0x1E500] =	vst v63  }
0x2f4: {  	_ =	swait.ge [sflag:s10], $0x4000  }
0x2f5: {  	[sflag:s10] =	ssyncset.done $0x0  }
0x2f6: {  	[sflag:s10] =	ssyncadd.s32 $0xFFFFC000  }
0x2f7: {  	_ =	swait.ge [sflag:s19], $0x4000  }
0x2f8: {  	[sflag:s19] =	ssyncset.done $0x0  }
0x2f9: {  	s31 =	simm.s32 $0x10E00;
	[sflag:s19] =	ssyncadd.s32 $0xFFFFC000  }
0x2fa: {  	[spmem:s11] =	stream.indirect.scatter.add.f32 [tilespmem:s2], [sflag:$0x5], $0x80, s31, s20, $0xb8;
	[tilespmem:$0x1E500] =	vst v63  }
0x2fb: {  	_ =	swait.ge [sflag:s10], $0x4000  }
0x2fc: {  	[sflag:s10] =	ssyncset.done $0x0  }
0x2fd: {  	[sflag:s10] =	ssyncadd.s32 $0xFFFFC000  }
0x2fe: {  	_ =	swait.ge [sflag:s21], $0x4000  }
0x2ff: {  	[sflag:s21] =	ssyncset.done $0x0  }
0x300: {  	s28 =	simm.s32 $0x10E80;
	[sflag:s21] =	ssyncadd.s32 $0xFFFFC000  }
0x301: {  	[spmem:s11] =	stream.indirect.scatter.add.f32 [tilespmem:s15], [sflag:$0x5], $0x80, s28, s20, $0xb8;
	[tilespmem:$0x1E500] =	vst v63  }
0x302: {  	_ =	swait.ge [sflag:s10], $0x4000  }
0x303: {  	[sflag:s10] =	ssyncset.done $0x0  }
0x304: {  	[sflag:s10] =	ssyncadd.s32 $0xFFFFC000  }
0x305: {  	_ =	swait.ge [sflag:s23], $0x4000  }
0x306: {  	[sflag:s23] =	ssyncset.done $0x0  }
0x307: {  	s29 =	simm.s32 $0x10F00;
	[sflag:s23] =	ssyncadd.s32 $0xFFFFC000  }
0x308: {  	[spmem:s11] =	stream.indirect.scatter.add.f32 [tilespmem:s16], [sflag:$0x5], $0x80, s29, s20, $0xb8;
	[tilespmem:$0x1E500] =	vst v63  }
0x309: {  	_ =	swait.ge [sflag:s10], $0x4000  }
0x30a: {  	[sflag:s10] =	ssyncset.done $0x0  }
0x30b: {  	[sflag:s10] =	ssyncadd.s32 $0xFFFFC000  }
0x30c: {  	v3 =	vld [tilespmem:$0x10F80]  }
0x30d: {  	v4 =	vld [tilespmem:$0x10F90];
	_ =	sdelay $0x2  }
0x30e: {  	s30 =	sld [smem:$0x7F6]  }
0x30f: {  	[tilespmem:$0x11C00] =	vst v3  }
0x310: {  	[tilespmem:$0x11C10] =	vst v4  }
0x311: {  	[tilespmem:s2], [sflag:$0x5] =	stream.linear.gather [hbm4b:s30+s2], $0x1000, $0x38;
	[tilespmem:$0x1E500] =	vst v63  }
0x312: {  	_ =	swait.ge [sflag:s10], $0x1000  }
0x313: {  	[sflag:s10] =	ssyncset.done $0x0  }
0x314: {  	s31 =	simm.s32 $0x20;
	s28 =	simm.s32 $0x11C00;
	[sflag:s10] =	ssyncadd.s32 $0xFFFFF000  }
0x315: {  	[spmem:s11] =	stream.indirect.scatter.add.f32 [tilespmem:s2], [sflag:$0x5], $0x80, s28, s31, $0xb8;
	[tilespmem:$0x1E500] =	vst v63  }
0x316: {  	_ =	swait.ge [sflag:s10], $0x1000  }
0x317: {  	[sflag:s10] =	ssyncset.done $0x0  }
0x318: {  	[sflag:s10] =	ssyncadd.s32 $0xFFFFF000  }
.LBB2_29:
0x319: {  	s26 =	simm.s32 $0x11C80  }
0x31a: {  	s28 =	simm.s32 $0x0;
	v3 =	vld [tilespmem:s26+$0x0]  }
0x31b: {  	s31 =	sand.u32 $0x3F0, s28  }
0x31c: {  	v4 =	vld [tilespmem:s31+$0x12080];
	_ =	sdelay $0x1  }
0x31d: {  	v5 =	vld [tilespmem:s31+$0x12480]  }
0x31e: {  	v3 =	vadd.f32 $0.0e+00, v3  }
0x31f: {  	v6 =	vld [tilespmem:s31+$0x12880]  }
0x320: {  	v3 =	vadd.f32 v4, v3  }
0x321: {  	v4 =	vld [tilespmem:s31+$0x12C80]  }
0x322: {  	v3 =	vadd.f32 v5, v3  }
0x323: {  	v5 =	vld [tilespmem:s31+$0x13080]  }
0x324: {  	v3 =	vadd.f32 v6, v3  }
0x325: {  	v60 =	vld [tilespmem:s31+$0x13480]  }
0x326: {  	v3 =	vadd.f32 v4, v3  }
0x327: {  	v4 =	vld [tilespmem:s31+$0x13880]  }
0x328: {  	v3 =	vadd.f32 v5, v3  }
0x329: {  	v5 =	vld [tilespmem:s31+$0x13C80]  }
0x32a: {  	v3 =	vadd.f32 v60, v3  }
0x32b: {  	v61 =	vld [tilespmem:s31+$0x14080]  }
0x32c: {  	v3 =	vadd.f32 v4, v3  }
0x32d: {  	v4 =	vld [tilespmem:s31+$0x14480]  }
0x32e: {  	v3 =	vadd.f32 v5, v3  }
0x32f: {  	v5 =	vld [tilespmem:s31+$0x14880]  }
0x330: {  	v3 =	vadd.f32 v61, v3  }
0x331: {  	v62 =	vld [tilespmem:s31+$0x14C80]  }
0x332: {  	v3 =	vadd.f32 v4, v3  }
0x333: {  	v4 =	vld [tilespmem:s31+$0x15080]  }
0x334: {  	v3 =	vadd.f32 v5, v3  }
0x335: {  	v5 =	vld [tilespmem:s31+$0x15480]  }
0x336: {  	v3 =	vadd.f32 v62, v3  }
0x337: {  	v63 =	vld [tilespmem:s31+$0x15880]  }
0x338: {  	v3 =	vadd.f32 v4, v3;
	_ =	sdelay $0x1  }
0x339: {  	v3 =	vadd.f32 v5, v3;
	_ =	sdelay $0x1  }
0x33a: {  	v3 =	vadd.f32 v63, v3  }
0x33b: {  	s26 =	simm.s32 $0x15C80  }
0x33c: {  	s28 =	simm.s32 $0x11C90;
	[tilespmem:s26+$0x0] =	vst v3  }
0x33d: {  	s29 =	simm.s32 $0x10;
	s30 =	simm.s32 $0x20;
	v3 =	vld [tilespmem:s28+$0x0]  }
.LBB2_30:
0x33e: {  	p4 =	sne.s32 s30, $0x3F0;
	s31 =	sand.u32 $0x3F0, s29;
	s29 =	smov.u32 s30  }
0x33f: {  	v4 =	vld [tilespmem:s31+$0x12080];
	_ =	sdelay $0x1  }
0x340: {  	v5 =	vld [tilespmem:s31+$0x12480]  }
0x341: {  	v3 =	vadd.f32 $0.0e+00, v3  }
0x342: {  	v6 =	vld [tilespmem:s31+$0x12880]  }
0x343: {  	v3 =	vadd.f32 v4, v3  }
0x344: {  	v4 =	vld [tilespmem:s31+$0x12C80]  }
0x345: {  	v3 =	vadd.f32 v5, v3  }
0x346: {  	v5 =	vld [tilespmem:s31+$0x13080]  }
0x347: {  	v3 =	vadd.f32 v6, v3  }
0x348: {  	v6 =	vld [tilespmem:s31+$0x13480]  }
0x349: {  	v3 =	vadd.f32 v4, v3  }
0x34a: {  	v4 =	vld [tilespmem:s31+$0x13880]  }
0x34b: {  	v3 =	vadd.f32 v5, v3  }
0x34c: {  	v5 =	vld [tilespmem:s31+$0x13C80]  }
0x34d: {  	v3 =	vadd.f32 v6, v3  }
0x34e: {  	v6 =	vld [tilespmem:s31+$0x14080]  }
0x34f: {  	v3 =	vadd.f32 v4, v3  }
0x350: {  	v4 =	vld [tilespmem:s31+$0x14480]  }
0x351: {  	v3 =	vadd.f32 v5, v3  }
0x352: {  	v5 =	vld [tilespmem:s31+$0x14880]  }
0x353: {  	v3 =	vadd.f32 v6, v3  }
0x354: {  	v6 =	vld [tilespmem:s31+$0x14C80]  }
0x355: {  	v3 =	vadd.f32 v4, v3  }
0x356: {  	v4 =	vld [tilespmem:s31+$0x15080]  }
0x357: {  	v3 =	vadd.f32 v5, v3  }
0x358: {  	v5 =	vld [tilespmem:s31+$0x15480]  }
0x359: {  	v3 =	vadd.f32 v6, v3  }
0x35a: {  	v6 =	vld [tilespmem:s31+$0x15880]  }
0x35b: {  	v3 =	vadd.f32 v4, v3;
	_ =	sdelay $0x1  }
0x35c: {  	v3 =	vadd.f32 v5, v3  }
.Ltmp14:
0x35d: {  	(pc) =	sbr.rel @p4 .LBB2_30-.Ltmp14, $4  }
0x35e: {  	v3 =	vadd.f32 v6, v3  }
0x35f: {  	s26 =	sadd.s32 $0x10, s26  }
0x360: {  	s28 =	sadd.s32 $0x10, s28;
	[tilespmem:s26+$0x0] =	vst v3  }
0x361: {  	s30 =	sadd.s32 $0x10, s30;
	v3 =	vld [tilespmem:s28+$0x0]  }
0x362: {  	s28 =	sand.u32 $0x3F0, s29  }
0x363: {  	v4 =	vld [tilespmem:s28+$0x12080];
	_ =	sdelay $0x1  }
0x364: {  	v5 =	vld [tilespmem:s28+$0x12480]  }
0x365: {  	v3 =	vadd.f32 $0.0e+00, v3  }
0x366: {  	v6 =	vld [tilespmem:s28+$0x12880]  }
0x367: {  	v3 =	vadd.f32 v4, v3  }
0x368: {  	v47 =	vld [tilespmem:s28+$0x12C80]  }
0x369: {  	v3 =	vadd.f32 v5, v3  }
0x36a: {  	v48 =	vld [tilespmem:s28+$0x13080]  }
0x36b: {  	v3 =	vadd.f32 v6, v3  }
0x36c: {  	v49 =	vld [tilespmem:s28+$0x13480]  }
0x36d: {  	v3 =	vadd.f32 v47, v3  }
0x36e: {  	v50 =	vld [tilespmem:s28+$0x13880]  }
0x36f: {  	v3 =	vadd.f32 v48, v3  }
0x370: {  	v51 =	vld [tilespmem:s28+$0x13C80]  }
0x371: {  	v3 =	vadd.f32 v49, v3  }
0x372: {  	v52 =	vld [tilespmem:s28+$0x14080]  }
0x373: {  	v3 =	vadd.f32 v50, v3  }
0x374: {  	v53 =	vld [tilespmem:s28+$0x14480]  }
0x375: {  	v3 =	vadd.f32 v51, v3  }
0x376: {  	v54 =	vld [tilespmem:s28+$0x14880]  }
0x377: {  	v3 =	vadd.f32 v52, v3  }
0x378: {  	v55 =	vld [tilespmem:s28+$0x14C80]  }
0x379: {  	v3 =	vadd.f32 v53, v3  }
0x37a: {  	v56 =	vld [tilespmem:s28+$0x15080]  }
0x37b: {  	v3 =	vadd.f32 v54, v3  }
0x37c: {  	v57 =	vld [tilespmem:s28+$0x15480]  }
0x37d: {  	v3 =	vadd.f32 v55, v3  }
0x37e: {  	v58 =	vld [tilespmem:s28+$0x15880]  }
0x37f: {  	v3 =	vadd.f32 v56, v3;
	_ =	sdelay $0x1  }
0x380: {  	v3 =	vadd.f32 v57, v3;
	_ =	sdelay $0x1  }
0x381: {  	v3 =	vadd.f32 v58, v3  }
0x382: {  	s26 =	sadd.s32 $0x10, s26  }
0x383: {  	s30 =	simm.s32 $0x400;
	s31 =	simm.s32 $0x15C80;
	[tilespmem:s26+$0x0] =	vst v3;
	s26 =	rddreg [dreg:$0x7]  }
0x384: {  	[spmem:s26] =	stream.strided.scatter [tilespmem:s31], [sflag:$0x5], $0x400, s30, s20, $0x38;
	[tilespmem:$0x1E500] =	vst v63  }
0x385: {  	_ =	swait.ge [sflag:s10], $0x400  }
0x386: {  	[sflag:s10] =	ssyncset.done $0x0  }
0x387: {  	[sflag:s10] =	ssyncadd.s32 $0xFFFFFC00  }
0x388: {  	[bflag:$0x0] =	sbarrier.arrive $0xFFFF  }
0x389: {  	s31 =	simm.s32 $0x16080;
	s30 =	rddreg [dreg:$0x5]  }
0x38a: {  	[tilespmem:s31], [sflag:$0x5] =	stream.linear.gather [spmem:s30], $0x4000, $0x38;
	[tilespmem:$0x1E500] =	vst v63  }
0x38b: {  	_ =	swait.ge [sflag:s10], $0x4000  }
0x38c: {  	[sflag:s10] =	ssyncset.done $0x0  }
0x38d: {  	[sflag:s10] =	ssyncadd.s32 $0xFFFFC000  }
0x38e: {  	v3 =	vld [tilespmem:s13+$0x0];
	_ =	sdelay $0x1  }
0x38f: {  	v59 =	vld [tilespmem:s13+$0x80];
	_ =	sdelay $0x1  }
0x390: {  	v60 =	vld [tilespmem:s13+$0x100]  }
0x391: {  	s28 =	sld [smem:$0x7D6];
	v3 =	vadd.f32 $0.0e+00, v3  }
0x392: {  	v61 =	vld [tilespmem:s13+$0x180]  }
0x393: {  	s29 =	sld [smem:$0x7D7];
	v3 =	vadd.f32 v59, v3  }
0x394: {  	v62 =	vld [tilespmem:s28+$0x16080]  }
0x395: {  	s30 =	sld [smem:$0x7D8];
	v3 =	vadd.f32 v60, v3  }
0x396: {  	v63 =	vld [tilespmem:s29+$0x16080]  }
0x397: {  	s31 =	sld [smem:$0x7D9];
	v3 =	vadd.f32 v61, v3  }
0x398: {  	v9 =	vld [tilespmem:s30+$0x16080]  }
0x399: {  	v3 =	vadd.f32 v62, v3  }
0x39a: {  	v10 =	vld [tilespmem:s31+$0x16080]  }
0x39b: {  	s28 =	rddreg [dreg:$0x10];
	v3 =	vadd.f32 v63, v3  }
0x39c: {  	v11 =	vld [tilespmem:s28+$0x0]  }
0x39d: {  	s29 =	rddreg [dreg:$0x11];
	v3 =	vadd.f32 v9, v3  }
0x39e: {  	v12 =	vld [tilespmem:s29+$0x0]  }
0x39f: {  	s30 =	rddreg [dreg:$0x12];
	v3 =	vadd.f32 v10, v3  }
0x3a0: {  	v13 =	vld [tilespmem:s30+$0x0]  }
0x3a1: {  	s31 =	rddreg [dreg:$0x13];
	v3 =	vadd.f32 v11, v3  }
0x3a2: {  	v14 =	vld [tilespmem:s31+$0x0]  }
0x3a3: {  	s28 =	rddreg [dreg:$0x14];
	v3 =	vadd.f32 v12, v3  }
0x3a4: {  	v15 =	vld [tilespmem:s28+$0x0]  }
0x3a5: {  	s29 =	rddreg [dreg:$0x15];
	v3 =	vadd.f32 v13, v3  }
0x3a6: {  	v16 =	vld [tilespmem:s29+$0x0]  }
0x3a7: {  	s30 =	rddreg [dreg:$0x16];
	v3 =	vadd.f32 v14, v3  }
0x3a8: {  	v17 =	vld [tilespmem:s30+$0x0]  }
0x3a9: {  	s31 =	rddreg [dreg:$0x17];
	v3 =	vadd.f32 v15, v3  }
0x3aa: {  	v18 =	vld [tilespmem:s31+$0x0]  }
0x3ab: {  	v3 =	vadd.f32 v16, v3;
	_ =	sdelay $0x1  }
0x3ac: {  	v3 =	vadd.f32 v17, v3;
	_ =	sdelay $0x1  }
0x3ad: {  	v3 =	vadd.f32 v18, v3;
	_ =	sdelay $0x1  }
0x3ae: {  	[tilespmem:$0x1A080] =	vst v3  }
0x3af: {  	v3 =	vld [tilespmem:s4+$0x0];
	_ =	sdelay $0x1  }
0x3b0: {  	v19 =	vld [tilespmem:s4+$0x80];
	_ =	sdelay $0x1  }
0x3b1: {  	v20 =	vld [tilespmem:s4+$0x100]  }
0x3b2: {  	s28 =	sld [smem:$0x7DA];
	v3 =	vadd.f32 $0.0e+00, v3  }
0x3b3: {  	v21 =	vld [tilespmem:s4+$0x180]  }
0x3b4: {  	s29 =	sld [smem:$0x7DB];
	v3 =	vadd.f32 v19, v3  }
0x3b5: {  	v22 =	vld [tilespmem:s28+$0x16080]  }
0x3b6: {  	s30 =	sld [smem:$0x7DC];
	v3 =	vadd.f32 v20, v3  }
0x3b7: {  	v23 =	vld [tilespmem:s29+$0x16080]  }
0x3b8: {  	s31 =	sld [smem:$0x7DD];
	v3 =	vadd.f32 v21, v3  }
0x3b9: {  	v24 =	vld [tilespmem:s30+$0x16080]  }
0x3ba: {  	v3 =	vadd.f32 v22, v3  }
0x3bb: {  	v25 =	vld [tilespmem:s31+$0x16080]  }
0x3bc: {  	s28 =	rddreg [dreg:$0x8];
	v3 =	vadd.f32 v23, v3  }
0x3bd: {  	v26 =	vld [tilespmem:s28+$0x0]  }
0x3be: {  	s29 =	rddreg [dreg:$0x9];
	v3 =	vadd.f32 v24, v3  }
0x3bf: {  	v27 =	vld [tilespmem:s29+$0x0]  }
0x3c0: {  	s30 =	rddreg [dreg:$0xa];
	v3 =	vadd.f32 v25, v3  }
0x3c1: {  	v28 =	vld [tilespmem:s30+$0x0]  }
0x3c2: {  	s31 =	rddreg [dreg:$0xb];
	v3 =	vadd.f32 v26, v3  }
0x3c3: {  	v29 =	vld [tilespmem:s31+$0x0]  }
0x3c4: {  	s28 =	rddreg [dreg:$0xc];
	v3 =	vadd.f32 v27, v3  }
0x3c5: {  	v30 =	vld [tilespmem:s28+$0x0]  }
0x3c6: {  	s29 =	rddreg [dreg:$0xd];
	v3 =	vadd.f32 v28, v3  }
0x3c7: {  	v31 =	vld [tilespmem:s29+$0x0]  }
0x3c8: {  	s30 =	rddreg [dreg:$0xe];
	v3 =	vadd.f32 v29, v3  }
0x3c9: {  	v32 =	vld [tilespmem:s30+$0x0]  }
0x3ca: {  	s31 =	rddreg [dreg:$0xf];
	v3 =	vadd.f32 v30, v3  }
0x3cb: {  	v33 =	vld [tilespmem:s31+$0x0]  }
0x3cc: {  	v3 =	vadd.f32 v31, v3;
	_ =	sdelay $0x1  }
0x3cd: {  	v3 =	vadd.f32 v32, v3;
	_ =	sdelay $0x1  }
0x3ce: {  	v3 =	vadd.f32 v33, v3;
	_ =	sdelay $0x1  }
0x3cf: {  	[tilespmem:$0x1A090] =	vst v3  }
0x3d0: {  	v3 =	vld [tilespmem:s22+$0x0];
	_ =	sdelay $0x1  }
0x3d1: {  	v34 =	vld [tilespmem:s22+$0x80];
	_ =	sdelay $0x1  }
0x3d2: {  	v35 =	vld [tilespmem:s22+$0x100]  }
0x3d3: {  	s28 =	sld [smem:$0x7DE];
	v3 =	vadd.f32 $0.0e+00, v3  }
0x3d4: {  	v36 =	vld [tilespmem:s22+$0x180]  }
0x3d5: {  	s29 =	sld [smem:$0x7DF];
	v3 =	vadd.f32 v34, v3  }
0x3d6: {  	v37 =	vld [tilespmem:s28+$0x16080]  }
0x3d7: {  	s30 =	sld [smem:$0x7E0];
	v3 =	vadd.f32 v35, v3  }
0x3d8: {  	v38 =	vld [tilespmem:s29+$0x16080]  }
0x3d9: {  	s31 =	sld [smem:$0x7E1];
	v3 =	vadd.f32 v36, v3  }
0x3da: {  	v39 =	vld [tilespmem:s30+$0x16080]  }
0x3db: {  	v3 =	vadd.f32 v37, v3  }
0x3dc: {  	v40 =	vld [tilespmem:s31+$0x16080]  }
0x3dd: {  	s28 =	rddreg [dreg:$0x18];
	v3 =	vadd.f32 v38, v3  }
0x3de: {  	v41 =	vld [tilespmem:s28+$0x0]  }
0x3df: {  	s29 =	rddreg [dreg:$0x19];
	v3 =	vadd.f32 v39, v3  }
0x3e0: {  	v42 =	vld [tilespmem:s29+$0x0]  }
0x3e1: {  	s30 =	rddreg [dreg:$0x1a];
	v3 =	vadd.f32 v40, v3  }
0x3e2: {  	v43 =	vld [tilespmem:s30+$0x0]  }
0x3e3: {  	s31 =	rddreg [dreg:$0x1b];
	v3 =	vadd.f32 v41, v3  }
0x3e4: {  	v44 =	vld [tilespmem:s31+$0x0]  }
0x3e5: {  	s28 =	rddreg [dreg:$0x1c];
	v3 =	vadd.f32 v42, v3  }
0x3e6: {  	v45 =	vld [tilespmem:s28+$0x0]  }
0x3e7: {  	s29 =	rddreg [dreg:$0x1d];
	v3 =	vadd.f32 v43, v3  }
0x3e8: {  	v46 =	vld [tilespmem:s29+$0x0]  }
0x3e9: {  	s30 =	rddreg [dreg:$0x1e];
	v3 =	vadd.f32 v44, v3  }
0x3ea: {  	v47 =	vld [tilespmem:s30+$0x0]  }
0x3eb: {  	s31 =	rddreg [dreg:$0x1f];
	v3 =	vadd.f32 v45, v3  }
0x3ec: {  	v48 =	vld [tilespmem:s31+$0x0]  }
0x3ed: {  	v3 =	vadd.f32 v46, v3;
	_ =	sdelay $0x1  }
0x3ee: {  	v3 =	vadd.f32 v47, v3;
	_ =	sdelay $0x1  }
0x3ef: {  	v3 =	vadd.f32 v48, v3;
	_ =	sdelay $0x1  }
0x3f0: {  	[tilespmem:$0x1A0A0] =	vst v3  }
0x3f1: {  	v3 =	vld [tilespmem:s0+$0x0];
	_ =	sdelay $0x1  }
0x3f2: {  	v49 =	vld [tilespmem:s0+$0x80];
	_ =	sdelay $0x1  }
0x3f3: {  	v50 =	vld [tilespmem:s0+$0x100]  }
0x3f4: {  	s28 =	sld [smem:$0x7E2];
	v3 =	vadd.f32 $0.0e+00, v3  }
0x3f5: {  	v51 =	vld [tilespmem:s0+$0x180]  }
0x3f6: {  	s29 =	sld [smem:$0x7E3];
	v3 =	vadd.f32 v49, v3  }
0x3f7: {  	v52 =	vld [tilespmem:s28+$0x16080]  }
0x3f8: {  	s30 =	sld [smem:$0x7E4];
	v3 =	vadd.f32 v50, v3  }
0x3f9: {  	v53 =	vld [tilespmem:s29+$0x16080]  }
0x3fa: {  	s31 =	sld [smem:$0x7E5];
	v3 =	vadd.f32 v51, v3  }
0x3fb: {  	v54 =	vld [tilespmem:s30+$0x16080]  }
0x3fc: {  	s28 =	sld [smem:$0x7C6];
	v3 =	vadd.f32 v52, v3  }
0x3fd: {  	v55 =	vld [tilespmem:s31+$0x16080]  }
0x3fe: {  	s29 =	sld [smem:$0x7C7];
	v3 =	vadd.f32 v53, v3  }
0x3ff: {  	v56 =	vld [tilespmem:s28+$0x0]  }
0x400: {  	s30 =	sld [smem:$0x7C8];
	v3 =	vadd.f32 v54, v3  }
0x401: {  	v57 =	vld [tilespmem:s29+$0x0]  }
0x402: {  	s31 =	sld [smem:$0x7C9];
	v3 =	vadd.f32 v55, v3  }
0x403: {  	v58 =	vld [tilespmem:s30+$0x0]  }
0x404: {  	s28 =	sld [smem:$0x7CA];
	v3 =	vadd.f32 v56, v3  }
0x405: {  	v59 =	vld [tilespmem:s31+$0x0]  }
0x406: {  	s29 =	sld [smem:$0x7CB];
	v3 =	vadd.f32 v57, v3  }
0x407: {  	v60 =	vld [tilespmem:s28+$0x0]  }
0x408: {  	s30 =	sld [smem:$0x7CC];
	v3 =	vadd.f32 v58, v3  }
0x409: {  	v61 =	vld [tilespmem:s29+$0x0]  }
0x40a: {  	s31 =	sld [smem:$0x7CD];
	v3 =	vadd.f32 v59, v3  }
0x40b: {  	v62 =	vld [tilespmem:s30+$0x0]  }
0x40c: {  	v3 =	vadd.f32 v60, v3  }
0x40d: {  	v63 =	vld [tilespmem:s31+$0x0]  }
0x40e: {  	v3 =	vadd.f32 v61, v3;
	_ =	sdelay $0x1  }
0x40f: {  	v3 =	vadd.f32 v62, v3;
	_ =	sdelay $0x1  }
0x410: {  	v3 =	vadd.f32 v63, v3;
	_ =	sdelay $0x1  }
0x411: {  	[tilespmem:$0x1A0B0] =	vst v3  }
0x412: {  	[tilespmem:s9], [sflag:$0x5] =	stream.linear.gather [spmem:s12], $0x2000, $0x38;
	[tilespmem:$0x1E500] =	vst v63  }
0x413: {  	_ =	swait.ge [sflag:s10], $0x2000  }
0x414: {  	[sflag:s10] =	ssyncset.done $0x0  }
0x415: {  	s26 =	simm.s32 $0x0;
	[sflag:s10] =	ssyncadd.s32 $0xFFFFE000  }
.LBB2_32:
0x416: {  	s28 =	sshll.u32 s26, $0x4  }
0x417: {  	s28 =	sand.u32 $0x3FFFFFF0, s28  }
0x418: {  	v3 =	vld [tilespmem:s28+$0x1A080];
	_ =	sdelay $0x4  }
0x419: {  	v3 =	vmax.f32 v3, $1.000000000e+00  }
0x41a: {  	(erf) = vrcp.f32 v3;
	_ =	sdelay $0x4  }
0x41b: {  	s31 =	sshll.u32 s26, $0xB  }
0x41c: {  	s28 =	sand.u32 $0x3FFFF800, s31  }
0x41d: {  	v4 =	vld [tilespmem:s28+$0x1A100]  }
0x41e: {  	v5 =	vld [tilespmem:s28+$0x1A110]  }
0x41f: {  	v6 =	vld [tilespmem:s28+$0x1A120];
	v3 =	vpop (erf)  }
0x420: {  	v8 =	vld [tilespmem:s28+$0x1A130];
	v7 =	vbroadcast v3, $0x0  }
0x421: {  	v9 =	vld [tilespmem:s28+$0x1A140]  }
0x422: {  	v10 =	vld [tilespmem:s28+$0x1A150];
	v4 =	vmul.f32 v7, v4  }
0x423: {  	v11 =	vld [tilespmem:s28+$0x1A160];
	v5 =	vmul.f32 v7, v5  }
0x424: {  	v55 =	vld [tilespmem:s28+$0x1A170];
	v54 =	vmul.f32 v6, v7;
	[tilespmem:s28+$0x1A100] =	vst v4  }
0x425: {  	v57 =	vld [tilespmem:s28+$0x1A180];
	v56 =	vmul.f32 v8, v7;
	[tilespmem:s28+$0x1A110] =	vst v5  }
0x426: {  	v59 =	vld [tilespmem:s28+$0x1A190];
	v58 =	vmul.f32 v9, v7;
	[tilespmem:s28+$0x1A120] =	vst v54  }
0x427: {  	v61 =	vld [tilespmem:s28+$0x1A1A0];
	v60 =	vmul.f32 v10, v7;
	[tilespmem:s28+$0x1A130] =	vst v56  }
0x428: {  	v12 =	vld [tilespmem:s28+$0x1A1B0];
	v63 =	vbroadcast v3, $0x1;
	v62 =	vmul.f32 v11, v7;
	[tilespmem:s28+$0x1A140] =	vst v58  }
0x429: {  	v14 =	vld [tilespmem:s28+$0x1A1C0];
	v13 =	vmul.f32 v55, v7;
	[tilespmem:s28+$0x1A150] =	vst v60  }
0x42a: {  	v16 =	vld [tilespmem:s28+$0x1A1D0];
	v15 =	vmul.f32 v57, v63;
	[tilespmem:s28+$0x1A160] =	vst v62  }
0x42b: {  	v18 =	vld [tilespmem:s28+$0x1A1E0];
	v17 =	vmul.f32 v59, v63;
	[tilespmem:s28+$0x1A170] =	vst v13  }
0x42c: {  	v20 =	vld [tilespmem:s28+$0x1A1F0];
	v19 =	vmul.f32 v61, v63;
	[tilespmem:s28+$0x1A180] =	vst v15  }
0x42d: {  	v22 =	vld [tilespmem:s28+$0x1A200];
	v21 =	vmul.f32 v12, v63;
	[tilespmem:s28+$0x1A190] =	vst v17  }
0x42e: {  	v24 =	vld [tilespmem:s28+$0x1A210];
	v23 =	vmul.f32 v14, v63;
	[tilespmem:s28+$0x1A1A0] =	vst v19  }
0x42f: {  	v26 =	vld [tilespmem:s28+$0x1A220];
	v25 =	vmul.f32 v16, v63;
	[tilespmem:s28+$0x1A1B0] =	vst v21  }
0x430: {  	v29 =	vld [tilespmem:s28+$0x1A230];
	v28 =	vbroadcast v3, $0x2;
	v27 =	vmul.f32 v18, v63;
	[tilespmem:s28+$0x1A1C0] =	vst v23  }
0x431: {  	v31 =	vld [tilespmem:s28+$0x1A240];
	v30 =	vmul.f32 v20, v63;
	[tilespmem:s28+$0x1A1D0] =	vst v25  }
0x432: {  	v33 =	vld [tilespmem:s28+$0x1A250];
	v32 =	vmul.f32 v22, v28;
	[tilespmem:s28+$0x1A1E0] =	vst v27  }
0x433: {  	v35 =	vld [tilespmem:s28+$0x1A260];
	v34 =	vmul.f32 v24, v28;
	[tilespmem:s28+$0x1A1F0] =	vst v30  }
0x434: {  	v37 =	vld [tilespmem:s28+$0x1A270];
	v36 =	vmul.f32 v26, v28;
	[tilespmem:s28+$0x1A200] =	vst v32  }
0x435: {  	v39 =	vld [tilespmem:s28+$0x1A280];
	v38 =	vmul.f32 v29, v28;
	[tilespmem:s28+$0x1A210] =	vst v34  }
0x436: {  	v41 =	vld [tilespmem:s28+$0x1A290];
	v40 =	vmul.f32 v31, v28;
	[tilespmem:s28+$0x1A220] =	vst v36  }
0x437: {  	v43 =	vld [tilespmem:s28+$0x1A2A0];
	v42 =	vmul.f32 v33, v28;
	[tilespmem:s28+$0x1A230] =	vst v38  }
0x438: {  	v46 =	vld [tilespmem:s28+$0x1A2B0];
	v45 =	vbroadcast v3, $0x3;
	v44 =	vmul.f32 v35, v28;
	[tilespmem:s28+$0x1A240] =	vst v40  }
0x439: {  	v48 =	vld [tilespmem:s28+$0x1A2C0];
	v47 =	vmul.f32 v37, v28;
	[tilespmem:s28+$0x1A250] =	vst v42  }
0x43a: {  	v50 =	vld [tilespmem:s28+$0x1A2D0];
	v49 =	vmul.f32 v39, v45;
	[tilespmem:s28+$0x1A260] =	vst v44  }
0x43b: {  	v52 =	vld [tilespmem:s28+$0x1A2E0];
	v51 =	vmul.f32 v41, v45;
	[tilespmem:s28+$0x1A270] =	vst v47  }
0x43c: {  	v53 =	vmul.f32 v43, v45;
	v63 =	vld [tilespmem:s28+$0x1A330];
	[tilespmem:s28+$0x1A280] =	vst v49  }
0x43d: {  	v55 =	vmul.f32 v46, v45;
	v14 =	vld [tilespmem:s28+$0x1A340];
	[tilespmem:s28+$0x1A290] =	vst v51  }
0x43e: {  	v57 =	vmul.f32 v48, v45;
	v16 =	vld [tilespmem:s28+$0x1A350];
	[tilespmem:s28+$0x1A2A0] =	vst v53  }
0x43f: {  	v59 =	vmul.f32 v50, v45;
	v18 =	vld [tilespmem:s28+$0x1A360];
	[tilespmem:s28+$0x1A2B0] =	vst v55;
	v62 =	vbroadcast v3, $0x4  }
0x440: {  	v61 =	vmul.f32 v52, v45;
	v20 =	vld [tilespmem:s28+$0x1A370];
	[tilespmem:s28+$0x1A2C0] =	vst v57  }
0x441: {  	v22 =	vld [tilespmem:s28+$0x1A380];
	[tilespmem:s28+$0x1A2D0] =	vst v59;
	v21 =	vmul.f32 v63, v62  }
0x442: {  	v24 =	vld [tilespmem:s28+$0x1A390];
	[tilespmem:s28+$0x1A2E0] =	vst v61;
	v23 =	vmul.f32 v14, v62  }
0x443: {  	v26 =	vld [tilespmem:s28+$0x1A3A0];
	v25 =	vmul.f32 v16, v62;
	[tilespmem:s28+$0x1A330] =	vst v21  }
0x444: {  	v28 =	vbroadcast v3, $0x5;
	v29 =	vld [tilespmem:s28+$0x1A3B0];
	v27 =	vmul.f32 v18, v62;
	[tilespmem:s28+$0x1A340] =	vst v23  }
0x445: {  	v31 =	vld [tilespmem:s28+$0x1A3C0];
	v30 =	vmul.f32 v20, v62;
	[tilespmem:s28+$0x1A350] =	vst v25  }
0x446: {  	v33 =	vld [tilespmem:s28+$0x1A3D0];
	v32 =	vmul.f32 v22, v28;
	[tilespmem:s28+$0x1A360] =	vst v27  }
0x447: {  	v35 =	vld [tilespmem:s28+$0x1A3E0];
	v34 =	vmul.f32 v24, v28;
	[tilespmem:s28+$0x1A370] =	vst v30  }
0x448: {  	v37 =	vld [tilespmem:s28+$0x1A3F0];
	v36 =	vmul.f32 v26, v28;
	[tilespmem:s28+$0x1A380] =	vst v32  }
0x449: {  	v54 =	vld [tilespmem:s28+$0x1A2F0];
	v38 =	vmul.f32 v29, v28;
	[tilespmem:s28+$0x1A390] =	vst v34  }
0x44a: {  	v56 =	vld [tilespmem:s28+$0x1A300];
	v40 =	vmul.f32 v31, v28;
	[tilespmem:s28+$0x1A3A0] =	vst v36  }
0x44b: {  	v58 =	vld [tilespmem:s28+$0x1A310];
	v42 =	vmul.f32 v33, v28;
	[tilespmem:s28+$0x1A3B0] =	vst v38  }
0x44c: {  	v60 =	vld [tilespmem:s28+$0x1A320];
	v44 =	vmul.f32 v35, v28;
	[tilespmem:s28+$0x1A3C0] =	vst v40  }
0x44d: {  	v39 =	vld [tilespmem:s28+$0x1A400];
	v47 =	vmul.f32 v37, v28;
	[tilespmem:s28+$0x1A3D0] =	vst v42  }
0x44e: {  	v41 =	vld [tilespmem:s28+$0x1A410];
	v13 =	vmul.f32 v54, v45;
	[tilespmem:s28+$0x1A3E0] =	vst v44  }
0x44f: {  	v43 =	vld [tilespmem:s28+$0x1A420];
	v15 =	vmul.f32 v56, v62;
	[tilespmem:s28+$0x1A3F0] =	vst v47  }
0x450: {  	v46 =	vld [tilespmem:s28+$0x1A430];
	v17 =	vmul.f32 v58, v62;
	v45 =	vbroadcast v3, $0x6;
	[tilespmem:s28+$0x1A2F0] =	vst v13  }
0x451: {  	v48 =	vld [tilespmem:s28+$0x1A440];
	v19 =	vmul.f32 v60, v62;
	[tilespmem:s28+$0x1A300] =	vst v15  }
0x452: {  	v50 =	vld [tilespmem:s28+$0x1A450];
	[tilespmem:s28+$0x1A310] =	vst v17;
	v49 =	vmul.f32 v39, v45  }
0x453: {  	v52 =	vld [tilespmem:s28+$0x1A460];
	[tilespmem:s28+$0x1A320] =	vst v19;
	v51 =	vmul.f32 v41, v45  }
0x454: {  	v63 =	vld [tilespmem:s28+$0x1A4B0];
	v53 =	vmul.f32 v43, v45;
	[tilespmem:s28+$0x1A400] =	vst v49  }
0x455: {  	v14 =	vld [tilespmem:s28+$0x1A4C0];
	v55 =	vmul.f32 v46, v45;
	[tilespmem:s28+$0x1A410] =	vst v51  }
0x456: {  	v16 =	vld [tilespmem:s28+$0x1A4D0];
	v57 =	vmul.f32 v48, v45;
	[tilespmem:s28+$0x1A420] =	vst v53  }
0x457: {  	v18 =	vld [tilespmem:s28+$0x1A4E0];
	v62 =	vbroadcast v3, $0x7;
	v59 =	vmul.f32 v50, v45;
	[tilespmem:s28+$0x1A430] =	vst v55  }
0x458: {  	v20 =	vld [tilespmem:s28+$0x1A4F0];
	v61 =	vmul.f32 v52, v45;
	[tilespmem:s28+$0x1A440] =	vst v57  }
0x459: {  	v22 =	vld [tilespmem:s28+$0x1A500];
	v21 =	vmul.f32 v63, v62;
	[tilespmem:s28+$0x1A450] =	vst v59  }
0x45a: {  	v24 =	vld [tilespmem:s28+$0x1A510];
	v23 =	vmul.f32 v14, v62;
	[tilespmem:s28+$0x1A460] =	vst v61  }
0x45b: {  	v26 =	vld [tilespmem:s28+$0x1A520];
	v25 =	vmul.f32 v16, v62;
	[tilespmem:s28+$0x1A4B0] =	vst v21  }
0x45c: {  	v28 =	vbroadcast v3, $0x8;
	v29 =	vld [tilespmem:s28+$0x1A530];
	v27 =	vmul.f32 v18, v62;
	[tilespmem:s28+$0x1A4C0] =	vst v23  }
0x45d: {  	v31 =	vld [tilespmem:s28+$0x1A540];
	v30 =	vmul.f32 v20, v62;
	[tilespmem:s28+$0x1A4D0] =	vst v25  }
0x45e: {  	v33 =	vld [tilespmem:s28+$0x1A550];
	v32 =	vmul.f32 v22, v28;
	[tilespmem:s28+$0x1A4E0] =	vst v27  }
0x45f: {  	v35 =	vld [tilespmem:s28+$0x1A560];
	v34 =	vmul.f32 v24, v28;
	[tilespmem:s28+$0x1A4F0] =	vst v30  }
0x460: {  	v37 =	vld [tilespmem:s28+$0x1A570];
	v36 =	vmul.f32 v26, v28;
	[tilespmem:s28+$0x1A500] =	vst v32  }
0x461: {  	v54 =	vld [tilespmem:s28+$0x1A470];
	v38 =	vmul.f32 v29, v28;
	[tilespmem:s28+$0x1A510] =	vst v34  }
0x462: {  	v56 =	vld [tilespmem:s28+$0x1A480];
	v40 =	vmul.f32 v31, v28;
	[tilespmem:s28+$0x1A520] =	vst v36  }
0x463: {  	v58 =	vld [tilespmem:s28+$0x1A490];
	v42 =	vmul.f32 v33, v28;
	[tilespmem:s28+$0x1A530] =	vst v38  }
0x464: {  	v60 =	vld [tilespmem:s28+$0x1A4A0];
	v44 =	vmul.f32 v35, v28;
	[tilespmem:s28+$0x1A540] =	vst v40  }
0x465: {  	v39 =	vld [tilespmem:s28+$0x1A580];
	v47 =	vmul.f32 v37, v28;
	[tilespmem:s28+$0x1A550] =	vst v42  }
0x466: {  	v41 =	vld [tilespmem:s28+$0x1A590];
	v13 =	vmul.f32 v54, v45;
	[tilespmem:s28+$0x1A560] =	vst v44  }
0x467: {  	v43 =	vld [tilespmem:s28+$0x1A5A0];
	v15 =	vmul.f32 v56, v62;
	[tilespmem:s28+$0x1A570] =	vst v47  }
0x468: {  	v46 =	vld [tilespmem:s28+$0x1A5B0];
	v17 =	vmul.f32 v58, v62;
	v45 =	vbroadcast v3, $0x9;
	[tilespmem:s28+$0x1A470] =	vst v13  }
0x469: {  	v48 =	vld [tilespmem:s28+$0x1A5C0];
	v19 =	vmul.f32 v60, v62;
	[tilespmem:s28+$0x1A480] =	vst v15  }
0x46a: {  	v50 =	vld [tilespmem:s28+$0x1A5D0];
	[tilespmem:s28+$0x1A490] =	vst v17;
	v49 =	vmul.f32 v39, v45  }
0x46b: {  	v52 =	vld [tilespmem:s28+$0x1A5E0];
	[tilespmem:s28+$0x1A4A0] =	vst v19;
	v51 =	vmul.f32 v41, v45  }
0x46c: {  	v63 =	vld [tilespmem:s28+$0x1A630];
	v53 =	vmul.f32 v43, v45;
	[tilespmem:s28+$0x1A580] =	vst v49  }
0x46d: {  	v29 =	vld [tilespmem:s28+$0x1A6A0];
	v55 =	vmul.f32 v46, v45;
	[tilespmem:s28+$0x1A590] =	vst v51  }
0x46e: {  	v54 =	vld [tilespmem:s28+$0x1A5F0];
	v57 =	vmul.f32 v48, v45;
	[tilespmem:s28+$0x1A5A0] =	vst v53  }
0x46f: {  	v56 =	vld [tilespmem:s28+$0x1A600];
	v62 =	vbroadcast v3, $0xA;
	v59 =	vmul.f32 v50, v45;
	[tilespmem:s28+$0x1A5B0] =	vst v55  }
0x470: {  	v31 =	vbroadcast v3, $0xB;
	v58 =	vld [tilespmem:s28+$0x1A610];
	v61 =	vmul.f32 v52, v45;
	[tilespmem:s28+$0x1A5C0] =	vst v57  }
0x471: {  	v60 =	vld [tilespmem:s28+$0x1A620];
	v24 =	vmul.f32 v63, v62;
	[tilespmem:s28+$0x1A5D0] =	vst v59  }
0x472: {  	v21 =	vld [tilespmem:s28+$0x1A660];
	v39 =	vmul.f32 v29, v31;
	[tilespmem:s28+$0x1A5E0] =	vst v61  }
0x473: {  	v23 =	vld [tilespmem:s28+$0x1A670];
	v16 =	vmul.f32 v54, v45;
	[tilespmem:s28+$0x1A630] =	vst v24  }
0x474: {  	v25 =	vld [tilespmem:s28+$0x1A680];
	v18 =	vmul.f32 v56, v62;
	[tilespmem:s28+$0x1A6A0] =	vst v39  }
0x475: {  	v27 =	vld [tilespmem:s28+$0x1A690];
	v20 =	vmul.f32 v58, v62;
	[tilespmem:s28+$0x1A5F0] =	vst v16  }
0x476: {  	v32 =	vld [tilespmem:s28+$0x1A6B0];
	v22 =	vmul.f32 v60, v62;
	[tilespmem:s28+$0x1A600] =	vst v18  }
0x477: {  	v34 =	vld [tilespmem:s28+$0x1A6C0];
	v30 =	vmul.f32 v21, v62;
	[tilespmem:s28+$0x1A610] =	vst v20  }
0x478: {  	v36 =	vld [tilespmem:s28+$0x1A6D0];
	v33 =	vmul.f32 v23, v62;
	[tilespmem:s28+$0x1A620] =	vst v22  }
0x479: {  	v38 =	vld [tilespmem:s28+$0x1A6E0];
	v35 =	vmul.f32 v25, v31;
	[tilespmem:s28+$0x1A660] =	vst v30  }
0x47a: {  	v40 =	vld [tilespmem:s28+$0x1A6F0];
	v37 =	vmul.f32 v27, v31;
	[tilespmem:s28+$0x1A670] =	vst v33  }
0x47b: {  	v42 =	vld [tilespmem:s28+$0x1A700];
	v41 =	vmul.f32 v32, v31;
	[tilespmem:s28+$0x1A680] =	vst v35  }
0x47c: {  	v44 =	vld [tilespmem:s28+$0x1A710];
	v43 =	vmul.f32 v34, v31;
	[tilespmem:s28+$0x1A690] =	vst v37  }
0x47d: {  	v17 =	vld [tilespmem:s28+$0x1A640];
	v45 =	vmul.f32 v36, v31;
	[tilespmem:s28+$0x1A6B0] =	vst v41  }
0x47e: {  	v19 =	vld [tilespmem:s28+$0x1A650];
	v48 =	vbroadcast v3, $0xC;
	v47 =	vmul.f32 v38, v31;
	[tilespmem:s28+$0x1A6C0] =	vst v43  }
0x47f: {  	v46 =	vld [tilespmem:s28+$0x1A720];
	v50 =	vmul.f32 v40, v31;
	[tilespmem:s28+$0x1A6D0] =	vst v45  }
0x480: {  	v49 =	vld [tilespmem:s28+$0x1A730];
	v52 =	vmul.f32 v42, v48;
	[tilespmem:s28+$0x1A6E0] =	vst v47  }
0x481: {  	v51 =	vld [tilespmem:s28+$0x1A740];
	v54 =	vmul.f32 v44, v48;
	[tilespmem:s28+$0x1A6F0] =	vst v50  }
0x482: {  	v53 =	vld [tilespmem:s28+$0x1A750];
	v26 =	vmul.f32 v17, v62;
	[tilespmem:s28+$0x1A700] =	vst v52  }
0x483: {  	v55 =	vld [tilespmem:s28+$0x1A760];
	v28 =	vmul.f32 v19, v62;
	[tilespmem:s28+$0x1A710] =	vst v54  }
0x484: {  	v57 =	vld [tilespmem:s28+$0x1A770];
	v56 =	vmul.f32 v46, v48;
	[tilespmem:s28+$0x1A640] =	vst v26  }
0x485: {  	v59 =	vld [tilespmem:s28+$0x1A780];
	[tilespmem:s28+$0x1A650] =	vst v28;
	v58 =	vmul.f32 v49, v48  }
0x486: {  	v61 =	vld [tilespmem:s28+$0x1A790];
	[tilespmem:s28+$0x1A720] =	vst v56;
	v60 =	vmul.f32 v51, v48  }
0x487: {  	v63 =	vld [tilespmem:s28+$0x1A7A0];
	v62 =	vmul.f32 v53, v48;
	[tilespmem:s28+$0x1A730] =	vst v58  }
0x488: {  	v24 =	vld [tilespmem:s28+$0x1A7E0];
	v17 =	vbroadcast v3, $0xD;
	v16 =	vmul.f32 v55, v48;
	[tilespmem:s28+$0x1A740] =	vst v60  }
0x489: {  	v32 =	vld [tilespmem:s28+$0x1A820];
	v19 =	vmul.f32 v57, v48;
	[tilespmem:s28+$0x1A750] =	vst v62  }
0x48a: {  	v39 =	vld [tilespmem:s28+$0x1A850];
	v21 =	vmul.f32 v59, v17;
	[tilespmem:s28+$0x1A760] =	vst v16  }
0x48b: {  	v18 =	vld [tilespmem:s28+$0x1A7B0];
	v23 =	vmul.f32 v61, v17;
	[tilespmem:s28+$0x1A770] =	vst v19  }
0x48c: {  	v34 =	vbroadcast v3, $0xE;
	v20 =	vld [tilespmem:s28+$0x1A7C0];
	v25 =	vmul.f32 v63, v17;
	[tilespmem:s28+$0x1A780] =	vst v21  }
0x48d: {  	v22 =	vld [tilespmem:s28+$0x1A7D0];
	v33 =	vmul.f32 v24, v17;
	[tilespmem:s28+$0x1A790] =	vst v23  }
0x48e: {  	v30 =	vld [tilespmem:s28+$0x1A810];
	v42 =	vmul.f32 v32, v34;
	[tilespmem:s28+$0x1A7A0] =	vst v25  }
0x48f: {  	v35 =	vld [tilespmem:s28+$0x1A830];
	v48 =	vmul.f32 v39, v34;
	[tilespmem:s28+$0x1A7E0] =	vst v33  }
0x490: {  	v37 =	vld [tilespmem:s28+$0x1A840];
	v27 =	vmul.f32 v18, v17;
	[tilespmem:s28+$0x1A820] =	vst v42  }
0x491: {  	v41 =	vld [tilespmem:s28+$0x1A860];
	v29 =	vmul.f32 v20, v17;
	[tilespmem:s28+$0x1A850] =	vst v48  }
0x492: {  	v43 =	vld [tilespmem:s28+$0x1A870];
	v31 =	vmul.f32 v22, v17;
	[tilespmem:s28+$0x1A7B0] =	vst v27  }
0x493: {  	v45 =	vld [tilespmem:s28+$0x1A880];
	v40 =	vmul.f32 v30, v34;
	[tilespmem:s28+$0x1A7C0] =	vst v29  }
0x494: {  	v47 =	vld [tilespmem:s28+$0x1A890];
	v44 =	vmul.f32 v35, v34;
	[tilespmem:s28+$0x1A7D0] =	vst v31  }
0x495: {  	v26 =	vld [tilespmem:s28+$0x1A7F0];
	v46 =	vmul.f32 v37, v34;
	[tilespmem:s28+$0x1A810] =	vst v40  }
0x496: {  	v3 =	vbroadcast v3, $0xF;
	v28 =	vld [tilespmem:s28+$0x1A800];
	v50 =	vmul.f32 v41, v34;
	[tilespmem:s28+$0x1A830] =	vst v44  }
0x497: {  	v49 =	vld [tilespmem:s28+$0x1A8A0];
	v52 =	vmul.f32 v43, v34;
	[tilespmem:s28+$0x1A840] =	vst v46  }
0x498: {  	v51 =	vld [tilespmem:s28+$0x1A8B0];
	v54 =	vmul.f32 v45, v3;
	[tilespmem:s28+$0x1A860] =	vst v50  }
0x499: {  	v53 =	vld [tilespmem:s28+$0x1A8C0];
	v56 =	vmul.f32 v47, v3;
	[tilespmem:s28+$0x1A870] =	vst v52  }
0x49a: {  	v55 =	vld [tilespmem:s28+$0x1A8D0];
	v36 =	vmul.f32 v26, v17;
	[tilespmem:s28+$0x1A880] =	vst v54  }
0x49b: {  	v57 =	vld [tilespmem:s28+$0x1A8E0];
	v38 =	vmul.f32 v28, v34;
	[tilespmem:s28+$0x1A890] =	vst v56  }
0x49c: {  	v59 =	vld [tilespmem:s28+$0x1A8F0];
	v58 =	vmul.f32 v49, v3;
	[tilespmem:s28+$0x1A7F0] =	vst v36  }
0x49d: {  	v60 =	vmul.f32 v51, v3;
	[tilespmem:s28+$0x1A800] =	vst v38  }
0x49e: {  	p4 =	sne.s32 s26, $0x3;
	v61 =	vmul.f32 v53, v3;
	[tilespmem:s28+$0x1A8A0] =	vst v58  }
.Ltmp15:
0x49f: {  	v62 =	vmul.f32 v55, v3;
	[tilespmem:s28+$0x1A8B0] =	vst v60;
	(pc) =	sbr.rel @p4 .LBB2_32-.Ltmp15, $4  }
0x4a0: {  	v63 =	vmul.f32 v57, v3;
	[tilespmem:s28+$0x1A8C0] =	vst v61  }
0x4a1: {  	v3 =	vmul.f32 v59, v3;
	[tilespmem:s28+$0x1A8D0] =	vst v62  }
0x4a2: {  	[tilespmem:s28+$0x1A8E0] =	vst v63  }
0x4a3: {  	s26 =	sadd.s32 $0x1, s26;
	[tilespmem:s28+$0x1A8F0] =	vst v3  }
0x4a4: {  	s25 =	sadd.s32 $0x1, s25  }
0x4a5: {  	p4 =	sne.s32 s25, s3  }
.Ltmp16:
0x4a6: {  	_ = 	snop;
	(pc) =	sbr.rel @p4 .LBB2_1-.Ltmp16, $4  }
0x4a7: {  	[hbm4b:s1+s2] =	stream.linear.scatter [tilespmem:s9], [sflag:$0x5], $0x2000, $0x38;
	[tilespmem:$0x1E500] =	vst v63  }
0x4a8: {  	_ =	swait.ge [sflag:s10], $0x2000  }
0x4a9: {  	[sflag:s10] =	ssyncset.done $0x0  }
0x4aa: {  	[sflag:s10] =	ssyncadd.s32 $0xFFFFE000  }
0x4ab: {  	_ =	sfence.sel $0x180000  }
0x4ac: {  	[bflag:$0x0] =	sbarrier.arrive $0xFFFF  }
0x4ad: {  	_ =	strace $0x90000047  }
0x4ae: {  	s0 =	stileid.u32;
	[bflag:$0x2] =	sbarrier.arrive $0xFFFF  }
0x4af: {  	p0 =	sne.s32 s0, $0x0;
	s0 =	rddreg [dreg:$0x6]  }
0x4b0: {  	s0 =	sadd.s32 @!p0 $0x100000, s0  }
0x4b1: {  	[sflag:s0] =	ssyncadd.tile.s32 @!p0 $0x1;
	_ =	shalt  }
.Lfunc_end2:
_tile_overlayer_lowered:
.L_overlay_start_2:
0x4b2: {  	(tag) =	ssettag $0x2  }
0x4b3: {  	s0 =	rddreg [dreg:$0x0];
	s2 =	stileid.u32  }
0x4b4: {  	s1 =	rddreg [dreg:$0x1];
	p0 =	sne.s32 s2, $0x0  }
0x4b5: {  	s3 =	rddreg [dreg:$0x2];
	[bflag:$0x3] =	sbarrier.arrive $0xFFFF;
	s2 =	simm.s32 @!p0 $0x1C05  }
0x4b6: {  	[timem:s3], [sflag:s2] =	dma.local @!p0 [hbm:s0], s1  }
0x4b7: {  	s0 =	simm.s32 @!p0 $0x5  }
0x4b8: {  	_ =	swait.ge @!p0 [sflag:s0], s1  }
0x4b9: {  	s1 =	ssub.s32 @!p0 $0x0, s1;
	[sflag:s0] =	ssyncset.done @!p0 $0x0  }
0x4ba: {  	[sflag:s0] =	ssyncadd.s32 @!p0 s1  }
0x4bb: {  	[bflag:$0x3] =	sbarrier.arrive $0xFFFF  }
0x4bc: {  	_ =	shalt  }

</sc_bundles>
